<compile_context>
chip_gen: v7x
topology: tpu7x:2x2x1
jax: 0.10.2.dev20260603
libtpu: 0.0.44.dev20260713+nightly
codegen_flags: <defaults>
</compile_context>

<pallas_src>
import functools

import jax
import jax.numpy as jnp
from jax import lax
from jax.experimental import pallas as pl
from jax.experimental.pallas import tpu as pltpu
from jax.experimental.pallas import tpu_sc as plsc

NEG_SLOPE = 0.2
EPS = 1e-16

NC = 2
NS = 16
L = 16

HW = 64


def _leaky(a):
    return jnp.where(a >= 0, a, NEG_SLOPE * a)


def _tail(bn):
    return (lax.broadcasted_iota(jnp.int32, (bn, 16), 1) == 0).astype(jnp.float32)



def _tc_pre1_body(x_ref, w_ref, asrc_ref, adst_ref, hpad_ref, aux_ref):
    h = jnp.dot(x_ref[...], w_ref[...], preferred_element_type=jnp.float32)
    bn = h.shape[0]
    asrc = jnp.sum(h * asrc_ref[0][None, :], axis=-1)
    adst = jnp.sum(h * adst_ref[0][None, :], axis=-1)
    wself = jnp.exp(_leaky(asrc + adst))
    hpad_ref[...] = h
    aux_ref[0:1, :] = asrc[None, :]
    aux_ref[1:2, :] = adst[None, :]
    aux_ref[2:3, :] = asrc[None, :]
    aux_ref[3:4, :] = adst[None, :]
    aux_ref[4:5, :] = wself[None, :]
    aux_ref[5:6, :] = wself[None, :]
    aux_ref[6:7, :] = jnp.zeros((1, bn), jnp.float32)
    aux_ref[7:8, :] = jnp.zeros((1, bn), jnp.float32)


def _tc_pre1(x, w1, att_src1, att_dst1):
    n, _ = x.shape
    return pl.pallas_call(
        _tc_pre1_body,
        compiler_params=pltpu.CompilerParams(vmem_limit_bytes=100 * 2**20),
        out_shape=[
            jax.ShapeDtypeStruct((n, 128), jnp.float32),
            jax.ShapeDtypeStruct((8, n), jnp.float32),
        ],
    )(x, w1, att_src1, att_dst1)


def _tc_mid_body(a0_ref, a1_ref, d0_ref, d1_ref, hpad_ref, aux_ref, b1_ref,
                 wmu_ref, wls_ref, smu_ref, dmu_ref, sls_ref, dls_ref,
                 hml_ref, aux2_ref):
    a0 = a0_ref[...]
    a1 = a1_ref[...]
    bn = a0.shape[0]
    wself = aux_ref[4:5, :].reshape(bn, 1)
    h1a = hpad_ref[:, 0:64]
    h1b = hpad_ref[:, 64:128]
    den0 = d0_ref[0:1, :].reshape(bn, 1) + wself + EPS
    den1 = d1_ref[0:1, :].reshape(bn, 1) + wself + EPS
    ga = (a0 + wself * h1a) / den0 + b1_ref[0][None, 0:64]
    gb = (a1 + wself * h1b) / den1 + b1_ref[0][None, 64:128]
    g = jnp.concatenate([ga, gb], axis=1)
    g = jnp.where(g > 0, g, jnp.exp(jnp.minimum(g, 0.0)) - 1.0)
    hmu = jnp.dot(g, wmu_ref[...], preferred_element_type=jnp.float32)
    hls = jnp.dot(g, wls_ref[...], preferred_element_type=jnp.float32)
    asrc_mu = jnp.sum(hmu * smu_ref[0][None, :], axis=-1)
    adst_mu = jnp.sum(hmu * dmu_ref[0][None, :], axis=-1)
    asrc_ls = jnp.sum(hls * sls_ref[0][None, :], axis=-1)
    adst_ls = jnp.sum(hls * dls_ref[0][None, :], axis=-1)
    wself_mu = jnp.exp(_leaky(asrc_mu + adst_mu))
    wself_ls = jnp.exp(_leaky(asrc_ls + adst_ls))
    hml_ref[:, 0:64] = hmu
    hml_ref[:, 64:128] = hls
    aux2_ref[0:1, :] = asrc_mu[None, :]
    aux2_ref[1:2, :] = adst_mu[None, :]
    aux2_ref[2:3, :] = asrc_ls[None, :]
    aux2_ref[3:4, :] = adst_ls[None, :]
    aux2_ref[4:5, :] = wself_mu[None, :]
    aux2_ref[5:6, :] = wself_ls[None, :]
    aux2_ref[6:7, :] = jnp.zeros((1, bn), jnp.float32)
    aux2_ref[7:8, :] = jnp.zeros((1, bn), jnp.float32)


def _tc_mid(a0, a1, d0, d1, hpad, aux, b1, wmu, wls, smu, dmu, sls, dls):
    n = hpad.shape[0]
    return pl.pallas_call(
        _tc_mid_body,
        compiler_params=pltpu.CompilerParams(vmem_limit_bytes=100 * 2**20),
        out_shape=[
            jax.ShapeDtypeStruct((n, 128), jnp.float32),
            jax.ShapeDtypeStruct((8, n), jnp.float32),
        ],
    )(a0, a1, d0, d1, hpad, aux, b1, wmu, wls, smu, dmu, sls, dls)


def _tc_post_body(a0_ref, a1_ref, d0_ref, d1_ref, hml_ref, aux2_ref,
                  bmu_ref, bls_ref, mu_ref, ls_ref):
    a0 = a0_ref[...]
    a1 = a1_ref[...]
    bn = a0.shape[0]
    hmu = hml_ref[:, 0:64]
    hls = hml_ref[:, 64:128]
    wmu = aux2_ref[4:5, :].reshape(bn, 1)
    wls = aux2_ref[5:6, :].reshape(bn, 1)
    dmu = d0_ref[0:1, :].reshape(bn, 1)
    dls = d1_ref[0:1, :].reshape(bn, 1)
    mu_ref[...] = (a0 + wmu * hmu) / (dmu + wmu + EPS) + bmu_ref[0][None, :]
    ls_ref[...] = (a1 + wls * hls) / (dls + wls + EPS) + bls_ref[0][None, :]


def _tc_post(a0, a1, d0, d1, hml, aux2, bmu, bls):
    n = hml.shape[0]
    return pl.pallas_call(
        _tc_post_body,
        compiler_params=pltpu.CompilerParams(vmem_limit_bytes=100 * 2**20),
        out_shape=[
            jax.ShapeDtypeStruct((n, 64), jnp.float32),
            jax.ShapeDtypeStruct((n, 64), jnp.float32),
        ],
    )(a0, a1, d0, d1, hml, aux2, bmu, bls)



def _sc_edge_pass(table2, eidx, aux, zeros):
    n = aux.shape[1]
    np_ = zeros.shape[0]
    ch = eidx.shape[3]
    e = eidx.shape[0] * 2 * ch
    ept = e // NS
    npair = ept // (2 * ch)
    rpt = np_ // NS
    nvr = HW // L

    mesh = plsc.VectorSubcoreMesh(core_axis_name="c", subcore_axis_name="s")

    scratch = [
        pltpu.VMEM((n,), jnp.float32),
        pltpu.VMEM((n,), jnp.float32),
        pltpu.VMEM((2, 2, ch), jnp.int32),
        pltpu.VMEM((2, ch), jnp.int32),
        pltpu.VMEM((ch,), jnp.float32),
        pltpu.VMEM((ch,), jnp.float32),
        pltpu.VMEM((np_,), jnp.float32),
        pltpu.VMEM((NS, rpt), jnp.float32),
        pltpu.VMEM((rpt,), jnp.float32),
        pltpu.VMEM((ch, HW), jnp.float32),
        pltpu.VMEM((ch, HW), jnp.float32),
        pltpu.VMEM_SHARED((np_, HW), jnp.float32),
        pltpu.VMEM_SHARED((NS, NS, rpt), jnp.float32),
        pltpu.SemaphoreType.DMA,
        pltpu.SemaphoreType.DMA,
        pltpu.SemaphoreType.DMA,
        pltpu.SemaphoreType.DMA,
    ]

    @functools.partial(
        pl.kernel,
        out_type=(jax.ShapeDtypeStruct((NC, np_, HW), jnp.float32),
                  jax.ShapeDtypeStruct((NC, np_), jnp.float32)),
        mesh=mesh,
        scratch_types=scratch,
        compiler_params=pltpu.CompilerParams(needs_layout_passes=False,
                                             use_tc_tiling_on_sc=False),
    )
    def body(table_h, eidx_h, aux_h, zeros_h, out_h, den_h,
             asv, adv, idxb, tidx, w0, w1, denloc, dbuf, dsum,
             rows0, rows1, accum, dstage, gsem0, gsem1, ssem0, ssem1):
        c = lax.axis_index("c")
        s = lax.axis_index("s")

        pltpu.sync_copy(aux_h.at[2 * c], asv)
        pltpu.sync_copy(aux_h.at[2 * c + 1], adv)
        pltpu.sync_copy(zeros_h.at[pl.ds(s * rpt, rpt)],
                        accum.at[pl.ds(s * rpt, rpt)])

        def zden(j, carry2):
            denloc[pl.ds(j * L, L)] = jnp.zeros((L,), jnp.float32)
            return carry2
        lax.fori_loop(0, np_ // L, zden, 0)
        plsc.subcore_barrier()

        rbase = s * npair

        def scale(rows, wv):
            def rscale(i, carry2):
                r = 2 * i
                wba = plsc.load_gather(wv, [jnp.full((L,), r, jnp.int32)])
                wbb = plsc.load_gather(wv, [jnp.full((L,), r + 1, jnp.int32)])
                la = [rows[r, pl.ds(j * L, L)] for j in range(nvr)]
                lb = [rows[r + 1, pl.ds(j * L, L)] for j in range(nvr)]
                for j in range(nvr):
                    rows[r, pl.ds(j * L, L)] = la[j] * wba
                for j in range(nvr):
                    rows[r + 1, pl.ds(j * L, L)] = lb[j] * wbb
                return carry2
            lax.fori_loop(0, ch // 2, rscale, 0)

        def pair(g, carry):
            pltpu.sync_copy(eidx_h.at[rbase + g], idxb)
            for half in (0, 1):
                for j in range(ch // L):
                    tidx[half, pl.ds(j * L, L)] = \
                        idxb[0, half, pl.ds(j * L, L)] * 2 + c
            gat0 = pltpu.async_copy(table_h.at[tidx.at[0]], rows0, gsem0)
            gat1 = pltpu.async_copy(table_h.at[tidx.at[1]], rows1, gsem1)
            for half, wv in ((0, w0), (1, w1)):
                for j in range(ch // L):
                    sv = idxb[0, half, pl.ds(j * L, L)]
                    dv = idxb[1, half, pl.ds(j * L, L)]
                    a = plsc.load_gather(asv, [sv]) \
                        + plsc.load_gather(adv, [dv])
                    w = jnp.exp(_leaky(a))
                    wv[pl.ds(j * L, L)] = w
                    plsc.addupdate_scatter(denloc, [dv], w)
            gat0.wait()
            scale(rows0, w0)
            sc0 = pltpu.async_copy(rows0, accum.at[idxb.at[1, 0]], ssem0,
                                   add=True)
            gat1.wait()
            scale(rows1, w1)
            sc1 = pltpu.async_copy(rows1, accum.at[idxb.at[1, 1]], ssem1,
                                   add=True)
            sc0.wait()
            sc1.wait()
            return carry

        lax.fori_loop(0, npair, pair, 0)
        for k in range(NS):
            pltpu.sync_copy(denloc.at[pl.ds(k * rpt, rpt)], dstage.at[k, s])
        plsc.subcore_barrier()
        pltpu.sync_copy(accum.at[pl.ds(s * rpt, rpt)],
                        out_h.at[c, pl.ds(s * rpt, rpt)])
        pltpu.sync_copy(dstage.at[s], dbuf)

        def dred(v, carry2):
            acc16 = dbuf[0, pl.ds(v * L, L)]
            for t in range(1, NS):
                acc16 = acc16 + dbuf[t, pl.ds(v * L, L)]
            dsum[pl.ds(v * L, L)] = acc16
            return carry2
        lax.fori_loop(0, rpt // L, dred, 0)
        pltpu.sync_copy(dsum, den_h.at[c, pl.ds(s * rpt, rpt)])

    return body(table2, eidx, aux, zeros)



def kernel(x, edge_index, W1, att_src1, att_dst1, b1,
           W_mu, att_src_mu, att_dst_mu, b_mu,
           W_ls, att_src_ls, att_dst_ls, b_ls):
    n = x.shape[0]
    ei = edge_index.astype(jnp.int32)
    ch = 80
    eidx = jnp.stack([ei[0].reshape(-1, 2, ch), ei[1].reshape(-1, 2, ch)],
                     axis=1)
    np_ = ((n + NS * L - 1) // (NS * L)) * (NS * L)
    zeros = jnp.zeros((np_, HW), jnp.float32)

    hpad, aux1 = _tc_pre1(x, W1, att_src1, att_dst1)
    acc1, den1 = _sc_edge_pass(hpad.reshape(2 * n, HW), eidx, aux1, zeros)
    hml, aux2 = _tc_mid(acc1[0, :n], acc1[1, :n],
                        den1[0][None, :n], den1[1][None, :n],
                        hpad, aux1, b1[None, :],
                        W_mu, W_ls, att_src_mu, att_dst_mu,
                        att_src_ls, att_dst_ls)
    acc2, den2 = _sc_edge_pass(hml.reshape(2 * n, HW), eidx, aux2, zeros)
    mu, ls = _tc_post(acc2[0, :n], acc2[1, :n],
                      den2[0][None, :n], den2[1][None, :n],
                      hml, aux2, b_mu[None, :], b_ls[None, :])
    return (mu, ls)

# --- scband reference (transcript-rebuilt; emitter-appended) ---
"""Pipeline reference for scband-gatencoder-9620726743402 (READ-ONLY COPY).

The authoritative reference and input builder live on the scoring server;
editing this copy changes nothing except your own understanding.
"""

import jax, jax.numpy as jnp
import numpy as np

N = 10000
E = 320000
IN_CH = 128
OUT_CH = 64
HEADS = 1
NEG_SLOPE = 0.2


def gat_conv(x, edge_index, W, att_src, att_dst, bias, heads, out_ch):
    n = x.shape[0]
    loop = jnp.arange(n, dtype=edge_index.dtype)
    src = jnp.concatenate([edge_index[0], loop])
    dst = jnp.concatenate([edge_index[1], loop])
    h = (x @ W).reshape(n, heads, out_ch)
    alpha_src = (h * att_src).sum(-1)  # [n, heads]
    alpha_dst = (h * att_dst).sum(-1)  # [n, heads]
    alpha = alpha_src[src] + alpha_dst[dst]  # [E', heads]
    alpha = jnp.where(alpha >= 0, alpha, NEG_SLOPE * alpha)
    amax = jax.ops.segment_max(alpha, dst, num_segments=n)
    alpha = jnp.exp(alpha - amax[dst])
    denom = jax.ops.segment_sum(alpha, dst, num_segments=n)
    alpha = alpha / (denom[dst] + 1e-16)
    msg = h[src] * alpha[:, :, None]
    out = jax.ops.segment_sum(msg, dst, num_segments=n)
    return out.reshape(n, heads * out_ch) + bias


def setup_inputs(seed: int = 0) -> dict:
    key = jax.random.key(seed)
    ks = jax.random.split(key, 16)
    x = jax.random.normal(ks[0], (N, IN_CH), dtype=jnp.float32)
    edge_index = jax.random.randint(ks[1], (2, E), 0, N, dtype=jnp.int64)
    hid = 2 * OUT_CH * HEADS  # 128
    s1 = 1.0 / np.sqrt(IN_CH)
    s2 = 1.0 / np.sqrt(hid)
    inp = {
        'x': x,
        'edge_index': edge_index,
        'W1': jax.random.normal(ks[2], (IN_CH, HEADS * 2 * OUT_CH), dtype=jnp.float32) * s1,
        'att_src1': jax.random.normal(ks[3], (HEADS, 2 * OUT_CH), dtype=jnp.float32) * 0.1,
        'att_dst1': jax.random.normal(ks[4], (HEADS, 2 * OUT_CH), dtype=jnp.float32) * 0.1,
        'b1': jnp.zeros((HEADS * 2 * OUT_CH,), dtype=jnp.float32),
        'W_mu': jax.random.normal(ks[5], (hid, HEADS * OUT_CH), dtype=jnp.float32) * s2,
        'att_src_mu': jax.random.normal(ks[6], (HEADS, OUT_CH), dtype=jnp.float32) * 0.1,
        'att_dst_mu': jax.random.normal(ks[7], (HEADS, OUT_CH), dtype=jnp.float32) * 0.1,
        'b_mu': jnp.zeros((HEADS * OUT_CH,), dtype=jnp.float32),
        'W_ls': jax.random.normal(ks[8], (hid, HEADS * OUT_CH), dtype=jnp.float32) * s2,
        'att_src_ls': jax.random.normal(ks[9], (HEADS, OUT_CH), dtype=jnp.float32) * 0.1,
        'att_dst_ls': jax.random.normal(ks[10], (HEADS, OUT_CH), dtype=jnp.float32) * 0.1,
        'b_ls': jnp.zeros((HEADS * OUT_CH,), dtype=jnp.float32),
    }
    return inp


def reference(x, edge_index, W1, att_src1, att_dst1, b1, W_mu, att_src_mu, att_dst_mu, b_mu, W_ls, att_src_ls, att_dst_ls, b_ls):
    h = gat_conv(x, edge_index, W1, att_src1, att_dst1, b1, HEADS, 2 * OUT_CH)
    h = jax.nn.elu(h)
    mu = gat_conv(h, edge_index, W_mu, att_src_mu, att_dst_mu, b_mu, HEADS, OUT_CH)
    logstd = gat_conv(h, edge_index, W_ls, att_src_ls, att_dst_ls, b_ls, HEADS, OUT_CH)
    return (mu, logstd)

if __name__ == "__main__":
    import jax
    _d = setup_inputs()
    print(jax.jit(kernel)(*tuple(_d.values())))

</pallas_src>

<mosaic_0001>
#map = affine_map<(d0, d1) -> (0, 0)>
#map1 = affine_map<(d0, d1) -> (0, 0, 0, 0)>
#map2 = affine_map<(d0, d1) -> (0, 0, 0)>
module attributes {stable_mosaic.version = 14 : i64} {
  func.func @body(%arg0: i32, %arg1: i32, %arg2: memref<20000x64xf32, #tpu.memory_space<hbm>>, %arg3: memref<2000x2x2x80xi32, #tpu.memory_space<hbm>>, %arg4: memref<8x10000xf32, #tpu.memory_space<hbm>>, %arg5: memref<10240x64xf32, #tpu.memory_space<hbm>>, %arg6: memref<2x10240x64xf32, #tpu.memory_space<hbm>>, %arg7: memref<2x10240xf32, #tpu.memory_space<hbm>>, %arg8: memref<10000xf32, #tpu.memory_space<vmem>>, %arg9: memref<10000xf32, #tpu.memory_space<vmem>>, %arg10: memref<2x2x80xi32, #tpu.memory_space<vmem>>, %arg11: memref<2x80xi32, #tpu.memory_space<vmem>>, %arg12: memref<80xf32, #tpu.memory_space<vmem>>, %arg13: memref<80xf32, #tpu.memory_space<vmem>>, %arg14: memref<10240xf32, #tpu.memory_space<vmem>>, %arg15: memref<16x640xf32, #tpu.memory_space<vmem>>, %arg16: memref<640xf32, #tpu.memory_space<vmem>>, %arg17: memref<80x64xf32, #tpu.memory_space<vmem>>, %arg18: memref<80x64xf32, #tpu.memory_space<vmem>>, %arg19: memref<10240x64xf32, #tpu.memory_space<vmem_shared>>, %arg20: memref<16x16x640xf32, #tpu.memory_space<vmem_shared>>, %arg21: memref<!tpu.dma_semaphore, #tpu.memory_space<semaphore_mem>>, %arg22: memref<!tpu.dma_semaphore, #tpu.memory_space<semaphore_mem>>, %arg23: memref<!tpu.dma_semaphore, #tpu.memory_space<semaphore_mem>>, %arg24: memref<!tpu.dma_semaphore, #tpu.memory_space<semaphore_mem>>) attributes {dimension_semantics = [#tpu.dimension_semantics<core_parallel>, #tpu.dimension_semantics<subcore_parallel>], iteration_bounds = array<i64: 2, 16>, scalar_prefetch = 0 : i64, scratch_operands = 17 : i64, tpu.core_type = #tpu.core_type<sc_vector_subcore>, window_params = [{transform_indices = #map}, {transform_indices = #map1}, {transform_indices = #map}, {transform_indices = #map}, {transform_indices = #map2}, {transform_indices = #map}]} {
    %mul3A = arith.constant 2 : i32
    %mul3A_0 = arith.muli %mul3A, %arg0 : i32
    "tpu.region"() ({
      %run_scoped3A_49 = tpu.sem_alloc : memref<!tpu.dma_semaphore, #tpu.memory_space<semaphore_mem>>
      %dma_start3A = arith.constant 0 : i32
      %dma_start3A_50 = tpu.memref_slice %arg4[%mul3A_0, %dma_start3A] : memref<8x10000xf32, #tpu.memory_space<hbm>> -> memref<1x10000xf32, #tpu.memory_space<hbm>>
      %dma_start3A_51 = tpu.memref_squeeze %dma_start3A_50 : memref<1x10000xf32, #tpu.memory_space<hbm>> -> memref<10000xf32, #tpu.memory_space<hbm>>
      %dma_start3A_52 = arith.constant 0 : i32
      %dma_start3A_53 = tpu.memref_slice %arg4[%mul3A_0, %dma_start3A_52] : memref<8x10000xf32, #tpu.memory_space<hbm>> -> memref<1x10000xf32, #tpu.memory_space<hbm>>
      %dma_start3A_54 = tpu.memref_squeeze %dma_start3A_53 : memref<1x10000xf32, #tpu.memory_space<hbm>> -> memref<10000xf32, #tpu.memory_space<hbm>>
      tpu.enqueue_dma source(%dma_start3A_54 : memref<10000xf32, #tpu.memory_space<hbm>>) target(%arg8 : memref<10000xf32, #tpu.memory_space<vmem>>) target_semaphore(%run_scoped3A_49 : memref<!tpu.dma_semaphore, #tpu.memory_space<semaphore_mem>>)
      %dma_wait3A = arith.constant 0 : i32
      %dma_wait3A_55 = tpu.memref_slice %arg4[%mul3A_0, %dma_wait3A] : memref<8x10000xf32, #tpu.memory_space<hbm>> -> memref<1x10000xf32, #tpu.memory_space<hbm>>
      %dma_wait3A_56 = tpu.memref_squeeze %dma_wait3A_55 : memref<1x10000xf32, #tpu.memory_space<hbm>> -> memref<10000xf32, #tpu.memory_space<hbm>>
      %dma_wait3A_57 = arith.constant 0 : i32
      %dma_wait3A_58 = tpu.memref_slice %arg4[%mul3A_0, %dma_wait3A_57] : memref<8x10000xf32, #tpu.memory_space<hbm>> -> memref<1x10000xf32, #tpu.memory_space<hbm>>
      %dma_wait3A_59 = tpu.memref_squeeze %dma_wait3A_58 : memref<1x10000xf32, #tpu.memory_space<hbm>> -> memref<10000xf32, #tpu.memory_space<hbm>>
      tpu.wait_dma2 semaphore(%run_scoped3A_49 : memref<!tpu.dma_semaphore, #tpu.memory_space<semaphore_mem>>) src(%dma_wait3A_59 : memref<10000xf32, #tpu.memory_space<hbm>>) dst(%arg8 : memref<10000xf32, #tpu.memory_space<vmem>>)
      tpu.yield
    }) : () -> ()
    %mul3A_1 = arith.constant 2 : i32
    %mul3A_2 = arith.muli %mul3A_1, %arg0 : i32
    %add3A = arith.constant 1 : i32
    %add3A_3 = arith.addi %mul3A_2, %add3A : i32
    "tpu.region"() ({
      %run_scoped3A_49 = tpu.sem_alloc : memref<!tpu.dma_semaphore, #tpu.memory_space<semaphore_mem>>
      %dma_start3A = arith.constant 0 : i32
      %dma_start3A_50 = tpu.memref_slice %arg4[%add3A_3, %dma_start3A] : memref<8x10000xf32, #tpu.memory_space<hbm>> -> memref<1x10000xf32, #tpu.memory_space<hbm>>
      %dma_start3A_51 = tpu.memref_squeeze %dma_start3A_50 : memref<1x10000xf32, #tpu.memory_space<hbm>> -> memref<10000xf32, #tpu.memory_space<hbm>>
      %dma_start3A_52 = arith.constant 0 : i32
      %dma_start3A_53 = tpu.memref_slice %arg4[%add3A_3, %dma_start3A_52] : memref<8x10000xf32, #tpu.memory_space<hbm>> -> memref<1x10000xf32, #tpu.memory_space<hbm>>
      %dma_start3A_54 = tpu.memref_squeeze %dma_start3A_53 : memref<1x10000xf32, #tpu.memory_space<hbm>> -> memref<10000xf32, #tpu.memory_space<hbm>>
      tpu.enqueue_dma source(%dma_start3A_54 : memref<10000xf32, #tpu.memory_space<hbm>>) target(%arg9 : memref<10000xf32, #tpu.memory_space<vmem>>) target_semaphore(%run_scoped3A_49 : memref<!tpu.dma_semaphore, #tpu.memory_space<semaphore_mem>>)
      %dma_wait3A = arith.constant 0 : i32
      %dma_wait3A_55 = tpu.memref_slice %arg4[%add3A_3, %dma_wait3A] : memref<8x10000xf32, #tpu.memory_space<hbm>> -> memref<1x10000xf32, #tpu.memory_space<hbm>>
      %dma_wait3A_56 = tpu.memref_squeeze %dma_wait3A_55 : memref<1x10000xf32, #tpu.memory_space<hbm>> -> memref<10000xf32, #tpu.memory_space<hbm>>
      %dma_wait3A_57 = arith.constant 0 : i32
      %dma_wait3A_58 = tpu.memref_slice %arg4[%add3A_3, %dma_wait3A_57] : memref<8x10000xf32, #tpu.memory_space<hbm>> -> memref<1x10000xf32, #tpu.memory_space<hbm>>
      %dma_wait3A_59 = tpu.memref_squeeze %dma_wait3A_58 : memref<1x10000xf32, #tpu.memory_space<hbm>> -> memref<10000xf32, #tpu.memory_space<hbm>>
      tpu.wait_dma2 semaphore(%run_scoped3A_49 : memref<!tpu.dma_semaphore, #tpu.memory_space<semaphore_mem>>) src(%dma_wait3A_59 : memref<10000xf32, #tpu.memory_space<hbm>>) dst(%arg9 : memref<10000xf32, #tpu.memory_space<vmem>>)
      tpu.yield
    }) : () -> ()
    %mul3A_4 = arith.constant 640 : i32
    %mul3A_5 = arith.muli %arg1, %mul3A_4 : i32
    %mul3A_6 = arith.constant 640 : i32
    %mul3A_7 = arith.muli %arg1, %mul3A_6 : i32
    "tpu.region"() ({
      %run_scoped3A_49 = tpu.sem_alloc : memref<!tpu.dma_semaphore, #tpu.memory_space<semaphore_mem>>
      %dma_start3A = arith.constant 0 : i32
      %dma_start3A_50 = tpu.memref_slice %arg19[%mul3A_7, %dma_start3A] : memref<10240x64xf32, #tpu.memory_space<vmem_shared>> -> memref<640x64xf32, #tpu.memory_space<vmem_shared>>
      %dma_start3A_51 = arith.constant 0 : i32
      %dma_start3A_52 = tpu.memref_slice %arg5[%mul3A_5, %dma_start3A_51] : memref<10240x64xf32, #tpu.memory_space<hbm>> -> memref<640x64xf32, #tpu.memory_space<hbm>>
      tpu.enqueue_dma source(%dma_start3A_52 : memref<640x64xf32, #tpu.memory_space<hbm>>) target(%dma_start3A_50 : memref<640x64xf32, #tpu.memory_space<vmem_shared>>) target_semaphore(%run_scoped3A_49 : memref<!tpu.dma_semaphore, #tpu.memory_space<semaphore_mem>>)
      %dma_wait3A = arith.constant 0 : i32
      %dma_wait3A_53 = tpu.memref_slice %arg19[%mul3A_7, %dma_wait3A] : memref<10240x64xf32, #tpu.memory_space<vmem_shared>> -> memref<640x64xf32, #tpu.memory_space<vmem_shared>>
      %dma_wait3A_54 = arith.constant 0 : i32
      %dma_wait3A_55 = tpu.memref_slice %arg5[%mul3A_5, %dma_wait3A_54] : memref<10240x64xf32, #tpu.memory_space<hbm>> -> memref<640x64xf32, #tpu.memory_space<hbm>>
      tpu.wait_dma2 semaphore(%run_scoped3A_49 : memref<!tpu.dma_semaphore, #tpu.memory_space<semaphore_mem>>) src(%dma_wait3A_55 : memref<640x64xf32, #tpu.memory_space<hbm>>) dst(%dma_wait3A_53 : memref<640x64xf32, #tpu.memory_space<vmem_shared>>)
      tpu.yield
    }) : () -> ()
    %scan3A = arith.constant 0 : i32
    %scan3A_8 = arith.constant 0 : i32
    %scan3A_9 = arith.constant 640 : i32
    %scan3A_10 = arith.addi %scan3A_8, %scan3A_9 : i32
    %scan3A_11 = arith.constant 1 : i32
    scf.for %scan3A_49 = %scan3A_8 to %scan3A_10 step %scan3A_11  : i32 {
      %broadcast_in_dim3A = arith.constant 0.000000e+00 : f32
      %broadcast_in_dim3A_50 = vector.broadcast %broadcast_in_dim3A : f32 to vector<16xf32>
      %mul3A_51 = arith.constant 16 : i32
      %mul3A_52 = arith.muli %scan3A_49, %mul3A_51 : i32
      %swap3A = arith.index_cast %mul3A_52 : i32 to index
      %swap3A_53 = tpu.vector_load %arg14[%swap3A] {strides = array<i32>} : memref<10240xf32, #tpu.memory_space<vmem>>, vector<16xf32>,
      tpu.vector_store %arg14[%swap3A], %broadcast_in_dim3A_50 {strides = array<i32>} : memref<10240xf32, #tpu.memory_space<vmem>>, vector<16xf32>,
    }
    %scan3A_12 = arith.constant 640 : i32
    %barrier3A = arith.constant 0 : index
    tpu.barrier barrier_id(%barrier3A)
    %mul3A_13 = arith.constant 125 : i32
    %mul3A_14 = arith.muli %arg1, %mul3A_13 : i32
    %scan3A_15 = arith.constant 0 : i32
    %scan3A_16 = arith.constant 0 : i32
    %scan3A_17 = arith.constant 125 : i32
    %scan3A_18 = arith.addi %scan3A_16, %scan3A_17 : i32
    %scan3A_19 = arith.constant 1 : i32
    scf.for %scan3A_49 = %scan3A_16 to %scan3A_18 step %scan3A_19  : i32 {
      %add3A_50 = arith.addi %mul3A_14, %scan3A_49 : i32
      "tpu.region"() ({
        %run_scoped3A_515 = tpu.sem_alloc : memref<!tpu.dma_semaphore, #tpu.memory_space<semaphore_mem>>
        %dma_start3A_516 = arith.constant 0 : i32
        %dma_start3A_517 = arith.constant 0 : i32
        %dma_start3A_518 = arith.constant 0 : i32
        %dma_start3A_519 = tpu.memref_slice %arg3[%add3A_50, %dma_start3A_516, %dma_start3A_517, %dma_start3A_518] : memref<2000x2x2x80xi32, #tpu.memory_space<hbm>> -> memref<1x2x2x80xi32, #tpu.memory_space<hbm>>
        %dma_start3A_520 = tpu.memref_squeeze %dma_start3A_519 : memref<1x2x2x80xi32, #tpu.memory_space<hbm>> -> memref<2x2x80xi32, #tpu.memory_space<hbm>>
        %dma_start3A_521 = arith.constant 0 : i32
        %dma_start3A_522 = arith.constant 0 : i32
        %dma_start3A_523 = arith.constant 0 : i32
        %dma_start3A_524 = tpu.memref_slice %arg3[%add3A_50, %dma_start3A_521, %dma_start3A_522, %dma_start3A_523] : memref<2000x2x2x80xi32, #tpu.memory_space<hbm>> -> memref<1x2x2x80xi32, #tpu.memory_space<hbm>>
        %dma_start3A_525 = tpu.memref_squeeze %dma_start3A_524 : memref<1x2x2x80xi32, #tpu.memory_space<hbm>> -> memref<2x2x80xi32, #tpu.memory_space<hbm>>
        tpu.enqueue_dma source(%dma_start3A_525 : memref<2x2x80xi32, #tpu.memory_space<hbm>>) target(%arg10 : memref<2x2x80xi32, #tpu.memory_space<vmem>>) target_semaphore(%run_scoped3A_515 : memref<!tpu.dma_semaphore, #tpu.memory_space<semaphore_mem>>)
        %dma_wait3A_526 = arith.constant 0 : i32
        %dma_wait3A_527 = arith.constant 0 : i32
        %dma_wait3A_528 = arith.constant 0 : i32
        %dma_wait3A_529 = tpu.memref_slice %arg3[%add3A_50, %dma_wait3A_526, %dma_wait3A_527, %dma_wait3A_528] : memref<2000x2x2x80xi32, #tpu.memory_space<hbm>> -> memref<1x2x2x80xi32, #tpu.memory_space<hbm>>
        %dma_wait3A_530 = tpu.memref_squeeze %dma_wait3A_529 : memref<1x2x2x80xi32, #tpu.memory_space<hbm>> -> memref<2x2x80xi32, #tpu.memory_space<hbm>>
        %dma_wait3A_531 = arith.constant 0 : i32
        %dma_wait3A_532 = arith.constant 0 : i32
        %dma_wait3A_533 = arith.constant 0 : i32
        %dma_wait3A_534 = tpu.memref_slice %arg3[%add3A_50, %dma_wait3A_531, %dma_wait3A_532, %dma_wait3A_533] : memref<2000x2x2x80xi32, #tpu.memory_space<hbm>> -> memref<1x2x2x80xi32, #tpu.memory_space<hbm>>
        %dma_wait3A_535 = tpu.memref_squeeze %dma_wait3A_534 : memref<1x2x2x80xi32, #tpu.memory_space<hbm>> -> memref<2x2x80xi32, #tpu.memory_space<hbm>>
        tpu.wait_dma2 semaphore(%run_scoped3A_515 : memref<!tpu.dma_semaphore, #tpu.memory_space<semaphore_mem>>) src(%dma_wait3A_535 : memref<2x2x80xi32, #tpu.memory_space<hbm>>) dst(%arg10 : memref<2x2x80xi32, #tpu.memory_space<vmem>>)
        tpu.yield
      }) : () -> ()
      %get3A = arith.constant 0 : i32
      %get3A_51 = arith.constant 0 : i32
      %get3A_52 = arith.index_cast %get3A : i32 to index
      %get3A_53 = arith.index_cast %get3A_51 : i32 to index
      %get3A_54 = arith.constant 0 : index
      %get3A_55 = tpu.vector_load %arg10[%get3A_52, %get3A_53, %get3A_54] {strides = array<i32>} : memref<2x2x80xi32, #tpu.memory_space<vmem>>, vector<16xi32>,
      %mul3A_56 = arith.constant 2 : i32
      %mul3A_57 = vector.broadcast %mul3A_56 : i32 to vector<16xi32>
      %mul3A_58 = arith.muli %get3A_55, %mul3A_57 : vector<16xi32>
      %add3A_59 = vector.broadcast %arg0 : i32 to vector<16xi32>
      %add3A_60 = arith.addi %mul3A_58, %add3A_59 : vector<16xi32>
      %swap3A = arith.constant 0 : i32
      %swap3A_61 = arith.index_cast %swap3A : i32 to index
      %swap3A_62 = arith.constant 0 : index
      %swap3A_63 = tpu.vector_load %arg11[%swap3A_61, %swap3A_62] {strides = array<i32>} : memref<2x80xi32, #tpu.memory_space<vmem>>, vector<16xi32>,
      tpu.vector_store %arg11[%swap3A_61, %swap3A_62], %add3A_60 {strides = array<i32>} : memref<2x80xi32, #tpu.memory_space<vmem>>, vector<16xi32>,
      %get3A_64 = arith.constant 0 : i32
      %get3A_65 = arith.constant 0 : i32
      %get3A_66 = arith.index_cast %get3A_64 : i32 to index
      %get3A_67 = arith.index_cast %get3A_65 : i32 to index
      %get3A_68 = arith.constant 16 : index
      %get3A_69 = tpu.vector_load %arg10[%get3A_66, %get3A_67, %get3A_68] {strides = array<i32>} : memref<2x2x80xi32, #tpu.memory_space<vmem>>, vector<16xi32>,
      %mul3A_70 = arith.constant 2 : i32
      %mul3A_71 = vector.broadcast %mul3A_70 : i32 to vector<16xi32>
      %mul3A_72 = arith.muli %get3A_69, %mul3A_71 : vector<16xi32>
      %add3A_73 = vector.broadcast %arg0 : i32 to vector<16xi32>
      %add3A_74 = arith.addi %mul3A_72, %add3A_73 : vector<16xi32>
      %swap3A_75 = arith.constant 0 : i32
      %swap3A_76 = arith.index_cast %swap3A_75 : i32 to index
      %swap3A_77 = arith.constant 16 : index
      %swap3A_78 = tpu.vector_load %arg11[%swap3A_76, %swap3A_77] {strides = array<i32>} : memref<2x80xi32, #tpu.memory_space<vmem>>, vector<16xi32>,
      tpu.vector_store %arg11[%swap3A_76, %swap3A_77], %add3A_74 {strides = array<i32>} : memref<2x80xi32, #tpu.memory_space<vmem>>, vector<16xi32>,
      %get3A_79 = arith.constant 0 : i32
      %get3A_80 = arith.constant 0 : i32
      %get3A_81 = arith.index_cast %get3A_79 : i32 to index
      %get3A_82 = arith.index_cast %get3A_80 : i32 to index
      %get3A_83 = arith.constant 32 : index
      %get3A_84 = tpu.vector_load %arg10[%get3A_81, %get3A_82, %get3A_83] {strides = array<i32>} : memref<2x2x80xi32, #tpu.memory_space<vmem>>, vector<16xi32>,
      %mul3A_85 = arith.constant 2 : i32
      %mul3A_86 = vector.broadcast %mul3A_85 : i32 to vector<16xi32>
      %mul3A_87 = arith.muli %get3A_84, %mul3A_86 : vector<16xi32>
      %add3A_88 = vector.broadcast %arg0 : i32 to vector<16xi32>
      %add3A_89 = arith.addi %mul3A_87, %add3A_88 : vector<16xi32>
      %swap3A_90 = arith.constant 0 : i32
      %swap3A_91 = arith.index_cast %swap3A_90 : i32 to index
      %swap3A_92 = arith.constant 32 : index
      %swap3A_93 = tpu.vector_load %arg11[%swap3A_91, %swap3A_92] {strides = array<i32>} : memref<2x80xi32, #tpu.memory_space<vmem>>, vector<16xi32>,
      tpu.vector_store %arg11[%swap3A_91, %swap3A_92], %add3A_89 {strides = array<i32>} : memref<2x80xi32, #tpu.memory_space<vmem>>, vector<16xi32>,
      %get3A_94 = arith.constant 0 : i32
      %get3A_95 = arith.constant 0 : i32
      %get3A_96 = arith.index_cast %get3A_94 : i32 to index
      %get3A_97 = arith.index_cast %get3A_95 : i32 to index
      %get3A_98 = arith.constant 48 : index
      %get3A_99 = tpu.vector_load %arg10[%get3A_96, %get3A_97, %get3A_98] {strides = array<i32>} : memref<2x2x80xi32, #tpu.memory_space<vmem>>, vector<16xi32>,
      %mul3A_100 = arith.constant 2 : i32
      %mul3A_101 = vector.broadcast %mul3A_100 : i32 to vector<16xi32>
      %mul3A_102 = arith.muli %get3A_99, %mul3A_101 : vector<16xi32>
      %add3A_103 = vector.broadcast %arg0 : i32 to vector<16xi32>
      %add3A_104 = arith.addi %mul3A_102, %add3A_103 : vector<16xi32>
      %swap3A_105 = arith.constant 0 : i32
      %swap3A_106 = arith.index_cast %swap3A_105 : i32 to index
      %swap3A_107 = arith.constant 48 : index
      %swap3A_108 = tpu.vector_load %arg11[%swap3A_106, %swap3A_107] {strides = array<i32>} : memref<2x80xi32, #tpu.memory_space<vmem>>, vector<16xi32>,
      tpu.vector_store %arg11[%swap3A_106, %swap3A_107], %add3A_104 {strides = array<i32>} : memref<2x80xi32, #tpu.memory_space<vmem>>, vector<16xi32>,
      %get3A_109 = arith.constant 0 : i32
      %get3A_110 = arith.constant 0 : i32
      %get3A_111 = arith.index_cast %get3A_109 : i32 to index
      %get3A_112 = arith.index_cast %get3A_110 : i32 to index
      %get3A_113 = arith.constant 64 : index
      %get3A_114 = tpu.vector_load %arg10[%get3A_111, %get3A_112, %get3A_113] {strides = array<i32>} : memref<2x2x80xi32, #tpu.memory_space<vmem>>, vector<16xi32>,
      %mul3A_115 = arith.constant 2 : i32
      %mul3A_116 = vector.broadcast %mul3A_115 : i32 to vector<16xi32>
      %mul3A_117 = arith.muli %get3A_114, %mul3A_116 : vector<16xi32>
      %add3A_118 = vector.broadcast %arg0 : i32 to vector<16xi32>
      %add3A_119 = arith.addi %mul3A_117, %add3A_118 : vector<16xi32>
      %swap3A_120 = arith.constant 0 : i32
      %swap3A_121 = arith.index_cast %swap3A_120 : i32 to index
      %swap3A_122 = arith.constant 64 : index
      %swap3A_123 = tpu.vector_load %arg11[%swap3A_121, %swap3A_122] {strides = array<i32>} : memref<2x80xi32, #tpu.memory_space<vmem>>, vector<16xi32>,
      tpu.vector_store %arg11[%swap3A_121, %swap3A_122], %add3A_119 {strides = array<i32>} : memref<2x80xi32, #tpu.memory_space<vmem>>, vector<16xi32>,
      %get3A_124 = arith.constant 0 : i32
      %get3A_125 = arith.constant 1 : i32
      %get3A_126 = arith.index_cast %get3A_124 : i32 to index
      %get3A_127 = arith.index_cast %get3A_125 : i32 to index
      %get3A_128 = arith.constant 0 : index
      %get3A_129 = tpu.vector_load %arg10[%get3A_126, %get3A_127, %get3A_128] {strides = array<i32>} : memref<2x2x80xi32, #tpu.memory_space<vmem>>, vector<16xi32>,
      %mul3A_130 = arith.constant 2 : i32
      %mul3A_131 = vector.broadcast %mul3A_130 : i32 to vector<16xi32>
      %mul3A_132 = arith.muli %get3A_129, %mul3A_131 : vector<16xi32>
      %add3A_133 = vector.broadcast %arg0 : i32 to vector<16xi32>
      %add3A_134 = arith.addi %mul3A_132, %add3A_133 : vector<16xi32>
      %swap3A_135 = arith.constant 1 : i32
      %swap3A_136 = arith.index_cast %swap3A_135 : i32 to index
      %swap3A_137 = arith.constant 0 : index
      %swap3A_138 = tpu.vector_load %arg11[%swap3A_136, %swap3A_137] {strides = array<i32>} : memref<2x80xi32, #tpu.memory_space<vmem>>, vector<16xi32>,
      tpu.vector_store %arg11[%swap3A_136, %swap3A_137], %add3A_134 {strides = array<i32>} : memref<2x80xi32, #tpu.memory_space<vmem>>, vector<16xi32>,
      %get3A_139 = arith.constant 0 : i32
      %get3A_140 = arith.constant 1 : i32
      %get3A_141 = arith.index_cast %get3A_139 : i32 to index
      %get3A_142 = arith.index_cast %get3A_140 : i32 to index
      %get3A_143 = arith.constant 16 : index
      %get3A_144 = tpu.vector_load %arg10[%get3A_141, %get3A_142, %get3A_143] {strides = array<i32>} : memref<2x2x80xi32, #tpu.memory_space<vmem>>, vector<16xi32>,
      %mul3A_145 = arith.constant 2 : i32
      %mul3A_146 = vector.broadcast %mul3A_145 : i32 to vector<16xi32>
      %mul3A_147 = arith.muli %get3A_144, %mul3A_146 : vector<16xi32>
      %add3A_148 = vector.broadcast %arg0 : i32 to vector<16xi32>
      %add3A_149 = arith.addi %mul3A_147, %add3A_148 : vector<16xi32>
      %swap3A_150 = arith.constant 1 : i32
      %swap3A_151 = arith.index_cast %swap3A_150 : i32 to index
      %swap3A_152 = arith.constant 16 : index
      %swap3A_153 = tpu.vector_load %arg11[%swap3A_151, %swap3A_152] {strides = array<i32>} : memref<2x80xi32, #tpu.memory_space<vmem>>, vector<16xi32>,
      tpu.vector_store %arg11[%swap3A_151, %swap3A_152], %add3A_149 {strides = array<i32>} : memref<2x80xi32, #tpu.memory_space<vmem>>, vector<16xi32>,
      %get3A_154 = arith.constant 0 : i32
      %get3A_155 = arith.constant 1 : i32
      %get3A_156 = arith.index_cast %get3A_154 : i32 to index
      %get3A_157 = arith.index_cast %get3A_155 : i32 to index
      %get3A_158 = arith.constant 32 : index
      %get3A_159 = tpu.vector_load %arg10[%get3A_156, %get3A_157, %get3A_158] {strides = array<i32>} : memref<2x2x80xi32, #tpu.memory_space<vmem>>, vector<16xi32>,
      %mul3A_160 = arith.constant 2 : i32
      %mul3A_161 = vector.broadcast %mul3A_160 : i32 to vector<16xi32>
      %mul3A_162 = arith.muli %get3A_159, %mul3A_161 : vector<16xi32>
      %add3A_163 = vector.broadcast %arg0 : i32 to vector<16xi32>
      %add3A_164 = arith.addi %mul3A_162, %add3A_163 : vector<16xi32>
      %swap3A_165 = arith.constant 1 : i32
      %swap3A_166 = arith.index_cast %swap3A_165 : i32 to index
      %swap3A_167 = arith.constant 32 : index
      %swap3A_168 = tpu.vector_load %arg11[%swap3A_166, %swap3A_167] {strides = array<i32>} : memref<2x80xi32, #tpu.memory_space<vmem>>, vector<16xi32>,
      tpu.vector_store %arg11[%swap3A_166, %swap3A_167], %add3A_164 {strides = array<i32>} : memref<2x80xi32, #tpu.memory_space<vmem>>, vector<16xi32>,
      %get3A_169 = arith.constant 0 : i32
      %get3A_170 = arith.constant 1 : i32
      %get3A_171 = arith.index_cast %get3A_169 : i32 to index
      %get3A_172 = arith.index_cast %get3A_170 : i32 to index
      %get3A_173 = arith.constant 48 : index
      %get3A_174 = tpu.vector_load %arg10[%get3A_171, %get3A_172, %get3A_173] {strides = array<i32>} : memref<2x2x80xi32, #tpu.memory_space<vmem>>, vector<16xi32>,
      %mul3A_175 = arith.constant 2 : i32
      %mul3A_176 = vector.broadcast %mul3A_175 : i32 to vector<16xi32>
      %mul3A_177 = arith.muli %get3A_174, %mul3A_176 : vector<16xi32>
      %add3A_178 = vector.broadcast %arg0 : i32 to vector<16xi32>
      %add3A_179 = arith.addi %mul3A_177, %add3A_178 : vector<16xi32>
      %swap3A_180 = arith.constant 1 : i32
      %swap3A_181 = arith.index_cast %swap3A_180 : i32 to index
      %swap3A_182 = arith.constant 48 : index
      %swap3A_183 = tpu.vector_load %arg11[%swap3A_181, %swap3A_182] {strides = array<i32>} : memref<2x80xi32, #tpu.memory_space<vmem>>, vector<16xi32>,
      tpu.vector_store %arg11[%swap3A_181, %swap3A_182], %add3A_179 {strides = array<i32>} : memref<2x80xi32, #tpu.memory_space<vmem>>, vector<16xi32>,
      %get3A_184 = arith.constant 0 : i32
      %get3A_185 = arith.constant 1 : i32
      %get3A_186 = arith.index_cast %get3A_184 : i32 to index
      %get3A_187 = arith.index_cast %get3A_185 : i32 to index
      %get3A_188 = arith.constant 64 : index
      %get3A_189 = tpu.vector_load %arg10[%get3A_186, %get3A_187, %get3A_188] {strides = array<i32>} : memref<2x2x80xi32, #tpu.memory_space<vmem>>, vector<16xi32>,
      %mul3A_190 = arith.constant 2 : i32
      %mul3A_191 = vector.broadcast %mul3A_190 : i32 to vector<16xi32>
      %mul3A_192 = arith.muli %get3A_189, %mul3A_191 : vector<16xi32>
      %add3A_193 = vector.broadcast %arg0 : i32 to vector<16xi32>
      %add3A_194 = arith.addi %mul3A_192, %add3A_193 : vector<16xi32>
      %swap3A_195 = arith.constant 1 : i32
      %swap3A_196 = arith.index_cast %swap3A_195 : i32 to index
      %swap3A_197 = arith.constant 64 : index
      %swap3A_198 = tpu.vector_load %arg11[%swap3A_196, %swap3A_197] {strides = array<i32>} : memref<2x80xi32, #tpu.memory_space<vmem>>, vector<16xi32>,
      tpu.vector_store %arg11[%swap3A_196, %swap3A_197], %add3A_194 {strides = array<i32>} : memref<2x80xi32, #tpu.memory_space<vmem>>, vector<16xi32>,
      %dma_start3A = arith.constant 0 : i32
      %dma_start3A_199 = arith.constant 0 : i32
      %dma_start3A_200 = tpu.memref_slice %arg11[%dma_start3A, %dma_start3A_199] : memref<2x80xi32, #tpu.memory_space<vmem>> -> memref<1x80xi32, #tpu.memory_space<vmem>>
      %dma_start3A_201 = tpu.memref_squeeze %dma_start3A_200 : memref<1x80xi32, #tpu.memory_space<vmem>> -> memref<80xi32, #tpu.memory_space<vmem>>
      %dma_start3A_202 = arith.constant 0 : i32
      %dma_start3A_203 = arith.constant 0 : i32
      %dma_start3A_204 = tpu.memref_slice %arg2[%dma_start3A_202, %dma_start3A_203] : memref<20000x64xf32, #tpu.memory_space<hbm>> -> memref<20000x64xf32, #tpu.memory_space<hbm>>
      tpu.enqueue_indirect_dma source(%dma_start3A_204 : memref<20000x64xf32, #tpu.memory_space<hbm>>) target(%arg17 : memref<80x64xf32, #tpu.memory_space<vmem>>) offsets(%dma_start3A_201 : memref<80xi32, #tpu.memory_space<vmem>>) semaphore(%arg21 : memref<!tpu.dma_semaphore, #tpu.memory_space<semaphore_mem>>)
      %dma_start3A_205 = arith.constant 1 : i32
      %dma_start3A_206 = arith.constant 0 : i32
      %dma_start3A_207 = tpu.memref_slice %arg11[%dma_start3A_205, %dma_start3A_206] : memref<2x80xi32, #tpu.memory_space<vmem>> -> memref<1x80xi32, #tpu.memory_space<vmem>>
      %dma_start3A_208 = tpu.memref_squeeze %dma_start3A_207 : memref<1x80xi32, #tpu.memory_space<vmem>> -> memref<80xi32, #tpu.memory_space<vmem>>
      %dma_start3A_209 = arith.constant 0 : i32
      %dma_start3A_210 = arith.constant 0 : i32
      %dma_start3A_211 = tpu.memref_slice %arg2[%dma_start3A_209, %dma_start3A_210] : memref<20000x64xf32, #tpu.memory_space<hbm>> -> memref<20000x64xf32, #tpu.memory_space<hbm>>
      tpu.enqueue_indirect_dma source(%dma_start3A_211 : memref<20000x64xf32, #tpu.memory_space<hbm>>) target(%arg18 : memref<80x64xf32, #tpu.memory_space<vmem>>) offsets(%dma_start3A_208 : memref<80xi32, #tpu.memory_space<vmem>>) semaphore(%arg22 : memref<!tpu.dma_semaphore, #tpu.memory_space<semaphore_mem>>)
      %get3A_212 = arith.constant 0 : i32
      %get3A_213 = arith.constant 0 : i32
      %get3A_214 = arith.index_cast %get3A_212 : i32 to index
      %get3A_215 = arith.index_cast %get3A_213 : i32 to index
      %get3A_216 = arith.constant 0 : index
      %get3A_217 = tpu.vector_load %arg10[%get3A_214, %get3A_215, %get3A_216] {strides = array<i32>} : memref<2x2x80xi32, #tpu.memory_space<vmem>>, vector<16xi32>,
      %get3A_218 = arith.constant 1 : i32
      %get3A_219 = arith.constant 0 : i32
      %get3A_220 = arith.index_cast %get3A_218 : i32 to index
      %get3A_221 = arith.index_cast %get3A_219 : i32 to index
      %get3A_222 = arith.constant 0 : index
      %get3A_223 = tpu.vector_load %arg10[%get3A_220, %get3A_221, %get3A_222] {strides = array<i32>} : memref<2x2x80xi32, #tpu.memory_space<vmem>>, vector<16xi32>,
      %gather3A = tpu.vector_load_idx %arg8[%get3A_217] : memref<10000xf32, #tpu.memory_space<vmem>>[vector<16xi32>], vector<16xf32>,
      %gather3A_224 = tpu.vector_load_idx %arg9[%get3A_223] : memref<10000xf32, #tpu.memory_space<vmem>>[vector<16xi32>], vector<16xf32>,
      %add3A_225 = arith.addf %gather3A, %gather3A_224 : vector<16xf32>
      %ge3A = arith.constant 0.000000e+00 : f32
      %ge3A_226 = vector.broadcast %ge3A : f32 to vector<16xf32>
      %ge3A_227 = arith.cmpf oge, %add3A_225, %ge3A_226 : vector<16xf32>
      %mul3A_228 = arith.constant 2.000000e-01 : f32
      %mul3A_229 = vector.broadcast %mul3A_228 : f32 to vector<16xf32>
      %mul3A_230 = arith.mulf %mul3A_229, %add3A_225 : vector<16xf32>
      %select_n3A = arith.select %ge3A_227, %add3A_225, %mul3A_230 : vector<16xi1>, vector<16xf32>
      %exp3A = math.exp %select_n3A : vector<16xf32>
      %swap3A_231 = arith.constant 0 : index
      %swap3A_232 = tpu.vector_load %arg12[%swap3A_231] {strides = array<i32>} : memref<80xf32, #tpu.memory_space<vmem>>, vector<16xf32>,
      tpu.vector_store %arg12[%swap3A_231], %exp3A {strides = array<i32>} : memref<80xf32, #tpu.memory_space<vmem>>, vector<16xf32>,
      tpu.vector_store_idx %arg14[%get3A_223], %exp3A {add = true} : memref<10240xf32, #tpu.memory_space<vmem>>[vector<16xi32>], vector<16xf32>,
      %get3A_233 = arith.constant 0 : i32
      %get3A_234 = arith.constant 0 : i32
      %get3A_235 = arith.index_cast %get3A_233 : i32 to index
      %get3A_236 = arith.index_cast %get3A_234 : i32 to index
      %get3A_237 = arith.constant 16 : index
      %get3A_238 = tpu.vector_load %arg10[%get3A_235, %get3A_236, %get3A_237] {strides = array<i32>} : memref<2x2x80xi32, #tpu.memory_space<vmem>>, vector<16xi32>,
      %get3A_239 = arith.constant 1 : i32
      %get3A_240 = arith.constant 0 : i32
      %get3A_241 = arith.index_cast %get3A_239 : i32 to index
      %get3A_242 = arith.index_cast %get3A_240 : i32 to index
      %get3A_243 = arith.constant 16 : index
      %get3A_244 = tpu.vector_load %arg10[%get3A_241, %get3A_242, %get3A_243] {strides = array<i32>} : memref<2x2x80xi32, #tpu.memory_space<vmem>>, vector<16xi32>,
      %gather3A_245 = tpu.vector_load_idx %arg8[%get3A_238] : memref<10000xf32, #tpu.memory_space<vmem>>[vector<16xi32>], vector<16xf32>,
      %gather3A_246 = tpu.vector_load_idx %arg9[%get3A_244] : memref<10000xf32, #tpu.memory_space<vmem>>[vector<16xi32>], vector<16xf32>,
      %add3A_247 = arith.addf %gather3A_245, %gather3A_246 : vector<16xf32>
      %ge3A_248 = arith.constant 0.000000e+00 : f32
      %ge3A_249 = vector.broadcast %ge3A_248 : f32 to vector<16xf32>
      %ge3A_250 = arith.cmpf oge, %add3A_247, %ge3A_249 : vector<16xf32>
      %mul3A_251 = arith.constant 2.000000e-01 : f32
      %mul3A_252 = vector.broadcast %mul3A_251 : f32 to vector<16xf32>
      %mul3A_253 = arith.mulf %mul3A_252, %add3A_247 : vector<16xf32>
      %select_n3A_254 = arith.select %ge3A_250, %add3A_247, %mul3A_253 : vector<16xi1>, vector<16xf32>
      %exp3A_255 = math.exp %select_n3A_254 : vector<16xf32>
      %swap3A_256 = arith.constant 16 : index
      %swap3A_257 = tpu.vector_load %arg12[%swap3A_256] {strides = array<i32>} : memref<80xf32, #tpu.memory_space<vmem>>, vector<16xf32>,
      tpu.vector_store %arg12[%swap3A_256], %exp3A_255 {strides = array<i32>} : memref<80xf32, #tpu.memory_space<vmem>>, vector<16xf32>,
      tpu.vector_store_idx %arg14[%get3A_244], %exp3A_255 {add = true} : memref<10240xf32, #tpu.memory_space<vmem>>[vector<16xi32>], vector<16xf32>,
      %get3A_258 = arith.constant 0 : i32
      %get3A_259 = arith.constant 0 : i32
      %get3A_260 = arith.index_cast %get3A_258 : i32 to index
      %get3A_261 = arith.index_cast %get3A_259 : i32 to index
      %get3A_262 = arith.constant 32 : index
      %get3A_263 = tpu.vector_load %arg10[%get3A_260, %get3A_261, %get3A_262] {strides = array<i32>} : memref<2x2x80xi32, #tpu.memory_space<vmem>>, vector<16xi32>,
      %get3A_264 = arith.constant 1 : i32
      %get3A_265 = arith.constant 0 : i32
      %get3A_266 = arith.index_cast %get3A_264 : i32 to index
      %get3A_267 = arith.index_cast %get3A_265 : i32 to index
      %get3A_268 = arith.constant 32 : index
      %get3A_269 = tpu.vector_load %arg10[%get3A_266, %get3A_267, %get3A_268] {strides = array<i32>} : memref<2x2x80xi32, #tpu.memory_space<vmem>>, vector<16xi32>,
      %gather3A_270 = tpu.vector_load_idx %arg8[%get3A_263] : memref<10000xf32, #tpu.memory_space<vmem>>[vector<16xi32>], vector<16xf32>,
      %gather3A_271 = tpu.vector_load_idx %arg9[%get3A_269] : memref<10000xf32, #tpu.memory_space<vmem>>[vector<16xi32>], vector<16xf32>,
      %add3A_272 = arith.addf %gather3A_270, %gather3A_271 : vector<16xf32>
      %ge3A_273 = arith.constant 0.000000e+00 : f32
      %ge3A_274 = vector.broadcast %ge3A_273 : f32 to vector<16xf32>
      %ge3A_275 = arith.cmpf oge, %add3A_272, %ge3A_274 : vector<16xf32>
      %mul3A_276 = arith.constant 2.000000e-01 : f32
      %mul3A_277 = vector.broadcast %mul3A_276 : f32 to vector<16xf32>
      %mul3A_278 = arith.mulf %mul3A_277, %add3A_272 : vector<16xf32>
      %select_n3A_279 = arith.select %ge3A_275, %add3A_272, %mul3A_278 : vector<16xi1>, vector<16xf32>
      %exp3A_280 = math.exp %select_n3A_279 : vector<16xf32>
      %swap3A_281 = arith.constant 32 : index
      %swap3A_282 = tpu.vector_load %arg12[%swap3A_281] {strides = array<i32>} : memref<80xf32, #tpu.memory_space<vmem>>, vector<16xf32>,
      tpu.vector_store %arg12[%swap3A_281], %exp3A_280 {strides = array<i32>} : memref<80xf32, #tpu.memory_space<vmem>>, vector<16xf32>,
      tpu.vector_store_idx %arg14[%get3A_269], %exp3A_280 {add = true} : memref<10240xf32, #tpu.memory_space<vmem>>[vector<16xi32>], vector<16xf32>,
      %get3A_283 = arith.constant 0 : i32
      %get3A_284 = arith.constant 0 : i32
      %get3A_285 = arith.index_cast %get3A_283 : i32 to index
      %get3A_286 = arith.index_cast %get3A_284 : i32 to index
      %get3A_287 = arith.constant 48 : index
      %get3A_288 = tpu.vector_load %arg10[%get3A_285, %get3A_286, %get3A_287] {strides = array<i32>} : memref<2x2x80xi32, #tpu.memory_space<vmem>>, vector<16xi32>,
      %get3A_289 = arith.constant 1 : i32
      %get3A_290 = arith.constant 0 : i32
      %get3A_291 = arith.index_cast %get3A_289 : i32 to index
      %get3A_292 = arith.index_cast %get3A_290 : i32 to index
      %get3A_293 = arith.constant 48 : index
      %get3A_294 = tpu.vector_load %arg10[%get3A_291, %get3A_292, %get3A_293] {strides = array<i32>} : memref<2x2x80xi32, #tpu.memory_space<vmem>>, vector<16xi32>,
      %gather3A_295 = tpu.vector_load_idx %arg8[%get3A_288] : memref<10000xf32, #tpu.memory_space<vmem>>[vector<16xi32>], vector<16xf32>,
      %gather3A_296 = tpu.vector_load_idx %arg9[%get3A_294] : memref<10000xf32, #tpu.memory_space<vmem>>[vector<16xi32>], vector<16xf32>,
      %add3A_297 = arith.addf %gather3A_295, %gather3A_296 : vector<16xf32>
      %ge3A_298 = arith.constant 0.000000e+00 : f32
      %ge3A_299 = vector.broadcast %ge3A_298 : f32 to vector<16xf32>
      %ge3A_300 = arith.cmpf oge, %add3A_297, %ge3A_299 : vector<16xf32>
      %mul3A_301 = arith.constant 2.000000e-01 : f32
      %mul3A_302 = vector.broadcast %mul3A_301 : f32 to vector<16xf32>
      %mul3A_303 = arith.mulf %mul3A_302, %add3A_297 : vector<16xf32>
      %select_n3A_304 = arith.select %ge3A_300, %add3A_297, %mul3A_303 : vector<16xi1>, vector<16xf32>
      %exp3A_305 = math.exp %select_n3A_304 : vector<16xf32>
      %swap3A_306 = arith.constant 48 : index
      %swap3A_307 = tpu.vector_load %arg12[%swap3A_306] {strides = array<i32>} : memref<80xf32, #tpu.memory_space<vmem>>, vector<16xf32>,
      tpu.vector_store %arg12[%swap3A_306], %exp3A_305 {strides = array<i32>} : memref<80xf32, #tpu.memory_space<vmem>>, vector<16xf32>,
      tpu.vector_store_idx %arg14[%get3A_294], %exp3A_305 {add = true} : memref<10240xf32, #tpu.memory_space<vmem>>[vector<16xi32>], vector<16xf32>,
      %get3A_308 = arith.constant 0 : i32
      %get3A_309 = arith.constant 0 : i32
      %get3A_310 = arith.index_cast %get3A_308 : i32 to index
      %get3A_311 = arith.index_cast %get3A_309 : i32 to index
      %get3A_312 = arith.constant 64 : index
      %get3A_313 = tpu.vector_load %arg10[%get3A_310, %get3A_311, %get3A_312] {strides = array<i32>} : memref<2x2x80xi32, #tpu.memory_space<vmem>>, vector<16xi32>,
      %get3A_314 = arith.constant 1 : i32
      %get3A_315 = arith.constant 0 : i32
      %get3A_316 = arith.index_cast %get3A_314 : i32 to index
      %get3A_317 = arith.index_cast %get3A_315 : i32 to index
      %get3A_318 = arith.constant 64 : index
      %get3A_319 = tpu.vector_load %arg10[%get3A_316, %get3A_317, %get3A_318] {strides = array<i32>} : memref<2x2x80xi32, #tpu.memory_space<vmem>>, vector<16xi32>,
      %gather3A_320 = tpu.vector_load_idx %arg8[%get3A_313] : memref<10000xf32, #tpu.memory_space<vmem>>[vector<16xi32>], vector<16xf32>,
      %gather3A_321 = tpu.vector_load_idx %arg9[%get3A_319] : memref<10000xf32, #tpu.memory_space<vmem>>[vector<16xi32>], vector<16xf32>,
      %add3A_322 = arith.addf %gather3A_320, %gather3A_321 : vector<16xf32>
      %ge3A_323 = arith.constant 0.000000e+00 : f32
      %ge3A_324 = vector.broadcast %ge3A_323 : f32 to vector<16xf32>
      %ge3A_325 = arith.cmpf oge, %add3A_322, %ge3A_324 : vector<16xf32>
      %mul3A_326 = arith.constant 2.000000e-01 : f32
      %mul3A_327 = vector.broadcast %mul3A_326 : f32 to vector<16xf32>
      %mul3A_328 = arith.mulf %mul3A_327, %add3A_322 : vector<16xf32>
      %select_n3A_329 = arith.select %ge3A_325, %add3A_322, %mul3A_328 : vector<16xi1>, vector<16xf32>
      %exp3A_330 = math.exp %select_n3A_329 : vector<16xf32>
      %swap3A_331 = arith.constant 64 : index
      %swap3A_332 = tpu.vector_load %arg12[%swap3A_331] {strides = array<i32>} : memref<80xf32, #tpu.memory_space<vmem>>, vector<16xf32>,
      tpu.vector_store %arg12[%swap3A_331], %exp3A_330 {strides = array<i32>} : memref<80xf32, #tpu.memory_space<vmem>>, vector<16xf32>,
      tpu.vector_store_idx %arg14[%get3A_319], %exp3A_330 {add = true} : memref<10240xf32, #tpu.memory_space<vmem>>[vector<16xi32>], vector<16xf32>,
      %get3A_333 = arith.constant 0 : i32
      %get3A_334 = arith.constant 1 : i32
      %get3A_335 = arith.index_cast %get3A_333 : i32 to index
      %get3A_336 = arith.index_cast %get3A_334 : i32 to index
      %get3A_337 = arith.constant 0 : index
      %get3A_338 = tpu.vector_load %arg10[%get3A_335, %get3A_336, %get3A_337] {strides = array<i32>} : memref<2x2x80xi32, #tpu.memory_space<vmem>>, vector<16xi32>,
      %get3A_339 = arith.constant 1 : i32
      %get3A_340 = arith.constant 1 : i32
      %get3A_341 = arith.index_cast %get3A_339 : i32 to index
      %get3A_342 = arith.index_cast %get3A_340 : i32 to index
      %get3A_343 = arith.constant 0 : index
      %get3A_344 = tpu.vector_load %arg10[%get3A_341, %get3A_342, %get3A_343] {strides = array<i32>} : memref<2x2x80xi32, #tpu.memory_space<vmem>>, vector<16xi32>,
      %gather3A_345 = tpu.vector_load_idx %arg8[%get3A_338] : memref<10000xf32, #tpu.memory_space<vmem>>[vector<16xi32>], vector<16xf32>,
      %gather3A_346 = tpu.vector_load_idx %arg9[%get3A_344] : memref<10000xf32, #tpu.memory_space<vmem>>[vector<16xi32>], vector<16xf32>,
      %add3A_347 = arith.addf %gather3A_345, %gather3A_346 : vector<16xf32>
      %ge3A_348 = arith.constant 0.000000e+00 : f32
      %ge3A_349 = vector.broadcast %ge3A_348 : f32 to vector<16xf32>
      %ge3A_350 = arith.cmpf oge, %add3A_347, %ge3A_349 : vector<16xf32>
      %mul3A_351 = arith.constant 2.000000e-01 : f32
      %mul3A_352 = vector.broadcast %mul3A_351 : f32 to vector<16xf32>
      %mul3A_353 = arith.mulf %mul3A_352, %add3A_347 : vector<16xf32>
      %select_n3A_354 = arith.select %ge3A_350, %add3A_347, %mul3A_353 : vector<16xi1>, vector<16xf32>
      %exp3A_355 = math.exp %select_n3A_354 : vector<16xf32>
      %swap3A_356 = arith.constant 0 : index
      %swap3A_357 = tpu.vector_load %arg13[%swap3A_356] {strides = array<i32>} : memref<80xf32, #tpu.memory_space<vmem>>, vector<16xf32>,
      tpu.vector_store %arg13[%swap3A_356], %exp3A_355 {strides = array<i32>} : memref<80xf32, #tpu.memory_space<vmem>>, vector<16xf32>,
      tpu.vector_store_idx %arg14[%get3A_344], %exp3A_355 {add = true} : memref<10240xf32, #tpu.memory_space<vmem>>[vector<16xi32>], vector<16xf32>,
      %get3A_358 = arith.constant 0 : i32
      %get3A_359 = arith.constant 1 : i32
      %get3A_360 = arith.index_cast %get3A_358 : i32 to index
      %get3A_361 = arith.index_cast %get3A_359 : i32 to index
      %get3A_362 = arith.constant 16 : index
      %get3A_363 = tpu.vector_load %arg10[%get3A_360, %get3A_361, %get3A_362] {strides = array<i32>} : memref<2x2x80xi32, #tpu.memory_space<vmem>>, vector<16xi32>,
      %get3A_364 = arith.constant 1 : i32
      %get3A_365 = arith.constant 1 : i32
      %get3A_366 = arith.index_cast %get3A_364 : i32 to index
      %get3A_367 = arith.index_cast %get3A_365 : i32 to index
      %get3A_368 = arith.constant 16 : index
      %get3A_369 = tpu.vector_load %arg10[%get3A_366, %get3A_367, %get3A_368] {strides = array<i32>} : memref<2x2x80xi32, #tpu.memory_space<vmem>>, vector<16xi32>,
      %gather3A_370 = tpu.vector_load_idx %arg8[%get3A_363] : memref<10000xf32, #tpu.memory_space<vmem>>[vector<16xi32>], vector<16xf32>,
      %gather3A_371 = tpu.vector_load_idx %arg9[%get3A_369] : memref<10000xf32, #tpu.memory_space<vmem>>[vector<16xi32>], vector<16xf32>,
      %add3A_372 = arith.addf %gather3A_370, %gather3A_371 : vector<16xf32>
      %ge3A_373 = arith.constant 0.000000e+00 : f32
      %ge3A_374 = vector.broadcast %ge3A_373 : f32 to vector<16xf32>
      %ge3A_375 = arith.cmpf oge, %add3A_372, %ge3A_374 : vector<16xf32>
      %mul3A_376 = arith.constant 2.000000e-01 : f32
      %mul3A_377 = vector.broadcast %mul3A_376 : f32 to vector<16xf32>
      %mul3A_378 = arith.mulf %mul3A_377, %add3A_372 : vector<16xf32>
      %select_n3A_379 = arith.select %ge3A_375, %add3A_372, %mul3A_378 : vector<16xi1>, vector<16xf32>
      %exp3A_380 = math.exp %select_n3A_379 : vector<16xf32>
      %swap3A_381 = arith.constant 16 : index
      %swap3A_382 = tpu.vector_load %arg13[%swap3A_381] {strides = array<i32>} : memref<80xf32, #tpu.memory_space<vmem>>, vector<16xf32>,
      tpu.vector_store %arg13[%swap3A_381], %exp3A_380 {strides = array<i32>} : memref<80xf32, #tpu.memory_space<vmem>>, vector<16xf32>,
      tpu.vector_store_idx %arg14[%get3A_369], %exp3A_380 {add = true} : memref<10240xf32, #tpu.memory_space<vmem>>[vector<16xi32>], vector<16xf32>,
      %get3A_383 = arith.constant 0 : i32
      %get3A_384 = arith.constant 1 : i32
      %get3A_385 = arith.index_cast %get3A_383 : i32 to index
      %get3A_386 = arith.index_cast %get3A_384 : i32 to index
      %get3A_387 = arith.constant 32 : index
      %get3A_388 = tpu.vector_load %arg10[%get3A_385, %get3A_386, %get3A_387] {strides = array<i32>} : memref<2x2x80xi32, #tpu.memory_space<vmem>>, vector<16xi32>,
      %get3A_389 = arith.constant 1 : i32
      %get3A_390 = arith.constant 1 : i32
      %get3A_391 = arith.index_cast %get3A_389 : i32 to index
      %get3A_392 = arith.index_cast %get3A_390 : i32 to index
      %get3A_393 = arith.constant 32 : index
      %get3A_394 = tpu.vector_load %arg10[%get3A_391, %get3A_392, %get3A_393] {strides = array<i32>} : memref<2x2x80xi32, #tpu.memory_space<vmem>>, vector<16xi32>,
      %gather3A_395 = tpu.vector_load_idx %arg8[%get3A_388] : memref<10000xf32, #tpu.memory_space<vmem>>[vector<16xi32>], vector<16xf32>,
      %gather3A_396 = tpu.vector_load_idx %arg9[%get3A_394] : memref<10000xf32, #tpu.memory_space<vmem>>[vector<16xi32>], vector<16xf32>,
      %add3A_397 = arith.addf %gather3A_395, %gather3A_396 : vector<16xf32>
      %ge3A_398 = arith.constant 0.000000e+00 : f32
      %ge3A_399 = vector.broadcast %ge3A_398 : f32 to vector<16xf32>
      %ge3A_400 = arith.cmpf oge, %add3A_397, %ge3A_399 : vector<16xf32>
      %mul3A_401 = arith.constant 2.000000e-01 : f32
      %mul3A_402 = vector.broadcast %mul3A_401 : f32 to vector<16xf32>
      %mul3A_403 = arith.mulf %mul3A_402, %add3A_397 : vector<16xf32>
      %select_n3A_404 = arith.select %ge3A_400, %add3A_397, %mul3A_403 : vector<16xi1>, vector<16xf32>
      %exp3A_405 = math.exp %select_n3A_404 : vector<16xf32>
      %swap3A_406 = arith.constant 32 : index
      %swap3A_407 = tpu.vector_load %arg13[%swap3A_406] {strides = array<i32>} : memref<80xf32, #tpu.memory_space<vmem>>, vector<16xf32>,
      tpu.vector_store %arg13[%swap3A_406], %exp3A_405 {strides = array<i32>} : memref<80xf32, #tpu.memory_space<vmem>>, vector<16xf32>,
      tpu.vector_store_idx %arg14[%get3A_394], %exp3A_405 {add = true} : memref<10240xf32, #tpu.memory_space<vmem>>[vector<16xi32>], vector<16xf32>,
      %get3A_408 = arith.constant 0 : i32
      %get3A_409 = arith.constant 1 : i32
      %get3A_410 = arith.index_cast %get3A_408 : i32 to index
      %get3A_411 = arith.index_cast %get3A_409 : i32 to index
      %get3A_412 = arith.constant 48 : index
      %get3A_413 = tpu.vector_load %arg10[%get3A_410, %get3A_411, %get3A_412] {strides = array<i32>} : memref<2x2x80xi32, #tpu.memory_space<vmem>>, vector<16xi32>,
      %get3A_414 = arith.constant 1 : i32
      %get3A_415 = arith.constant 1 : i32
      %get3A_416 = arith.index_cast %get3A_414 : i32 to index
      %get3A_417 = arith.index_cast %get3A_415 : i32 to index
      %get3A_418 = arith.constant 48 : index
      %get3A_419 = tpu.vector_load %arg10[%get3A_416, %get3A_417, %get3A_418] {strides = array<i32>} : memref<2x2x80xi32, #tpu.memory_space<vmem>>, vector<16xi32>,
      %gather3A_420 = tpu.vector_load_idx %arg8[%get3A_413] : memref<10000xf32, #tpu.memory_space<vmem>>[vector<16xi32>], vector<16xf32>,
      %gather3A_421 = tpu.vector_load_idx %arg9[%get3A_419] : memref<10000xf32, #tpu.memory_space<vmem>>[vector<16xi32>], vector<16xf32>,
      %add3A_422 = arith.addf %gather3A_420, %gather3A_421 : vector<16xf32>
      %ge3A_423 = arith.constant 0.000000e+00 : f32
      %ge3A_424 = vector.broadcast %ge3A_423 : f32 to vector<16xf32>
      %ge3A_425 = arith.cmpf oge, %add3A_422, %ge3A_424 : vector<16xf32>
      %mul3A_426 = arith.constant 2.000000e-01 : f32
      %mul3A_427 = vector.broadcast %mul3A_426 : f32 to vector<16xf32>
      %mul3A_428 = arith.mulf %mul3A_427, %add3A_422 : vector<16xf32>
      %select_n3A_429 = arith.select %ge3A_425, %add3A_422, %mul3A_428 : vector<16xi1>, vector<16xf32>
      %exp3A_430 = math.exp %select_n3A_429 : vector<16xf32>
      %swap3A_431 = arith.constant 48 : index
      %swap3A_432 = tpu.vector_load %arg13[%swap3A_431] {strides = array<i32>} : memref<80xf32, #tpu.memory_space<vmem>>, vector<16xf32>,
      tpu.vector_store %arg13[%swap3A_431], %exp3A_430 {strides = array<i32>} : memref<80xf32, #tpu.memory_space<vmem>>, vector<16xf32>,
      tpu.vector_store_idx %arg14[%get3A_419], %exp3A_430 {add = true} : memref<10240xf32, #tpu.memory_space<vmem>>[vector<16xi32>], vector<16xf32>,
      %get3A_433 = arith.constant 0 : i32
      %get3A_434 = arith.constant 1 : i32
      %get3A_435 = arith.index_cast %get3A_433 : i32 to index
      %get3A_436 = arith.index_cast %get3A_434 : i32 to index
      %get3A_437 = arith.constant 64 : index
      %get3A_438 = tpu.vector_load %arg10[%get3A_435, %get3A_436, %get3A_437] {strides = array<i32>} : memref<2x2x80xi32, #tpu.memory_space<vmem>>, vector<16xi32>,
      %get3A_439 = arith.constant 1 : i32
      %get3A_440 = arith.constant 1 : i32
      %get3A_441 = arith.index_cast %get3A_439 : i32 to index
      %get3A_442 = arith.index_cast %get3A_440 : i32 to index
      %get3A_443 = arith.constant 64 : index
      %get3A_444 = tpu.vector_load %arg10[%get3A_441, %get3A_442, %get3A_443] {strides = array<i32>} : memref<2x2x80xi32, #tpu.memory_space<vmem>>, vector<16xi32>,
      %gather3A_445 = tpu.vector_load_idx %arg8[%get3A_438] : memref<10000xf32, #tpu.memory_space<vmem>>[vector<16xi32>], vector<16xf32>,
      %gather3A_446 = tpu.vector_load_idx %arg9[%get3A_444] : memref<10000xf32, #tpu.memory_space<vmem>>[vector<16xi32>], vector<16xf32>,
      %add3A_447 = arith.addf %gather3A_445, %gather3A_446 : vector<16xf32>
      %ge3A_448 = arith.constant 0.000000e+00 : f32
      %ge3A_449 = vector.broadcast %ge3A_448 : f32 to vector<16xf32>
      %ge3A_450 = arith.cmpf oge, %add3A_447, %ge3A_449 : vector<16xf32>
      %mul3A_451 = arith.constant 2.000000e-01 : f32
      %mul3A_452 = vector.broadcast %mul3A_451 : f32 to vector<16xf32>
      %mul3A_453 = arith.mulf %mul3A_452, %add3A_447 : vector<16xf32>
      %select_n3A_454 = arith.select %ge3A_450, %add3A_447, %mul3A_453 : vector<16xi1>, vector<16xf32>
      %exp3A_455 = math.exp %select_n3A_454 : vector<16xf32>
      %swap3A_456 = arith.constant 64 : index
      %swap3A_457 = tpu.vector_load %arg13[%swap3A_456] {strides = array<i32>} : memref<80xf32, #tpu.memory_space<vmem>>, vector<16xf32>,
      tpu.vector_store %arg13[%swap3A_456], %exp3A_455 {strides = array<i32>} : memref<80xf32, #tpu.memory_space<vmem>>, vector<16xf32>,
      tpu.vector_store_idx %arg14[%get3A_444], %exp3A_455 {add = true} : memref<10240xf32, #tpu.memory_space<vmem>>[vector<16xi32>], vector<16xf32>,
      %dma_wait3A = arith.constant 0 : i32
      %dma_wait3A_458 = arith.constant 0 : i32
      %dma_wait3A_459 = tpu.memref_slice %arg11[%dma_wait3A, %dma_wait3A_458] : memref<2x80xi32, #tpu.memory_space<vmem>> -> memref<1x80xi32, #tpu.memory_space<vmem>>
      %dma_wait3A_460 = tpu.memref_squeeze %dma_wait3A_459 : memref<1x80xi32, #tpu.memory_space<vmem>> -> memref<80xi32, #tpu.memory_space<vmem>>
      %dma_wait3A_461 = arith.constant 0 : i32
      %dma_wait3A_462 = arith.constant 0 : i32
      %dma_wait3A_463 = tpu.memref_slice %arg2[%dma_wait3A_461, %dma_wait3A_462] : memref<20000x64xf32, #tpu.memory_space<hbm>> -> memref<20000x64xf32, #tpu.memory_space<hbm>>
      tpu.wait_indirect_dma semaphore(%arg21 : memref<!tpu.dma_semaphore, #tpu.memory_space<semaphore_mem>>) src(%dma_wait3A_463 : memref<20000x64xf32, #tpu.memory_space<hbm>>) dst(%arg17 : memref<80x64xf32, #tpu.memory_space<vmem>>)
      %scan3A_464 = arith.constant 0 : i32
      %scan3A_465 = arith.constant 0 : i32
      %scan3A_466 = arith.constant 40 : i32
      %scan3A_467 = arith.addi %scan3A_465, %scan3A_466 : i32
      %scan3A_468 = arith.constant 1 : i32
      scf.for %scan3A_515 = %scan3A_465 to %scan3A_467 step %scan3A_468  : i32 {
        %mul3A_516 = arith.constant 2 : i32
        %mul3A_517 = arith.muli %mul3A_516, %scan3A_515 : i32
        %broadcast_in_dim3A = vector.broadcast %mul3A_517 : i32 to vector<16xi32>
        %gather3A_518 = tpu.vector_load_idx %arg12[%broadcast_in_dim3A] : memref<80xf32, #tpu.memory_space<vmem>>[vector<16xi32>], vector<16xf32>,
        %add3A_519 = arith.constant 1 : i32
        %add3A_520 = arith.addi %mul3A_517, %add3A_519 : i32
        %broadcast_in_dim3A_521 = vector.broadcast %add3A_520 : i32 to vector<16xi32>
        %gather3A_522 = tpu.vector_load_idx %arg12[%broadcast_in_dim3A_521] : memref<80xf32, #tpu.memory_space<vmem>>[vector<16xi32>], vector<16xf32>,
        %get3A_523 = arith.index_cast %mul3A_517 : i32 to index
        %get3A_524 = arith.constant 0 : index
        %get3A_525 = tpu.vector_load %arg17[%get3A_523, %get3A_524] {strides = array<i32>} : memref<80x64xf32, #tpu.memory_space<vmem>>, vector<16xf32>,
        %get3A_526 = arith.index_cast %mul3A_517 : i32 to index
        %get3A_527 = arith.constant 16 : index
        %get3A_528 = tpu.vector_load %arg17[%get3A_526, %get3A_527] {strides = array<i32>} : memref<80x64xf32, #tpu.memory_space<vmem>>, vector<16xf32>,
        %get3A_529 = arith.index_cast %mul3A_517 : i32 to index
        %get3A_530 = arith.constant 32 : index
        %get3A_531 = tpu.vector_load %arg17[%get3A_529, %get3A_530] {strides = array<i32>} : memref<80x64xf32, #tpu.memory_space<vmem>>, vector<16xf32>,
        %get3A_532 = arith.index_cast %mul3A_517 : i32 to index
        %get3A_533 = arith.constant 48 : index
        %get3A_534 = tpu.vector_load %arg17[%get3A_532, %get3A_533] {strides = array<i32>} : memref<80x64xf32, #tpu.memory_space<vmem>>, vector<16xf32>,
        %add3A_535 = arith.constant 1 : i32
        %add3A_536 = arith.addi %mul3A_517, %add3A_535 : i32
        %get3A_537 = arith.index_cast %add3A_536 : i32 to index
        %get3A_538 = arith.constant 0 : index
        %get3A_539 = tpu.vector_load %arg17[%get3A_537, %get3A_538] {strides = array<i32>} : memref<80x64xf32, #tpu.memory_space<vmem>>, vector<16xf32>,
        %add3A_540 = arith.constant 1 : i32
        %add3A_541 = arith.addi %mul3A_517, %add3A_540 : i32
        %get3A_542 = arith.index_cast %add3A_541 : i32 to index
        %get3A_543 = arith.constant 16 : index
        %get3A_544 = tpu.vector_load %arg17[%get3A_542, %get3A_543] {strides = array<i32>} : memref<80x64xf32, #tpu.memory_space<vmem>>, vector<16xf32>,
        %add3A_545 = arith.constant 1 : i32
        %add3A_546 = arith.addi %mul3A_517, %add3A_545 : i32
        %get3A_547 = arith.index_cast %add3A_546 : i32 to index
        %get3A_548 = arith.constant 32 : index
        %get3A_549 = tpu.vector_load %arg17[%get3A_547, %get3A_548] {strides = array<i32>} : memref<80x64xf32, #tpu.memory_space<vmem>>, vector<16xf32>,
        %add3A_550 = arith.constant 1 : i32
        %add3A_551 = arith.addi %mul3A_517, %add3A_550 : i32
        %get3A_552 = arith.index_cast %add3A_551 : i32 to index
        %get3A_553 = arith.constant 48 : index
        %get3A_554 = tpu.vector_load %arg17[%get3A_552, %get3A_553] {strides = array<i32>} : memref<80x64xf32, #tpu.memory_space<vmem>>, vector<16xf32>,
        %mul3A_555 = arith.mulf %get3A_525, %gather3A_518 : vector<16xf32>
        %swap3A_556 = arith.index_cast %mul3A_517 : i32 to index
        %swap3A_557 = arith.constant 0 : index
        %swap3A_558 = tpu.vector_load %arg17[%swap3A_556, %swap3A_557] {strides = array<i32>} : memref<80x64xf32, #tpu.memory_space<vmem>>, vector<16xf32>,
        tpu.vector_store %arg17[%swap3A_556, %swap3A_557], %mul3A_555 {strides = array<i32>} : memref<80x64xf32, #tpu.memory_space<vmem>>, vector<16xf32>,
        %mul3A_559 = arith.mulf %get3A_528, %gather3A_518 : vector<16xf32>
        %swap3A_560 = arith.index_cast %mul3A_517 : i32 to index
        %swap3A_561 = arith.constant 16 : index
        %swap3A_562 = tpu.vector_load %arg17[%swap3A_560, %swap3A_561] {strides = array<i32>} : memref<80x64xf32, #tpu.memory_space<vmem>>, vector<16xf32>,
        tpu.vector_store %arg17[%swap3A_560, %swap3A_561], %mul3A_559 {strides = array<i32>} : memref<80x64xf32, #tpu.memory_space<vmem>>, vector<16xf32>,
        %mul3A_563 = arith.mulf %get3A_531, %gather3A_518 : vector<16xf32>
        %swap3A_564 = arith.index_cast %mul3A_517 : i32 to index
        %swap3A_565 = arith.constant 32 : index
        %swap3A_566 = tpu.vector_load %arg17[%swap3A_564, %swap3A_565] {strides = array<i32>} : memref<80x64xf32, #tpu.memory_space<vmem>>, vector<16xf32>,
        tpu.vector_store %arg17[%swap3A_564, %swap3A_565], %mul3A_563 {strides = array<i32>} : memref<80x64xf32, #tpu.memory_space<vmem>>, vector<16xf32>,
        %mul3A_567 = arith.mulf %get3A_534, %gather3A_518 : vector<16xf32>
        %swap3A_568 = arith.index_cast %mul3A_517 : i32 to index
        %swap3A_569 = arith.constant 48 : index
        %swap3A_570 = tpu.vector_load %arg17[%swap3A_568, %swap3A_569] {strides = array<i32>} : memref<80x64xf32, #tpu.memory_space<vmem>>, vector<16xf32>,
        tpu.vector_store %arg17[%swap3A_568, %swap3A_569], %mul3A_567 {strides = array<i32>} : memref<80x64xf32, #tpu.memory_space<vmem>>, vector<16xf32>,
        %mul3A_571 = arith.mulf %get3A_539, %gather3A_522 : vector<16xf32>
        %add3A_572 = arith.constant 1 : i32
        %add3A_573 = arith.addi %mul3A_517, %add3A_572 : i32
        %swap3A_574 = arith.index_cast %add3A_573 : i32 to index
        %swap3A_575 = arith.constant 0 : index
        %swap3A_576 = tpu.vector_load %arg17[%swap3A_574, %swap3A_575] {strides = array<i32>} : memref<80x64xf32, #tpu.memory_space<vmem>>, vector<16xf32>,
        tpu.vector_store %arg17[%swap3A_574, %swap3A_575], %mul3A_571 {strides = array<i32>} : memref<80x64xf32, #tpu.memory_space<vmem>>, vector<16xf32>,
        %mul3A_577 = arith.mulf %get3A_544, %gather3A_522 : vector<16xf32>
        %add3A_578 = arith.constant 1 : i32
        %add3A_579 = arith.addi %mul3A_517, %add3A_578 : i32
        %swap3A_580 = arith.index_cast %add3A_579 : i32 to index
        %swap3A_581 = arith.constant 16 : index
        %swap3A_582 = tpu.vector_load %arg17[%swap3A_580, %swap3A_581] {strides = array<i32>} : memref<80x64xf32, #tpu.memory_space<vmem>>, vector<16xf32>,
        tpu.vector_store %arg17[%swap3A_580, %swap3A_581], %mul3A_577 {strides = array<i32>} : memref<80x64xf32, #tpu.memory_space<vmem>>, vector<16xf32>,
        %mul3A_583 = arith.mulf %get3A_549, %gather3A_522 : vector<16xf32>
        %add3A_584 = arith.constant 1 : i32
        %add3A_585 = arith.addi %mul3A_517, %add3A_584 : i32
        %swap3A_586 = arith.index_cast %add3A_585 : i32 to index
        %swap3A_587 = arith.constant 32 : index
        %swap3A_588 = tpu.vector_load %arg17[%swap3A_586, %swap3A_587] {strides = array<i32>} : memref<80x64xf32, #tpu.memory_space<vmem>>, vector<16xf32>,
        tpu.vector_store %arg17[%swap3A_586, %swap3A_587], %mul3A_583 {strides = array<i32>} : memref<80x64xf32, #tpu.memory_space<vmem>>, vector<16xf32>,
        %mul3A_589 = arith.mulf %get3A_554, %gather3A_522 : vector<16xf32>
        %add3A_590 = arith.constant 1 : i32
        %add3A_591 = arith.addi %mul3A_517, %add3A_590 : i32
        %swap3A_592 = arith.index_cast %add3A_591 : i32 to index
        %swap3A_593 = arith.constant 48 : index
        %swap3A_594 = tpu.vector_load %arg17[%swap3A_592, %swap3A_593] {strides = array<i32>} : memref<80x64xf32, #tpu.memory_space<vmem>>, vector<16xf32>,
        tpu.vector_store %arg17[%swap3A_592, %swap3A_593], %mul3A_589 {strides = array<i32>} : memref<80x64xf32, #tpu.memory_space<vmem>>, vector<16xf32>,
      }
      %scan3A_469 = arith.constant 40 : i32
      %dma_start3A_470 = arith.constant 1 : i32
      %dma_start3A_471 = arith.constant 0 : i32
      %dma_start3A_472 = arith.constant 0 : i32
      %dma_start3A_473 = tpu.memref_slice %arg10[%dma_start3A_470, %dma_start3A_471, %dma_start3A_472] : memref<2x2x80xi32, #tpu.memory_space<vmem>> -> memref<1x1x80xi32, #tpu.memory_space<vmem>>
      %dma_start3A_474 = tpu.memref_squeeze %dma_start3A_473 : memref<1x1x80xi32, #tpu.memory_space<vmem>> -> memref<80xi32, #tpu.memory_space<vmem>>
      %dma_start3A_475 = arith.constant 0 : i32
      %dma_start3A_476 = arith.constant 0 : i32
      %dma_start3A_477 = tpu.memref_slice %arg19[%dma_start3A_475, %dma_start3A_476] : memref<10240x64xf32, #tpu.memory_space<vmem_shared>> -> memref<10240x64xf32, #tpu.memory_space<vmem_shared>>
      tpu.enqueue_indirect_dma source(%arg17 : memref<80x64xf32, #tpu.memory_space<vmem>>) target(%dma_start3A_477 : memref<10240x64xf32, #tpu.memory_space<vmem_shared>>) offsets(%dma_start3A_474 : memref<80xi32, #tpu.memory_space<vmem>>) semaphore(%arg23 : memref<!tpu.dma_semaphore, #tpu.memory_space<semaphore_mem>>) {add = true}
      %dma_wait3A_478 = arith.constant 1 : i32
      %dma_wait3A_479 = arith.constant 0 : i32
      %dma_wait3A_480 = tpu.memref_slice %arg11[%dma_wait3A_478, %dma_wait3A_479] : memref<2x80xi32, #tpu.memory_space<vmem>> -> memref<1x80xi32, #tpu.memory_space<vmem>>
      %dma_wait3A_481 = tpu.memref_squeeze %dma_wait3A_480 : memref<1x80xi32, #tpu.memory_space<vmem>> -> memref<80xi32, #tpu.memory_space<vmem>>
      %dma_wait3A_482 = arith.constant 0 : i32
      %dma_wait3A_483 = arith.constant 0 : i32
      %dma_wait3A_484 = tpu.memref_slice %arg2[%dma_wait3A_482, %dma_wait3A_483] : memref<20000x64xf32, #tpu.memory_space<hbm>> -> memref<20000x64xf32, #tpu.memory_space<hbm>>
      tpu.wait_indirect_dma semaphore(%arg22 : memref<!tpu.dma_semaphore, #tpu.memory_space<semaphore_mem>>) src(%dma_wait3A_484 : memref<20000x64xf32, #tpu.memory_space<hbm>>) dst(%arg18 : memref<80x64xf32, #tpu.memory_space<vmem>>)
      %scan3A_485 = arith.constant 0 : i32
      %scan3A_486 = arith.constant 0 : i32
      %scan3A_487 = arith.constant 40 : i32
      %scan3A_488 = arith.addi %scan3A_486, %scan3A_487 : i32
      %scan3A_489 = arith.constant 1 : i32
      scf.for %scan3A_515 = %scan3A_486 to %scan3A_488 step %scan3A_489  : i32 {
        %mul3A_516 = arith.constant 2 : i32
        %mul3A_517 = arith.muli %mul3A_516, %scan3A_515 : i32
        %broadcast_in_dim3A = vector.broadcast %mul3A_517 : i32 to vector<16xi32>
        %gather3A_518 = tpu.vector_load_idx %arg13[%broadcast_in_dim3A] : memref<80xf32, #tpu.memory_space<vmem>>[vector<16xi32>], vector<16xf32>,
        %add3A_519 = arith.constant 1 : i32
        %add3A_520 = arith.addi %mul3A_517, %add3A_519 : i32
        %broadcast_in_dim3A_521 = vector.broadcast %add3A_520 : i32 to vector<16xi32>
        %gather3A_522 = tpu.vector_load_idx %arg13[%broadcast_in_dim3A_521] : memref<80xf32, #tpu.memory_space<vmem>>[vector<16xi32>], vector<16xf32>,
        %get3A_523 = arith.index_cast %mul3A_517 : i32 to index
        %get3A_524 = arith.constant 0 : index
        %get3A_525 = tpu.vector_load %arg18[%get3A_523, %get3A_524] {strides = array<i32>} : memref<80x64xf32, #tpu.memory_space<vmem>>, vector<16xf32>,
        %get3A_526 = arith.index_cast %mul3A_517 : i32 to index
        %get3A_527 = arith.constant 16 : index
        %get3A_528 = tpu.vector_load %arg18[%get3A_526, %get3A_527] {strides = array<i32>} : memref<80x64xf32, #tpu.memory_space<vmem>>, vector<16xf32>,
        %get3A_529 = arith.index_cast %mul3A_517 : i32 to index
        %get3A_530 = arith.constant 32 : index
        %get3A_531 = tpu.vector_load %arg18[%get3A_529, %get3A_530] {strides = array<i32>} : memref<80x64xf32, #tpu.memory_space<vmem>>, vector<16xf32>,
        %get3A_532 = arith.index_cast %mul3A_517 : i32 to index
        %get3A_533 = arith.constant 48 : index
        %get3A_534 = tpu.vector_load %arg18[%get3A_532, %get3A_533] {strides = array<i32>} : memref<80x64xf32, #tpu.memory_space<vmem>>, vector<16xf32>,
        %add3A_535 = arith.constant 1 : i32
        %add3A_536 = arith.addi %mul3A_517, %add3A_535 : i32
        %get3A_537 = arith.index_cast %add3A_536 : i32 to index
        %get3A_538 = arith.constant 0 : index
        %get3A_539 = tpu.vector_load %arg18[%get3A_537, %get3A_538] {strides = array<i32>} : memref<80x64xf32, #tpu.memory_space<vmem>>, vector<16xf32>,
        %add3A_540 = arith.constant 1 : i32
        %add3A_541 = arith.addi %mul3A_517, %add3A_540 : i32
        %get3A_542 = arith.index_cast %add3A_541 : i32 to index
        %get3A_543 = arith.constant 16 : index
        %get3A_544 = tpu.vector_load %arg18[%get3A_542, %get3A_543] {strides = array<i32>} : memref<80x64xf32, #tpu.memory_space<vmem>>, vector<16xf32>,
        %add3A_545 = arith.constant 1 : i32
        %add3A_546 = arith.addi %mul3A_517, %add3A_545 : i32
        %get3A_547 = arith.index_cast %add3A_546 : i32 to index
        %get3A_548 = arith.constant 32 : index
        %get3A_549 = tpu.vector_load %arg18[%get3A_547, %get3A_548] {strides = array<i32>} : memref<80x64xf32, #tpu.memory_space<vmem>>, vector<16xf32>,
        %add3A_550 = arith.constant 1 : i32
        %add3A_551 = arith.addi %mul3A_517, %add3A_550 : i32
        %get3A_552 = arith.index_cast %add3A_551 : i32 to index
        %get3A_553 = arith.constant 48 : index
        %get3A_554 = tpu.vector_load %arg18[%get3A_552, %get3A_553] {strides = array<i32>} : memref<80x64xf32, #tpu.memory_space<vmem>>, vector<16xf32>,
        %mul3A_555 = arith.mulf %get3A_525, %gather3A_518 : vector<16xf32>
        %swap3A_556 = arith.index_cast %mul3A_517 : i32 to index
        %swap3A_557 = arith.constant 0 : index
        %swap3A_558 = tpu.vector_load %arg18[%swap3A_556, %swap3A_557] {strides = array<i32>} : memref<80x64xf32, #tpu.memory_space<vmem>>, vector<16xf32>,
        tpu.vector_store %arg18[%swap3A_556, %swap3A_557], %mul3A_555 {strides = array<i32>} : memref<80x64xf32, #tpu.memory_space<vmem>>, vector<16xf32>,
        %mul3A_559 = arith.mulf %get3A_528, %gather3A_518 : vector<16xf32>
        %swap3A_560 = arith.index_cast %mul3A_517 : i32 to index
        %swap3A_561 = arith.constant 16 : index
        %swap3A_562 = tpu.vector_load %arg18[%swap3A_560, %swap3A_561] {strides = array<i32>} : memref<80x64xf32, #tpu.memory_space<vmem>>, vector<16xf32>,
        tpu.vector_store %arg18[%swap3A_560, %swap3A_561], %mul3A_559 {strides = array<i32>} : memref<80x64xf32, #tpu.memory_space<vmem>>, vector<16xf32>,
        %mul3A_563 = arith.mulf %get3A_531, %gather3A_518 : vector<16xf32>
        %swap3A_564 = arith.index_cast %mul3A_517 : i32 to index
        %swap3A_565 = arith.constant 32 : index
        %swap3A_566 = tpu.vector_load %arg18[%swap3A_564, %swap3A_565] {strides = array<i32>} : memref<80x64xf32, #tpu.memory_space<vmem>>, vector<16xf32>,
        tpu.vector_store %arg18[%swap3A_564, %swap3A_565], %mul3A_563 {strides = array<i32>} : memref<80x64xf32, #tpu.memory_space<vmem>>, vector<16xf32>,
        %mul3A_567 = arith.mulf %get3A_534, %gather3A_518 : vector<16xf32>
        %swap3A_568 = arith.index_cast %mul3A_517 : i32 to index
        %swap3A_569 = arith.constant 48 : index
        %swap3A_570 = tpu.vector_load %arg18[%swap3A_568, %swap3A_569] {strides = array<i32>} : memref<80x64xf32, #tpu.memory_space<vmem>>, vector<16xf32>,
        tpu.vector_store %arg18[%swap3A_568, %swap3A_569], %mul3A_567 {strides = array<i32>} : memref<80x64xf32, #tpu.memory_space<vmem>>, vector<16xf32>,
        %mul3A_571 = arith.mulf %get3A_539, %gather3A_522 : vector<16xf32>
        %add3A_572 = arith.constant 1 : i32
        %add3A_573 = arith.addi %mul3A_517, %add3A_572 : i32
        %swap3A_574 = arith.index_cast %add3A_573 : i32 to index
        %swap3A_575 = arith.constant 0 : index
        %swap3A_576 = tpu.vector_load %arg18[%swap3A_574, %swap3A_575] {strides = array<i32>} : memref<80x64xf32, #tpu.memory_space<vmem>>, vector<16xf32>,
        tpu.vector_store %arg18[%swap3A_574, %swap3A_575], %mul3A_571 {strides = array<i32>} : memref<80x64xf32, #tpu.memory_space<vmem>>, vector<16xf32>,
        %mul3A_577 = arith.mulf %get3A_544, %gather3A_522 : vector<16xf32>
        %add3A_578 = arith.constant 1 : i32
        %add3A_579 = arith.addi %mul3A_517, %add3A_578 : i32
        %swap3A_580 = arith.index_cast %add3A_579 : i32 to index
        %swap3A_581 = arith.constant 16 : index
        %swap3A_582 = tpu.vector_load %arg18[%swap3A_580, %swap3A_581] {strides = array<i32>} : memref<80x64xf32, #tpu.memory_space<vmem>>, vector<16xf32>,
        tpu.vector_store %arg18[%swap3A_580, %swap3A_581], %mul3A_577 {strides = array<i32>} : memref<80x64xf32, #tpu.memory_space<vmem>>, vector<16xf32>,
        %mul3A_583 = arith.mulf %get3A_549, %gather3A_522 : vector<16xf32>
        %add3A_584 = arith.constant 1 : i32
        %add3A_585 = arith.addi %mul3A_517, %add3A_584 : i32
        %swap3A_586 = arith.index_cast %add3A_585 : i32 to index
        %swap3A_587 = arith.constant 32 : index
        %swap3A_588 = tpu.vector_load %arg18[%swap3A_586, %swap3A_587] {strides = array<i32>} : memref<80x64xf32, #tpu.memory_space<vmem>>, vector<16xf32>,
        tpu.vector_store %arg18[%swap3A_586, %swap3A_587], %mul3A_583 {strides = array<i32>} : memref<80x64xf32, #tpu.memory_space<vmem>>, vector<16xf32>,
        %mul3A_589 = arith.mulf %get3A_554, %gather3A_522 : vector<16xf32>
        %add3A_590 = arith.constant 1 : i32
        %add3A_591 = arith.addi %mul3A_517, %add3A_590 : i32
        %swap3A_592 = arith.index_cast %add3A_591 : i32 to index
        %swap3A_593 = arith.constant 48 : index
        %swap3A_594 = tpu.vector_load %arg18[%swap3A_592, %swap3A_593] {strides = array<i32>} : memref<80x64xf32, #tpu.memory_space<vmem>>, vector<16xf32>,
        tpu.vector_store %arg18[%swap3A_592, %swap3A_593], %mul3A_589 {strides = array<i32>} : memref<80x64xf32, #tpu.memory_space<vmem>>, vector<16xf32>,
      }
      %scan3A_490 = arith.constant 40 : i32
      %dma_start3A_491 = arith.constant 1 : i32
      %dma_start3A_492 = arith.constant 1 : i32
      %dma_start3A_493 = arith.constant 0 : i32
      %dma_start3A_494 = tpu.memref_slice %arg10[%dma_start3A_491, %dma_start3A_492, %dma_start3A_493] : memref<2x2x80xi32, #tpu.memory_space<vmem>> -> memref<1x1x80xi32, #tpu.memory_space<vmem>>
      %dma_start3A_495 = tpu.memref_squeeze %dma_start3A_494 : memref<1x1x80xi32, #tpu.memory_space<vmem>> -> memref<80xi32, #tpu.memory_space<vmem>>
      %dma_start3A_496 = arith.constant 0 : i32
      %dma_start3A_497 = arith.constant 0 : i32
      %dma_start3A_498 = tpu.memref_slice %arg19[%dma_start3A_496, %dma_start3A_497] : memref<10240x64xf32, #tpu.memory_space<vmem_shared>> -> memref<10240x64xf32, #tpu.memory_space<vmem_shared>>
      tpu.enqueue_indirect_dma source(%arg18 : memref<80x64xf32, #tpu.memory_space<vmem>>) target(%dma_start3A_498 : memref<10240x64xf32, #tpu.memory_space<vmem_shared>>) offsets(%dma_start3A_495 : memref<80xi32, #tpu.memory_space<vmem>>) semaphore(%arg24 : memref<!tpu.dma_semaphore, #tpu.memory_space<semaphore_mem>>) {add = true}
      %dma_wait3A_499 = arith.constant 1 : i32
      %dma_wait3A_500 = arith.constant 0 : i32
      %dma_wait3A_501 = arith.constant 0 : i32
      %dma_wait3A_502 = tpu.memref_slice %arg10[%dma_wait3A_499, %dma_wait3A_500, %dma_wait3A_501] : memref<2x2x80xi32, #tpu.memory_space<vmem>> -> memref<1x1x80xi32, #tpu.memory_space<vmem>>
      %dma_wait3A_503 = tpu.memref_squeeze %dma_wait3A_502 : memref<1x1x80xi32, #tpu.memory_space<vmem>> -> memref<80xi32, #tpu.memory_space<vmem>>
      %dma_wait3A_504 = arith.constant 0 : i32
      %dma_wait3A_505 = arith.constant 0 : i32
      %dma_wait3A_506 = tpu.memref_slice %arg19[%dma_wait3A_504, %dma_wait3A_505] : memref<10240x64xf32, #tpu.memory_space<vmem_shared>> -> memref<10240x64xf32, #tpu.memory_space<vmem_shared>>
      tpu.wait_indirect_dma semaphore(%arg23 : memref<!tpu.dma_semaphore, #tpu.memory_space<semaphore_mem>>) src(%arg17 : memref<80x64xf32, #tpu.memory_space<vmem>>) dst(%dma_wait3A_506 : memref<10240x64xf32, #tpu.memory_space<vmem_shared>>)
      %dma_wait3A_507 = arith.constant 1 : i32
      %dma_wait3A_508 = arith.constant 1 : i32
      %dma_wait3A_509 = arith.constant 0 : i32
      %dma_wait3A_510 = tpu.memref_slice %arg10[%dma_wait3A_507, %dma_wait3A_508, %dma_wait3A_509] : memref<2x2x80xi32, #tpu.memory_space<vmem>> -> memref<1x1x80xi32, #tpu.memory_space<vmem>>
      %dma_wait3A_511 = tpu.memref_squeeze %dma_wait3A_510 : memref<1x1x80xi32, #tpu.memory_space<vmem>> -> memref<80xi32, #tpu.memory_space<vmem>>
      %dma_wait3A_512 = arith.constant 0 : i32
      %dma_wait3A_513 = arith.constant 0 : i32
      %dma_wait3A_514 = tpu.memref_slice %arg19[%dma_wait3A_512, %dma_wait3A_513] : memref<10240x64xf32, #tpu.memory_space<vmem_shared>> -> memref<10240x64xf32, #tpu.memory_space<vmem_shared>>
      tpu.wait_indirect_dma semaphore(%arg24 : memref<!tpu.dma_semaphore, #tpu.memory_space<semaphore_mem>>) src(%arg18 : memref<80x64xf32, #tpu.memory_space<vmem>>) dst(%dma_wait3A_514 : memref<10240x64xf32, #tpu.memory_space<vmem_shared>>)
    }
    %scan3A_20 = arith.constant 125 : i32
    %run_scoped3A = arith.constant 0 : i32
    "tpu.region"() ({
      %run_scoped3A_49 = tpu.sem_alloc : memref<!tpu.dma_semaphore, #tpu.memory_space<semaphore_mem>>
      %dma_start3A = arith.constant 0 : i32
      %dma_start3A_50 = tpu.memref_slice %arg14[%dma_start3A] : memref<10240xf32, #tpu.memory_space<vmem>> -> memref<640xf32, #tpu.memory_space<vmem>>
      %dma_start3A_51 = arith.constant 0 : i32
      %dma_start3A_52 = tpu.memref_slice %arg20[%run_scoped3A, %arg1, %dma_start3A_51] : memref<16x16x640xf32, #tpu.memory_space<vmem_shared>> -> memref<1x1x640xf32, #tpu.memory_space<vmem_shared>>
      %dma_start3A_53 = tpu.memref_squeeze %dma_start3A_52 : memref<1x1x640xf32, #tpu.memory_space<vmem_shared>> -> memref<640xf32, #tpu.memory_space<vmem_shared>>
      %dma_start3A_54 = arith.constant 0 : i32
      %dma_start3A_55 = tpu.memref_slice %arg20[%run_scoped3A, %arg1, %dma_start3A_54] : memref<16x16x640xf32, #tpu.memory_space<vmem_shared>> -> memref<1x1x640xf32, #tpu.memory_space<vmem_shared>>
      %dma_start3A_56 = tpu.memref_squeeze %dma_start3A_55 : memref<1x1x640xf32, #tpu.memory_space<vmem_shared>> -> memref<640xf32, #tpu.memory_space<vmem_shared>>
      %dma_start3A_57 = arith.constant 0 : i32
      %dma_start3A_58 = tpu.memref_slice %arg14[%dma_start3A_57] : memref<10240xf32, #tpu.memory_space<vmem>> -> memref<640xf32, #tpu.memory_space<vmem>>
      tpu.enqueue_dma source(%dma_start3A_58 : memref<640xf32, #tpu.memory_space<vmem>>) target(%dma_start3A_56 : memref<640xf32, #tpu.memory_space<vmem_shared>>) target_semaphore(%run_scoped3A_49 : memref<!tpu.dma_semaphore, #tpu.memory_space<semaphore_mem>>)
      %dma_wait3A = arith.constant 0 : i32
      %dma_wait3A_59 = tpu.memref_slice %arg14[%dma_wait3A] : memref<10240xf32, #tpu.memory_space<vmem>> -> memref<640xf32, #tpu.memory_space<vmem>>
      %dma_wait3A_60 = arith.constant 0 : i32
      %dma_wait3A_61 = tpu.memref_slice %arg20[%run_scoped3A, %arg1, %dma_wait3A_60] : memref<16x16x640xf32, #tpu.memory_space<vmem_shared>> -> memref<1x1x640xf32, #tpu.memory_space<vmem_shared>>
      %dma_wait3A_62 = tpu.memref_squeeze %dma_wait3A_61 : memref<1x1x640xf32, #tpu.memory_space<vmem_shared>> -> memref<640xf32, #tpu.memory_space<vmem_shared>>
      %dma_wait3A_63 = arith.constant 0 : i32
      %dma_wait3A_64 = tpu.memref_slice %arg20[%run_scoped3A, %arg1, %dma_wait3A_63] : memref<16x16x640xf32, #tpu.memory_space<vmem_shared>> -> memref<1x1x640xf32, #tpu.memory_space<vmem_shared>>
      %dma_wait3A_65 = tpu.memref_squeeze %dma_wait3A_64 : memref<1x1x640xf32, #tpu.memory_space<vmem_shared>> -> memref<640xf32, #tpu.memory_space<vmem_shared>>
      %dma_wait3A_66 = arith.constant 0 : i32
      %dma_wait3A_67 = tpu.memref_slice %arg14[%dma_wait3A_66] : memref<10240xf32, #tpu.memory_space<vmem>> -> memref<640xf32, #tpu.memory_space<vmem>>
      tpu.wait_dma2 semaphore(%run_scoped3A_49 : memref<!tpu.dma_semaphore, #tpu.memory_space<semaphore_mem>>) src(%dma_wait3A_67 : memref<640xf32, #tpu.memory_space<vmem>>) dst(%dma_wait3A_65 : memref<640xf32, #tpu.memory_space<vmem_shared>>)
      tpu.yield
    }) : () -> ()
    %run_scoped3A_21 = arith.constant 1 : i32
    "tpu.region"() ({
      %run_scoped3A_49 = tpu.sem_alloc : memref<!tpu.dma_semaphore, #tpu.memory_space<semaphore_mem>>
      %dma_start3A = arith.constant 640 : i32
      %dma_start3A_50 = tpu.memref_slice %arg14[%dma_start3A] : memref<10240xf32, #tpu.memory_space<vmem>> -> memref<640xf32, #tpu.memory_space<vmem>>
      %dma_start3A_51 = arith.constant 0 : i32
      %dma_start3A_52 = tpu.memref_slice %arg20[%run_scoped3A_21, %arg1, %dma_start3A_51] : memref<16x16x640xf32, #tpu.memory_space<vmem_shared>> -> memref<1x1x640xf32, #tpu.memory_space<vmem_shared>>
      %dma_start3A_53 = tpu.memref_squeeze %dma_start3A_52 : memref<1x1x640xf32, #tpu.memory_space<vmem_shared>> -> memref<640xf32, #tpu.memory_space<vmem_shared>>
      %dma_start3A_54 = arith.constant 0 : i32
      %dma_start3A_55 = tpu.memref_slice %arg20[%run_scoped3A_21, %arg1, %dma_start3A_54] : memref<16x16x640xf32, #tpu.memory_space<vmem_shared>> -> memref<1x1x640xf32, #tpu.memory_space<vmem_shared>>
      %dma_start3A_56 = tpu.memref_squeeze %dma_start3A_55 : memref<1x1x640xf32, #tpu.memory_space<vmem_shared>> -> memref<640xf32, #tpu.memory_space<vmem_shared>>
      %dma_start3A_57 = arith.constant 640 : i32
      %dma_start3A_58 = tpu.memref_slice %arg14[%dma_start3A_57] : memref<10240xf32, #tpu.memory_space<vmem>> -> memref<640xf32, #tpu.memory_space<vmem>>
      tpu.enqueue_dma source(%dma_start3A_58 : memref<640xf32, #tpu.memory_space<vmem>>) target(%dma_start3A_56 : memref<640xf32, #tpu.memory_space<vmem_shared>>) target_semaphore(%run_scoped3A_49 : memref<!tpu.dma_semaphore, #tpu.memory_space<semaphore_mem>>)
      %dma_wait3A = arith.constant 640 : i32
      %dma_wait3A_59 = tpu.memref_slice %arg14[%dma_wait3A] : memref<10240xf32, #tpu.memory_space<vmem>> -> memref<640xf32, #tpu.memory_space<vmem>>
      %dma_wait3A_60 = arith.constant 0 : i32
      %dma_wait3A_61 = tpu.memref_slice %arg20[%run_scoped3A_21, %arg1, %dma_wait3A_60] : memref<16x16x640xf32, #tpu.memory_space<vmem_shared>> -> memref<1x1x640xf32, #tpu.memory_space<vmem_shared>>
      %dma_wait3A_62 = tpu.memref_squeeze %dma_wait3A_61 : memref<1x1x640xf32, #tpu.memory_space<vmem_shared>> -> memref<640xf32, #tpu.memory_space<vmem_shared>>
      %dma_wait3A_63 = arith.constant 0 : i32
      %dma_wait3A_64 = tpu.memref_slice %arg20[%run_scoped3A_21, %arg1, %dma_wait3A_63] : memref<16x16x640xf32, #tpu.memory_space<vmem_shared>> -> memref<1x1x640xf32, #tpu.memory_space<vmem_shared>>
      %dma_wait3A_65 = tpu.memref_squeeze %dma_wait3A_64 : memref<1x1x640xf32, #tpu.memory_space<vmem_shared>> -> memref<640xf32, #tpu.memory_space<vmem_shared>>
      %dma_wait3A_66 = arith.constant 640 : i32
      %dma_wait3A_67 = tpu.memref_slice %arg14[%dma_wait3A_66] : memref<10240xf32, #tpu.memory_space<vmem>> -> memref<640xf32, #tpu.memory_space<vmem>>
      tpu.wait_dma2 semaphore(%run_scoped3A_49 : memref<!tpu.dma_semaphore, #tpu.memory_space<semaphore_mem>>) src(%dma_wait3A_67 : memref<640xf32, #tpu.memory_space<vmem>>) dst(%dma_wait3A_65 : memref<640xf32, #tpu.memory_space<vmem_shared>>)
      tpu.yield
    }) : () -> ()
    %run_scoped3A_22 = arith.constant 2 : i32
    "tpu.region"() ({
      %run_scoped3A_49 = tpu.sem_alloc : memref<!tpu.dma_semaphore, #tpu.memory_space<semaphore_mem>>
      %dma_start3A = arith.constant 1280 : i32
      %dma_start3A_50 = tpu.memref_slice %arg14[%dma_start3A] : memref<10240xf32, #tpu.memory_space<vmem>> -> memref<640xf32, #tpu.memory_space<vmem>>
      %dma_start3A_51 = arith.constant 0 : i32
      %dma_start3A_52 = tpu.memref_slice %arg20[%run_scoped3A_22, %arg1, %dma_start3A_51] : memref<16x16x640xf32, #tpu.memory_space<vmem_shared>> -> memref<1x1x640xf32, #tpu.memory_space<vmem_shared>>
      %dma_start3A_53 = tpu.memref_squeeze %dma_start3A_52 : memref<1x1x640xf32, #tpu.memory_space<vmem_shared>> -> memref<640xf32, #tpu.memory_space<vmem_shared>>
      %dma_start3A_54 = arith.constant 0 : i32
      %dma_start3A_55 = tpu.memref_slice %arg20[%run_scoped3A_22, %arg1, %dma_start3A_54] : memref<16x16x640xf32, #tpu.memory_space<vmem_shared>> -> memref<1x1x640xf32, #tpu.memory_space<vmem_shared>>
      %dma_start3A_56 = tpu.memref_squeeze %dma_start3A_55 : memref<1x1x640xf32, #tpu.memory_space<vmem_shared>> -> memref<640xf32, #tpu.memory_space<vmem_shared>>
      %dma_start3A_57 = arith.constant 1280 : i32
      %dma_start3A_58 = tpu.memref_slice %arg14[%dma_start3A_57] : memref<10240xf32, #tpu.memory_space<vmem>> -> memref<640xf32, #tpu.memory_space<vmem>>
      tpu.enqueue_dma source(%dma_start3A_58 : memref<640xf32, #tpu.memory_space<vmem>>) target(%dma_start3A_56 : memref<640xf32, #tpu.memory_space<vmem_shared>>) target_semaphore(%run_scoped3A_49 : memref<!tpu.dma_semaphore, #tpu.memory_space<semaphore_mem>>)
      %dma_wait3A = arith.constant 1280 : i32
      %dma_wait3A_59 = tpu.memref_slice %arg14[%dma_wait3A] : memref<10240xf32, #tpu.memory_space<vmem>> -> memref<640xf32, #tpu.memory_space<vmem>>
      %dma_wait3A_60 = arith.constant 0 : i32
      %dma_wait3A_61 = tpu.memref_slice %arg20[%run_scoped3A_22, %arg1, %dma_wait3A_60] : memref<16x16x640xf32, #tpu.memory_space<vmem_shared>> -> memref<1x1x640xf32, #tpu.memory_space<vmem_shared>>
      %dma_wait3A_62 = tpu.memref_squeeze %dma_wait3A_61 : memref<1x1x640xf32, #tpu.memory_space<vmem_shared>> -> memref<640xf32, #tpu.memory_space<vmem_shared>>
      %dma_wait3A_63 = arith.constant 0 : i32
      %dma_wait3A_64 = tpu.memref_slice %arg20[%run_scoped3A_22, %arg1, %dma_wait3A_63] : memref<16x16x640xf32, #tpu.memory_space<vmem_shared>> -> memref<1x1x640xf32, #tpu.memory_space<vmem_shared>>
      %dma_wait3A_65 = tpu.memref_squeeze %dma_wait3A_64 : memref<1x1x640xf32, #tpu.memory_space<vmem_shared>> -> memref<640xf32, #tpu.memory_space<vmem_shared>>
      %dma_wait3A_66 = arith.constant 1280 : i32
      %dma_wait3A_67 = tpu.memref_slice %arg14[%dma_wait3A_66] : memref<10240xf32, #tpu.memory_space<vmem>> -> memref<640xf32, #tpu.memory_space<vmem>>
      tpu.wait_dma2 semaphore(%run_scoped3A_49 : memref<!tpu.dma_semaphore, #tpu.memory_space<semaphore_mem>>) src(%dma_wait3A_67 : memref<640xf32, #tpu.memory_space<vmem>>) dst(%dma_wait3A_65 : memref<640xf32, #tpu.memory_space<vmem_shared>>)
      tpu.yield
    }) : () -> ()
    %run_scoped3A_23 = arith.constant 3 : i32
    "tpu.region"() ({
      %run_scoped3A_49 = tpu.sem_alloc : memref<!tpu.dma_semaphore, #tpu.memory_space<semaphore_mem>>
      %dma_start3A = arith.constant 1920 : i32
      %dma_start3A_50 = tpu.memref_slice %arg14[%dma_start3A] : memref<10240xf32, #tpu.memory_space<vmem>> -> memref<640xf32, #tpu.memory_space<vmem>>
      %dma_start3A_51 = arith.constant 0 : i32
      %dma_start3A_52 = tpu.memref_slice %arg20[%run_scoped3A_23, %arg1, %dma_start3A_51] : memref<16x16x640xf32, #tpu.memory_space<vmem_shared>> -> memref<1x1x640xf32, #tpu.memory_space<vmem_shared>>
      %dma_start3A_53 = tpu.memref_squeeze %dma_start3A_52 : memref<1x1x640xf32, #tpu.memory_space<vmem_shared>> -> memref<640xf32, #tpu.memory_space<vmem_shared>>
      %dma_start3A_54 = arith.constant 0 : i32
      %dma_start3A_55 = tpu.memref_slice %arg20[%run_scoped3A_23, %arg1, %dma_start3A_54] : memref<16x16x640xf32, #tpu.memory_space<vmem_shared>> -> memref<1x1x640xf32, #tpu.memory_space<vmem_shared>>
      %dma_start3A_56 = tpu.memref_squeeze %dma_start3A_55 : memref<1x1x640xf32, #tpu.memory_space<vmem_shared>> -> memref<640xf32, #tpu.memory_space<vmem_shared>>
      %dma_start3A_57 = arith.constant 1920 : i32
      %dma_start3A_58 = tpu.memref_slice %arg14[%dma_start3A_57] : memref<10240xf32, #tpu.memory_space<vmem>> -> memref<640xf32, #tpu.memory_space<vmem>>
      tpu.enqueue_dma source(%dma_start3A_58 : memref<640xf32, #tpu.memory_space<vmem>>) target(%dma_start3A_56 : memref<640xf32, #tpu.memory_space<vmem_shared>>) target_semaphore(%run_scoped3A_49 : memref<!tpu.dma_semaphore, #tpu.memory_space<semaphore_mem>>)
      %dma_wait3A = arith.constant 1920 : i32
      %dma_wait3A_59 = tpu.memref_slice %arg14[%dma_wait3A] : memref<10240xf32, #tpu.memory_space<vmem>> -> memref<640xf32, #tpu.memory_space<vmem>>
      %dma_wait3A_60 = arith.constant 0 : i32
      %dma_wait3A_61 = tpu.memref_slice %arg20[%run_scoped3A_23, %arg1, %dma_wait3A_60] : memref<16x16x640xf32, #tpu.memory_space<vmem_shared>> -> memref<1x1x640xf32, #tpu.memory_space<vmem_shared>>
      %dma_wait3A_62 = tpu.memref_squeeze %dma_wait3A_61 : memref<1x1x640xf32, #tpu.memory_space<vmem_shared>> -> memref<640xf32, #tpu.memory_space<vmem_shared>>
      %dma_wait3A_63 = arith.constant 0 : i32
      %dma_wait3A_64 = tpu.memref_slice %arg20[%run_scoped3A_23, %arg1, %dma_wait3A_63] : memref<16x16x640xf32, #tpu.memory_space<vmem_shared>> -> memref<1x1x640xf32, #tpu.memory_space<vmem_shared>>
      %dma_wait3A_65 = tpu.memref_squeeze %dma_wait3A_64 : memref<1x1x640xf32, #tpu.memory_space<vmem_shared>> -> memref<640xf32, #tpu.memory_space<vmem_shared>>
      %dma_wait3A_66 = arith.constant 1920 : i32
      %dma_wait3A_67 = tpu.memref_slice %arg14[%dma_wait3A_66] : memref<10240xf32, #tpu.memory_space<vmem>> -> memref<640xf32, #tpu.memory_space<vmem>>
      tpu.wait_dma2 semaphore(%run_scoped3A_49 : memref<!tpu.dma_semaphore, #tpu.memory_space<semaphore_mem>>) src(%dma_wait3A_67 : memref<640xf32, #tpu.memory_space<vmem>>) dst(%dma_wait3A_65 : memref<640xf32, #tpu.memory_space<vmem_shared>>)
      tpu.yield
    }) : () -> ()
    %run_scoped3A_24 = arith.constant 4 : i32
    "tpu.region"() ({
      %run_scoped3A_49 = tpu.sem_alloc : memref<!tpu.dma_semaphore, #tpu.memory_space<semaphore_mem>>
      %dma_start3A = arith.constant 2560 : i32
      %dma_start3A_50 = tpu.memref_slice %arg14[%dma_start3A] : memref<10240xf32, #tpu.memory_space<vmem>> -> memref<640xf32, #tpu.memory_space<vmem>>
      %dma_start3A_51 = arith.constant 0 : i32
      %dma_start3A_52 = tpu.memref_slice %arg20[%run_scoped3A_24, %arg1, %dma_start3A_51] : memref<16x16x640xf32, #tpu.memory_space<vmem_shared>> -> memref<1x1x640xf32, #tpu.memory_space<vmem_shared>>
      %dma_start3A_53 = tpu.memref_squeeze %dma_start3A_52 : memref<1x1x640xf32, #tpu.memory_space<vmem_shared>> -> memref<640xf32, #tpu.memory_space<vmem_shared>>
      %dma_start3A_54 = arith.constant 0 : i32
      %dma_start3A_55 = tpu.memref_slice %arg20[%run_scoped3A_24, %arg1, %dma_start3A_54] : memref<16x16x640xf32, #tpu.memory_space<vmem_shared>> -> memref<1x1x640xf32, #tpu.memory_space<vmem_shared>>
      %dma_start3A_56 = tpu.memref_squeeze %dma_start3A_55 : memref<1x1x640xf32, #tpu.memory_space<vmem_shared>> -> memref<640xf32, #tpu.memory_space<vmem_shared>>
      %dma_start3A_57 = arith.constant 2560 : i32
      %dma_start3A_58 = tpu.memref_slice %arg14[%dma_start3A_57] : memref<10240xf32, #tpu.memory_space<vmem>> -> memref<640xf32, #tpu.memory_space<vmem>>
      tpu.enqueue_dma source(%dma_start3A_58 : memref<640xf32, #tpu.memory_space<vmem>>) target(%dma_start3A_56 : memref<640xf32, #tpu.memory_space<vmem_shared>>) target_semaphore(%run_scoped3A_49 : memref<!tpu.dma_semaphore, #tpu.memory_space<semaphore_mem>>)
      %dma_wait3A = arith.constant 2560 : i32
      %dma_wait3A_59 = tpu.memref_slice %arg14[%dma_wait3A] : memref<10240xf32, #tpu.memory_space<vmem>> -> memref<640xf32, #tpu.memory_space<vmem>>
      %dma_wait3A_60 = arith.constant 0 : i32
      %dma_wait3A_61 = tpu.memref_slice %arg20[%run_scoped3A_24, %arg1, %dma_wait3A_60] : memref<16x16x640xf32, #tpu.memory_space<vmem_shared>> -> memref<1x1x640xf32, #tpu.memory_space<vmem_shared>>
      %dma_wait3A_62 = tpu.memref_squeeze %dma_wait3A_61 : memref<1x1x640xf32, #tpu.memory_space<vmem_shared>> -> memref<640xf32, #tpu.memory_space<vmem_shared>>
      %dma_wait3A_63 = arith.constant 0 : i32
      %dma_wait3A_64 = tpu.memref_slice %arg20[%run_scoped3A_24, %arg1, %dma_wait3A_63] : memref<16x16x640xf32, #tpu.memory_space<vmem_shared>> -> memref<1x1x640xf32, #tpu.memory_space<vmem_shared>>
      %dma_wait3A_65 = tpu.memref_squeeze %dma_wait3A_64 : memref<1x1x640xf32, #tpu.memory_space<vmem_shared>> -> memref<640xf32, #tpu.memory_space<vmem_shared>>
      %dma_wait3A_66 = arith.constant 2560 : i32
      %dma_wait3A_67 = tpu.memref_slice %arg14[%dma_wait3A_66] : memref<10240xf32, #tpu.memory_space<vmem>> -> memref<640xf32, #tpu.memory_space<vmem>>
      tpu.wait_dma2 semaphore(%run_scoped3A_49 : memref<!tpu.dma_semaphore, #tpu.memory_space<semaphore_mem>>) src(%dma_wait3A_67 : memref<640xf32, #tpu.memory_space<vmem>>) dst(%dma_wait3A_65 : memref<640xf32, #tpu.memory_space<vmem_shared>>)
      tpu.yield
    }) : () -> ()
    %run_scoped3A_25 = arith.constant 5 : i32
    "tpu.region"() ({
      %run_scoped3A_49 = tpu.sem_alloc : memref<!tpu.dma_semaphore, #tpu.memory_space<semaphore_mem>>
      %dma_start3A = arith.constant 3200 : i32
      %dma_start3A_50 = tpu.memref_slice %arg14[%dma_start3A] : memref<10240xf32, #tpu.memory_space<vmem>> -> memref<640xf32, #tpu.memory_space<vmem>>
      %dma_start3A_51 = arith.constant 0 : i32
      %dma_start3A_52 = tpu.memref_slice %arg20[%run_scoped3A_25, %arg1, %dma_start3A_51] : memref<16x16x640xf32, #tpu.memory_space<vmem_shared>> -> memref<1x1x640xf32, #tpu.memory_space<vmem_shared>>
      %dma_start3A_53 = tpu.memref_squeeze %dma_start3A_52 : memref<1x1x640xf32, #tpu.memory_space<vmem_shared>> -> memref<640xf32, #tpu.memory_space<vmem_shared>>
      %dma_start3A_54 = arith.constant 0 : i32
      %dma_start3A_55 = tpu.memref_slice %arg20[%run_scoped3A_25, %arg1, %dma_start3A_54] : memref<16x16x640xf32, #tpu.memory_space<vmem_shared>> -> memref<1x1x640xf32, #tpu.memory_space<vmem_shared>>
      %dma_start3A_56 = tpu.memref_squeeze %dma_start3A_55 : memref<1x1x640xf32, #tpu.memory_space<vmem_shared>> -> memref<640xf32, #tpu.memory_space<vmem_shared>>
      %dma_start3A_57 = arith.constant 3200 : i32
      %dma_start3A_58 = tpu.memref_slice %arg14[%dma_start3A_57] : memref<10240xf32, #tpu.memory_space<vmem>> -> memref<640xf32, #tpu.memory_space<vmem>>
      tpu.enqueue_dma source(%dma_start3A_58 : memref<640xf32, #tpu.memory_space<vmem>>) target(%dma_start3A_56 : memref<640xf32, #tpu.memory_space<vmem_shared>>) target_semaphore(%run_scoped3A_49 : memref<!tpu.dma_semaphore, #tpu.memory_space<semaphore_mem>>)
      %dma_wait3A = arith.constant 3200 : i32
      %dma_wait3A_59 = tpu.memref_slice %arg14[%dma_wait3A] : memref<10240xf32, #tpu.memory_space<vmem>> -> memref<640xf32, #tpu.memory_space<vmem>>
      %dma_wait3A_60 = arith.constant 0 : i32
      %dma_wait3A_61 = tpu.memref_slice %arg20[%run_scoped3A_25, %arg1, %dma_wait3A_60] : memref<16x16x640xf32, #tpu.memory_space<vmem_shared>> -> memref<1x1x640xf32, #tpu.memory_space<vmem_shared>>
      %dma_wait3A_62 = tpu.memref_squeeze %dma_wait3A_61 : memref<1x1x640xf32, #tpu.memory_space<vmem_shared>> -> memref<640xf32, #tpu.memory_space<vmem_shared>>
      %dma_wait3A_63 = arith.constant 0 : i32
      %dma_wait3A_64 = tpu.memref_slice %arg20[%run_scoped3A_25, %arg1, %dma_wait3A_63] : memref<16x16x640xf32, #tpu.memory_space<vmem_shared>> -> memref<1x1x640xf32, #tpu.memory_space<vmem_shared>>
      %dma_wait3A_65 = tpu.memref_squeeze %dma_wait3A_64 : memref<1x1x640xf32, #tpu.memory_space<vmem_shared>> -> memref<640xf32, #tpu.memory_space<vmem_shared>>
      %dma_wait3A_66 = arith.constant 3200 : i32
      %dma_wait3A_67 = tpu.memref_slice %arg14[%dma_wait3A_66] : memref<10240xf32, #tpu.memory_space<vmem>> -> memref<640xf32, #tpu.memory_space<vmem>>
      tpu.wait_dma2 semaphore(%run_scoped3A_49 : memref<!tpu.dma_semaphore, #tpu.memory_space<semaphore_mem>>) src(%dma_wait3A_67 : memref<640xf32, #tpu.memory_space<vmem>>) dst(%dma_wait3A_65 : memref<640xf32, #tpu.memory_space<vmem_shared>>)
      tpu.yield
    }) : () -> ()
    %run_scoped3A_26 = arith.constant 6 : i32
    "tpu.region"() ({
      %run_scoped3A_49 = tpu.sem_alloc : memref<!tpu.dma_semaphore, #tpu.memory_space<semaphore_mem>>
      %dma_start3A = arith.constant 3840 : i32
      %dma_start3A_50 = tpu.memref_slice %arg14[%dma_start3A] : memref<10240xf32, #tpu.memory_space<vmem>> -> memref<640xf32, #tpu.memory_space<vmem>>
      %dma_start3A_51 = arith.constant 0 : i32
      %dma_start3A_52 = tpu.memref_slice %arg20[%run_scoped3A_26, %arg1, %dma_start3A_51] : memref<16x16x640xf32, #tpu.memory_space<vmem_shared>> -> memref<1x1x640xf32, #tpu.memory_space<vmem_shared>>
      %dma_start3A_53 = tpu.memref_squeeze %dma_start3A_52 : memref<1x1x640xf32, #tpu.memory_space<vmem_shared>> -> memref<640xf32, #tpu.memory_space<vmem_shared>>
      %dma_start3A_54 = arith.constant 0 : i32
      %dma_start3A_55 = tpu.memref_slice %arg20[%run_scoped3A_26, %arg1, %dma_start3A_54] : memref<16x16x640xf32, #tpu.memory_space<vmem_shared>> -> memref<1x1x640xf32, #tpu.memory_space<vmem_shared>>
      %dma_start3A_56 = tpu.memref_squeeze %dma_start3A_55 : memref<1x1x640xf32, #tpu.memory_space<vmem_shared>> -> memref<640xf32, #tpu.memory_space<vmem_shared>>
      %dma_start3A_57 = arith.constant 3840 : i32
      %dma_start3A_58 = tpu.memref_slice %arg14[%dma_start3A_57] : memref<10240xf32, #tpu.memory_space<vmem>> -> memref<640xf32, #tpu.memory_space<vmem>>
      tpu.enqueue_dma source(%dma_start3A_58 : memref<640xf32, #tpu.memory_space<vmem>>) target(%dma_start3A_56 : memref<640xf32, #tpu.memory_space<vmem_shared>>) target_semaphore(%run_scoped3A_49 : memref<!tpu.dma_semaphore, #tpu.memory_space<semaphore_mem>>)
      %dma_wait3A = arith.constant 3840 : i32
      %dma_wait3A_59 = tpu.memref_slice %arg14[%dma_wait3A] : memref<10240xf32, #tpu.memory_space<vmem>> -> memref<640xf32, #tpu.memory_space<vmem>>
      %dma_wait3A_60 = arith.constant 0 : i32
      %dma_wait3A_61 = tpu.memref_slice %arg20[%run_scoped3A_26, %arg1, %dma_wait3A_60] : memref<16x16x640xf32, #tpu.memory_space<vmem_shared>> -> memref<1x1x640xf32, #tpu.memory_space<vmem_shared>>
      %dma_wait3A_62 = tpu.memref_squeeze %dma_wait3A_61 : memref<1x1x640xf32, #tpu.memory_space<vmem_shared>> -> memref<640xf32, #tpu.memory_space<vmem_shared>>
      %dma_wait3A_63 = arith.constant 0 : i32
      %dma_wait3A_64 = tpu.memref_slice %arg20[%run_scoped3A_26, %arg1, %dma_wait3A_63] : memref<16x16x640xf32, #tpu.memory_space<vmem_shared>> -> memref<1x1x640xf32, #tpu.memory_space<vmem_shared>>
      %dma_wait3A_65 = tpu.memref_squeeze %dma_wait3A_64 : memref<1x1x640xf32, #tpu.memory_space<vmem_shared>> -> memref<640xf32, #tpu.memory_space<vmem_shared>>
      %dma_wait3A_66 = arith.constant 3840 : i32
      %dma_wait3A_67 = tpu.memref_slice %arg14[%dma_wait3A_66] : memref<10240xf32, #tpu.memory_space<vmem>> -> memref<640xf32, #tpu.memory_space<vmem>>
      tpu.wait_dma2 semaphore(%run_scoped3A_49 : memref<!tpu.dma_semaphore, #tpu.memory_space<semaphore_mem>>) src(%dma_wait3A_67 : memref<640xf32, #tpu.memory_space<vmem>>) dst(%dma_wait3A_65 : memref<640xf32, #tpu.memory_space<vmem_shared>>)
      tpu.yield
    }) : () -> ()
    %run_scoped3A_27 = arith.constant 7 : i32
    "tpu.region"() ({
      %run_scoped3A_49 = tpu.sem_alloc : memref<!tpu.dma_semaphore, #tpu.memory_space<semaphore_mem>>
      %dma_start3A = arith.constant 4480 : i32
      %dma_start3A_50 = tpu.memref_slice %arg14[%dma_start3A] : memref<10240xf32, #tpu.memory_space<vmem>> -> memref<640xf32, #tpu.memory_space<vmem>>
      %dma_start3A_51 = arith.constant 0 : i32
      %dma_start3A_52 = tpu.memref_slice %arg20[%run_scoped3A_27, %arg1, %dma_start3A_51] : memref<16x16x640xf32, #tpu.memory_space<vmem_shared>> -> memref<1x1x640xf32, #tpu.memory_space<vmem_shared>>
      %dma_start3A_53 = tpu.memref_squeeze %dma_start3A_52 : memref<1x1x640xf32, #tpu.memory_space<vmem_shared>> -> memref<640xf32, #tpu.memory_space<vmem_shared>>
      %dma_start3A_54 = arith.constant 0 : i32
      %dma_start3A_55 = tpu.memref_slice %arg20[%run_scoped3A_27, %arg1, %dma_start3A_54] : memref<16x16x640xf32, #tpu.memory_space<vmem_shared>> -> memref<1x1x640xf32, #tpu.memory_space<vmem_shared>>
      %dma_start3A_56 = tpu.memref_squeeze %dma_start3A_55 : memref<1x1x640xf32, #tpu.memory_space<vmem_shared>> -> memref<640xf32, #tpu.memory_space<vmem_shared>>
      %dma_start3A_57 = arith.constant 4480 : i32
      %dma_start3A_58 = tpu.memref_slice %arg14[%dma_start3A_57] : memref<10240xf32, #tpu.memory_space<vmem>> -> memref<640xf32, #tpu.memory_space<vmem>>
      tpu.enqueue_dma source(%dma_start3A_58 : memref<640xf32, #tpu.memory_space<vmem>>) target(%dma_start3A_56 : memref<640xf32, #tpu.memory_space<vmem_shared>>) target_semaphore(%run_scoped3A_49 : memref<!tpu.dma_semaphore, #tpu.memory_space<semaphore_mem>>)
      %dma_wait3A = arith.constant 4480 : i32
      %dma_wait3A_59 = tpu.memref_slice %arg14[%dma_wait3A] : memref<10240xf32, #tpu.memory_space<vmem>> -> memref<640xf32, #tpu.memory_space<vmem>>
      %dma_wait3A_60 = arith.constant 0 : i32
      %dma_wait3A_61 = tpu.memref_slice %arg20[%run_scoped3A_27, %arg1, %dma_wait3A_60] : memref<16x16x640xf32, #tpu.memory_space<vmem_shared>> -> memref<1x1x640xf32, #tpu.memory_space<vmem_shared>>
      %dma_wait3A_62 = tpu.memref_squeeze %dma_wait3A_61 : memref<1x1x640xf32, #tpu.memory_space<vmem_shared>> -> memref<640xf32, #tpu.memory_space<vmem_shared>>
      %dma_wait3A_63 = arith.constant 0 : i32
      %dma_wait3A_64 = tpu.memref_slice %arg20[%run_scoped3A_27, %arg1, %dma_wait3A_63] : memref<16x16x640xf32, #tpu.memory_space<vmem_shared>> -> memref<1x1x640xf32, #tpu.memory_space<vmem_shared>>
      %dma_wait3A_65 = tpu.memref_squeeze %dma_wait3A_64 : memref<1x1x640xf32, #tpu.memory_space<vmem_shared>> -> memref<640xf32, #tpu.memory_space<vmem_shared>>
      %dma_wait3A_66 = arith.constant 4480 : i32
      %dma_wait3A_67 = tpu.memref_slice %arg14[%dma_wait3A_66] : memref<10240xf32, #tpu.memory_space<vmem>> -> memref<640xf32, #tpu.memory_space<vmem>>
      tpu.wait_dma2 semaphore(%run_scoped3A_49 : memref<!tpu.dma_semaphore, #tpu.memory_space<semaphore_mem>>) src(%dma_wait3A_67 : memref<640xf32, #tpu.memory_space<vmem>>) dst(%dma_wait3A_65 : memref<640xf32, #tpu.memory_space<vmem_shared>>)
      tpu.yield
    }) : () -> ()
    %run_scoped3A_28 = arith.constant 8 : i32
    "tpu.region"() ({
      %run_scoped3A_49 = tpu.sem_alloc : memref<!tpu.dma_semaphore, #tpu.memory_space<semaphore_mem>>
      %dma_start3A = arith.constant 5120 : i32
      %dma_start3A_50 = tpu.memref_slice %arg14[%dma_start3A] : memref<10240xf32, #tpu.memory_space<vmem>> -> memref<640xf32, #tpu.memory_space<vmem>>
      %dma_start3A_51 = arith.constant 0 : i32
      %dma_start3A_52 = tpu.memref_slice %arg20[%run_scoped3A_28, %arg1, %dma_start3A_51] : memref<16x16x640xf32, #tpu.memory_space<vmem_shared>> -> memref<1x1x640xf32, #tpu.memory_space<vmem_shared>>
      %dma_start3A_53 = tpu.memref_squeeze %dma_start3A_52 : memref<1x1x640xf32, #tpu.memory_space<vmem_shared>> -> memref<640xf32, #tpu.memory_space<vmem_shared>>
      %dma_start3A_54 = arith.constant 0 : i32
      %dma_start3A_55 = tpu.memref_slice %arg20[%run_scoped3A_28, %arg1, %dma_start3A_54] : memref<16x16x640xf32, #tpu.memory_space<vmem_shared>> -> memref<1x1x640xf32, #tpu.memory_space<vmem_shared>>
      %dma_start3A_56 = tpu.memref_squeeze %dma_start3A_55 : memref<1x1x640xf32, #tpu.memory_space<vmem_shared>> -> memref<640xf32, #tpu.memory_space<vmem_shared>>
      %dma_start3A_57 = arith.constant 5120 : i32
      %dma_start3A_58 = tpu.memref_slice %arg14[%dma_start3A_57] : memref<10240xf32, #tpu.memory_space<vmem>> -> memref<640xf32, #tpu.memory_space<vmem>>
      tpu.enqueue_dma source(%dma_start3A_58 : memref<640xf32, #tpu.memory_space<vmem>>) target(%dma_start3A_56 : memref<640xf32, #tpu.memory_space<vmem_shared>>) target_semaphore(%run_scoped3A_49 : memref<!tpu.dma_semaphore, #tpu.memory_space<semaphore_mem>>)
      %dma_wait3A = arith.constant 5120 : i32
      %dma_wait3A_59 = tpu.memref_slice %arg14[%dma_wait3A] : memref<10240xf32, #tpu.memory_space<vmem>> -> memref<640xf32, #tpu.memory_space<vmem>>
      %dma_wait3A_60 = arith.constant 0 : i32
      %dma_wait3A_61 = tpu.memref_slice %arg20[%run_scoped3A_28, %arg1, %dma_wait3A_60] : memref<16x16x640xf32, #tpu.memory_space<vmem_shared>> -> memref<1x1x640xf32, #tpu.memory_space<vmem_shared>>
      %dma_wait3A_62 = tpu.memref_squeeze %dma_wait3A_61 : memref<1x1x640xf32, #tpu.memory_space<vmem_shared>> -> memref<640xf32, #tpu.memory_space<vmem_shared>>
      %dma_wait3A_63 = arith.constant 0 : i32
      %dma_wait3A_64 = tpu.memref_slice %arg20[%run_scoped3A_28, %arg1, %dma_wait3A_63] : memref<16x16x640xf32, #tpu.memory_space<vmem_shared>> -> memref<1x1x640xf32, #tpu.memory_space<vmem_shared>>
      %dma_wait3A_65 = tpu.memref_squeeze %dma_wait3A_64 : memref<1x1x640xf32, #tpu.memory_space<vmem_shared>> -> memref<640xf32, #tpu.memory_space<vmem_shared>>
      %dma_wait3A_66 = arith.constant 5120 : i32
      %dma_wait3A_67 = tpu.memref_slice %arg14[%dma_wait3A_66] : memref<10240xf32, #tpu.memory_space<vmem>> -> memref<640xf32, #tpu.memory_space<vmem>>
      tpu.wait_dma2 semaphore(%run_scoped3A_49 : memref<!tpu.dma_semaphore, #tpu.memory_space<semaphore_mem>>) src(%dma_wait3A_67 : memref<640xf32, #tpu.memory_space<vmem>>) dst(%dma_wait3A_65 : memref<640xf32, #tpu.memory_space<vmem_shared>>)
      tpu.yield
    }) : () -> ()
    %run_scoped3A_29 = arith.constant 9 : i32
    "tpu.region"() ({
      %run_scoped3A_49 = tpu.sem_alloc : memref<!tpu.dma_semaphore, #tpu.memory_space<semaphore_mem>>
      %dma_start3A = arith.constant 5760 : i32
      %dma_start3A_50 = tpu.memref_slice %arg14[%dma_start3A] : memref<10240xf32, #tpu.memory_space<vmem>> -> memref<640xf32, #tpu.memory_space<vmem>>
      %dma_start3A_51 = arith.constant 0 : i32
      %dma_start3A_52 = tpu.memref_slice %arg20[%run_scoped3A_29, %arg1, %dma_start3A_51] : memref<16x16x640xf32, #tpu.memory_space<vmem_shared>> -> memref<1x1x640xf32, #tpu.memory_space<vmem_shared>>
      %dma_start3A_53 = tpu.memref_squeeze %dma_start3A_52 : memref<1x1x640xf32, #tpu.memory_space<vmem_shared>> -> memref<640xf32, #tpu.memory_space<vmem_shared>>
      %dma_start3A_54 = arith.constant 0 : i32
      %dma_start3A_55 = tpu.memref_slice %arg20[%run_scoped3A_29, %arg1, %dma_start3A_54] : memref<16x16x640xf32, #tpu.memory_space<vmem_shared>> -> memref<1x1x640xf32, #tpu.memory_space<vmem_shared>>
      %dma_start3A_56 = tpu.memref_squeeze %dma_start3A_55 : memref<1x1x640xf32, #tpu.memory_space<vmem_shared>> -> memref<640xf32, #tpu.memory_space<vmem_shared>>
      %dma_start3A_57 = arith.constant 5760 : i32
      %dma_start3A_58 = tpu.memref_slice %arg14[%dma_start3A_57] : memref<10240xf32, #tpu.memory_space<vmem>> -> memref<640xf32, #tpu.memory_space<vmem>>
      tpu.enqueue_dma source(%dma_start3A_58 : memref<640xf32, #tpu.memory_space<vmem>>) target(%dma_start3A_56 : memref<640xf32, #tpu.memory_space<vmem_shared>>) target_semaphore(%run_scoped3A_49 : memref<!tpu.dma_semaphore, #tpu.memory_space<semaphore_mem>>)
      %dma_wait3A = arith.constant 5760 : i32
      %dma_wait3A_59 = tpu.memref_slice %arg14[%dma_wait3A] : memref<10240xf32, #tpu.memory_space<vmem>> -> memref<640xf32, #tpu.memory_space<vmem>>
      %dma_wait3A_60 = arith.constant 0 : i32
      %dma_wait3A_61 = tpu.memref_slice %arg20[%run_scoped3A_29, %arg1, %dma_wait3A_60] : memref<16x16x640xf32, #tpu.memory_space<vmem_shared>> -> memref<1x1x640xf32, #tpu.memory_space<vmem_shared>>
      %dma_wait3A_62 = tpu.memref_squeeze %dma_wait3A_61 : memref<1x1x640xf32, #tpu.memory_space<vmem_shared>> -> memref<640xf32, #tpu.memory_space<vmem_shared>>
      %dma_wait3A_63 = arith.constant 0 : i32
      %dma_wait3A_64 = tpu.memref_slice %arg20[%run_scoped3A_29, %arg1, %dma_wait3A_63] : memref<16x16x640xf32, #tpu.memory_space<vmem_shared>> -> memref<1x1x640xf32, #tpu.memory_space<vmem_shared>>
      %dma_wait3A_65 = tpu.memref_squeeze %dma_wait3A_64 : memref<1x1x640xf32, #tpu.memory_space<vmem_shared>> -> memref<640xf32, #tpu.memory_space<vmem_shared>>
      %dma_wait3A_66 = arith.constant 5760 : i32
      %dma_wait3A_67 = tpu.memref_slice %arg14[%dma_wait3A_66] : memref<10240xf32, #tpu.memory_space<vmem>> -> memref<640xf32, #tpu.memory_space<vmem>>
      tpu.wait_dma2 semaphore(%run_scoped3A_49 : memref<!tpu.dma_semaphore, #tpu.memory_space<semaphore_mem>>) src(%dma_wait3A_67 : memref<640xf32, #tpu.memory_space<vmem>>) dst(%dma_wait3A_65 : memref<640xf32, #tpu.memory_space<vmem_shared>>)
      tpu.yield
    }) : () -> ()
    %run_scoped3A_30 = arith.constant 10 : i32
    "tpu.region"() ({
      %run_scoped3A_49 = tpu.sem_alloc : memref<!tpu.dma_semaphore, #tpu.memory_space<semaphore_mem>>
      %dma_start3A = arith.constant 6400 : i32
      %dma_start3A_50 = tpu.memref_slice %arg14[%dma_start3A] : memref<10240xf32, #tpu.memory_space<vmem>> -> memref<640xf32, #tpu.memory_space<vmem>>
      %dma_start3A_51 = arith.constant 0 : i32
      %dma_start3A_52 = tpu.memref_slice %arg20[%run_scoped3A_30, %arg1, %dma_start3A_51] : memref<16x16x640xf32, #tpu.memory_space<vmem_shared>> -> memref<1x1x640xf32, #tpu.memory_space<vmem_shared>>
      %dma_start3A_53 = tpu.memref_squeeze %dma_start3A_52 : memref<1x1x640xf32, #tpu.memory_space<vmem_shared>> -> memref<640xf32, #tpu.memory_space<vmem_shared>>
      %dma_start3A_54 = arith.constant 0 : i32
      %dma_start3A_55 = tpu.memref_slice %arg20[%run_scoped3A_30, %arg1, %dma_start3A_54] : memref<16x16x640xf32, #tpu.memory_space<vmem_shared>> -> memref<1x1x640xf32, #tpu.memory_space<vmem_shared>>
      %dma_start3A_56 = tpu.memref_squeeze %dma_start3A_55 : memref<1x1x640xf32, #tpu.memory_space<vmem_shared>> -> memref<640xf32, #tpu.memory_space<vmem_shared>>
      %dma_start3A_57 = arith.constant 6400 : i32
      %dma_start3A_58 = tpu.memref_slice %arg14[%dma_start3A_57] : memref<10240xf32, #tpu.memory_space<vmem>> -> memref<640xf32, #tpu.memory_space<vmem>>
      tpu.enqueue_dma source(%dma_start3A_58 : memref<640xf32, #tpu.memory_space<vmem>>) target(%dma_start3A_56 : memref<640xf32, #tpu.memory_space<vmem_shared>>) target_semaphore(%run_scoped3A_49 : memref<!tpu.dma_semaphore, #tpu.memory_space<semaphore_mem>>)
      %dma_wait3A = arith.constant 6400 : i32
      %dma_wait3A_59 = tpu.memref_slice %arg14[%dma_wait3A] : memref<10240xf32, #tpu.memory_space<vmem>> -> memref<640xf32, #tpu.memory_space<vmem>>
      %dma_wait3A_60 = arith.constant 0 : i32
      %dma_wait3A_61 = tpu.memref_slice %arg20[%run_scoped3A_30, %arg1, %dma_wait3A_60] : memref<16x16x640xf32, #tpu.memory_space<vmem_shared>> -> memref<1x1x640xf32, #tpu.memory_space<vmem_shared>>
      %dma_wait3A_62 = tpu.memref_squeeze %dma_wait3A_61 : memref<1x1x640xf32, #tpu.memory_space<vmem_shared>> -> memref<640xf32, #tpu.memory_space<vmem_shared>>
      %dma_wait3A_63 = arith.constant 0 : i32
      %dma_wait3A_64 = tpu.memref_slice %arg20[%run_scoped3A_30, %arg1, %dma_wait3A_63] : memref<16x16x640xf32, #tpu.memory_space<vmem_shared>> -> memref<1x1x640xf32, #tpu.memory_space<vmem_shared>>
      %dma_wait3A_65 = tpu.memref_squeeze %dma_wait3A_64 : memref<1x1x640xf32, #tpu.memory_space<vmem_shared>> -> memref<640xf32, #tpu.memory_space<vmem_shared>>
      %dma_wait3A_66 = arith.constant 6400 : i32
      %dma_wait3A_67 = tpu.memref_slice %arg14[%dma_wait3A_66] : memref<10240xf32, #tpu.memory_space<vmem>> -> memref<640xf32, #tpu.memory_space<vmem>>
      tpu.wait_dma2 semaphore(%run_scoped3A_49 : memref<!tpu.dma_semaphore, #tpu.memory_space<semaphore_mem>>) src(%dma_wait3A_67 : memref<640xf32, #tpu.memory_space<vmem>>) dst(%dma_wait3A_65 : memref<640xf32, #tpu.memory_space<vmem_shared>>)
      tpu.yield
    }) : () -> ()
    %run_scoped3A_31 = arith.constant 11 : i32
    "tpu.region"() ({
      %run_scoped3A_49 = tpu.sem_alloc : memref<!tpu.dma_semaphore, #tpu.memory_space<semaphore_mem>>
      %dma_start3A = arith.constant 7040 : i32
      %dma_start3A_50 = tpu.memref_slice %arg14[%dma_start3A] : memref<10240xf32, #tpu.memory_space<vmem>> -> memref<640xf32, #tpu.memory_space<vmem>>
      %dma_start3A_51 = arith.constant 0 : i32
      %dma_start3A_52 = tpu.memref_slice %arg20[%run_scoped3A_31, %arg1, %dma_start3A_51] : memref<16x16x640xf32, #tpu.memory_space<vmem_shared>> -> memref<1x1x640xf32, #tpu.memory_space<vmem_shared>>
      %dma_start3A_53 = tpu.memref_squeeze %dma_start3A_52 : memref<1x1x640xf32, #tpu.memory_space<vmem_shared>> -> memref<640xf32, #tpu.memory_space<vmem_shared>>
      %dma_start3A_54 = arith.constant 0 : i32
      %dma_start3A_55 = tpu.memref_slice %arg20[%run_scoped3A_31, %arg1, %dma_start3A_54] : memref<16x16x640xf32, #tpu.memory_space<vmem_shared>> -> memref<1x1x640xf32, #tpu.memory_space<vmem_shared>>
      %dma_start3A_56 = tpu.memref_squeeze %dma_start3A_55 : memref<1x1x640xf32, #tpu.memory_space<vmem_shared>> -> memref<640xf32, #tpu.memory_space<vmem_shared>>
      %dma_start3A_57 = arith.constant 7040 : i32
      %dma_start3A_58 = tpu.memref_slice %arg14[%dma_start3A_57] : memref<10240xf32, #tpu.memory_space<vmem>> -> memref<640xf32, #tpu.memory_space<vmem>>
      tpu.enqueue_dma source(%dma_start3A_58 : memref<640xf32, #tpu.memory_space<vmem>>) target(%dma_start3A_56 : memref<640xf32, #tpu.memory_space<vmem_shared>>) target_semaphore(%run_scoped3A_49 : memref<!tpu.dma_semaphore, #tpu.memory_space<semaphore_mem>>)
      %dma_wait3A = arith.constant 7040 : i32
      %dma_wait3A_59 = tpu.memref_slice %arg14[%dma_wait3A] : memref<10240xf32, #tpu.memory_space<vmem>> -> memref<640xf32, #tpu.memory_space<vmem>>
      %dma_wait3A_60 = arith.constant 0 : i32
      %dma_wait3A_61 = tpu.memref_slice %arg20[%run_scoped3A_31, %arg1, %dma_wait3A_60] : memref<16x16x640xf32, #tpu.memory_space<vmem_shared>> -> memref<1x1x640xf32, #tpu.memory_space<vmem_shared>>
      %dma_wait3A_62 = tpu.memref_squeeze %dma_wait3A_61 : memref<1x1x640xf32, #tpu.memory_space<vmem_shared>> -> memref<640xf32, #tpu.memory_space<vmem_shared>>
      %dma_wait3A_63 = arith.constant 0 : i32
      %dma_wait3A_64 = tpu.memref_slice %arg20[%run_scoped3A_31, %arg1, %dma_wait3A_63] : memref<16x16x640xf32, #tpu.memory_space<vmem_shared>> -> memref<1x1x640xf32, #tpu.memory_space<vmem_shared>>
      %dma_wait3A_65 = tpu.memref_squeeze %dma_wait3A_64 : memref<1x1x640xf32, #tpu.memory_space<vmem_shared>> -> memref<640xf32, #tpu.memory_space<vmem_shared>>
      %dma_wait3A_66 = arith.constant 7040 : i32
      %dma_wait3A_67 = tpu.memref_slice %arg14[%dma_wait3A_66] : memref<10240xf32, #tpu.memory_space<vmem>> -> memref<640xf32, #tpu.memory_space<vmem>>
      tpu.wait_dma2 semaphore(%run_scoped3A_49 : memref<!tpu.dma_semaphore, #tpu.memory_space<semaphore_mem>>) src(%dma_wait3A_67 : memref<640xf32, #tpu.memory_space<vmem>>) dst(%dma_wait3A_65 : memref<640xf32, #tpu.memory_space<vmem_shared>>)
      tpu.yield
    }) : () -> ()
    %run_scoped3A_32 = arith.constant 12 : i32
    "tpu.region"() ({
      %run_scoped3A_49 = tpu.sem_alloc : memref<!tpu.dma_semaphore, #tpu.memory_space<semaphore_mem>>
      %dma_start3A = arith.constant 7680 : i32
      %dma_start3A_50 = tpu.memref_slice %arg14[%dma_start3A] : memref<10240xf32, #tpu.memory_space<vmem>> -> memref<640xf32, #tpu.memory_space<vmem>>
      %dma_start3A_51 = arith.constant 0 : i32
      %dma_start3A_52 = tpu.memref_slice %arg20[%run_scoped3A_32, %arg1, %dma_start3A_51] : memref<16x16x640xf32, #tpu.memory_space<vmem_shared>> -> memref<1x1x640xf32, #tpu.memory_space<vmem_shared>>
      %dma_start3A_53 = tpu.memref_squeeze %dma_start3A_52 : memref<1x1x640xf32, #tpu.memory_space<vmem_shared>> -> memref<640xf32, #tpu.memory_space<vmem_shared>>
      %dma_start3A_54 = arith.constant 0 : i32
      %dma_start3A_55 = tpu.memref_slice %arg20[%run_scoped3A_32, %arg1, %dma_start3A_54] : memref<16x16x640xf32, #tpu.memory_space<vmem_shared>> -> memref<1x1x640xf32, #tpu.memory_space<vmem_shared>>
      %dma_start3A_56 = tpu.memref_squeeze %dma_start3A_55 : memref<1x1x640xf32, #tpu.memory_space<vmem_shared>> -> memref<640xf32, #tpu.memory_space<vmem_shared>>
      %dma_start3A_57 = arith.constant 7680 : i32
      %dma_start3A_58 = tpu.memref_slice %arg14[%dma_start3A_57] : memref<10240xf32, #tpu.memory_space<vmem>> -> memref<640xf32, #tpu.memory_space<vmem>>
      tpu.enqueue_dma source(%dma_start3A_58 : memref<640xf32, #tpu.memory_space<vmem>>) target(%dma_start3A_56 : memref<640xf32, #tpu.memory_space<vmem_shared>>) target_semaphore(%run_scoped3A_49 : memref<!tpu.dma_semaphore, #tpu.memory_space<semaphore_mem>>)
      %dma_wait3A = arith.constant 7680 : i32
      %dma_wait3A_59 = tpu.memref_slice %arg14[%dma_wait3A] : memref<10240xf32, #tpu.memory_space<vmem>> -> memref<640xf32, #tpu.memory_space<vmem>>
      %dma_wait3A_60 = arith.constant 0 : i32
      %dma_wait3A_61 = tpu.memref_slice %arg20[%run_scoped3A_32, %arg1, %dma_wait3A_60] : memref<16x16x640xf32, #tpu.memory_space<vmem_shared>> -> memref<1x1x640xf32, #tpu.memory_space<vmem_shared>>
      %dma_wait3A_62 = tpu.memref_squeeze %dma_wait3A_61 : memref<1x1x640xf32, #tpu.memory_space<vmem_shared>> -> memref<640xf32, #tpu.memory_space<vmem_shared>>
      %dma_wait3A_63 = arith.constant 0 : i32
      %dma_wait3A_64 = tpu.memref_slice %arg20[%run_scoped3A_32, %arg1, %dma_wait3A_63] : memref<16x16x640xf32, #tpu.memory_space<vmem_shared>> -> memref<1x1x640xf32, #tpu.memory_space<vmem_shared>>
      %dma_wait3A_65 = tpu.memref_squeeze %dma_wait3A_64 : memref<1x1x640xf32, #tpu.memory_space<vmem_shared>> -> memref<640xf32, #tpu.memory_space<vmem_shared>>
      %dma_wait3A_66 = arith.constant 7680 : i32
      %dma_wait3A_67 = tpu.memref_slice %arg14[%dma_wait3A_66] : memref<10240xf32, #tpu.memory_space<vmem>> -> memref<640xf32, #tpu.memory_space<vmem>>
      tpu.wait_dma2 semaphore(%run_scoped3A_49 : memref<!tpu.dma_semaphore, #tpu.memory_space<semaphore_mem>>) src(%dma_wait3A_67 : memref<640xf32, #tpu.memory_space<vmem>>) dst(%dma_wait3A_65 : memref<640xf32, #tpu.memory_space<vmem_shared>>)
      tpu.yield
    }) : () -> ()
    %run_scoped3A_33 = arith.constant 13 : i32
    "tpu.region"() ({
      %run_scoped3A_49 = tpu.sem_alloc : memref<!tpu.dma_semaphore, #tpu.memory_space<semaphore_mem>>
      %dma_start3A = arith.constant 8320 : i32
      %dma_start3A_50 = tpu.memref_slice %arg14[%dma_start3A] : memref<10240xf32, #tpu.memory_space<vmem>> -> memref<640xf32, #tpu.memory_space<vmem>>
      %dma_start3A_51 = arith.constant 0 : i32
      %dma_start3A_52 = tpu.memref_slice %arg20[%run_scoped3A_33, %arg1, %dma_start3A_51] : memref<16x16x640xf32, #tpu.memory_space<vmem_shared>> -> memref<1x1x640xf32, #tpu.memory_space<vmem_shared>>
      %dma_start3A_53 = tpu.memref_squeeze %dma_start3A_52 : memref<1x1x640xf32, #tpu.memory_space<vmem_shared>> -> memref<640xf32, #tpu.memory_space<vmem_shared>>
      %dma_start3A_54 = arith.constant 0 : i32
      %dma_start3A_55 = tpu.memref_slice %arg20[%run_scoped3A_33, %arg1, %dma_start3A_54] : memref<16x16x640xf32, #tpu.memory_space<vmem_shared>> -> memref<1x1x640xf32, #tpu.memory_space<vmem_shared>>
      %dma_start3A_56 = tpu.memref_squeeze %dma_start3A_55 : memref<1x1x640xf32, #tpu.memory_space<vmem_shared>> -> memref<640xf32, #tpu.memory_space<vmem_shared>>
      %dma_start3A_57 = arith.constant 8320 : i32
      %dma_start3A_58 = tpu.memref_slice %arg14[%dma_start3A_57] : memref<10240xf32, #tpu.memory_space<vmem>> -> memref<640xf32, #tpu.memory_space<vmem>>
      tpu.enqueue_dma source(%dma_start3A_58 : memref<640xf32, #tpu.memory_space<vmem>>) target(%dma_start3A_56 : memref<640xf32, #tpu.memory_space<vmem_shared>>) target_semaphore(%run_scoped3A_49 : memref<!tpu.dma_semaphore, #tpu.memory_space<semaphore_mem>>)
      %dma_wait3A = arith.constant 8320 : i32
      %dma_wait3A_59 = tpu.memref_slice %arg14[%dma_wait3A] : memref<10240xf32, #tpu.memory_space<vmem>> -> memref<640xf32, #tpu.memory_space<vmem>>
      %dma_wait3A_60 = arith.constant 0 : i32
      %dma_wait3A_61 = tpu.memref_slice %arg20[%run_scoped3A_33, %arg1, %dma_wait3A_60] : memref<16x16x640xf32, #tpu.memory_space<vmem_shared>> -> memref<1x1x640xf32, #tpu.memory_space<vmem_shared>>
      %dma_wait3A_62 = tpu.memref_squeeze %dma_wait3A_61 : memref<1x1x640xf32, #tpu.memory_space<vmem_shared>> -> memref<640xf32, #tpu.memory_space<vmem_shared>>
      %dma_wait3A_63 = arith.constant 0 : i32
      %dma_wait3A_64 = tpu.memref_slice %arg20[%run_scoped3A_33, %arg1, %dma_wait3A_63] : memref<16x16x640xf32, #tpu.memory_space<vmem_shared>> -> memref<1x1x640xf32, #tpu.memory_space<vmem_shared>>
      %dma_wait3A_65 = tpu.memref_squeeze %dma_wait3A_64 : memref<1x1x640xf32, #tpu.memory_space<vmem_shared>> -> memref<640xf32, #tpu.memory_space<vmem_shared>>
      %dma_wait3A_66 = arith.constant 8320 : i32
      %dma_wait3A_67 = tpu.memref_slice %arg14[%dma_wait3A_66] : memref<10240xf32, #tpu.memory_space<vmem>> -> memref<640xf32, #tpu.memory_space<vmem>>
      tpu.wait_dma2 semaphore(%run_scoped3A_49 : memref<!tpu.dma_semaphore, #tpu.memory_space<semaphore_mem>>) src(%dma_wait3A_67 : memref<640xf32, #tpu.memory_space<vmem>>) dst(%dma_wait3A_65 : memref<640xf32, #tpu.memory_space<vmem_shared>>)
      tpu.yield
    }) : () -> ()
    %run_scoped3A_34 = arith.constant 14 : i32
    "tpu.region"() ({
      %run_scoped3A_49 = tpu.sem_alloc : memref<!tpu.dma_semaphore, #tpu.memory_space<semaphore_mem>>
      %dma_start3A = arith.constant 8960 : i32
      %dma_start3A_50 = tpu.memref_slice %arg14[%dma_start3A] : memref<10240xf32, #tpu.memory_space<vmem>> -> memref<640xf32, #tpu.memory_space<vmem>>
      %dma_start3A_51 = arith.constant 0 : i32
      %dma_start3A_52 = tpu.memref_slice %arg20[%run_scoped3A_34, %arg1, %dma_start3A_51] : memref<16x16x640xf32, #tpu.memory_space<vmem_shared>> -> memref<1x1x640xf32, #tpu.memory_space<vmem_shared>>
      %dma_start3A_53 = tpu.memref_squeeze %dma_start3A_52 : memref<1x1x640xf32, #tpu.memory_space<vmem_shared>> -> memref<640xf32, #tpu.memory_space<vmem_shared>>
      %dma_start3A_54 = arith.constant 0 : i32
      %dma_start3A_55 = tpu.memref_slice %arg20[%run_scoped3A_34, %arg1, %dma_start3A_54] : memref<16x16x640xf32, #tpu.memory_space<vmem_shared>> -> memref<1x1x640xf32, #tpu.memory_space<vmem_shared>>
      %dma_start3A_56 = tpu.memref_squeeze %dma_start3A_55 : memref<1x1x640xf32, #tpu.memory_space<vmem_shared>> -> memref<640xf32, #tpu.memory_space<vmem_shared>>
      %dma_start3A_57 = arith.constant 8960 : i32
      %dma_start3A_58 = tpu.memref_slice %arg14[%dma_start3A_57] : memref<10240xf32, #tpu.memory_space<vmem>> -> memref<640xf32, #tpu.memory_space<vmem>>
      tpu.enqueue_dma source(%dma_start3A_58 : memref<640xf32, #tpu.memory_space<vmem>>) target(%dma_start3A_56 : memref<640xf32, #tpu.memory_space<vmem_shared>>) target_semaphore(%run_scoped3A_49 : memref<!tpu.dma_semaphore, #tpu.memory_space<semaphore_mem>>)
      %dma_wait3A = arith.constant 8960 : i32
      %dma_wait3A_59 = tpu.memref_slice %arg14[%dma_wait3A] : memref<10240xf32, #tpu.memory_space<vmem>> -> memref<640xf32, #tpu.memory_space<vmem>>
      %dma_wait3A_60 = arith.constant 0 : i32
      %dma_wait3A_61 = tpu.memref_slice %arg20[%run_scoped3A_34, %arg1, %dma_wait3A_60] : memref<16x16x640xf32, #tpu.memory_space<vmem_shared>> -> memref<1x1x640xf32, #tpu.memory_space<vmem_shared>>
      %dma_wait3A_62 = tpu.memref_squeeze %dma_wait3A_61 : memref<1x1x640xf32, #tpu.memory_space<vmem_shared>> -> memref<640xf32, #tpu.memory_space<vmem_shared>>
      %dma_wait3A_63 = arith.constant 0 : i32
      %dma_wait3A_64 = tpu.memref_slice %arg20[%run_scoped3A_34, %arg1, %dma_wait3A_63] : memref<16x16x640xf32, #tpu.memory_space<vmem_shared>> -> memref<1x1x640xf32, #tpu.memory_space<vmem_shared>>
      %dma_wait3A_65 = tpu.memref_squeeze %dma_wait3A_64 : memref<1x1x640xf32, #tpu.memory_space<vmem_shared>> -> memref<640xf32, #tpu.memory_space<vmem_shared>>
      %dma_wait3A_66 = arith.constant 8960 : i32
      %dma_wait3A_67 = tpu.memref_slice %arg14[%dma_wait3A_66] : memref<10240xf32, #tpu.memory_space<vmem>> -> memref<640xf32, #tpu.memory_space<vmem>>
      tpu.wait_dma2 semaphore(%run_scoped3A_49 : memref<!tpu.dma_semaphore, #tpu.memory_space<semaphore_mem>>) src(%dma_wait3A_67 : memref<640xf32, #tpu.memory_space<vmem>>) dst(%dma_wait3A_65 : memref<640xf32, #tpu.memory_space<vmem_shared>>)
      tpu.yield
    }) : () -> ()
    %run_scoped3A_35 = arith.constant 15 : i32
    "tpu.region"() ({
      %run_scoped3A_49 = tpu.sem_alloc : memref<!tpu.dma_semaphore, #tpu.memory_space<semaphore_mem>>
      %dma_start3A = arith.constant 9600 : i32
      %dma_start3A_50 = tpu.memref_slice %arg14[%dma_start3A] : memref<10240xf32, #tpu.memory_space<vmem>> -> memref<640xf32, #tpu.memory_space<vmem>>
      %dma_start3A_51 = arith.constant 0 : i32
      %dma_start3A_52 = tpu.memref_slice %arg20[%run_scoped3A_35, %arg1, %dma_start3A_51] : memref<16x16x640xf32, #tpu.memory_space<vmem_shared>> -> memref<1x1x640xf32, #tpu.memory_space<vmem_shared>>
      %dma_start3A_53 = tpu.memref_squeeze %dma_start3A_52 : memref<1x1x640xf32, #tpu.memory_space<vmem_shared>> -> memref<640xf32, #tpu.memory_space<vmem_shared>>
      %dma_start3A_54 = arith.constant 0 : i32
      %dma_start3A_55 = tpu.memref_slice %arg20[%run_scoped3A_35, %arg1, %dma_start3A_54] : memref<16x16x640xf32, #tpu.memory_space<vmem_shared>> -> memref<1x1x640xf32, #tpu.memory_space<vmem_shared>>
      %dma_start3A_56 = tpu.memref_squeeze %dma_start3A_55 : memref<1x1x640xf32, #tpu.memory_space<vmem_shared>> -> memref<640xf32, #tpu.memory_space<vmem_shared>>
      %dma_start3A_57 = arith.constant 9600 : i32
      %dma_start3A_58 = tpu.memref_slice %arg14[%dma_start3A_57] : memref<10240xf32, #tpu.memory_space<vmem>> -> memref<640xf32, #tpu.memory_space<vmem>>
      tpu.enqueue_dma source(%dma_start3A_58 : memref<640xf32, #tpu.memory_space<vmem>>) target(%dma_start3A_56 : memref<640xf32, #tpu.memory_space<vmem_shared>>) target_semaphore(%run_scoped3A_49 : memref<!tpu.dma_semaphore, #tpu.memory_space<semaphore_mem>>)
      %dma_wait3A = arith.constant 9600 : i32
      %dma_wait3A_59 = tpu.memref_slice %arg14[%dma_wait3A] : memref<10240xf32, #tpu.memory_space<vmem>> -> memref<640xf32, #tpu.memory_space<vmem>>
      %dma_wait3A_60 = arith.constant 0 : i32
      %dma_wait3A_61 = tpu.memref_slice %arg20[%run_scoped3A_35, %arg1, %dma_wait3A_60] : memref<16x16x640xf32, #tpu.memory_space<vmem_shared>> -> memref<1x1x640xf32, #tpu.memory_space<vmem_shared>>
      %dma_wait3A_62 = tpu.memref_squeeze %dma_wait3A_61 : memref<1x1x640xf32, #tpu.memory_space<vmem_shared>> -> memref<640xf32, #tpu.memory_space<vmem_shared>>
      %dma_wait3A_63 = arith.constant 0 : i32
      %dma_wait3A_64 = tpu.memref_slice %arg20[%run_scoped3A_35, %arg1, %dma_wait3A_63] : memref<16x16x640xf32, #tpu.memory_space<vmem_shared>> -> memref<1x1x640xf32, #tpu.memory_space<vmem_shared>>
      %dma_wait3A_65 = tpu.memref_squeeze %dma_wait3A_64 : memref<1x1x640xf32, #tpu.memory_space<vmem_shared>> -> memref<640xf32, #tpu.memory_space<vmem_shared>>
      %dma_wait3A_66 = arith.constant 9600 : i32
      %dma_wait3A_67 = tpu.memref_slice %arg14[%dma_wait3A_66] : memref<10240xf32, #tpu.memory_space<vmem>> -> memref<640xf32, #tpu.memory_space<vmem>>
      tpu.wait_dma2 semaphore(%run_scoped3A_49 : memref<!tpu.dma_semaphore, #tpu.memory_space<semaphore_mem>>) src(%dma_wait3A_67 : memref<640xf32, #tpu.memory_space<vmem>>) dst(%dma_wait3A_65 : memref<640xf32, #tpu.memory_space<vmem_shared>>)
      tpu.yield
    }) : () -> ()
    %barrier3A_36 = arith.constant 0 : index
    tpu.barrier barrier_id(%barrier3A_36)
    %mul3A_37 = arith.constant 640 : i32
    %mul3A_38 = arith.muli %arg1, %mul3A_37 : i32
    %mul3A_39 = arith.constant 640 : i32
    %mul3A_40 = arith.muli %arg1, %mul3A_39 : i32
    "tpu.region"() ({
      %run_scoped3A_49 = tpu.sem_alloc : memref<!tpu.dma_semaphore, #tpu.memory_space<semaphore_mem>>
      %dma_start3A = arith.constant 0 : i32
      %dma_start3A_50 = tpu.memref_slice %arg6[%arg0, %mul3A_40, %dma_start3A] : memref<2x10240x64xf32, #tpu.memory_space<hbm>> -> memref<1x640x64xf32, #tpu.memory_space<hbm>>
      %dma_start3A_51 = tpu.memref_squeeze %dma_start3A_50 : memref<1x640x64xf32, #tpu.memory_space<hbm>> -> memref<640x64xf32, #tpu.memory_space<hbm>>
      %dma_start3A_52 = arith.constant 0 : i32
      %dma_start3A_53 = tpu.memref_slice %arg19[%mul3A_38, %dma_start3A_52] : memref<10240x64xf32, #tpu.memory_space<vmem_shared>> -> memref<640x64xf32, #tpu.memory_space<vmem_shared>>
      tpu.enqueue_dma source(%dma_start3A_53 : memref<640x64xf32, #tpu.memory_space<vmem_shared>>) target(%dma_start3A_51 : memref<640x64xf32, #tpu.memory_space<hbm>>) target_semaphore(%run_scoped3A_49 : memref<!tpu.dma_semaphore, #tpu.memory_space<semaphore_mem>>)
      %dma_wait3A = arith.constant 0 : i32
      %dma_wait3A_54 = tpu.memref_slice %arg6[%arg0, %mul3A_40, %dma_wait3A] : memref<2x10240x64xf32, #tpu.memory_space<hbm>> -> memref<1x640x64xf32, #tpu.memory_space<hbm>>
      %dma_wait3A_55 = tpu.memref_squeeze %dma_wait3A_54 : memref<1x640x64xf32, #tpu.memory_space<hbm>> -> memref<640x64xf32, #tpu.memory_space<hbm>>
      %dma_wait3A_56 = arith.constant 0 : i32
      %dma_wait3A_57 = tpu.memref_slice %arg19[%mul3A_38, %dma_wait3A_56] : memref<10240x64xf32, #tpu.memory_space<vmem_shared>> -> memref<640x64xf32, #tpu.memory_space<vmem_shared>>
      tpu.wait_dma2 semaphore(%run_scoped3A_49 : memref<!tpu.dma_semaphore, #tpu.memory_space<semaphore_mem>>) src(%dma_wait3A_57 : memref<640x64xf32, #tpu.memory_space<vmem_shared>>) dst(%dma_wait3A_55 : memref<640x64xf32, #tpu.memory_space<hbm>>)
      tpu.yield
    }) : () -> ()
    "tpu.region"() ({
      %run_scoped3A_49 = tpu.sem_alloc : memref<!tpu.dma_semaphore, #tpu.memory_space<semaphore_mem>>
      %dma_start3A = arith.constant 0 : i32
      %dma_start3A_50 = arith.constant 0 : i32
      %dma_start3A_51 = tpu.memref_slice %arg20[%arg1, %dma_start3A, %dma_start3A_50] : memref<16x16x640xf32, #tpu.memory_space<vmem_shared>> -> memref<1x16x640xf32, #tpu.memory_space<vmem_shared>>
      %dma_start3A_52 = tpu.memref_squeeze %dma_start3A_51 : memref<1x16x640xf32, #tpu.memory_space<vmem_shared>> -> memref<16x640xf32, #tpu.memory_space<vmem_shared>>
      %dma_start3A_53 = arith.constant 0 : i32
      %dma_start3A_54 = arith.constant 0 : i32
      %dma_start3A_55 = tpu.memref_slice %arg20[%arg1, %dma_start3A_53, %dma_start3A_54] : memref<16x16x640xf32, #tpu.memory_space<vmem_shared>> -> memref<1x16x640xf32, #tpu.memory_space<vmem_shared>>
      %dma_start3A_56 = tpu.memref_squeeze %dma_start3A_55 : memref<1x16x640xf32, #tpu.memory_space<vmem_shared>> -> memref<16x640xf32, #tpu.memory_space<vmem_shared>>
      tpu.enqueue_dma source(%dma_start3A_56 : memref<16x640xf32, #tpu.memory_space<vmem_shared>>) target(%arg15 : memref<16x640xf32, #tpu.memory_space<vmem>>) target_semaphore(%run_scoped3A_49 : memref<!tpu.dma_semaphore, #tpu.memory_space<semaphore_mem>>)
      %dma_wait3A = arith.constant 0 : i32
      %dma_wait3A_57 = arith.constant 0 : i32
      %dma_wait3A_58 = tpu.memref_slice %arg20[%arg1, %dma_wait3A, %dma_wait3A_57] : memref<16x16x640xf32, #tpu.memory_space<vmem_shared>> -> memref<1x16x640xf32, #tpu.memory_space<vmem_shared>>
      %dma_wait3A_59 = tpu.memref_squeeze %dma_wait3A_58 : memref<1x16x640xf32, #tpu.memory_space<vmem_shared>> -> memref<16x640xf32, #tpu.memory_space<vmem_shared>>
      %dma_wait3A_60 = arith.constant 0 : i32
      %dma_wait3A_61 = arith.constant 0 : i32
      %dma_wait3A_62 = tpu.memref_slice %arg20[%arg1, %dma_wait3A_60, %dma_wait3A_61] : memref<16x16x640xf32, #tpu.memory_space<vmem_shared>> -> memref<1x16x640xf32, #tpu.memory_space<vmem_shared>>
      %dma_wait3A_63 = tpu.memref_squeeze %dma_wait3A_62 : memref<1x16x640xf32, #tpu.memory_space<vmem_shared>> -> memref<16x640xf32, #tpu.memory_space<vmem_shared>>
      tpu.wait_dma2 semaphore(%run_scoped3A_49 : memref<!tpu.dma_semaphore, #tpu.memory_space<semaphore_mem>>) src(%dma_wait3A_63 : memref<16x640xf32, #tpu.memory_space<vmem_shared>>) dst(%arg15 : memref<16x640xf32, #tpu.memory_space<vmem>>)
      tpu.yield
    }) : () -> ()
    %scan3A_41 = arith.constant 0 : i32
    %scan3A_42 = arith.constant 0 : i32
    %scan3A_43 = arith.constant 40 : i32
    %scan3A_44 = arith.addi %scan3A_42, %scan3A_43 : i32
    %scan3A_45 = arith.constant 1 : i32
    scf.for %scan3A_49 = %scan3A_42 to %scan3A_44 step %scan3A_45  : i32 {
      %mul3A_50 = arith.constant 16 : i32
      %mul3A_51 = arith.muli %scan3A_49, %mul3A_50 : i32
      %get3A = arith.constant 0 : i32
      %get3A_52 = arith.index_cast %get3A : i32 to index
      %get3A_53 = arith.index_cast %mul3A_51 : i32 to index
      %get3A_54 = tpu.vector_load %arg15[%get3A_52, %get3A_53] {strides = array<i32>} : memref<16x640xf32, #tpu.memory_space<vmem>>, vector<16xf32>,
      %mul3A_55 = arith.constant 16 : i32
      %mul3A_56 = arith.muli %scan3A_49, %mul3A_55 : i32
      %get3A_57 = arith.constant 1 : i32
      %get3A_58 = arith.index_cast %get3A_57 : i32 to index
      %get3A_59 = arith.index_cast %mul3A_56 : i32 to index
      %get3A_60 = tpu.vector_load %arg15[%get3A_58, %get3A_59] {strides = array<i32>} : memref<16x640xf32, #tpu.memory_space<vmem>>, vector<16xf32>,
      %add3A_61 = arith.addf %get3A_54, %get3A_60 : vector<16xf32>
      %mul3A_62 = arith.constant 16 : i32
      %mul3A_63 = arith.muli %scan3A_49, %mul3A_62 : i32
      %get3A_64 = arith.constant 2 : i32
      %get3A_65 = arith.index_cast %get3A_64 : i32 to index
      %get3A_66 = arith.index_cast %mul3A_63 : i32 to index
      %get3A_67 = tpu.vector_load %arg15[%get3A_65, %get3A_66] {strides = array<i32>} : memref<16x640xf32, #tpu.memory_space<vmem>>, vector<16xf32>,
      %add3A_68 = arith.addf %add3A_61, %get3A_67 : vector<16xf32>
      %mul3A_69 = arith.constant 16 : i32
      %mul3A_70 = arith.muli %scan3A_49, %mul3A_69 : i32
      %get3A_71 = arith.constant 3 : i32
      %get3A_72 = arith.index_cast %get3A_71 : i32 to index
      %get3A_73 = arith.index_cast %mul3A_70 : i32 to index
      %get3A_74 = tpu.vector_load %arg15[%get3A_72, %get3A_73] {strides = array<i32>} : memref<16x640xf32, #tpu.memory_space<vmem>>, vector<16xf32>,
      %add3A_75 = arith.addf %add3A_68, %get3A_74 : vector<16xf32>
      %mul3A_76 = arith.constant 16 : i32
      %mul3A_77 = arith.muli %scan3A_49, %mul3A_76 : i32
      %get3A_78 = arith.constant 4 : i32
      %get3A_79 = arith.index_cast %get3A_78 : i32 to index
      %get3A_80 = arith.index_cast %mul3A_77 : i32 to index
      %get3A_81 = tpu.vector_load %arg15[%get3A_79, %get3A_80] {strides = array<i32>} : memref<16x640xf32, #tpu.memory_space<vmem>>, vector<16xf32>,
      %add3A_82 = arith.addf %add3A_75, %get3A_81 : vector<16xf32>
      %mul3A_83 = arith.constant 16 : i32
      %mul3A_84 = arith.muli %scan3A_49, %mul3A_83 : i32
      %get3A_85 = arith.constant 5 : i32
      %get3A_86 = arith.index_cast %get3A_85 : i32 to index
      %get3A_87 = arith.index_cast %mul3A_84 : i32 to index
      %get3A_88 = tpu.vector_load %arg15[%get3A_86, %get3A_87] {strides = array<i32>} : memref<16x640xf32, #tpu.memory_space<vmem>>, vector<16xf32>,
      %add3A_89 = arith.addf %add3A_82, %get3A_88 : vector<16xf32>
      %mul3A_90 = arith.constant 16 : i32
      %mul3A_91 = arith.muli %scan3A_49, %mul3A_90 : i32
      %get3A_92 = arith.constant 6 : i32
      %get3A_93 = arith.index_cast %get3A_92 : i32 to index
      %get3A_94 = arith.index_cast %mul3A_91 : i32 to index
      %get3A_95 = tpu.vector_load %arg15[%get3A_93, %get3A_94] {strides = array<i32>} : memref<16x640xf32, #tpu.memory_space<vmem>>, vector<16xf32>,
      %add3A_96 = arith.addf %add3A_89, %get3A_95 : vector<16xf32>
      %mul3A_97 = arith.constant 16 : i32
      %mul3A_98 = arith.muli %scan3A_49, %mul3A_97 : i32
      %get3A_99 = arith.constant 7 : i32
      %get3A_100 = arith.index_cast %get3A_99 : i32 to index
      %get3A_101 = arith.index_cast %mul3A_98 : i32 to index
      %get3A_102 = tpu.vector_load %arg15[%get3A_100, %get3A_101] {strides = array<i32>} : memref<16x640xf32, #tpu.memory_space<vmem>>, vector<16xf32>,
      %add3A_103 = arith.addf %add3A_96, %get3A_102 : vector<16xf32>
      %mul3A_104 = arith.constant 16 : i32
      %mul3A_105 = arith.muli %scan3A_49, %mul3A_104 : i32
      %get3A_106 = arith.constant 8 : i32
      %get3A_107 = arith.index_cast %get3A_106 : i32 to index
      %get3A_108 = arith.index_cast %mul3A_105 : i32 to index
      %get3A_109 = tpu.vector_load %arg15[%get3A_107, %get3A_108] {strides = array<i32>} : memref<16x640xf32, #tpu.memory_space<vmem>>, vector<16xf32>,
      %add3A_110 = arith.addf %add3A_103, %get3A_109 : vector<16xf32>
      %mul3A_111 = arith.constant 16 : i32
      %mul3A_112 = arith.muli %scan3A_49, %mul3A_111 : i32
      %get3A_113 = arith.constant 9 : i32
      %get3A_114 = arith.index_cast %get3A_113 : i32 to index
      %get3A_115 = arith.index_cast %mul3A_112 : i32 to index
      %get3A_116 = tpu.vector_load %arg15[%get3A_114, %get3A_115] {strides = array<i32>} : memref<16x640xf32, #tpu.memory_space<vmem>>, vector<16xf32>,
      %add3A_117 = arith.addf %add3A_110, %get3A_116 : vector<16xf32>
      %mul3A_118 = arith.constant 16 : i32
      %mul3A_119 = arith.muli %scan3A_49, %mul3A_118 : i32
      %get3A_120 = arith.constant 10 : i32
      %get3A_121 = arith.index_cast %get3A_120 : i32 to index
      %get3A_122 = arith.index_cast %mul3A_119 : i32 to index
      %get3A_123 = tpu.vector_load %arg15[%get3A_121, %get3A_122] {strides = array<i32>} : memref<16x640xf32, #tpu.memory_space<vmem>>, vector<16xf32>,
      %add3A_124 = arith.addf %add3A_117, %get3A_123 : vector<16xf32>
      %mul3A_125 = arith.constant 16 : i32
      %mul3A_126 = arith.muli %scan3A_49, %mul3A_125 : i32
      %get3A_127 = arith.constant 11 : i32
      %get3A_128 = arith.index_cast %get3A_127 : i32 to index
      %get3A_129 = arith.index_cast %mul3A_126 : i32 to index
      %get3A_130 = tpu.vector_load %arg15[%get3A_128, %get3A_129] {strides = array<i32>} : memref<16x640xf32, #tpu.memory_space<vmem>>, vector<16xf32>,
      %add3A_131 = arith.addf %add3A_124, %get3A_130 : vector<16xf32>
      %mul3A_132 = arith.constant 16 : i32
      %mul3A_133 = arith.muli %scan3A_49, %mul3A_132 : i32
      %get3A_134 = arith.constant 12 : i32
      %get3A_135 = arith.index_cast %get3A_134 : i32 to index
      %get3A_136 = arith.index_cast %mul3A_133 : i32 to index
      %get3A_137 = tpu.vector_load %arg15[%get3A_135, %get3A_136] {strides = array<i32>} : memref<16x640xf32, #tpu.memory_space<vmem>>, vector<16xf32>,
      %add3A_138 = arith.addf %add3A_131, %get3A_137 : vector<16xf32>
      %mul3A_139 = arith.constant 16 : i32
      %mul3A_140 = arith.muli %scan3A_49, %mul3A_139 : i32
      %get3A_141 = arith.constant 13 : i32
      %get3A_142 = arith.index_cast %get3A_141 : i32 to index
      %get3A_143 = arith.index_cast %mul3A_140 : i32 to index
      %get3A_144 = tpu.vector_load %arg15[%get3A_142, %get3A_143] {strides = array<i32>} : memref<16x640xf32, #tpu.memory_space<vmem>>, vector<16xf32>,
      %add3A_145 = arith.addf %add3A_138, %get3A_144 : vector<16xf32>
      %mul3A_146 = arith.constant 16 : i32
      %mul3A_147 = arith.muli %scan3A_49, %mul3A_146 : i32
      %get3A_148 = arith.constant 14 : i32
      %get3A_149 = arith.index_cast %get3A_148 : i32 to index
      %get3A_150 = arith.index_cast %mul3A_147 : i32 to index
      %get3A_151 = tpu.vector_load %arg15[%get3A_149, %get3A_150] {strides = array<i32>} : memref<16x640xf32, #tpu.memory_space<vmem>>, vector<16xf32>,
      %add3A_152 = arith.addf %add3A_145, %get3A_151 : vector<16xf32>
      %mul3A_153 = arith.constant 16 : i32
      %mul3A_154 = arith.muli %scan3A_49, %mul3A_153 : i32
      %get3A_155 = arith.constant 15 : i32
      %get3A_156 = arith.index_cast %get3A_155 : i32 to index
      %get3A_157 = arith.index_cast %mul3A_154 : i32 to index
      %get3A_158 = tpu.vector_load %arg15[%get3A_156, %get3A_157] {strides = array<i32>} : memref<16x640xf32, #tpu.memory_space<vmem>>, vector<16xf32>,
      %add3A_159 = arith.addf %add3A_152, %get3A_158 : vector<16xf32>
      %mul3A_160 = arith.constant 16 : i32
      %mul3A_161 = arith.muli %scan3A_49, %mul3A_160 : i32
      %swap3A = arith.index_cast %mul3A_161 : i32 to index
      %swap3A_162 = tpu.vector_load %arg16[%swap3A] {strides = array<i32>} : memref<640xf32, #tpu.memory_space<vmem>>, vector<16xf32>,
      tpu.vector_store %arg16[%swap3A], %add3A_159 {strides = array<i32>} : memref<640xf32, #tpu.memory_space<vmem>>, vector<16xf32>,
    }
    %scan3A_46 = arith.constant 40 : i32
    %mul3A_47 = arith.constant 640 : i32
    %mul3A_48 = arith.muli %arg1, %mul3A_47 : i32
    "tpu.region"() ({
      %run_scoped3A_49 = tpu.sem_alloc : memref<!tpu.dma_semaphore, #tpu.memory_space<semaphore_mem>>
      %dma_start3A = tpu.memref_slice %arg7[%arg0, %mul3A_48] : memref<2x10240xf32, #tpu.memory_space<hbm>> -> memref<1x640xf32, #tpu.memory_space<hbm>>
      %dma_start3A_50 = tpu.memref_squeeze %dma_start3A : memref<1x640xf32, #tpu.memory_space<hbm>> -> memref<640xf32, #tpu.memory_space<hbm>>
      %dma_start3A_51 = tpu.memref_slice %arg7[%arg0, %mul3A_48] : memref<2x10240xf32, #tpu.memory_space<hbm>> -> memref<1x640xf32, #tpu.memory_space<hbm>>
      %dma_start3A_52 = tpu.memref_squeeze %dma_start3A_51 : memref<1x640xf32, #tpu.memory_space<hbm>> -> memref<640xf32, #tpu.memory_space<hbm>>
      tpu.enqueue_dma source(%arg16 : memref<640xf32, #tpu.memory_space<vmem>>) target(%dma_start3A_52 : memref<640xf32, #tpu.memory_space<hbm>>) target_semaphore(%run_scoped3A_49 : memref<!tpu.dma_semaphore, #tpu.memory_space<semaphore_mem>>)
      %dma_wait3A = tpu.memref_slice %arg7[%arg0, %mul3A_48] : memref<2x10240xf32, #tpu.memory_space<hbm>> -> memref<1x640xf32, #tpu.memory_space<hbm>>
      %dma_wait3A_53 = tpu.memref_squeeze %dma_wait3A : memref<1x640xf32, #tpu.memory_space<hbm>> -> memref<640xf32, #tpu.memory_space<hbm>>
      %dma_wait3A_54 = tpu.memref_slice %arg7[%arg0, %mul3A_48] : memref<2x10240xf32, #tpu.memory_space<hbm>> -> memref<1x640xf32, #tpu.memory_space<hbm>>
      %dma_wait3A_55 = tpu.memref_squeeze %dma_wait3A_54 : memref<1x640xf32, #tpu.memory_space<hbm>> -> memref<640xf32, #tpu.memory_space<hbm>>
      tpu.wait_dma2 semaphore(%run_scoped3A_49 : memref<!tpu.dma_semaphore, #tpu.memory_space<semaphore_mem>>) src(%arg16 : memref<640xf32, #tpu.memory_space<vmem>>) dst(%dma_wait3A_55 : memref<640xf32, #tpu.memory_space<hbm>>)
      tpu.yield
    }) : () -> ()
    return
  }
}

#map = affine_map<(d0, d1) -> (0, 0)>
#map1 = affine_map<(d0, d1) -> (0, 0, 0, 0)>
#map2 = affine_map<(d0, d1) -> (0, 0, 0)>
module attributes {stable_mosaic.version = 14 : i64} {
  func.func @body(%arg0: i32, %arg1: i32, %arg2: memref<20000x64xf32, #tpu.memory_space<hbm>>, %arg3: memref<2000x2x2x80xi32, #tpu.memory_space<hbm>>, %arg4: memref<8x10000xf32, #tpu.memory_space<hbm>>, %arg5: memref<10240x64xf32, #tpu.memory_space<hbm>>, %arg6: memref<2x10240x64xf32, #tpu.memory_space<hbm>>, %arg7: memref<2x10240xf32, #tpu.memory_space<hbm>>, %arg8: memref<10000xf32, #tpu.memory_space<vmem>>, %arg9: memref<10000xf32, #tpu.memory_space<vmem>>, %arg10: memref<2x2x80xi32, #tpu.memory_space<vmem>>, %arg11: memref<2x80xi32, #tpu.memory_space<vmem>>, %arg12: memref<80xf32, #tpu.memory_space<vmem>>, %arg13: memref<80xf32, #tpu.memory_space<vmem>>, %arg14: memref<10240xf32, #tpu.memory_space<vmem>>, %arg15: memref<16x640xf32, #tpu.memory_space<vmem>>, %arg16: memref<640xf32, #tpu.memory_space<vmem>>, %arg17: memref<80x64xf32, #tpu.memory_space<vmem>>, %arg18: memref<80x64xf32, #tpu.memory_space<vmem>>, %arg19: memref<10240x64xf32, #tpu.memory_space<vmem_shared>>, %arg20: memref<16x16x640xf32, #tpu.memory_space<vmem_shared>>, %arg21: memref<!tpu.dma_semaphore, #tpu.memory_space<semaphore_mem>>, %arg22: memref<!tpu.dma_semaphore, #tpu.memory_space<semaphore_mem>>, %arg23: memref<!tpu.dma_semaphore, #tpu.memory_space<semaphore_mem>>, %arg24: memref<!tpu.dma_semaphore, #tpu.memory_space<semaphore_mem>>) attributes {dimension_semantics = [#tpu.dimension_semantics<core_parallel>, #tpu.dimension_semantics<subcore_parallel>], iteration_bounds = array<i64: 2, 16>, scalar_prefetch = 0 : i64, scratch_operands = 17 : i64, tpu.core_type = #tpu.core_type<sc_vector_subcore>, window_params = [{transform_indices = #map}, {transform_indices = #map1}, {transform_indices = #map}, {transform_indices = #map}, {transform_indices = #map2}, {transform_indices = #map}]} {
    %mul3A = arith.constant 2 : i32
    %mul3A_0 = arith.muli %mul3A, %arg0 : i32
    "tpu.region"() ({
      %run_scoped3A_49 = tpu.sem_alloc : memref<!tpu.dma_semaphore, #tpu.memory_space<semaphore_mem>>
      %dma_start3A = arith.constant 0 : i32
      %dma_start3A_50 = tpu.memref_slice %arg4[%mul3A_0, %dma_start3A] : memref<8x10000xf32, #tpu.memory_space<hbm>> -> memref<1x10000xf32, #tpu.memory_space<hbm>>
      %dma_start3A_51 = tpu.memref_squeeze %dma_start3A_50 : memref<1x10000xf32, #tpu.memory_space<hbm>> -> memref<10000xf32, #tpu.memory_space<hbm>>
      %dma_start3A_52 = arith.constant 0 : i32
      %dma_start3A_53 = tpu.memref_slice %arg4[%mul3A_0, %dma_start3A_52] : memref<8x10000xf32, #tpu.memory_space<hbm>> -> memref<1x10000xf32, #tpu.memory_space<hbm>>
      %dma_start3A_54 = tpu.memref_squeeze %dma_start3A_53 : memref<1x10000xf32, #tpu.memory_space<hbm>> -> memref<10000xf32, #tpu.memory_space<hbm>>
      tpu.enqueue_dma source(%dma_start3A_54 : memref<10000xf32, #tpu.memory_space<hbm>>) target(%arg8 : memref<10000xf32, #tpu.memory_space<vmem>>) target_semaphore(%run_scoped3A_49 : memref<!tpu.dma_semaphore, #tpu.memory_space<semaphore_mem>>)
      %dma_wait3A = arith.constant 0 : i32
      %dma_wait3A_55 = tpu.memref_slice %arg4[%mul3A_0, %dma_wait3A] : memref<8x10000xf32, #tpu.memory_space<hbm>> -> memref<1x10000xf32, #tpu.memory_space<hbm>>
      %dma_wait3A_56 = tpu.memref_squeeze %dma_wait3A_55 : memref<1x10000xf32, #tpu.memory_space<hbm>> -> memref<10000xf32, #tpu.memory_space<hbm>>
      %dma_wait3A_57 = arith.constant 0 : i32
      %dma_wait3A_58 = tpu.memref_slice %arg4[%mul3A_0, %dma_wait3A_57] : memref<8x10000xf32, #tpu.memory_space<hbm>> -> memref<1x10000xf32, #tpu.memory_space<hbm>>
      %dma_wait3A_59 = tpu.memref_squeeze %dma_wait3A_58 : memref<1x10000xf32, #tpu.memory_space<hbm>> -> memref<10000xf32, #tpu.memory_space<hbm>>
      tpu.wait_dma2 semaphore(%run_scoped3A_49 : memref<!tpu.dma_semaphore, #tpu.memory_space<semaphore_mem>>) src(%dma_wait3A_59 : memref<10000xf32, #tpu.memory_space<hbm>>) dst(%arg8 : memref<10000xf32, #tpu.memory_space<vmem>>)
      tpu.yield
    }) : () -> ()
    %mul3A_1 = arith.constant 2 : i32
    %mul3A_2 = arith.muli %mul3A_1, %arg0 : i32
    %add3A = arith.constant 1 : i32
    %add3A_3 = arith.addi %mul3A_2, %add3A : i32
    "tpu.region"() ({
      %run_scoped3A_49 = tpu.sem_alloc : memref<!tpu.dma_semaphore, #tpu.memory_space<semaphore_mem>>
      %dma_start3A = arith.constant 0 : i32
      %dma_start3A_50 = tpu.memref_slice %arg4[%add3A_3, %dma_start3A] : memref<8x10000xf32, #tpu.memory_space<hbm>> -> memref<1x10000xf32, #tpu.memory_space<hbm>>
      %dma_start3A_51 = tpu.memref_squeeze %dma_start3A_50 : memref<1x10000xf32, #tpu.memory_space<hbm>> -> memref<10000xf32, #tpu.memory_space<hbm>>
      %dma_start3A_52 = arith.constant 0 : i32
      %dma_start3A_53 = tpu.memref_slice %arg4[%add3A_3, %dma_start3A_52] : memref<8x10000xf32, #tpu.memory_space<hbm>> -> memref<1x10000xf32, #tpu.memory_space<hbm>>
      %dma_start3A_54 = tpu.memref_squeeze %dma_start3A_53 : memref<1x10000xf32, #tpu.memory_space<hbm>> -> memref<10000xf32, #tpu.memory_space<hbm>>
      tpu.enqueue_dma source(%dma_start3A_54 : memref<10000xf32, #tpu.memory_space<hbm>>) target(%arg9 : memref<10000xf32, #tpu.memory_space<vmem>>) target_semaphore(%run_scoped3A_49 : memref<!tpu.dma_semaphore, #tpu.memory_space<semaphore_mem>>)
      %dma_wait3A = arith.constant 0 : i32
      %dma_wait3A_55 = tpu.memref_slice %arg4[%add3A_3, %dma_wait3A] : memref<8x10000xf32, #tpu.memory_space<hbm>> -> memref<1x10000xf32, #tpu.memory_space<hbm>>
      %dma_wait3A_56 = tpu.memref_squeeze %dma_wait3A_55 : memref<1x10000xf32, #tpu.memory_space<hbm>> -> memref<10000xf32, #tpu.memory_space<hbm>>
      %dma_wait3A_57 = arith.constant 0 : i32
      %dma_wait3A_58 = tpu.memref_slice %arg4[%add3A_3, %dma_wait3A_57] : memref<8x10000xf32, #tpu.memory_space<hbm>> -> memref<1x10000xf32, #tpu.memory_space<hbm>>
      %dma_wait3A_59 = tpu.memref_squeeze %dma_wait3A_58 : memref<1x10000xf32, #tpu.memory_space<hbm>> -> memref<10000xf32, #tpu.memory_space<hbm>>
      tpu.wait_dma2 semaphore(%run_scoped3A_49 : memref<!tpu.dma_semaphore, #tpu.memory_space<semaphore_mem>>) src(%dma_wait3A_59 : memref<10000xf32, #tpu.memory_space<hbm>>) dst(%arg9 : memref<10000xf32, #tpu.memory_space<vmem>>)
      tpu.yield
    }) : () -> ()
    %mul3A_4 = arith.constant 640 : i32
    %mul3A_5 = arith.muli %arg1, %mul3A_4 : i32
    %mul3A_6 = arith.constant 640 : i32
    %mul3A_7 = arith.muli %arg1, %mul3A_6 : i32
    "tpu.region"() ({
      %run_scoped3A_49 = tpu.sem_alloc : memref<!tpu.dma_semaphore, #tpu.memory_space<semaphore_mem>>
      %dma_start3A = arith.constant 0 : i32
      %dma_start3A_50 = tpu.memref_slice %arg19[%mul3A_7, %dma_start3A] : memref<10240x64xf32, #tpu.memory_space<vmem_shared>> -> memref<640x64xf32, #tpu.memory_space<vmem_shared>>
      %dma_start3A_51 = arith.constant 0 : i32
      %dma_start3A_52 = tpu.memref_slice %arg5[%mul3A_5, %dma_start3A_51] : memref<10240x64xf32, #tpu.memory_space<hbm>> -> memref<640x64xf32, #tpu.memory_space<hbm>>
      tpu.enqueue_dma source(%dma_start3A_52 : memref<640x64xf32, #tpu.memory_space<hbm>>) target(%dma_start3A_50 : memref<640x64xf32, #tpu.memory_space<vmem_shared>>) target_semaphore(%run_scoped3A_49 : memref<!tpu.dma_semaphore, #tpu.memory_space<semaphore_mem>>)
      %dma_wait3A = arith.constant 0 : i32
      %dma_wait3A_53 = tpu.memref_slice %arg19[%mul3A_7, %dma_wait3A] : memref<10240x64xf32, #tpu.memory_space<vmem_shared>> -> memref<640x64xf32, #tpu.memory_space<vmem_shared>>
      %dma_wait3A_54 = arith.constant 0 : i32
      %dma_wait3A_55 = tpu.memref_slice %arg5[%mul3A_5, %dma_wait3A_54] : memref<10240x64xf32, #tpu.memory_space<hbm>> -> memref<640x64xf32, #tpu.memory_space<hbm>>
      tpu.wait_dma2 semaphore(%run_scoped3A_49 : memref<!tpu.dma_semaphore, #tpu.memory_space<semaphore_mem>>) src(%dma_wait3A_55 : memref<640x64xf32, #tpu.memory_space<hbm>>) dst(%dma_wait3A_53 : memref<640x64xf32, #tpu.memory_space<vmem_shared>>)
      tpu.yield
    }) : () -> ()
    %scan3A = arith.constant 0 : i32
    %scan3A_8 = arith.constant 0 : i32
    %scan3A_9 = arith.constant 640 : i32
    %scan3A_10 = arith.addi %scan3A_8, %scan3A_9 : i32
    %scan3A_11 = arith.constant 1 : i32
    scf.for %scan3A_49 = %scan3A_8 to %scan3A_10 step %scan3A_11  : i32 {
      %broadcast_in_dim3A = arith.constant 0.000000e+00 : f32
      %broadcast_in_dim3A_50 = vector.broadcast %broadcast_in_dim3A : f32 to vector<16xf32>
      %mul3A_51 = arith.constant 16 : i32
      %mul3A_52 = arith.muli %scan3A_49, %mul3A_51 : i32
      %swap3A = arith.index_cast %mul3A_52 : i32 to index
      %swap3A_53 = tpu.vector_load %arg14[%swap3A] {strides = array<i32>} : memref<10240xf32, #tpu.memory_space<vmem>>, vector<16xf32>,
      tpu.vector_store %arg14[%swap3A], %broadcast_in_dim3A_50 {strides = array<i32>} : memref<10240xf32, #tpu.memory_space<vmem>>, vector<16xf32>,
    }
    %scan3A_12 = arith.constant 640 : i32
    %barrier3A = arith.constant 0 : index
    tpu.barrier barrier_id(%barrier3A)
    %mul3A_13 = arith.constant 125 : i32
    %mul3A_14 = arith.muli %arg1, %mul3A_13 : i32
    %scan3A_15 = arith.constant 0 : i32
    %scan3A_16 = arith.constant 0 : i32
    %scan3A_17 = arith.constant 125 : i32
    %scan3A_18 = arith.addi %scan3A_16, %scan3A_17 : i32
    %scan3A_19 = arith.constant 1 : i32
    scf.for %scan3A_49 = %scan3A_16 to %scan3A_18 step %scan3A_19  : i32 {
      %add3A_50 = arith.addi %mul3A_14, %scan3A_49 : i32
      "tpu.region"() ({
        %run_scoped3A_515 = tpu.sem_alloc : memref<!tpu.dma_semaphore, #tpu.memory_space<semaphore_mem>>
        %dma_start3A_516 = arith.constant 0 : i32
        %dma_start3A_517 = arith.constant 0 : i32
        %dma_start3A_518 = arith.constant 0 : i32
        %dma_start3A_519 = tpu.memref_slice %arg3[%add3A_50, %dma_start3A_516, %dma_start3A_517, %dma_start3A_518] : memref<2000x2x2x80xi32, #tpu.memory_space<hbm>> -> memref<1x2x2x80xi32, #tpu.memory_space<hbm>>
        %dma_start3A_520 = tpu.memref_squeeze %dma_start3A_519 : memref<1x2x2x80xi32, #tpu.memory_space<hbm>> -> memref<2x2x80xi32, #tpu.memory_space<hbm>>
        %dma_start3A_521 = arith.constant 0 : i32
        %dma_start3A_522 = arith.constant 0 : i32
        %dma_start3A_523 = arith.constant 0 : i32
        %dma_start3A_524 = tpu.memref_slice %arg3[%add3A_50, %dma_start3A_521, %dma_start3A_522, %dma_start3A_523] : memref<2000x2x2x80xi32, #tpu.memory_space<hbm>> -> memref<1x2x2x80xi32, #tpu.memory_space<hbm>>
        %dma_start3A_525 = tpu.memref_squeeze %dma_start3A_524 : memref<1x2x2x80xi32, #tpu.memory_space<hbm>> -> memref<2x2x80xi32, #tpu.memory_space<hbm>>
        tpu.enqueue_dma source(%dma_start3A_525 : memref<2x2x80xi32, #tpu.memory_space<hbm>>) target(%arg10 : memref<2x2x80xi32, #tpu.memory_space<vmem>>) target_semaphore(%run_scoped3A_515 : memref<!tpu.dma_semaphore, #tpu.memory_space<semaphore_mem>>)
        %dma_wait3A_526 = arith.constant 0 : i32
        %dma_wait3A_527 = arith.constant 0 : i32
        %dma_wait3A_528 = arith.constant 0 : i32
        %dma_wait3A_529 = tpu.memref_slice %arg3[%add3A_50, %dma_wait3A_526, %dma_wait3A_527, %dma_wait3A_528] : memref<2000x2x2x80xi32, #tpu.memory_space<hbm>> -> memref<1x2x2x80xi32, #tpu.memory_space<hbm>>
        %dma_wait3A_530 = tpu.memref_squeeze %dma_wait3A_529 : memref<1x2x2x80xi32, #tpu.memory_space<hbm>> -> memref<2x2x80xi32, #tpu.memory_space<hbm>>
        %dma_wait3A_531 = arith.constant 0 : i32
        %dma_wait3A_532 = arith.constant 0 : i32
        %dma_wait3A_533 = arith.constant 0 : i32
        %dma_wait3A_534 = tpu.memref_slice %arg3[%add3A_50, %dma_wait3A_531, %dma_wait3A_532, %dma_wait3A_533] : memref<2000x2x2x80xi32, #tpu.memory_space<hbm>> -> memref<1x2x2x80xi32, #tpu.memory_space<hbm>>
        %dma_wait3A_535 = tpu.memref_squeeze %dma_wait3A_534 : memref<1x2x2x80xi32, #tpu.memory_space<hbm>> -> memref<2x2x80xi32, #tpu.memory_space<hbm>>
        tpu.wait_dma2 semaphore(%run_scoped3A_515 : memref<!tpu.dma_semaphore, #tpu.memory_space<semaphore_mem>>) src(%dma_wait3A_535 : memref<2x2x80xi32, #tpu.memory_space<hbm>>) dst(%arg10 : memref<2x2x80xi32, #tpu.memory_space<vmem>>)
        tpu.yield
      }) : () -> ()
      %get3A = arith.constant 0 : i32
      %get3A_51 = arith.constant 0 : i32
      %get3A_52 = arith.index_cast %get3A : i32 to index
      %get3A_53 = arith.index_cast %get3A_51 : i32 to index
      %get3A_54 = arith.constant 0 : index
      %get3A_55 = tpu.vector_load %arg10[%get3A_52, %get3A_53, %get3A_54] {strides = array<i32>} : memref<2x2x80xi32, #tpu.memory_space<vmem>>, vector<16xi32>,
      %mul3A_56 = arith.constant 2 : i32
      %mul3A_57 = vector.broadcast %mul3A_56 : i32 to vector<16xi32>
      %mul3A_58 = arith.muli %get3A_55, %mul3A_57 : vector<16xi32>
      %add3A_59 = vector.broadcast %arg0 : i32 to vector<16xi32>
      %add3A_60 = arith.addi %mul3A_58, %add3A_59 : vector<16xi32>
      %swap3A = arith.constant 0 : i32
      %swap3A_61 = arith.index_cast %swap3A : i32 to index
      %swap3A_62 = arith.constant 0 : index
      %swap3A_63 = tpu.vector_load %arg11[%swap3A_61, %swap3A_62] {strides = array<i32>} : memref<2x80xi32, #tpu.memory_space<vmem>>, vector<16xi32>,
      tpu.vector_store %arg11[%swap3A_61, %swap3A_62], %add3A_60 {strides = array<i32>} : memref<2x80xi32, #tpu.memory_space<vmem>>, vector<16xi32>,
      %get3A_64 = arith.constant 0 : i32
      %get3A_65 = arith.constant 0 : i32
      %get3A_66 = arith.index_cast %get3A_64 : i32 to index
      %get3A_67 = arith.index_cast %get3A_65 : i32 to index
      %get3A_68 = arith.constant 16 : index
      %get3A_69 = tpu.vector_load %arg10[%get3A_66, %get3A_67, %get3A_68] {strides = array<i32>} : memref<2x2x80xi32, #tpu.memory_space<vmem>>, vector<16xi32>,
      %mul3A_70 = arith.constant 2 : i32
      %mul3A_71 = vector.broadcast %mul3A_70 : i32 to vector<16xi32>
      %mul3A_72 = arith.muli %get3A_69, %mul3A_71 : vector<16xi32>
      %add3A_73 = vector.broadcast %arg0 : i32 to vector<16xi32>
      %add3A_74 = arith.addi %mul3A_72, %add3A_73 : vector<16xi32>
      %swap3A_75 = arith.constant 0 : i32
      %swap3A_76 = arith.index_cast %swap3A_75 : i32 to index
      %swap3A_77 = arith.constant 16 : index
      %swap3A_78 = tpu.vector_load %arg11[%swap3A_76, %swap3A_77] {strides = array<i32>} : memref<2x80xi32, #tpu.memory_space<vmem>>, vector<16xi32>,
      tpu.vector_store %arg11[%swap3A_76, %swap3A_77], %add3A_74 {strides = array<i32>} : memref<2x80xi32, #tpu.memory_space<vmem>>, vector<16xi32>,
      %get3A_79 = arith.constant 0 : i32
      %get3A_80 = arith.constant 0 : i32
      %get3A_81 = arith.index_cast %get3A_79 : i32 to index
      %get3A_82 = arith.index_cast %get3A_80 : i32 to index
      %get3A_83 = arith.constant 32 : index
      %get3A_84 = tpu.vector_load %arg10[%get3A_81, %get3A_82, %get3A_83] {strides = array<i32>} : memref<2x2x80xi32, #tpu.memory_space<vmem>>, vector<16xi32>,
      %mul3A_85 = arith.constant 2 : i32
      %mul3A_86 = vector.broadcast %mul3A_85 : i32 to vector<16xi32>
      %mul3A_87 = arith.muli %get3A_84, %mul3A_86 : vector<16xi32>
      %add3A_88 = vector.broadcast %arg0 : i32 to vector<16xi32>
      %add3A_89 = arith.addi %mul3A_87, %add3A_88 : vector<16xi32>
      %swap3A_90 = arith.constant 0 : i32
      %swap3A_91 = arith.index_cast %swap3A_90 : i32 to index
      %swap3A_92 = arith.constant 32 : index
      %swap3A_93 = tpu.vector_load %arg11[%swap3A_91, %swap3A_92] {strides = array<i32>} : memref<2x80xi32, #tpu.memory_space<vmem>>, vector<16xi32>,
      tpu.vector_store %arg11[%swap3A_91, %swap3A_92], %add3A_89 {strides = array<i32>} : memref<2x80xi32, #tpu.memory_space<vmem>>, vector<16xi32>,
      %get3A_94 = arith.constant 0 : i32
      %get3A_95 = arith.constant 0 : i32
      %get3A_96 = arith.index_cast %get3A_94 : i32 to index
      %get3A_97 = arith.index_cast %get3A_95 : i32 to index
      %get3A_98 = arith.constant 48 : index
      %get3A_99 = tpu.vector_load %arg10[%get3A_96, %get3A_97, %get3A_98] {strides = array<i32>} : memref<2x2x80xi32, #tpu.memory_space<vmem>>, vector<16xi32>,
      %mul3A_100 = arith.constant 2 : i32
      %mul3A_101 = vector.broadcast %mul3A_100 : i32 to vector<16xi32>
      %mul3A_102 = arith.muli %get3A_99, %mul3A_101 : vector<16xi32>
      %add3A_103 = vector.broadcast %arg0 : i32 to vector<16xi32>
      %add3A_104 = arith.addi %mul3A_102, %add3A_103 : vector<16xi32>
      %swap3A_105 = arith.constant 0 : i32
      %swap3A_106 = arith.index_cast %swap3A_105 : i32 to index
      %swap3A_107 = arith.constant 48 : index
      %swap3A_108 = tpu.vector_load %arg11[%swap3A_106, %swap3A_107] {strides = array<i32>} : memref<2x80xi32, #tpu.memory_space<vmem>>, vector<16xi32>,
      tpu.vector_store %arg11[%swap3A_106, %swap3A_107], %add3A_104 {strides = array<i32>} : memref<2x80xi32, #tpu.memory_space<vmem>>, vector<16xi32>,
      %get3A_109 = arith.constant 0 : i32
      %get3A_110 = arith.constant 0 : i32
      %get3A_111 = arith.index_cast %get3A_109 : i32 to index
      %get3A_112 = arith.index_cast %get3A_110 : i32 to index
      %get3A_113 = arith.constant 64 : index
      %get3A_114 = tpu.vector_load %arg10[%get3A_111, %get3A_112, %get3A_113] {strides = array<i32>} : memref<2x2x80xi32, #tpu.memory_space<vmem>>, vector<16xi32>,
      %mul3A_115 = arith.constant 2 : i32
      %mul3A_116 = vector.broadcast %mul3A_115 : i32 to vector<16xi32>
      %mul3A_117 = arith.muli %get3A_114, %mul3A_116 : vector<16xi32>
      %add3A_118 = vector.broadcast %arg0 : i32 to vector<16xi32>
      %add3A_119 = arith.addi %mul3A_117, %add3A_118 : vector<16xi32>
      %swap3A_120 = arith.constant 0 : i32
      %swap3A_121 = arith.index_cast %swap3A_120 : i32 to index
      %swap3A_122 = arith.constant 64 : index
      %swap3A_123 = tpu.vector_load %arg11[%swap3A_121, %swap3A_122] {strides = array<i32>} : memref<2x80xi32, #tpu.memory_space<vmem>>, vector<16xi32>,
      tpu.vector_store %arg11[%swap3A_121, %swap3A_122], %add3A_119 {strides = array<i32>} : memref<2x80xi32, #tpu.memory_space<vmem>>, vector<16xi32>,
      %get3A_124 = arith.constant 0 : i32
      %get3A_125 = arith.constant 1 : i32
      %get3A_126 = arith.index_cast %get3A_124 : i32 to index
      %get3A_127 = arith.index_cast %get3A_125 : i32 to index
      %get3A_128 = arith.constant 0 : index
      %get3A_129 = tpu.vector_load %arg10[%get3A_126, %get3A_127, %get3A_128] {strides = array<i32>} : memref<2x2x80xi32, #tpu.memory_space<vmem>>, vector<16xi32>,
      %mul3A_130 = arith.constant 2 : i32
      %mul3A_131 = vector.broadcast %mul3A_130 : i32 to vector<16xi32>
      %mul3A_132 = arith.muli %get3A_129, %mul3A_131 : vector<16xi32>
      %add3A_133 = vector.broadcast %arg0 : i32 to vector<16xi32>
      %add3A_134 = arith.addi %mul3A_132, %add3A_133 : vector<16xi32>
      %swap3A_135 = arith.constant 1 : i32
      %swap3A_136 = arith.index_cast %swap3A_135 : i32 to index
      %swap3A_137 = arith.constant 0 : index
      %swap3A_138 = tpu.vector_load %arg11[%swap3A_136, %swap3A_137] {strides = array<i32>} : memref<2x80xi32, #tpu.memory_space<vmem>>, vector<16xi32>,
      tpu.vector_store %arg11[%swap3A_136, %swap3A_137], %add3A_134 {strides = array<i32>} : memref<2x80xi32, #tpu.memory_space<vmem>>, vector<16xi32>,
      %get3A_139 = arith.constant 0 : i32
      %get3A_140 = arith.constant 1 : i32
      %get3A_141 = arith.index_cast %get3A_139 : i32 to index
      %get3A_142 = arith.index_cast %get3A_140 : i32 to index
      %get3A_143 = arith.constant 16 : index
      %get3A_144 = tpu.vector_load %arg10[%get3A_141, %get3A_142, %get3A_143] {strides = array<i32>} : memref<2x2x80xi32, #tpu.memory_space<vmem>>, vector<16xi32>,
      %mul3A_145 = arith.constant 2 : i32
      %mul3A_146 = vector.broadcast %mul3A_145 : i32 to vector<16xi32>
      %mul3A_147 = arith.muli %get3A_144, %mul3A_146 : vector<16xi32>
      %add3A_148 = vector.broadcast %arg0 : i32 to vector<16xi32>
      %add3A_149 = arith.addi %mul3A_147, %add3A_148 : vector<16xi32>
      %swap3A_150 = arith.constant 1 : i32
      %swap3A_151 = arith.index_cast %swap3A_150 : i32 to index
      %swap3A_152 = arith.constant 16 : index
      %swap3A_153 = tpu.vector_load %arg11[%swap3A_151, %swap3A_152] {strides = array<i32>} : memref<2x80xi32, #tpu.memory_space<vmem>>, vector<16xi32>,
      tpu.vector_store %arg11[%swap3A_151, %swap3A_152], %add3A_149 {strides = array<i32>} : memref<2x80xi32, #tpu.memory_space<vmem>>, vector<16xi32>,
      %get3A_154 = arith.constant 0 : i32
      %get3A_155 = arith.constant 1 : i32
      %get3A_156 = arith.index_cast %get3A_154 : i32 to index
      %get3A_157 = arith.index_cast %get3A_155 : i32 to index
      %get3A_158 = arith.constant 32 : index
      %get3A_159 = tpu.vector_load %arg10[%get3A_156, %get3A_157, %get3A_158] {strides = array<i32>} : memref<2x2x80xi32, #tpu.memory_space<vmem>>, vector<16xi32>,
      %mul3A_160 = arith.constant 2 : i32
      %mul3A_161 = vector.broadcast %mul3A_160 : i32 to vector<16xi32>
      %mul3A_162 = arith.muli %get3A_159, %mul3A_161 : vector<16xi32>
      %add3A_163 = vector.broadcast %arg0 : i32 to vector<16xi32>
      %add3A_164 = arith.addi %mul3A_162, %add3A_163 : vector<16xi32>
      %swap3A_165 = arith.constant 1 : i32
      %swap3A_166 = arith.index_cast %swap3A_165 : i32 to index
      %swap3A_167 = arith.constant 32 : index
      %swap3A_168 = tpu.vector_load %arg11[%swap3A_166, %swap3A_167] {strides = array<i32>} : memref<2x80xi32, #tpu.memory_space<vmem>>, vector<16xi32>,
      tpu.vector_store %arg11[%swap3A_166, %swap3A_167], %add3A_164 {strides = array<i32>} : memref<2x80xi32, #tpu.memory_space<vmem>>, vector<16xi32>,
      %get3A_169 = arith.constant 0 : i32
      %get3A_170 = arith.constant 1 : i32
      %get3A_171 = arith.index_cast %get3A_169 : i32 to index
      %get3A_172 = arith.index_cast %get3A_170 : i32 to index
      %get3A_173 = arith.constant 48 : index
      %get3A_174 = tpu.vector_load %arg10[%get3A_171, %get3A_172, %get3A_173] {strides = array<i32>} : memref<2x2x80xi32, #tpu.memory_space<vmem>>, vector<16xi32>,
      %mul3A_175 = arith.constant 2 : i32
      %mul3A_176 = vector.broadcast %mul3A_175 : i32 to vector<16xi32>
      %mul3A_177 = arith.muli %get3A_174, %mul3A_176 : vector<16xi32>
      %add3A_178 = vector.broadcast %arg0 : i32 to vector<16xi32>
      %add3A_179 = arith.addi %mul3A_177, %add3A_178 : vector<16xi32>
      %swap3A_180 = arith.constant 1 : i32
      %swap3A_181 = arith.index_cast %swap3A_180 : i32 to index
      %swap3A_182 = arith.constant 48 : index
      %swap3A_183 = tpu.vector_load %arg11[%swap3A_181, %swap3A_182] {strides = array<i32>} : memref<2x80xi32, #tpu.memory_space<vmem>>, vector<16xi32>,
      tpu.vector_store %arg11[%swap3A_181, %swap3A_182], %add3A_179 {strides = array<i32>} : memref<2x80xi32, #tpu.memory_space<vmem>>, vector<16xi32>,
      %get3A_184 = arith.constant 0 : i32
      %get3A_185 = arith.constant 1 : i32
      %get3A_186 = arith.index_cast %get3A_184 : i32 to index
      %get3A_187 = arith.index_cast %get3A_185 : i32 to index
      %get3A_188 = arith.constant 64 : index
      %get3A_189 = tpu.vector_load %arg10[%get3A_186, %get3A_187, %get3A_188] {strides = array<i32>} : memref<2x2x80xi32, #tpu.memory_space<vmem>>, vector<16xi32>,
      %mul3A_190 = arith.constant 2 : i32
      %mul3A_191 = vector.broadcast %mul3A_190 : i32 to vector<16xi32>
      %mul3A_192 = arith.muli %get3A_189, %mul3A_191 : vector<16xi32>
      %add3A_193 = vector.broadcast %arg0 : i32 to vector<16xi32>
      %add3A_194 = arith.addi %mul3A_192, %add3A_193 : vector<16xi32>
      %swap3A_195 = arith.constant 1 : i32
      %swap3A_196 = arith.index_cast %swap3A_195 : i32 to index
      %swap3A_197 = arith.constant 64 : index
      %swap3A_198 = tpu.vector_load %arg11[%swap3A_196, %swap3A_197] {strides = array<i32>} : memref<2x80xi32, #tpu.memory_space<vmem>>, vector<16xi32>,
      tpu.vector_store %arg11[%swap3A_196, %swap3A_197], %add3A_194 {strides = array<i32>} : memref<2x80xi32, #tpu.memory_space<vmem>>, vector<16xi32>,
      %dma_start3A = arith.constant 0 : i32
      %dma_start3A_199 = arith.constant 0 : i32
      %dma_start3A_200 = tpu.memref_slice %arg11[%dma_start3A, %dma_start3A_199] : memref<2x80xi32, #tpu.memory_space<vmem>> -> memref<1x80xi32, #tpu.memory_space<vmem>>
      %dma_start3A_201 = tpu.memref_squeeze %dma_start3A_200 : memref<1x80xi32, #tpu.memory_space<vmem>> -> memref<80xi32, #tpu.memory_space<vmem>>
      %dma_start3A_202 = arith.constant 0 : i32
      %dma_start3A_203 = arith.constant 0 : i32
      %dma_start3A_204 = tpu.memref_slice %arg2[%dma_start3A_202, %dma_start3A_203] : memref<20000x64xf32, #tpu.memory_space<hbm>> -> memref<20000x64xf32, #tpu.memory_space<hbm>>
      tpu.enqueue_indirect_dma source(%dma_start3A_204 : memref<20000x64xf32, #tpu.memory_space<hbm>>) target(%arg17 : memref<80x64xf32, #tpu.memory_space<vmem>>) offsets(%dma_start3A_201 : memref<80xi32, #tpu.memory_space<vmem>>) semaphore(%arg21 : memref<!tpu.dma_semaphore, #tpu.memory_space<semaphore_mem>>)
      %dma_start3A_205 = arith.constant 1 : i32
      %dma_start3A_206 = arith.constant 0 : i32
      %dma_start3A_207 = tpu.memref_slice %arg11[%dma_start3A_205, %dma_start3A_206] : memref<2x80xi32, #tpu.memory_space<vmem>> -> memref<1x80xi32, #tpu.memory_space<vmem>>
      %dma_start3A_208 = tpu.memref_squeeze %dma_start3A_207 : memref<1x80xi32, #tpu.memory_space<vmem>> -> memref<80xi32, #tpu.memory_space<vmem>>
      %dma_start3A_209 = arith.constant 0 : i32
      %dma_start3A_210 = arith.constant 0 : i32
      %dma_start3A_211 = tpu.memref_slice %arg2[%dma_start3A_209, %dma_start3A_210] : memref<20000x64xf32, #tpu.memory_space<hbm>> -> memref<20000x64xf32, #tpu.memory_space<hbm>>
      tpu.enqueue_indirect_dma source(%dma_start3A_211 : memref<20000x64xf32, #tpu.memory_space<hbm>>) target(%arg18 : memref<80x64xf32, #tpu.memory_space<vmem>>) offsets(%dma_start3A_208 : memref<80xi32, #tpu.memory_space<vmem>>) semaphore(%arg22 : memref<!tpu.dma_semaphore, #tpu.memory_space<semaphore_mem>>)
      %get3A_212 = arith.constant 0 : i32
      %get3A_213 = arith.constant 0 : i32
      %get3A_214 = arith.index_cast %get3A_212 : i32 to index
      %get3A_215 = arith.index_cast %get3A_213 : i32 to index
      %get3A_216 = arith.constant 0 : index
      %get3A_217 = tpu.vector_load %arg10[%get3A_214, %get3A_215, %get3A_216] {strides = array<i32>} : memref<2x2x80xi32, #tpu.memory_space<vmem>>, vector<16xi32>,
      %get3A_218 = arith.constant 1 : i32
      %get3A_219 = arith.constant 0 : i32
      %get3A_220 = arith.index_cast %get3A_218 : i32 to index
      %get3A_221 = arith.index_cast %get3A_219 : i32 to index
      %get3A_222 = arith.constant 0 : index
      %get3A_223 = tpu.vector_load %arg10[%get3A_220, %get3A_221, %get3A_222] {strides = array<i32>} : memref<2x2x80xi32, #tpu.memory_space<vmem>>, vector<16xi32>,
      %gather3A = tpu.vector_load_idx %arg8[%get3A_217] : memref<10000xf32, #tpu.memory_space<vmem>>[vector<16xi32>], vector<16xf32>,
      %gather3A_224 = tpu.vector_load_idx %arg9[%get3A_223] : memref<10000xf32, #tpu.memory_space<vmem>>[vector<16xi32>], vector<16xf32>,
      %add3A_225 = arith.addf %gather3A, %gather3A_224 : vector<16xf32>
      %ge3A = arith.constant 0.000000e+00 : f32
      %ge3A_226 = vector.broadcast %ge3A : f32 to vector<16xf32>
      %ge3A_227 = arith.cmpf oge, %add3A_225, %ge3A_226 : vector<16xf32>
      %mul3A_228 = arith.constant 2.000000e-01 : f32
      %mul3A_229 = vector.broadcast %mul3A_228 : f32 to vector<16xf32>
      %mul3A_230 = arith.mulf %mul3A_229, %add3A_225 : vector<16xf32>
      %select_n3A = arith.select %ge3A_227, %add3A_225, %mul3A_230 : vector<16xi1>, vector<16xf32>
      %exp3A = math.exp %select_n3A : vector<16xf32>
      %swap3A_231 = arith.constant 0 : index
      %swap3A_232 = tpu.vector_load %arg12[%swap3A_231] {strides = array<i32>} : memref<80xf32, #tpu.memory_space<vmem>>, vector<16xf32>,
      tpu.vector_store %arg12[%swap3A_231], %exp3A {strides = array<i32>} : memref<80xf32, #tpu.memory_space<vmem>>, vector<16xf32>,
      tpu.vector_store_idx %arg14[%get3A_223], %exp3A {add = true} : memref<10240xf32, #tpu.memory_space<vmem>>[vector<16xi32>], vector<16xf32>,
      %get3A_233 = arith.constant 0 : i32
      %get3A_234 = arith.constant 0 : i32
      %get3A_235 = arith.index_cast %get3A_233 : i32 to index
      %get3A_236 = arith.index_cast %get3A_234 : i32 to index
      %get3A_237 = arith.constant 16 : index
      %get3A_238 = tpu.vector_load %arg10[%get3A_235, %get3A_236, %get3A_237] {strides = array<i32>} : memref<2x2x80xi32, #tpu.memory_space<vmem>>, vector<16xi32>,
      %get3A_239 = arith.constant 1 : i32
      %get3A_240 = arith.constant 0 : i32
      %get3A_241 = arith.index_cast %get3A_239 : i32 to index
      %get3A_242 = arith.index_cast %get3A_240 : i32 to index
      %get3A_243 = arith.constant 16 : index
      %get3A_244 = tpu.vector_load %arg10[%get3A_241, %get3A_242, %get3A_243] {strides = array<i32>} : memref<2x2x80xi32, #tpu.memory_space<vmem>>, vector<16xi32>,
      %gather3A_245 = tpu.vector_load_idx %arg8[%get3A_238] : memref<10000xf32, #tpu.memory_space<vmem>>[vector<16xi32>], vector<16xf32>,
      %gather3A_246 = tpu.vector_load_idx %arg9[%get3A_244] : memref<10000xf32, #tpu.memory_space<vmem>>[vector<16xi32>], vector<16xf32>,
      %add3A_247 = arith.addf %gather3A_245, %gather3A_246 : vector<16xf32>
      %ge3A_248 = arith.constant 0.000000e+00 : f32
      %ge3A_249 = vector.broadcast %ge3A_248 : f32 to vector<16xf32>
      %ge3A_250 = arith.cmpf oge, %add3A_247, %ge3A_249 : vector<16xf32>
      %mul3A_251 = arith.constant 2.000000e-01 : f32
      %mul3A_252 = vector.broadcast %mul3A_251 : f32 to vector<16xf32>
      %mul3A_253 = arith.mulf %mul3A_252, %add3A_247 : vector<16xf32>
      %select_n3A_254 = arith.select %ge3A_250, %add3A_247, %mul3A_253 : vector<16xi1>, vector<16xf32>
      %exp3A_255 = math.exp %select_n3A_254 : vector<16xf32>
      %swap3A_256 = arith.constant 16 : index
      %swap3A_257 = tpu.vector_load %arg12[%swap3A_256] {strides = array<i32>} : memref<80xf32, #tpu.memory_space<vmem>>, vector<16xf32>,
      tpu.vector_store %arg12[%swap3A_256], %exp3A_255 {strides = array<i32>} : memref<80xf32, #tpu.memory_space<vmem>>, vector<16xf32>,
      tpu.vector_store_idx %arg14[%get3A_244], %exp3A_255 {add = true} : memref<10240xf32, #tpu.memory_space<vmem>>[vector<16xi32>], vector<16xf32>,
      %get3A_258 = arith.constant 0 : i32
      %get3A_259 = arith.constant 0 : i32
      %get3A_260 = arith.index_cast %get3A_258 : i32 to index
      %get3A_261 = arith.index_cast %get3A_259 : i32 to index
      %get3A_262 = arith.constant 32 : index
      %get3A_263 = tpu.vector_load %arg10[%get3A_260, %get3A_261, %get3A_262] {strides = array<i32>} : memref<2x2x80xi32, #tpu.memory_space<vmem>>, vector<16xi32>,
      %get3A_264 = arith.constant 1 : i32
      %get3A_265 = arith.constant 0 : i32
      %get3A_266 = arith.index_cast %get3A_264 : i32 to index
      %get3A_267 = arith.index_cast %get3A_265 : i32 to index
      %get3A_268 = arith.constant 32 : index
      %get3A_269 = tpu.vector_load %arg10[%get3A_266, %get3A_267, %get3A_268] {strides = array<i32>} : memref<2x2x80xi32, #tpu.memory_space<vmem>>, vector<16xi32>,
      %gather3A_270 = tpu.vector_load_idx %arg8[%get3A_263] : memref<10000xf32, #tpu.memory_space<vmem>>[vector<16xi32>], vector<16xf32>,
      %gather3A_271 = tpu.vector_load_idx %arg9[%get3A_269] : memref<10000xf32, #tpu.memory_space<vmem>>[vector<16xi32>], vector<16xf32>,
      %add3A_272 = arith.addf %gather3A_270, %gather3A_271 : vector<16xf32>
      %ge3A_273 = arith.constant 0.000000e+00 : f32
      %ge3A_274 = vector.broadcast %ge3A_273 : f32 to vector<16xf32>
      %ge3A_275 = arith.cmpf oge, %add3A_272, %ge3A_274 : vector<16xf32>
      %mul3A_276 = arith.constant 2.000000e-01 : f32
      %mul3A_277 = vector.broadcast %mul3A_276 : f32 to vector<16xf32>
      %mul3A_278 = arith.mulf %mul3A_277, %add3A_272 : vector<16xf32>
      %select_n3A_279 = arith.select %ge3A_275, %add3A_272, %mul3A_278 : vector<16xi1>, vector<16xf32>
      %exp3A_280 = math.exp %select_n3A_279 : vector<16xf32>
      %swap3A_281 = arith.constant 32 : index
      %swap3A_282 = tpu.vector_load %arg12[%swap3A_281] {strides = array<i32>} : memref<80xf32, #tpu.memory_space<vmem>>, vector<16xf32>,
      tpu.vector_store %arg12[%swap3A_281], %exp3A_280 {strides = array<i32>} : memref<80xf32, #tpu.memory_space<vmem>>, vector<16xf32>,
      tpu.vector_store_idx %arg14[%get3A_269], %exp3A_280 {add = true} : memref<10240xf32, #tpu.memory_space<vmem>>[vector<16xi32>], vector<16xf32>,
      %get3A_283 = arith.constant 0 : i32
      %get3A_284 = arith.constant 0 : i32
      %get3A_285 = arith.index_cast %get3A_283 : i32 to index
      %get3A_286 = arith.index_cast %get3A_284 : i32 to index
      %get3A_287 = arith.constant 48 : index
      %get3A_288 = tpu.vector_load %arg10[%get3A_285, %get3A_286, %get3A_287] {strides = array<i32>} : memref<2x2x80xi32, #tpu.memory_space<vmem>>, vector<16xi32>,
      %get3A_289 = arith.constant 1 : i32
      %get3A_290 = arith.constant 0 : i32
      %get3A_291 = arith.index_cast %get3A_289 : i32 to index
      %get3A_292 = arith.index_cast %get3A_290 : i32 to index
      %get3A_293 = arith.constant 48 : index
      %get3A_294 = tpu.vector_load %arg10[%get3A_291, %get3A_292, %get3A_293] {strides = array<i32>} : memref<2x2x80xi32, #tpu.memory_space<vmem>>, vector<16xi32>,
      %gather3A_295 = tpu.vector_load_idx %arg8[%get3A_288] : memref<10000xf32, #tpu.memory_space<vmem>>[vector<16xi32>], vector<16xf32>,
      %gather3A_296 = tpu.vector_load_idx %arg9[%get3A_294] : memref<10000xf32, #tpu.memory_space<vmem>>[vector<16xi32>], vector<16xf32>,
      %add3A_297 = arith.addf %gather3A_295, %gather3A_296 : vector<16xf32>
      %ge3A_298 = arith.constant 0.000000e+00 : f32
      %ge3A_299 = vector.broadcast %ge3A_298 : f32 to vector<16xf32>
      %ge3A_300 = arith.cmpf oge, %add3A_297, %ge3A_299 : vector<16xf32>
      %mul3A_301 = arith.constant 2.000000e-01 : f32
      %mul3A_302 = vector.broadcast %mul3A_301 : f32 to vector<16xf32>
      %mul3A_303 = arith.mulf %mul3A_302, %add3A_297 : vector<16xf32>
      %select_n3A_304 = arith.select %ge3A_300, %add3A_297, %mul3A_303 : vector<16xi1>, vector<16xf32>
      %exp3A_305 = math.exp %select_n3A_304 : vector<16xf32>
      %swap3A_306 = arith.constant 48 : index
      %swap3A_307 = tpu.vector_load %arg12[%swap3A_306] {strides = array<i32>} : memref<80xf32, #tpu.memory_space<vmem>>, vector<16xf32>,
      tpu.vector_store %arg12[%swap3A_306], %exp3A_305 {strides = array<i32>} : memref<80xf32, #tpu.memory_space<vmem>>, vector<16xf32>,
      tpu.vector_store_idx %arg14[%get3A_294], %exp3A_305 {add = true} : memref<10240xf32, #tpu.memory_space<vmem>>[vector<16xi32>], vector<16xf32>,
      %get3A_308 = arith.constant 0 : i32
      %get3A_309 = arith.constant 0 : i32
      %get3A_310 = arith.index_cast %get3A_308 : i32 to index
      %get3A_311 = arith.index_cast %get3A_309 : i32 to index
      %get3A_312 = arith.constant 64 : index
      %get3A_313 = tpu.vector_load %arg10[%get3A_310, %get3A_311, %get3A_312] {strides = array<i32>} : memref<2x2x80xi32, #tpu.memory_space<vmem>>, vector<16xi32>,
      %get3A_314 = arith.constant 1 : i32
      %get3A_315 = arith.constant 0 : i32
      %get3A_316 = arith.index_cast %get3A_314 : i32 to index
      %get3A_317 = arith.index_cast %get3A_315 : i32 to index
      %get3A_318 = arith.constant 64 : index
      %get3A_319 = tpu.vector_load %arg10[%get3A_316, %get3A_317, %get3A_318] {strides = array<i32>} : memref<2x2x80xi32, #tpu.memory_space<vmem>>, vector<16xi32>,
      %gather3A_320 = tpu.vector_load_idx %arg8[%get3A_313] : memref<10000xf32, #tpu.memory_space<vmem>>[vector<16xi32>], vector<16xf32>,
      %gather3A_321 = tpu.vector_load_idx %arg9[%get3A_319] : memref<10000xf32, #tpu.memory_space<vmem>>[vector<16xi32>], vector<16xf32>,
      %add3A_322 = arith.addf %gather3A_320, %gather3A_321 : vector<16xf32>
      %ge3A_323 = arith.constant 0.000000e+00 : f32
      %ge3A_324 = vector.broadcast %ge3A_323 : f32 to vector<16xf32>
      %ge3A_325 = arith.cmpf oge, %add3A_322, %ge3A_324 : vector<16xf32>
      %mul3A_326 = arith.constant 2.000000e-01 : f32
      %mul3A_327 = vector.broadcast %mul3A_326 : f32 to vector<16xf32>
      %mul3A_328 = arith.mulf %mul3A_327, %add3A_322 : vector<16xf32>
      %select_n3A_329 = arith.select %ge3A_325, %add3A_322, %mul3A_328 : vector<16xi1>, vector<16xf32>
      %exp3A_330 = math.exp %select_n3A_329 : vector<16xf32>
      %swap3A_331 = arith.constant 64 : index
      %swap3A_332 = tpu.vector_load %arg12[%swap3A_331] {strides = array<i32>} : memref<80xf32, #tpu.memory_space<vmem>>, vector<16xf32>,
      tpu.vector_store %arg12[%swap3A_331], %exp3A_330 {strides = array<i32>} : memref<80xf32, #tpu.memory_space<vmem>>, vector<16xf32>,
      tpu.vector_store_idx %arg14[%get3A_319], %exp3A_330 {add = true} : memref<10240xf32, #tpu.memory_space<vmem>>[vector<16xi32>], vector<16xf32>,
      %get3A_333 = arith.constant 0 : i32
      %get3A_334 = arith.constant 1 : i32
      %get3A_335 = arith.index_cast %get3A_333 : i32 to index
      %get3A_336 = arith.index_cast %get3A_334 : i32 to index
      %get3A_337 = arith.constant 0 : index
      %get3A_338 = tpu.vector_load %arg10[%get3A_335, %get3A_336, %get3A_337] {strides = array<i32>} : memref<2x2x80xi32, #tpu.memory_space<vmem>>, vector<16xi32>,
      %get3A_339 = arith.constant 1 : i32
      %get3A_340 = arith.constant 1 : i32
      %get3A_341 = arith.index_cast %get3A_339 : i32 to index
      %get3A_342 = arith.index_cast %get3A_340 : i32 to index
      %get3A_343 = arith.constant 0 : index
      %get3A_344 = tpu.vector_load %arg10[%get3A_341, %get3A_342, %get3A_343] {strides = array<i32>} : memref<2x2x80xi32, #tpu.memory_space<vmem>>, vector<16xi32>,
      %gather3A_345 = tpu.vector_load_idx %arg8[%get3A_338] : memref<10000xf32, #tpu.memory_space<vmem>>[vector<16xi32>], vector<16xf32>,
      %gather3A_346 = tpu.vector_load_idx %arg9[%get3A_344] : memref<10000xf32, #tpu.memory_space<vmem>>[vector<16xi32>], vector<16xf32>,
      %add3A_347 = arith.addf %gather3A_345, %gather3A_346 : vector<16xf32>
      %ge3A_348 = arith.constant 0.000000e+00 : f32
      %ge3A_349 = vector.broadcast %ge3A_348 : f32 to vector<16xf32>
      %ge3A_350 = arith.cmpf oge, %add3A_347, %ge3A_349 : vector<16xf32>
      %mul3A_351 = arith.constant 2.000000e-01 : f32
      %mul3A_352 = vector.broadcast %mul3A_351 : f32 to vector<16xf32>
      %mul3A_353 = arith.mulf %mul3A_352, %add3A_347 : vector<16xf32>
      %select_n3A_354 = arith.select %ge3A_350, %add3A_347, %mul3A_353 : vector<16xi1>, vector<16xf32>
      %exp3A_355 = math.exp %select_n3A_354 : vector<16xf32>
      %swap3A_356 = arith.constant 0 : index
      %swap3A_357 = tpu.vector_load %arg13[%swap3A_356] {strides = array<i32>} : memref<80xf32, #tpu.memory_space<vmem>>, vector<16xf32>,
      tpu.vector_store %arg13[%swap3A_356], %exp3A_355 {strides = array<i32>} : memref<80xf32, #tpu.memory_space<vmem>>, vector<16xf32>,
      tpu.vector_store_idx %arg14[%get3A_344], %exp3A_355 {add = true} : memref<10240xf32, #tpu.memory_space<vmem>>[vector<16xi32>], vector<16xf32>,
      %get3A_358 = arith.constant 0 : i32
      %get3A_359 = arith.constant 1 : i32
      %get3A_360 = arith.index_cast %get3A_358 : i32 to index
      %get3A_361 = arith.index_cast %get3A_359 : i32 to index
      %get3A_362 = arith.constant 16 : index
      %get3A_363 = tpu.vector_load %arg10[%get3A_360, %get3A_361, %get3A_362] {strides = array<i32>} : memref<2x2x80xi32, #tpu.memory_space<vmem>>, vector<16xi32>,
      %get3A_364 = arith.constant 1 : i32
      %get3A_365 = arith.constant 1 : i32
      %get3A_366 = arith.index_cast %get3A_364 : i32 to index
      %get3A_367 = arith.index_cast %get3A_365 : i32 to index
      %get3A_368 = arith.constant 16 : index
      %get3A_369 = tpu.vector_load %arg10[%get3A_366, %get3A_367, %get3A_368] {strides = array<i32>} : memref<2x2x80xi32, #tpu.memory_space<vmem>>, vector<16xi32>,
      %gather3A_370 = tpu.vector_load_idx %arg8[%get3A_363] : memref<10000xf32, #tpu.memory_space<vmem>>[vector<16xi32>], vector<16xf32>,
      %gather3A_371 = tpu.vector_load_idx %arg9[%get3A_369] : memref<10000xf32, #tpu.memory_space<vmem>>[vector<16xi32>], vector<16xf32>,
      %add3A_372 = arith.addf %gather3A_370, %gather3A_371 : vector<16xf32>
      %ge3A_373 = arith.constant 0.000000e+00 : f32
      %ge3A_374 = vector.broadcast %ge3A_373 : f32 to vector<16xf32>
      %ge3A_375 = arith.cmpf oge, %add3A_372, %ge3A_374 : vector<16xf32>
      %mul3A_376 = arith.constant 2.000000e-01 : f32
      %mul3A_377 = vector.broadcast %mul3A_376 : f32 to vector<16xf32>
      %mul3A_378 = arith.mulf %mul3A_377, %add3A_372 : vector<16xf32>
      %select_n3A_379 = arith.select %ge3A_375, %add3A_372, %mul3A_378 : vector<16xi1>, vector<16xf32>
      %exp3A_380 = math.exp %select_n3A_379 : vector<16xf32>
      %swap3A_381 = arith.constant 16 : index
      %swap3A_382 = tpu.vector_load %arg13[%swap3A_381] {strides = array<i32>} : memref<80xf32, #tpu.memory_space<vmem>>, vector<16xf32>,
      tpu.vector_store %arg13[%swap3A_381], %exp3A_380 {strides = array<i32>} : memref<80xf32, #tpu.memory_space<vmem>>, vector<16xf32>,
      tpu.vector_store_idx %arg14[%get3A_369], %exp3A_380 {add = true} : memref<10240xf32, #tpu.memory_space<vmem>>[vector<16xi32>], vector<16xf32>,
      %get3A_383 = arith.constant 0 : i32
      %get3A_384 = arith.constant 1 : i32
      %get3A_385 = arith.index_cast %get3A_383 : i32 to index
      %get3A_386 = arith.index_cast %get3A_384 : i32 to index
      %get3A_387 = arith.constant 32 : index
      %get3A_388 = tpu.vector_load %arg10[%get3A_385, %get3A_386, %get3A_387] {strides = array<i32>} : memref<2x2x80xi32, #tpu.memory_space<vmem>>, vector<16xi32>,
      %get3A_389 = arith.constant 1 : i32
      %get3A_390 = arith.constant 1 : i32
      %get3A_391 = arith.index_cast %get3A_389 : i32 to index
      %get3A_392 = arith.index_cast %get3A_390 : i32 to index
      %get3A_393 = arith.constant 32 : index
      %get3A_394 = tpu.vector_load %arg10[%get3A_391, %get3A_392, %get3A_393] {strides = array<i32>} : memref<2x2x80xi32, #tpu.memory_space<vmem>>, vector<16xi32>,
      %gather3A_395 = tpu.vector_load_idx %arg8[%get3A_388] : memref<10000xf32, #tpu.memory_space<vmem>>[vector<16xi32>], vector<16xf32>,
      %gather3A_396 = tpu.vector_load_idx %arg9[%get3A_394] : memref<10000xf32, #tpu.memory_space<vmem>>[vector<16xi32>], vector<16xf32>,
      %add3A_397 = arith.addf %gather3A_395, %gather3A_396 : vector<16xf32>
      %ge3A_398 = arith.constant 0.000000e+00 : f32
      %ge3A_399 = vector.broadcast %ge3A_398 : f32 to vector<16xf32>
      %ge3A_400 = arith.cmpf oge, %add3A_397, %ge3A_399 : vector<16xf32>
      %mul3A_401 = arith.constant 2.000000e-01 : f32
      %mul3A_402 = vector.broadcast %mul3A_401 : f32 to vector<16xf32>
      %mul3A_403 = arith.mulf %mul3A_402, %add3A_397 : vector<16xf32>
      %select_n3A_404 = arith.select %ge3A_400, %add3A_397, %mul3A_403 : vector<16xi1>, vector<16xf32>
      %exp3A_405 = math.exp %select_n3A_404 : vector<16xf32>
      %swap3A_406 = arith.constant 32 : index
      %swap3A_407 = tpu.vector_load %arg13[%swap3A_406] {strides = array<i32>} : memref<80xf32, #tpu.memory_space<vmem>>, vector<16xf32>,
      tpu.vector_store %arg13[%swap3A_406], %exp3A_405 {strides = array<i32>} : memref<80xf32, #tpu.memory_space<vmem>>, vector<16xf32>,
      tpu.vector_store_idx %arg14[%get3A_394], %exp3A_405 {add = true} : memref<10240xf32, #tpu.memory_space<vmem>>[vector<16xi32>], vector<16xf32>,
      %get3A_408 = arith.constant 0 : i32
      %get3A_409 = arith.constant 1 : i32
      %get3A_410 = arith.index_cast %get3A_408 : i32 to index
      %get3A_411 = arith.index_cast %get3A_409 : i32 to index
      %get3A_412 = arith.constant 48 : index
      %get3A_413 = tpu.vector_load %arg10[%get3A_410, %get3A_411, %get3A_412] {strides = array<i32>} : memref<2x2x80xi32, #tpu.memory_space<vmem>>, vector<16xi32>,
      %get3A_414 = arith.constant 1 : i32
      %get3A_415 = arith.constant 1 : i32
      %get3A_416 = arith.index_cast %get3A_414 : i32 to index
      %get3A_417 = arith.index_cast %get3A_415 : i32 to index
      %get3A_418 = arith.constant 48 : index
      %get3A_419 = tpu.vector_load %arg10[%get3A_416, %get3A_417, %get3A_418] {strides = array<i32>} : memref<2x2x80xi32, #tpu.memory_space<vmem>>, vector<16xi32>,
      %gather3A_420 = tpu.vector_load_idx %arg8[%get3A_413] : memref<10000xf32, #tpu.memory_space<vmem>>[vector<16xi32>], vector<16xf32>,
      %gather3A_421 = tpu.vector_load_idx %arg9[%get3A_419] : memref<10000xf32, #tpu.memory_space<vmem>>[vector<16xi32>], vector<16xf32>,
      %add3A_422 = arith.addf %gather3A_420, %gather3A_421 : vector<16xf32>
      %ge3A_423 = arith.constant 0.000000e+00 : f32
      %ge3A_424 = vector.broadcast %ge3A_423 : f32 to vector<16xf32>
      %ge3A_425 = arith.cmpf oge, %add3A_422, %ge3A_424 : vector<16xf32>
      %mul3A_426 = arith.constant 2.000000e-01 : f32
      %mul3A_427 = vector.broadcast %mul3A_426 : f32 to vector<16xf32>
      %mul3A_428 = arith.mulf %mul3A_427, %add3A_422 : vector<16xf32>
      %select_n3A_429 = arith.select %ge3A_425, %add3A_422, %mul3A_428 : vector<16xi1>, vector<16xf32>
      %exp3A_430 = math.exp %select_n3A_429 : vector<16xf32>
      %swap3A_431 = arith.constant 48 : index
      %swap3A_432 = tpu.vector_load %arg13[%swap3A_431] {strides = array<i32>} : memref<80xf32, #tpu.memory_space<vmem>>, vector<16xf32>,
      tpu.vector_store %arg13[%swap3A_431], %exp3A_430 {strides = array<i32>} : memref<80xf32, #tpu.memory_space<vmem>>, vector<16xf32>,
      tpu.vector_store_idx %arg14[%get3A_419], %exp3A_430 {add = true} : memref<10240xf32, #tpu.memory_space<vmem>>[vector<16xi32>], vector<16xf32>,
      %get3A_433 = arith.constant 0 : i32
      %get3A_434 = arith.constant 1 : i32
      %get3A_435 = arith.index_cast %get3A_433 : i32 to index
      %get3A_436 = arith.index_cast %get3A_434 : i32 to index
      %get3A_437 = arith.constant 64 : index
      %get3A_438 = tpu.vector_load %arg10[%get3A_435, %get3A_436, %get3A_437] {strides = array<i32>} : memref<2x2x80xi32, #tpu.memory_space<vmem>>, vector<16xi32>,
      %get3A_439 = arith.constant 1 : i32
      %get3A_440 = arith.constant 1 : i32
      %get3A_441 = arith.index_cast %get3A_439 : i32 to index
      %get3A_442 = arith.index_cast %get3A_440 : i32 to index
      %get3A_443 = arith.constant 64 : index
      %get3A_444 = tpu.vector_load %arg10[%get3A_441, %get3A_442, %get3A_443] {strides = array<i32>} : memref<2x2x80xi32, #tpu.memory_space<vmem>>, vector<16xi32>,
      %gather3A_445 = tpu.vector_load_idx %arg8[%get3A_438] : memref<10000xf32, #tpu.memory_space<vmem>>[vector<16xi32>], vector<16xf32>,
      %gather3A_446 = tpu.vector_load_idx %arg9[%get3A_444] : memref<10000xf32, #tpu.memory_space<vmem>>[vector<16xi32>], vector<16xf32>,
      %add3A_447 = arith.addf %gather3A_445, %gather3A_446 : vector<16xf32>
      %ge3A_448 = arith.constant 0.000000e+00 : f32
      %ge3A_449 = vector.broadcast %ge3A_448 : f32 to vector<16xf32>
      %ge3A_450 = arith.cmpf oge, %add3A_447, %ge3A_449 : vector<16xf32>
      %mul3A_451 = arith.constant 2.000000e-01 : f32
      %mul3A_452 = vector.broadcast %mul3A_451 : f32 to vector<16xf32>
      %mul3A_453 = arith.mulf %mul3A_452, %add3A_447 : vector<16xf32>
      %select_n3A_454 = arith.select %ge3A_450, %add3A_447, %mul3A_453 : vector<16xi1>, vector<16xf32>
      %exp3A_455 = math.exp %select_n3A_454 : vector<16xf32>
      %swap3A_456 = arith.constant 64 : index
      %swap3A_457 = tpu.vector_load %arg13[%swap3A_456] {strides = array<i32>} : memref<80xf32, #tpu.memory_space<vmem>>, vector<16xf32>,
      tpu.vector_store %arg13[%swap3A_456], %exp3A_455 {strides = array<i32>} : memref<80xf32, #tpu.memory_space<vmem>>, vector<16xf32>,
      tpu.vector_store_idx %arg14[%get3A_444], %exp3A_455 {add = true} : memref<10240xf32, #tpu.memory_space<vmem>>[vector<16xi32>], vector<16xf32>,
      %dma_wait3A = arith.constant 0 : i32
      %dma_wait3A_458 = arith.constant 0 : i32
      %dma_wait3A_459 = tpu.memref_slice %arg11[%dma_wait3A, %dma_wait3A_458] : memref<2x80xi32, #tpu.memory_space<vmem>> -> memref<1x80xi32, #tpu.memory_space<vmem>>
      %dma_wait3A_460 = tpu.memref_squeeze %dma_wait3A_459 : memref<1x80xi32, #tpu.memory_space<vmem>> -> memref<80xi32, #tpu.memory_space<vmem>>
      %dma_wait3A_461 = arith.constant 0 : i32
      %dma_wait3A_462 = arith.constant 0 : i32
      %dma_wait3A_463 = tpu.memref_slice %arg2[%dma_wait3A_461, %dma_wait3A_462] : memref<20000x64xf32, #tpu.memory_space<hbm>> -> memref<20000x64xf32, #tpu.memory_space<hbm>>
      tpu.wait_indirect_dma semaphore(%arg21 : memref<!tpu.dma_semaphore, #tpu.memory_space<semaphore_mem>>) src(%dma_wait3A_463 : memref<20000x64xf32, #tpu.memory_space<hbm>>) dst(%arg17 : memref<80x64xf32, #tpu.memory_space<vmem>>)
      %scan3A_464 = arith.constant 0 : i32
      %scan3A_465 = arith.constant 0 : i32
      %scan3A_466 = arith.constant 40 : i32
      %scan3A_467 = arith.addi %scan3A_465, %scan3A_466 : i32
      %scan3A_468 = arith.constant 1 : i32
      scf.for %scan3A_515 = %scan3A_465 to %scan3A_467 step %scan3A_468  : i32 {
        %mul3A_516 = arith.constant 2 : i32
        %mul3A_517 = arith.muli %mul3A_516, %scan3A_515 : i32
        %broadcast_in_dim3A = vector.broadcast %mul3A_517 : i32 to vector<16xi32>
        %gather3A_518 = tpu.vector_load_idx %arg12[%broadcast_in_dim3A] : memref<80xf32, #tpu.memory_space<vmem>>[vector<16xi32>], vector<16xf32>,
        %add3A_519 = arith.constant 1 : i32
        %add3A_520 = arith.addi %mul3A_517, %add3A_519 : i32
        %broadcast_in_dim3A_521 = vector.broadcast %add3A_520 : i32 to vector<16xi32>
        %gather3A_522 = tpu.vector_load_idx %arg12[%broadcast_in_dim3A_521] : memref<80xf32, #tpu.memory_space<vmem>>[vector<16xi32>], vector<16xf32>,
        %get3A_523 = arith.index_cast %mul3A_517 : i32 to index
        %get3A_524 = arith.constant 0 : index
        %get3A_525 = tpu.vector_load %arg17[%get3A_523, %get3A_524] {strides = array<i32>} : memref<80x64xf32, #tpu.memory_space<vmem>>, vector<16xf32>,
        %get3A_526 = arith.index_cast %mul3A_517 : i32 to index
        %get3A_527 = arith.constant 16 : index
        %get3A_528 = tpu.vector_load %arg17[%get3A_526, %get3A_527] {strides = array<i32>} : memref<80x64xf32, #tpu.memory_space<vmem>>, vector<16xf32>,
        %get3A_529 = arith.index_cast %mul3A_517 : i32 to index
        %get3A_530 = arith.constant 32 : index
        %get3A_531 = tpu.vector_load %arg17[%get3A_529, %get3A_530] {strides = array<i32>} : memref<80x64xf32, #tpu.memory_space<vmem>>, vector<16xf32>,
        %get3A_532 = arith.index_cast %mul3A_517 : i32 to index
        %get3A_533 = arith.constant 48 : index
        %get3A_534 = tpu.vector_load %arg17[%get3A_532, %get3A_533] {strides = array<i32>} : memref<80x64xf32, #tpu.memory_space<vmem>>, vector<16xf32>,
        %add3A_535 = arith.constant 1 : i32
        %add3A_536 = arith.addi %mul3A_517, %add3A_535 : i32
        %get3A_537 = arith.index_cast %add3A_536 : i32 to index
        %get3A_538 = arith.constant 0 : index
        %get3A_539 = tpu.vector_load %arg17[%get3A_537, %get3A_538] {strides = array<i32>} : memref<80x64xf32, #tpu.memory_space<vmem>>, vector<16xf32>,
        %add3A_540 = arith.constant 1 : i32
        %add3A_541 = arith.addi %mul3A_517, %add3A_540 : i32
        %get3A_542 = arith.index_cast %add3A_541 : i32 to index
        %get3A_543 = arith.constant 16 : index
        %get3A_544 = tpu.vector_load %arg17[%get3A_542, %get3A_543] {strides = array<i32>} : memref<80x64xf32, #tpu.memory_space<vmem>>, vector<16xf32>,
        %add3A_545 = arith.constant 1 : i32
        %add3A_546 = arith.addi %mul3A_517, %add3A_545 : i32
        %get3A_547 = arith.index_cast %add3A_546 : i32 to index
        %get3A_548 = arith.constant 32 : index
        %get3A_549 = tpu.vector_load %arg17[%get3A_547, %get3A_548] {strides = array<i32>} : memref<80x64xf32, #tpu.memory_space<vmem>>, vector<16xf32>,
        %add3A_550 = arith.constant 1 : i32
        %add3A_551 = arith.addi %mul3A_517, %add3A_550 : i32
        %get3A_552 = arith.index_cast %add3A_551 : i32 to index
        %get3A_553 = arith.constant 48 : index
        %get3A_554 = tpu.vector_load %arg17[%get3A_552, %get3A_553] {strides = array<i32>} : memref<80x64xf32, #tpu.memory_space<vmem>>, vector<16xf32>,
        %mul3A_555 = arith.mulf %get3A_525, %gather3A_518 : vector<16xf32>
        %swap3A_556 = arith.index_cast %mul3A_517 : i32 to index
        %swap3A_557 = arith.constant 0 : index
        %swap3A_558 = tpu.vector_load %arg17[%swap3A_556, %swap3A_557] {strides = array<i32>} : memref<80x64xf32, #tpu.memory_space<vmem>>, vector<16xf32>,
        tpu.vector_store %arg17[%swap3A_556, %swap3A_557], %mul3A_555 {strides = array<i32>} : memref<80x64xf32, #tpu.memory_space<vmem>>, vector<16xf32>,
        %mul3A_559 = arith.mulf %get3A_528, %gather3A_518 : vector<16xf32>
        %swap3A_560 = arith.index_cast %mul3A_517 : i32 to index
        %swap3A_561 = arith.constant 16 : index
        %swap3A_562 = tpu.vector_load %arg17[%swap3A_560, %swap3A_561] {strides = array<i32>} : memref<80x64xf32, #tpu.memory_space<vmem>>, vector<16xf32>,
        tpu.vector_store %arg17[%swap3A_560, %swap3A_561], %mul3A_559 {strides = array<i32>} : memref<80x64xf32, #tpu.memory_space<vmem>>, vector<16xf32>,
        %mul3A_563 = arith.mulf %get3A_531, %gather3A_518 : vector<16xf32>
        %swap3A_564 = arith.index_cast %mul3A_517 : i32 to index
        %swap3A_565 = arith.constant 32 : index
        %swap3A_566 = tpu.vector_load %arg17[%swap3A_564, %swap3A_565] {strides = array<i32>} : memref<80x64xf32, #tpu.memory_space<vmem>>, vector<16xf32>,
        tpu.vector_store %arg17[%swap3A_564, %swap3A_565], %mul3A_563 {strides = array<i32>} : memref<80x64xf32, #tpu.memory_space<vmem>>, vector<16xf32>,
        %mul3A_567 = arith.mulf %get3A_534, %gather3A_518 : vector<16xf32>
        %swap3A_568 = arith.index_cast %mul3A_517 : i32 to index
        %swap3A_569 = arith.constant 48 : index
        %swap3A_570 = tpu.vector_load %arg17[%swap3A_568, %swap3A_569] {strides = array<i32>} : memref<80x64xf32, #tpu.memory_space<vmem>>, vector<16xf32>,
        tpu.vector_store %arg17[%swap3A_568, %swap3A_569], %mul3A_567 {strides = array<i32>} : memref<80x64xf32, #tpu.memory_space<vmem>>, vector<16xf32>,
        %mul3A_571 = arith.mulf %get3A_539, %gather3A_522 : vector<16xf32>
        %add3A_572 = arith.constant 1 : i32
        %add3A_573 = arith.addi %mul3A_517, %add3A_572 : i32
        %swap3A_574 = arith.index_cast %add3A_573 : i32 to index
        %swap3A_575 = arith.constant 0 : index
        %swap3A_576 = tpu.vector_load %arg17[%swap3A_574, %swap3A_575] {strides = array<i32>} : memref<80x64xf32, #tpu.memory_space<vmem>>, vector<16xf32>,
        tpu.vector_store %arg17[%swap3A_574, %swap3A_575], %mul3A_571 {strides = array<i32>} : memref<80x64xf32, #tpu.memory_space<vmem>>, vector<16xf32>,
        %mul3A_577 = arith.mulf %get3A_544, %gather3A_522 : vector<16xf32>
        %add3A_578 = arith.constant 1 : i32
        %add3A_579 = arith.addi %mul3A_517, %add3A_578 : i32
        %swap3A_580 = arith.index_cast %add3A_579 : i32 to index
        %swap3A_581 = arith.constant 16 : index
        %swap3A_582 = tpu.vector_load %arg17[%swap3A_580, %swap3A_581] {strides = array<i32>} : memref<80x64xf32, #tpu.memory_space<vmem>>, vector<16xf32>,
        tpu.vector_store %arg17[%swap3A_580, %swap3A_581], %mul3A_577 {strides = array<i32>} : memref<80x64xf32, #tpu.memory_space<vmem>>, vector<16xf32>,
        %mul3A_583 = arith.mulf %get3A_549, %gather3A_522 : vector<16xf32>
        %add3A_584 = arith.constant 1 : i32
        %add3A_585 = arith.addi %mul3A_517, %add3A_584 : i32
        %swap3A_586 = arith.index_cast %add3A_585 : i32 to index
        %swap3A_587 = arith.constant 32 : index
        %swap3A_588 = tpu.vector_load %arg17[%swap3A_586, %swap3A_587] {strides = array<i32>} : memref<80x64xf32, #tpu.memory_space<vmem>>, vector<16xf32>,
        tpu.vector_store %arg17[%swap3A_586, %swap3A_587], %mul3A_583 {strides = array<i32>} : memref<80x64xf32, #tpu.memory_space<vmem>>, vector<16xf32>,
        %mul3A_589 = arith.mulf %get3A_554, %gather3A_522 : vector<16xf32>
        %add3A_590 = arith.constant 1 : i32
        %add3A_591 = arith.addi %mul3A_517, %add3A_590 : i32
        %swap3A_592 = arith.index_cast %add3A_591 : i32 to index
        %swap3A_593 = arith.constant 48 : index
        %swap3A_594 = tpu.vector_load %arg17[%swap3A_592, %swap3A_593] {strides = array<i32>} : memref<80x64xf32, #tpu.memory_space<vmem>>, vector<16xf32>,
        tpu.vector_store %arg17[%swap3A_592, %swap3A_593], %mul3A_589 {strides = array<i32>} : memref<80x64xf32, #tpu.memory_space<vmem>>, vector<16xf32>,
      }
      %scan3A_469 = arith.constant 40 : i32
      %dma_start3A_470 = arith.constant 1 : i32
      %dma_start3A_471 = arith.constant 0 : i32
      %dma_start3A_472 = arith.constant 0 : i32
      %dma_start3A_473 = tpu.memref_slice %arg10[%dma_start3A_470, %dma_start3A_471, %dma_start3A_472] : memref<2x2x80xi32, #tpu.memory_space<vmem>> -> memref<1x1x80xi32, #tpu.memory_space<vmem>>
      %dma_start3A_474 = tpu.memref_squeeze %dma_start3A_473 : memref<1x1x80xi32, #tpu.memory_space<vmem>> -> memref<80xi32, #tpu.memory_space<vmem>>
      %dma_start3A_475 = arith.constant 0 : i32
      %dma_start3A_476 = arith.constant 0 : i32
      %dma_start3A_477 = tpu.memref_slice %arg19[%dma_start3A_475, %dma_start3A_476] : memref<10240x64xf32, #tpu.memory_space<vmem_shared>> -> memref<10240x64xf32, #tpu.memory_space<vmem_shared>>
      tpu.enqueue_indirect_dma source(%arg17 : memref<80x64xf32, #tpu.memory_space<vmem>>) target(%dma_start3A_477 : memref<10240x64xf32, #tpu.memory_space<vmem_shared>>) offsets(%dma_start3A_474 : memref<80xi32, #tpu.memory_space<vmem>>) semaphore(%arg23 : memref<!tpu.dma_semaphore, #tpu.memory_space<semaphore_mem>>) {add = true}
      %dma_wait3A_478 = arith.constant 1 : i32
      %dma_wait3A_479 = arith.constant 0 : i32
      %dma_wait3A_480 = tpu.memref_slice %arg11[%dma_wait3A_478, %dma_wait3A_479] : memref<2x80xi32, #tpu.memory_space<vmem>> -> memref<1x80xi32, #tpu.memory_space<vmem>>
      %dma_wait3A_481 = tpu.memref_squeeze %dma_wait3A_480 : memref<1x80xi32, #tpu.memory_space<vmem>> -> memref<80xi32, #tpu.memory_space<vmem>>
      %dma_wait3A_482 = arith.constant 0 : i32
      %dma_wait3A_483 = arith.constant 0 : i32
      %dma_wait3A_484 = tpu.memref_slice %arg2[%dma_wait3A_482, %dma_wait3A_483] : memref<20000x64xf32, #tpu.memory_space<hbm>> -> memref<20000x64xf32, #tpu.memory_space<hbm>>
      tpu.wait_indirect_dma semaphore(%arg22 : memref<!tpu.dma_semaphore, #tpu.memory_space<semaphore_mem>>) src(%dma_wait3A_484 : memref<20000x64xf32, #tpu.memory_space<hbm>>) dst(%arg18 : memref<80x64xf32, #tpu.memory_space<vmem>>)
      %scan3A_485 = arith.constant 0 : i32
      %scan3A_486 = arith.constant 0 : i32
      %scan3A_487 = arith.constant 40 : i32
      %scan3A_488 = arith.addi %scan3A_486, %scan3A_487 : i32
      %scan3A_489 = arith.constant 1 : i32
      scf.for %scan3A_515 = %scan3A_486 to %scan3A_488 step %scan3A_489  : i32 {
        %mul3A_516 = arith.constant 2 : i32
        %mul3A_517 = arith.muli %mul3A_516, %scan3A_515 : i32
        %broadcast_in_dim3A = vector.broadcast %mul3A_517 : i32 to vector<16xi32>
        %gather3A_518 = tpu.vector_load_idx %arg13[%broadcast_in_dim3A] : memref<80xf32, #tpu.memory_space<vmem>>[vector<16xi32>], vector<16xf32>,
        %add3A_519 = arith.constant 1 : i32
        %add3A_520 = arith.addi %mul3A_517, %add3A_519 : i32
        %broadcast_in_dim3A_521 = vector.broadcast %add3A_520 : i32 to vector<16xi32>
        %gather3A_522 = tpu.vector_load_idx %arg13[%broadcast_in_dim3A_521] : memref<80xf32, #tpu.memory_space<vmem>>[vector<16xi32>], vector<16xf32>,
        %get3A_523 = arith.index_cast %mul3A_517 : i32 to index
        %get3A_524 = arith.constant 0 : index
        %get3A_525 = tpu.vector_load %arg18[%get3A_523, %get3A_524] {strides = array<i32>} : memref<80x64xf32, #tpu.memory_space<vmem>>, vector<16xf32>,
        %get3A_526 = arith.index_cast %mul3A_517 : i32 to index
        %get3A_527 = arith.constant 16 : index
        %get3A_528 = tpu.vector_load %arg18[%get3A_526, %get3A_527] {strides = array<i32>} : memref<80x64xf32, #tpu.memory_space<vmem>>, vector<16xf32>,
        %get3A_529 = arith.index_cast %mul3A_517 : i32 to index
        %get3A_530 = arith.constant 32 : index
        %get3A_531 = tpu.vector_load %arg18[%get3A_529, %get3A_530] {strides = array<i32>} : memref<80x64xf32, #tpu.memory_space<vmem>>, vector<16xf32>,
        %get3A_532 = arith.index_cast %mul3A_517 : i32 to index
        %get3A_533 = arith.constant 48 : index
        %get3A_534 = tpu.vector_load %arg18[%get3A_532, %get3A_533] {strides = array<i32>} : memref<80x64xf32, #tpu.memory_space<vmem>>, vector<16xf32>,
        %add3A_535 = arith.constant 1 : i32
        %add3A_536 = arith.addi %mul3A_517, %add3A_535 : i32
        %get3A_537 = arith.index_cast %add3A_536 : i32 to index
        %get3A_538 = arith.constant 0 : index
        %get3A_539 = tpu.vector_load %arg18[%get3A_537, %get3A_538] {strides = array<i32>} : memref<80x64xf32, #tpu.memory_space<vmem>>, vector<16xf32>,
        %add3A_540 = arith.constant 1 : i32
        %add3A_541 = arith.addi %mul3A_517, %add3A_540 : i32
        %get3A_542 = arith.index_cast %add3A_541 : i32 to index
        %get3A_543 = arith.constant 16 : index
        %get3A_544 = tpu.vector_load %arg18[%get3A_542, %get3A_543] {strides = array<i32>} : memref<80x64xf32, #tpu.memory_space<vmem>>, vector<16xf32>,
        %add3A_545 = arith.constant 1 : i32
        %add3A_546 = arith.addi %mul3A_517, %add3A_545 : i32
        %get3A_547 = arith.index_cast %add3A_546 : i32 to index
        %get3A_548 = arith.constant 32 : index
        %get3A_549 = tpu.vector_load %arg18[%get3A_547, %get3A_548] {strides = array<i32>} : memref<80x64xf32, #tpu.memory_space<vmem>>, vector<16xf32>,
        %add3A_550 = arith.constant 1 : i32
        %add3A_551 = arith.addi %mul3A_517, %add3A_550 : i32
        %get3A_552 = arith.index_cast %add3A_551 : i32 to index
        %get3A_553 = arith.constant 48 : index
        %get3A_554 = tpu.vector_load %arg18[%get3A_552, %get3A_553] {strides = array<i32>} : memref<80x64xf32, #tpu.memory_space<vmem>>, vector<16xf32>,
        %mul3A_555 = arith.mulf %get3A_525, %gather3A_518 : vector<16xf32>
        %swap3A_556 = arith.index_cast %mul3A_517 : i32 to index
        %swap3A_557 = arith.constant 0 : index
        %swap3A_558 = tpu.vector_load %arg18[%swap3A_556, %swap3A_557] {strides = array<i32>} : memref<80x64xf32, #tpu.memory_space<vmem>>, vector<16xf32>,
        tpu.vector_store %arg18[%swap3A_556, %swap3A_557], %mul3A_555 {strides = array<i32>} : memref<80x64xf32, #tpu.memory_space<vmem>>, vector<16xf32>,
        %mul3A_559 = arith.mulf %get3A_528, %gather3A_518 : vector<16xf32>
        %swap3A_560 = arith.index_cast %mul3A_517 : i32 to index
        %swap3A_561 = arith.constant 16 : index
        %swap3A_562 = tpu.vector_load %arg18[%swap3A_560, %swap3A_561] {strides = array<i32>} : memref<80x64xf32, #tpu.memory_space<vmem>>, vector<16xf32>,
        tpu.vector_store %arg18[%swap3A_560, %swap3A_561], %mul3A_559 {strides = array<i32>} : memref<80x64xf32, #tpu.memory_space<vmem>>, vector<16xf32>,
        %mul3A_563 = arith.mulf %get3A_531, %gather3A_518 : vector<16xf32>
        %swap3A_564 = arith.index_cast %mul3A_517 : i32 to index
        %swap3A_565 = arith.constant 32 : index
        %swap3A_566 = tpu.vector_load %arg18[%swap3A_564, %swap3A_565] {strides = array<i32>} : memref<80x64xf32, #tpu.memory_space<vmem>>, vector<16xf32>,
        tpu.vector_store %arg18[%swap3A_564, %swap3A_565], %mul3A_563 {strides = array<i32>} : memref<80x64xf32, #tpu.memory_space<vmem>>, vector<16xf32>,
        %mul3A_567 = arith.mulf %get3A_534, %gather3A_518 : vector<16xf32>
        %swap3A_568 = arith.index_cast %mul3A_517 : i32 to index
        %swap3A_569 = arith.constant 48 : index
        %swap3A_570 = tpu.vector_load %arg18[%swap3A_568, %swap3A_569] {strides = array<i32>} : memref<80x64xf32, #tpu.memory_space<vmem>>, vector<16xf32>,
        tpu.vector_store %arg18[%swap3A_568, %swap3A_569], %mul3A_567 {strides = array<i32>} : memref<80x64xf32, #tpu.memory_space<vmem>>, vector<16xf32>,
        %mul3A_571 = arith.mulf %get3A_539, %gather3A_522 : vector<16xf32>
        %add3A_572 = arith.constant 1 : i32
        %add3A_573 = arith.addi %mul3A_517, %add3A_572 : i32
        %swap3A_574 = arith.index_cast %add3A_573 : i32 to index
        %swap3A_575 = arith.constant 0 : index
        %swap3A_576 = tpu.vector_load %arg18[%swap3A_574, %swap3A_575] {strides = array<i32>} : memref<80x64xf32, #tpu.memory_space<vmem>>, vector<16xf32>,
        tpu.vector_store %arg18[%swap3A_574, %swap3A_575], %mul3A_571 {strides = array<i32>} : memref<80x64xf32, #tpu.memory_space<vmem>>, vector<16xf32>,
        %mul3A_577 = arith.mulf %get3A_544, %gather3A_522 : vector<16xf32>
        %add3A_578 = arith.constant 1 : i32
        %add3A_579 = arith.addi %mul3A_517, %add3A_578 : i32
        %swap3A_580 = arith.index_cast %add3A_579 : i32 to index
        %swap3A_581 = arith.constant 16 : index
        %swap3A_582 = tpu.vector_load %arg18[%swap3A_580, %swap3A_581] {strides = array<i32>} : memref<80x64xf32, #tpu.memory_space<vmem>>, vector<16xf32>,
        tpu.vector_store %arg18[%swap3A_580, %swap3A_581], %mul3A_577 {strides = array<i32>} : memref<80x64xf32, #tpu.memory_space<vmem>>, vector<16xf32>,
        %mul3A_583 = arith.mulf %get3A_549, %gather3A_522 : vector<16xf32>
        %add3A_584 = arith.constant 1 : i32
        %add3A_585 = arith.addi %mul3A_517, %add3A_584 : i32
        %swap3A_586 = arith.index_cast %add3A_585 : i32 to index
        %swap3A_587 = arith.constant 32 : index
        %swap3A_588 = tpu.vector_load %arg18[%swap3A_586, %swap3A_587] {strides = array<i32>} : memref<80x64xf32, #tpu.memory_space<vmem>>, vector<16xf32>,
        tpu.vector_store %arg18[%swap3A_586, %swap3A_587], %mul3A_583 {strides = array<i32>} : memref<80x64xf32, #tpu.memory_space<vmem>>, vector<16xf32>,
        %mul3A_589 = arith.mulf %get3A_554, %gather3A_522 : vector<16xf32>
        %add3A_590 = arith.constant 1 : i32
        %add3A_591 = arith.addi %mul3A_517, %add3A_590 : i32
        %swap3A_592 = arith.index_cast %add3A_591 : i32 to index
        %swap3A_593 = arith.constant 48 : index
        %swap3A_594 = tpu.vector_load %arg18[%swap3A_592, %swap3A_593] {strides = array<i32>} : memref<80x64xf32, #tpu.memory_space<vmem>>, vector<16xf32>,
        tpu.vector_store %arg18[%swap3A_592, %swap3A_593], %mul3A_589 {strides = array<i32>} : memref<80x64xf32, #tpu.memory_space<vmem>>, vector<16xf32>,
      }
      %scan3A_490 = arith.constant 40 : i32
      %dma_start3A_491 = arith.constant 1 : i32
      %dma_start3A_492 = arith.constant 1 : i32
      %dma_start3A_493 = arith.constant 0 : i32
      %dma_start3A_494 = tpu.memref_slice %arg10[%dma_start3A_491, %dma_start3A_492, %dma_start3A_493] : memref<2x2x80xi32, #tpu.memory_space<vmem>> -> memref<1x1x80xi32, #tpu.memory_space<vmem>>
      %dma_start3A_495 = tpu.memref_squeeze %dma_start3A_494 : memref<1x1x80xi32, #tpu.memory_space<vmem>> -> memref<80xi32, #tpu.memory_space<vmem>>
      %dma_start3A_496 = arith.constant 0 : i32
      %dma_start3A_497 = arith.constant 0 : i32
      %dma_start3A_498 = tpu.memref_slice %arg19[%dma_start3A_496, %dma_start3A_497] : memref<10240x64xf32, #tpu.memory_space<vmem_shared>> -> memref<10240x64xf32, #tpu.memory_space<vmem_shared>>
      tpu.enqueue_indirect_dma source(%arg18 : memref<80x64xf32, #tpu.memory_space<vmem>>) target(%dma_start3A_498 : memref<10240x64xf32, #tpu.memory_space<vmem_shared>>) offsets(%dma_start3A_495 : memref<80xi32, #tpu.memory_space<vmem>>) semaphore(%arg24 : memref<!tpu.dma_semaphore, #tpu.memory_space<semaphore_mem>>) {add = true}
      %dma_wait3A_499 = arith.constant 1 : i32
      %dma_wait3A_500 = arith.constant 0 : i32
      %dma_wait3A_501 = arith.constant 0 : i32
      %dma_wait3A_502 = tpu.memref_slice %arg10[%dma_wait3A_499, %dma_wait3A_500, %dma_wait3A_501] : memref<2x2x80xi32, #tpu.memory_space<vmem>> -> memref<1x1x80xi32, #tpu.memory_space<vmem>>
      %dma_wait3A_503 = tpu.memref_squeeze %dma_wait3A_502 : memref<1x1x80xi32, #tpu.memory_space<vmem>> -> memref<80xi32, #tpu.memory_space<vmem>>
      %dma_wait3A_504 = arith.constant 0 : i32
      %dma_wait3A_505 = arith.constant 0 : i32
      %dma_wait3A_506 = tpu.memref_slice %arg19[%dma_wait3A_504, %dma_wait3A_505] : memref<10240x64xf32, #tpu.memory_space<vmem_shared>> -> memref<10240x64xf32, #tpu.memory_space<vmem_shared>>
      tpu.wait_indirect_dma semaphore(%arg23 : memref<!tpu.dma_semaphore, #tpu.memory_space<semaphore_mem>>) src(%arg17 : memref<80x64xf32, #tpu.memory_space<vmem>>) dst(%dma_wait3A_506 : memref<10240x64xf32, #tpu.memory_space<vmem_shared>>)
      %dma_wait3A_507 = arith.constant 1 : i32
      %dma_wait3A_508 = arith.constant 1 : i32
      %dma_wait3A_509 = arith.constant 0 : i32
      %dma_wait3A_510 = tpu.memref_slice %arg10[%dma_wait3A_507, %dma_wait3A_508, %dma_wait3A_509] : memref<2x2x80xi32, #tpu.memory_space<vmem>> -> memref<1x1x80xi32, #tpu.memory_space<vmem>>
      %dma_wait3A_511 = tpu.memref_squeeze %dma_wait3A_510 : memref<1x1x80xi32, #tpu.memory_space<vmem>> -> memref<80xi32, #tpu.memory_space<vmem>>
      %dma_wait3A_512 = arith.constant 0 : i32
      %dma_wait3A_513 = arith.constant 0 : i32
      %dma_wait3A_514 = tpu.memref_slice %arg19[%dma_wait3A_512, %dma_wait3A_513] : memref<10240x64xf32, #tpu.memory_space<vmem_shared>> -> memref<10240x64xf32, #tpu.memory_space<vmem_shared>>
      tpu.wait_indirect_dma semaphore(%arg24 : memref<!tpu.dma_semaphore, #tpu.memory_space<semaphore_mem>>) src(%arg18 : memref<80x64xf32, #tpu.memory_space<vmem>>) dst(%dma_wait3A_514 : memref<10240x64xf32, #tpu.memory_space<vmem_shared>>)
    }
    %scan3A_20 = arith.constant 125 : i32
    %run_scoped3A = arith.constant 0 : i32
    "tpu.region"() ({
      %run_scoped3A_49 = tpu.sem_alloc : memref<!tpu.dma_semaphore, #tpu.memory_space<semaphore_mem>>
      %dma_start3A = arith.constant 0 : i32
      %dma_start3A_50 = tpu.memref_slice %arg14[%dma_start3A] : memref<10240xf32, #tpu.memory_space<vmem>> -> memref<640xf32, #tpu.memory_space<vmem>>
      %dma_start3A_51 = arith.constant 0 : i32
      %dma_start3A_52 = tpu.memref_slice %arg20[%run_scoped3A, %arg1, %dma_start3A_51] : memref<16x16x640xf32, #tpu.memory_space<vmem_shared>> -> memref<1x1x640xf32, #tpu.memory_space<vmem_shared>>
      %dma_start3A_53 = tpu.memref_squeeze %dma_start3A_52 : memref<1x1x640xf32, #tpu.memory_space<vmem_shared>> -> memref<640xf32, #tpu.memory_space<vmem_shared>>
      %dma_start3A_54 = arith.constant 0 : i32
      %dma_start3A_55 = tpu.memref_slice %arg20[%run_scoped3A, %arg1, %dma_start3A_54] : memref<16x16x640xf32, #tpu.memory_space<vmem_shared>> -> memref<1x1x640xf32, #tpu.memory_space<vmem_shared>>
      %dma_start3A_56 = tpu.memref_squeeze %dma_start3A_55 : memref<1x1x640xf32, #tpu.memory_space<vmem_shared>> -> memref<640xf32, #tpu.memory_space<vmem_shared>>
      %dma_start3A_57 = arith.constant 0 : i32
      %dma_start3A_58 = tpu.memref_slice %arg14[%dma_start3A_57] : memref<10240xf32, #tpu.memory_space<vmem>> -> memref<640xf32, #tpu.memory_space<vmem>>
      tpu.enqueue_dma source(%dma_start3A_58 : memref<640xf32, #tpu.memory_space<vmem>>) target(%dma_start3A_56 : memref<640xf32, #tpu.memory_space<vmem_shared>>) target_semaphore(%run_scoped3A_49 : memref<!tpu.dma_semaphore, #tpu.memory_space<semaphore_mem>>)
      %dma_wait3A = arith.constant 0 : i32
      %dma_wait3A_59 = tpu.memref_slice %arg14[%dma_wait3A] : memref<10240xf32, #tpu.memory_space<vmem>> -> memref<640xf32, #tpu.memory_space<vmem>>
      %dma_wait3A_60 = arith.constant 0 : i32
      %dma_wait3A_61 = tpu.memref_slice %arg20[%run_scoped3A, %arg1, %dma_wait3A_60] : memref<16x16x640xf32, #tpu.memory_space<vmem_shared>> -> memref<1x1x640xf32, #tpu.memory_space<vmem_shared>>
      %dma_wait3A_62 = tpu.memref_squeeze %dma_wait3A_61 : memref<1x1x640xf32, #tpu.memory_space<vmem_shared>> -> memref<640xf32, #tpu.memory_space<vmem_shared>>
      %dma_wait3A_63 = arith.constant 0 : i32
      %dma_wait3A_64 = tpu.memref_slice %arg20[%run_scoped3A, %arg1, %dma_wait3A_63] : memref<16x16x640xf32, #tpu.memory_space<vmem_shared>> -> memref<1x1x640xf32, #tpu.memory_space<vmem_shared>>
      %dma_wait3A_65 = tpu.memref_squeeze %dma_wait3A_64 : memref<1x1x640xf32, #tpu.memory_space<vmem_shared>> -> memref<640xf32, #tpu.memory_space<vmem_shared>>
      %dma_wait3A_66 = arith.constant 0 : i32
      %dma_wait3A_67 = tpu.memref_slice %arg14[%dma_wait3A_66] : memref<10240xf32, #tpu.memory_space<vmem>> -> memref<640xf32, #tpu.memory_space<vmem>>
      tpu.wait_dma2 semaphore(%run_scoped3A_49 : memref<!tpu.dma_semaphore, #tpu.memory_space<semaphore_mem>>) src(%dma_wait3A_67 : memref<640xf32, #tpu.memory_space<vmem>>) dst(%dma_wait3A_65 : memref<640xf32, #tpu.memory_space<vmem_shared>>)
      tpu.yield
    }) : () -> ()
    %run_scoped3A_21 = arith.constant 1 : i32
    "tpu.region"() ({
      %run_scoped3A_49 = tpu.sem_alloc : memref<!tpu.dma_semaphore, #tpu.memory_space<semaphore_mem>>
      %dma_start3A = arith.constant 640 : i32
      %dma_start3A_50 = tpu.memref_slice %arg14[%dma_start3A] : memref<10240xf32, #tpu.memory_space<vmem>> -> memref<640xf32, #tpu.memory_space<vmem>>
      %dma_start3A_51 = arith.constant 0 : i32
      %dma_start3A_52 = tpu.memref_slice %arg20[%run_scoped3A_21, %arg1, %dma_start3A_51] : memref<16x16x640xf32, #tpu.memory_space<vmem_shared>> -> memref<1x1x640xf32, #tpu.memory_space<vmem_shared>>
      %dma_start3A_53 = tpu.memref_squeeze %dma_start3A_52 : memref<1x1x640xf32, #tpu.memory_space<vmem_shared>> -> memref<640xf32, #tpu.memory_space<vmem_shared>>
      %dma_start3A_54 = arith.constant 0 : i32
      %dma_start3A_55 = tpu.memref_slice %arg20[%run_scoped3A_21, %arg1, %dma_start3A_54] : memref<16x16x640xf32, #tpu.memory_space<vmem_shared>> -> memref<1x1x640xf32, #tpu.memory_space<vmem_shared>>
      %dma_start3A_56 = tpu.memref_squeeze %dma_start3A_55 : memref<1x1x640xf32, #tpu.memory_space<vmem_shared>> -> memref<640xf32, #tpu.memory_space<vmem_shared>>
      %dma_start3A_57 = arith.constant 640 : i32
      %dma_start3A_58 = tpu.memref_slice %arg14[%dma_start3A_57] : memref<10240xf32, #tpu.memory_space<vmem>> -> memref<640xf32, #tpu.memory_space<vmem>>
      tpu.enqueue_dma source(%dma_start3A_58 : memref<640xf32, #tpu.memory_space<vmem>>) target(%dma_start3A_56 : memref<640xf32, #tpu.memory_space<vmem_shared>>) target_semaphore(%run_scoped3A_49 : memref<!tpu.dma_semaphore, #tpu.memory_space<semaphore_mem>>)
      %dma_wait3A = arith.constant 640 : i32
      %dma_wait3A_59 = tpu.memref_slice %arg14[%dma_wait3A] : memref<10240xf32, #tpu.memory_space<vmem>> -> memref<640xf32, #tpu.memory_space<vmem>>
      %dma_wait3A_60 = arith.constant 0 : i32
      %dma_wait3A_61 = tpu.memref_slice %arg20[%run_scoped3A_21, %arg1, %dma_wait3A_60] : memref<16x16x640xf32, #tpu.memory_space<vmem_shared>> -> memref<1x1x640xf32, #tpu.memory_space<vmem_shared>>
      %dma_wait3A_62 = tpu.memref_squeeze %dma_wait3A_61 : memref<1x1x640xf32, #tpu.memory_space<vmem_shared>> -> memref<640xf32, #tpu.memory_space<vmem_shared>>
      %dma_wait3A_63 = arith.constant 0 : i32
      %dma_wait3A_64 = tpu.memref_slice %arg20[%run_scoped3A_21, %arg1, %dma_wait3A_63] : memref<16x16x640xf32, #tpu.memory_space<vmem_shared>> -> memref<1x1x640xf32, #tpu.memory_space<vmem_shared>>
      %dma_wait3A_65 = tpu.memref_squeeze %dma_wait3A_64 : memref<1x1x640xf32, #tpu.memory_space<vmem_shared>> -> memref<640xf32, #tpu.memory_space<vmem_shared>>
      %dma_wait3A_66 = arith.constant 640 : i32
      %dma_wait3A_67 = tpu.memref_slice %arg14[%dma_wait3A_66] : memref<10240xf32, #tpu.memory_space<vmem>> -> memref<640xf32, #tpu.memory_space<vmem>>
      tpu.wait_dma2 semaphore(%run_scoped3A_49 : memref<!tpu.dma_semaphore, #tpu.memory_space<semaphore_mem>>) src(%dma_wait3A_67 : memref<640xf32, #tpu.memory_space<vmem>>) dst(%dma_wait3A_65 : memref<640xf32, #tpu.memory_space<vmem_shared>>)
      tpu.yield
    }) : () -> ()
    %run_scoped3A_22 = arith.constant 2 : i32
    "tpu.region"() ({
      %run_scoped3A_49 = tpu.sem_alloc : memref<!tpu.dma_semaphore, #tpu.memory_space<semaphore_mem>>
      %dma_start3A = arith.constant 1280 : i32
      %dma_start3A_50 = tpu.memref_slice %arg14[%dma_start3A] : memref<10240xf32, #tpu.memory_space<vmem>> -> memref<640xf32, #tpu.memory_space<vmem>>
      %dma_start3A_51 = arith.constant 0 : i32
      %dma_start3A_52 = tpu.memref_slice %arg20[%run_scoped3A_22, %arg1, %dma_start3A_51] : memref<16x16x640xf32, #tpu.memory_space<vmem_shared>> -> memref<1x1x640xf32, #tpu.memory_space<vmem_shared>>
      %dma_start3A_53 = tpu.memref_squeeze %dma_start3A_52 : memref<1x1x640xf32, #tpu.memory_space<vmem_shared>> -> memref<640xf32, #tpu.memory_space<vmem_shared>>
      %dma_start3A_54 = arith.constant 0 : i32
      %dma_start3A_55 = tpu.memref_slice %arg20[%run_scoped3A_22, %arg1, %dma_start3A_54] : memref<16x16x640xf32, #tpu.memory_space<vmem_shared>> -> memref<1x1x640xf32, #tpu.memory_space<vmem_shared>>
      %dma_start3A_56 = tpu.memref_squeeze %dma_start3A_55 : memref<1x1x640xf32, #tpu.memory_space<vmem_shared>> -> memref<640xf32, #tpu.memory_space<vmem_shared>>
      %dma_start3A_57 = arith.constant 1280 : i32
      %dma_start3A_58 = tpu.memref_slice %arg14[%dma_start3A_57] : memref<10240xf32, #tpu.memory_space<vmem>> -> memref<640xf32, #tpu.memory_space<vmem>>
      tpu.enqueue_dma source(%dma_start3A_58 : memref<640xf32, #tpu.memory_space<vmem>>) target(%dma_start3A_56 : memref<640xf32, #tpu.memory_space<vmem_shared>>) target_semaphore(%run_scoped3A_49 : memref<!tpu.dma_semaphore, #tpu.memory_space<semaphore_mem>>)
      %dma_wait3A = arith.constant 1280 : i32
      %dma_wait3A_59 = tpu.memref_slice %arg14[%dma_wait3A] : memref<10240xf32, #tpu.memory_space<vmem>> -> memref<640xf32, #tpu.memory_space<vmem>>
      %dma_wait3A_60 = arith.constant 0 : i32
      %dma_wait3A_61 = tpu.memref_slice %arg20[%run_scoped3A_22, %arg1, %dma_wait3A_60] : memref<16x16x640xf32, #tpu.memory_space<vmem_shared>> -> memref<1x1x640xf32, #tpu.memory_space<vmem_shared>>
      %dma_wait3A_62 = tpu.memref_squeeze %dma_wait3A_61 : memref<1x1x640xf32, #tpu.memory_space<vmem_shared>> -> memref<640xf32, #tpu.memory_space<vmem_shared>>
      %dma_wait3A_63 = arith.constant 0 : i32
      %dma_wait3A_64 = tpu.memref_slice %arg20[%run_scoped3A_22, %arg1, %dma_wait3A_63] : memref<16x16x640xf32, #tpu.memory_space<vmem_shared>> -> memref<1x1x640xf32, #tpu.memory_space<vmem_shared>>
      %dma_wait3A_65 = tpu.memref_squeeze %dma_wait3A_64 : memref<1x1x640xf32, #tpu.memory_space<vmem_shared>> -> memref<640xf32, #tpu.memory_space<vmem_shared>>
      %dma_wait3A_66 = arith.constant 1280 : i32
      %dma_wait3A_67 = tpu.memref_slice %arg14[%dma_wait3A_66] : memref<10240xf32, #tpu.memory_space<vmem>> -> memref<640xf32, #tpu.memory_space<vmem>>
      tpu.wait_dma2 semaphore(%run_scoped3A_49 : memref<!tpu.dma_semaphore, #tpu.memory_space<semaphore_mem>>) src(%dma_wait3A_67 : memref<640xf32, #tpu.memory_space<vmem>>) dst(%dma_wait3A_65 : memref<640xf32, #tpu.memory_space<vmem_shared>>)
      tpu.yield
    }) : () -> ()
    %run_scoped3A_23 = arith.constant 3 : i32
    "tpu.region"() ({
      %run_scoped3A_49 = tpu.sem_alloc : memref<!tpu.dma_semaphore, #tpu.memory_space<semaphore_mem>>
      %dma_start3A = arith.constant 1920 : i32
      %dma_start3A_50 = tpu.memref_slice %arg14[%dma_start3A] : memref<10240xf32, #tpu.memory_space<vmem>> -> memref<640xf32, #tpu.memory_space<vmem>>
      %dma_start3A_51 = arith.constant 0 : i32
      %dma_start3A_52 = tpu.memref_slice %arg20[%run_scoped3A_23, %arg1, %dma_start3A_51] : memref<16x16x640xf32, #tpu.memory_space<vmem_shared>> -> memref<1x1x640xf32, #tpu.memory_space<vmem_shared>>
      %dma_start3A_53 = tpu.memref_squeeze %dma_start3A_52 : memref<1x1x640xf32, #tpu.memory_space<vmem_shared>> -> memref<640xf32, #tpu.memory_space<vmem_shared>>
      %dma_start3A_54 = arith.constant 0 : i32
      %dma_start3A_55 = tpu.memref_slice %arg20[%run_scoped3A_23, %arg1, %dma_start3A_54] : memref<16x16x640xf32, #tpu.memory_space<vmem_shared>> -> memref<1x1x640xf32, #tpu.memory_space<vmem_shared>>
      %dma_start3A_56 = tpu.memref_squeeze %dma_start3A_55 : memref<1x1x640xf32, #tpu.memory_space<vmem_shared>> -> memref<640xf32, #tpu.memory_space<vmem_shared>>
      %dma_start3A_57 = arith.constant 1920 : i32
      %dma_start3A_58 = tpu.memref_slice %arg14[%dma_start3A_57] : memref<10240xf32, #tpu.memory_space<vmem>> -> memref<640xf32, #tpu.memory_space<vmem>>
      tpu.enqueue_dma source(%dma_start3A_58 : memref<640xf32, #tpu.memory_space<vmem>>) target(%dma_start3A_56 : memref<640xf32, #tpu.memory_space<vmem_shared>>) target_semaphore(%run_scoped3A_49 : memref<!tpu.dma_semaphore, #tpu.memory_space<semaphore_mem>>)
      %dma_wait3A = arith.constant 1920 : i32
      %dma_wait3A_59 = tpu.memref_slice %arg14[%dma_wait3A] : memref<10240xf32, #tpu.memory_space<vmem>> -> memref<640xf32, #tpu.memory_space<vmem>>
      %dma_wait3A_60 = arith.constant 0 : i32
      %dma_wait3A_61 = tpu.memref_slice %arg20[%run_scoped3A_23, %arg1, %dma_wait3A_60] : memref<16x16x640xf32, #tpu.memory_space<vmem_shared>> -> memref<1x1x640xf32, #tpu.memory_space<vmem_shared>>
      %dma_wait3A_62 = tpu.memref_squeeze %dma_wait3A_61 : memref<1x1x640xf32, #tpu.memory_space<vmem_shared>> -> memref<640xf32, #tpu.memory_space<vmem_shared>>
      %dma_wait3A_63 = arith.constant 0 : i32
      %dma_wait3A_64 = tpu.memref_slice %arg20[%run_scoped3A_23, %arg1, %dma_wait3A_63] : memref<16x16x640xf32, #tpu.memory_space<vmem_shared>> -> memref<1x1x640xf32, #tpu.memory_space<vmem_shared>>
      %dma_wait3A_65 = tpu.memref_squeeze %dma_wait3A_64 : memref<1x1x640xf32, #tpu.memory_space<vmem_shared>> -> memref<640xf32, #tpu.memory_space<vmem_shared>>
      %dma_wait3A_66 = arith.constant 1920 : i32
      %dma_wait3A_67 = tpu.memref_slice %arg14[%dma_wait3A_66] : memref<10240xf32, #tpu.memory_space<vmem>> -> memref<640xf32, #tpu.memory_space<vmem>>
      tpu.wait_dma2 semaphore(%run_scoped3A_49 : memref<!tpu.dma_semaphore, #tpu.memory_space<semaphore_mem>>) src(%dma_wait3A_67 : memref<640xf32, #tpu.memory_space<vmem>>) dst(%dma_wait3A_65 : memref<640xf32, #tpu.memory_space<vmem_shared>>)
      tpu.yield
    }) : () -> ()
    %run_scoped3A_24 = arith.constant 4 : i32
    "tpu.region"() ({
      %run_scoped3A_49 = tpu.sem_alloc : memref<!tpu.dma_semaphore, #tpu.memory_space<semaphore_mem>>
      %dma_start3A = arith.constant 2560 : i32
      %dma_start3A_50 = tpu.memref_slice %arg14[%dma_start3A] : memref<10240xf32, #tpu.memory_space<vmem>> -> memref<640xf32, #tpu.memory_space<vmem>>
      %dma_start3A_51 = arith.constant 0 : i32
      %dma_start3A_52 = tpu.memref_slice %arg20[%run_scoped3A_24, %arg1, %dma_start3A_51] : memref<16x16x640xf32, #tpu.memory_space<vmem_shared>> -> memref<1x1x640xf32, #tpu.memory_space<vmem_shared>>
      %dma_start3A_53 = tpu.memref_squeeze %dma_start3A_52 : memref<1x1x640xf32, #tpu.memory_space<vmem_shared>> -> memref<640xf32, #tpu.memory_space<vmem_shared>>
      %dma_start3A_54 = arith.constant 0 : i32
      %dma_start3A_55 = tpu.memref_slice %arg20[%run_scoped3A_24, %arg1, %dma_start3A_54] : memref<16x16x640xf32, #tpu.memory_space<vmem_shared>> -> memref<1x1x640xf32, #tpu.memory_space<vmem_shared>>
      %dma_start3A_56 = tpu.memref_squeeze %dma_start3A_55 : memref<1x1x640xf32, #tpu.memory_space<vmem_shared>> -> memref<640xf32, #tpu.memory_space<vmem_shared>>
      %dma_start3A_57 = arith.constant 2560 : i32
      %dma_start3A_58 = tpu.memref_slice %arg14[%dma_start3A_57] : memref<10240xf32, #tpu.memory_space<vmem>> -> memref<640xf32, #tpu.memory_space<vmem>>
      tpu.enqueue_dma source(%dma_start3A_58 : memref<640xf32, #tpu.memory_space<vmem>>) target(%dma_start3A_56 : memref<640xf32, #tpu.memory_space<vmem_shared>>) target_semaphore(%run_scoped3A_49 : memref<!tpu.dma_semaphore, #tpu.memory_space<semaphore_mem>>)
      %dma_wait3A = arith.constant 2560 : i32
      %dma_wait3A_59 = tpu.memref_slice %arg14[%dma_wait3A] : memref<10240xf32, #tpu.memory_space<vmem>> -> memref<640xf32, #tpu.memory_space<vmem>>
      %dma_wait3A_60 = arith.constant 0 : i32
      %dma_wait3A_61 = tpu.memref_slice %arg20[%run_scoped3A_24, %arg1, %dma_wait3A_60] : memref<16x16x640xf32, #tpu.memory_space<vmem_shared>> -> memref<1x1x640xf32, #tpu.memory_space<vmem_shared>>
      %dma_wait3A_62 = tpu.memref_squeeze %dma_wait3A_61 : memref<1x1x640xf32, #tpu.memory_space<vmem_shared>> -> memref<640xf32, #tpu.memory_space<vmem_shared>>
      %dma_wait3A_63 = arith.constant 0 : i32
      %dma_wait3A_64 = tpu.memref_slice %arg20[%run_scoped3A_24, %arg1, %dma_wait3A_63] : memref<16x16x640xf32, #tpu.memory_space<vmem_shared>> -> memref<1x1x640xf32, #tpu.memory_space<vmem_shared>>
      %dma_wait3A_65 = tpu.memref_squeeze %dma_wait3A_64 : memref<1x1x640xf32, #tpu.memory_space<vmem_shared>> -> memref<640xf32, #tpu.memory_space<vmem_shared>>
      %dma_wait3A_66 = arith.constant 2560 : i32
      %dma_wait3A_67 = tpu.memref_slice %arg14[%dma_wait3A_66] : memref<10240xf32, #tpu.memory_space<vmem>> -> memref<640xf32, #tpu.memory_space<vmem>>
      tpu.wait_dma2 semaphore(%run_scoped3A_49 : memref<!tpu.dma_semaphore, #tpu.memory_space<semaphore_mem>>) src(%dma_wait3A_67 : memref<640xf32, #tpu.memory_space<vmem>>) dst(%dma_wait3A_65 : memref<640xf32, #tpu.memory_space<vmem_shared>>)
      tpu.yield
    }) : () -> ()
    %run_scoped3A_25 = arith.constant 5 : i32
    "tpu.region"() ({
      %run_scoped3A_49 = tpu.sem_alloc : memref<!tpu.dma_semaphore, #tpu.memory_space<semaphore_mem>>
      %dma_start3A = arith.constant 3200 : i32
      %dma_start3A_50 = tpu.memref_slice %arg14[%dma_start3A] : memref<10240xf32, #tpu.memory_space<vmem>> -> memref<640xf32, #tpu.memory_space<vmem>>
      %dma_start3A_51 = arith.constant 0 : i32
      %dma_start3A_52 = tpu.memref_slice %arg20[%run_scoped3A_25, %arg1, %dma_start3A_51] : memref<16x16x640xf32, #tpu.memory_space<vmem_shared>> -> memref<1x1x640xf32, #tpu.memory_space<vmem_shared>>
      %dma_start3A_53 = tpu.memref_squeeze %dma_start3A_52 : memref<1x1x640xf32, #tpu.memory_space<vmem_shared>> -> memref<640xf32, #tpu.memory_space<vmem_shared>>
      %dma_start3A_54 = arith.constant 0 : i32
      %dma_start3A_55 = tpu.memref_slice %arg20[%run_scoped3A_25, %arg1, %dma_start3A_54] : memref<16x16x640xf32, #tpu.memory_space<vmem_shared>> -> memref<1x1x640xf32, #tpu.memory_space<vmem_shared>>
      %dma_start3A_56 = tpu.memref_squeeze %dma_start3A_55 : memref<1x1x640xf32, #tpu.memory_space<vmem_shared>> -> memref<640xf32, #tpu.memory_space<vmem_shared>>
      %dma_start3A_57 = arith.constant 3200 : i32
      %dma_start3A_58 = tpu.memref_slice %arg14[%dma_start3A_57] : memref<10240xf32, #tpu.memory_space<vmem>> -> memref<640xf32, #tpu.memory_space<vmem>>
      tpu.enqueue_dma source(%dma_start3A_58 : memref<640xf32, #tpu.memory_space<vmem>>) target(%dma_start3A_56 : memref<640xf32, #tpu.memory_space<vmem_shared>>) target_semaphore(%run_scoped3A_49 : memref<!tpu.dma_semaphore, #tpu.memory_space<semaphore_mem>>)
      %dma_wait3A = arith.constant 3200 : i32
      %dma_wait3A_59 = tpu.memref_slice %arg14[%dma_wait3A] : memref<10240xf32, #tpu.memory_space<vmem>> -> memref<640xf32, #tpu.memory_space<vmem>>
      %dma_wait3A_60 = arith.constant 0 : i32
      %dma_wait3A_61 = tpu.memref_slice %arg20[%run_scoped3A_25, %arg1, %dma_wait3A_60] : memref<16x16x640xf32, #tpu.memory_space<vmem_shared>> -> memref<1x1x640xf32, #tpu.memory_space<vmem_shared>>
      %dma_wait3A_62 = tpu.memref_squeeze %dma_wait3A_61 : memref<1x1x640xf32, #tpu.memory_space<vmem_shared>> -> memref<640xf32, #tpu.memory_space<vmem_shared>>
      %dma_wait3A_63 = arith.constant 0 : i32
      %dma_wait3A_64 = tpu.memref_slice %arg20[%run_scoped3A_25, %arg1, %dma_wait3A_63] : memref<16x16x640xf32, #tpu.memory_space<vmem_shared>> -> memref<1x1x640xf32, #tpu.memory_space<vmem_shared>>
      %dma_wait3A_65 = tpu.memref_squeeze %dma_wait3A_64 : memref<1x1x640xf32, #tpu.memory_space<vmem_shared>> -> memref<640xf32, #tpu.memory_space<vmem_shared>>
      %dma_wait3A_66 = arith.constant 3200 : i32
      %dma_wait3A_67 = tpu.memref_slice %arg14[%dma_wait3A_66] : memref<10240xf32, #tpu.memory_space<vmem>> -> memref<640xf32, #tpu.memory_space<vmem>>
      tpu.wait_dma2 semaphore(%run_scoped3A_49 : memref<!tpu.dma_semaphore, #tpu.memory_space<semaphore_mem>>) src(%dma_wait3A_67 : memref<640xf32, #tpu.memory_space<vmem>>) dst(%dma_wait3A_65 : memref<640xf32, #tpu.memory_space<vmem_shared>>)
      tpu.yield
    }) : () -> ()
    %run_scoped3A_26 = arith.constant 6 : i32
    "tpu.region"() ({
      %run_scoped3A_49 = tpu.sem_alloc : memref<!tpu.dma_semaphore, #tpu.memory_space<semaphore_mem>>
      %dma_start3A = arith.constant 3840 : i32
      %dma_start3A_50 = tpu.memref_slice %arg14[%dma_start3A] : memref<10240xf32, #tpu.memory_space<vmem>> -> memref<640xf32, #tpu.memory_space<vmem>>
      %dma_start3A_51 = arith.constant 0 : i32
      %dma_start3A_52 = tpu.memref_slice %arg20[%run_scoped3A_26, %arg1, %dma_start3A_51] : memref<16x16x640xf32, #tpu.memory_space<vmem_shared>> -> memref<1x1x640xf32, #tpu.memory_space<vmem_shared>>
      %dma_start3A_53 = tpu.memref_squeeze %dma_start3A_52 : memref<1x1x640xf32, #tpu.memory_space<vmem_shared>> -> memref<640xf32, #tpu.memory_space<vmem_shared>>
      %dma_start3A_54 = arith.constant 0 : i32
      %dma_start3A_55 = tpu.memref_slice %arg20[%run_scoped3A_26, %arg1, %dma_start3A_54] : memref<16x16x640xf32, #tpu.memory_space<vmem_shared>> -> memref<1x1x640xf32, #tpu.memory_space<vmem_shared>>
      %dma_start3A_56 = tpu.memref_squeeze %dma_start3A_55 : memref<1x1x640xf32, #tpu.memory_space<vmem_shared>> -> memref<640xf32, #tpu.memory_space<vmem_shared>>
      %dma_start3A_57 = arith.constant 3840 : i32
      %dma_start3A_58 = tpu.memref_slice %arg14[%dma_start3A_57] : memref<10240xf32, #tpu.memory_space<vmem>> -> memref<640xf32, #tpu.memory_space<vmem>>
      tpu.enqueue_dma source(%dma_start3A_58 : memref<640xf32, #tpu.memory_space<vmem>>) target(%dma_start3A_56 : memref<640xf32, #tpu.memory_space<vmem_shared>>) target_semaphore(%run_scoped3A_49 : memref<!tpu.dma_semaphore, #tpu.memory_space<semaphore_mem>>)
      %dma_wait3A = arith.constant 3840 : i32
      %dma_wait3A_59 = tpu.memref_slice %arg14[%dma_wait3A] : memref<10240xf32, #tpu.memory_space<vmem>> -> memref<640xf32, #tpu.memory_space<vmem>>
      %dma_wait3A_60 = arith.constant 0 : i32
      %dma_wait3A_61 = tpu.memref_slice %arg20[%run_scoped3A_26, %arg1, %dma_wait3A_60] : memref<16x16x640xf32, #tpu.memory_space<vmem_shared>> -> memref<1x1x640xf32, #tpu.memory_space<vmem_shared>>
      %dma_wait3A_62 = tpu.memref_squeeze %dma_wait3A_61 : memref<1x1x640xf32, #tpu.memory_space<vmem_shared>> -> memref<640xf32, #tpu.memory_space<vmem_shared>>
      %dma_wait3A_63 = arith.constant 0 : i32
      %dma_wait3A_64 = tpu.memref_slice %arg20[%run_scoped3A_26, %arg1, %dma_wait3A_63] : memref<16x16x640xf32, #tpu.memory_space<vmem_shared>> -> memref<1x1x640xf32, #tpu.memory_space<vmem_shared>>
      %dma_wait3A_65 = tpu.memref_squeeze %dma_wait3A_64 : memref<1x1x640xf32, #tpu.memory_space<vmem_shared>> -> memref<640xf32, #tpu.memory_space<vmem_shared>>
      %dma_wait3A_66 = arith.constant 3840 : i32
      %dma_wait3A_67 = tpu.memref_slice %arg14[%dma_wait3A_66] : memref<10240xf32, #tpu.memory_space<vmem>> -> memref<640xf32, #tpu.memory_space<vmem>>
      tpu.wait_dma2 semaphore(%run_scoped3A_49 : memref<!tpu.dma_semaphore, #tpu.memory_space<semaphore_mem>>) src(%dma_wait3A_67 : memref<640xf32, #tpu.memory_space<vmem>>) dst(%dma_wait3A_65 : memref<640xf32, #tpu.memory_space<vmem_shared>>)
      tpu.yield
    }) : () -> ()
    %run_scoped3A_27 = arith.constant 7 : i32
    "tpu.region"() ({
      %run_scoped3A_49 = tpu.sem_alloc : memref<!tpu.dma_semaphore, #tpu.memory_space<semaphore_mem>>
      %dma_start3A = arith.constant 4480 : i32
      %dma_start3A_50 = tpu.memref_slice %arg14[%dma_start3A] : memref<10240xf32, #tpu.memory_space<vmem>> -> memref<640xf32, #tpu.memory_space<vmem>>
      %dma_start3A_51 = arith.constant 0 : i32
      %dma_start3A_52 = tpu.memref_slice %arg20[%run_scoped3A_27, %arg1, %dma_start3A_51] : memref<16x16x640xf32, #tpu.memory_space<vmem_shared>> -> memref<1x1x640xf32, #tpu.memory_space<vmem_shared>>
      %dma_start3A_53 = tpu.memref_squeeze %dma_start3A_52 : memref<1x1x640xf32, #tpu.memory_space<vmem_shared>> -> memref<640xf32, #tpu.memory_space<vmem_shared>>
      %dma_start3A_54 = arith.constant 0 : i32
      %dma_start3A_55 = tpu.memref_slice %arg20[%run_scoped3A_27, %arg1, %dma_start3A_54] : memref<16x16x640xf32, #tpu.memory_space<vmem_shared>> -> memref<1x1x640xf32, #tpu.memory_space<vmem_shared>>
      %dma_start3A_56 = tpu.memref_squeeze %dma_start3A_55 : memref<1x1x640xf32, #tpu.memory_space<vmem_shared>> -> memref<640xf32, #tpu.memory_space<vmem_shared>>
      %dma_start3A_57 = arith.constant 4480 : i32
      %dma_start3A_58 = tpu.memref_slice %arg14[%dma_start3A_57] : memref<10240xf32, #tpu.memory_space<vmem>> -> memref<640xf32, #tpu.memory_space<vmem>>
      tpu.enqueue_dma source(%dma_start3A_58 : memref<640xf32, #tpu.memory_space<vmem>>) target(%dma_start3A_56 : memref<640xf32, #tpu.memory_space<vmem_shared>>) target_semaphore(%run_scoped3A_49 : memref<!tpu.dma_semaphore, #tpu.memory_space<semaphore_mem>>)
      %dma_wait3A = arith.constant 4480 : i32
      %dma_wait3A_59 = tpu.memref_slice %arg14[%dma_wait3A] : memref<10240xf32, #tpu.memory_space<vmem>> -> memref<640xf32, #tpu.memory_space<vmem>>
      %dma_wait3A_60 = arith.constant 0 : i32
      %dma_wait3A_61 = tpu.memref_slice %arg20[%run_scoped3A_27, %arg1, %dma_wait3A_60] : memref<16x16x640xf32, #tpu.memory_space<vmem_shared>> -> memref<1x1x640xf32, #tpu.memory_space<vmem_shared>>
      %dma_wait3A_62 = tpu.memref_squeeze %dma_wait3A_61 : memref<1x1x640xf32, #tpu.memory_space<vmem_shared>> -> memref<640xf32, #tpu.memory_space<vmem_shared>>
      %dma_wait3A_63 = arith.constant 0 : i32
      %dma_wait3A_64 = tpu.memref_slice %arg20[%run_scoped3A_27, %arg1, %dma_wait3A_63] : memref<16x16x640xf32, #tpu.memory_space<vmem_shared>> -> memref<1x1x640xf32, #tpu.memory_space<vmem_shared>>
      %dma_wait3A_65 = tpu.memref_squeeze %dma_wait3A_64 : memref<1x1x640xf32, #tpu.memory_space<vmem_shared>> -> memref<640xf32, #tpu.memory_space<vmem_shared>>
      %dma_wait3A_66 = arith.constant 4480 : i32
      %dma_wait3A_67 = tpu.memref_slice %arg14[%dma_wait3A_66] : memref<10240xf32, #tpu.memory_space<vmem>> -> memref<640xf32, #tpu.memory_space<vmem>>
      tpu.wait_dma2 semaphore(%run_scoped3A_49 : memref<!tpu.dma_semaphore, #tpu.memory_space<semaphore_mem>>) src(%dma_wait3A_67 : memref<640xf32, #tpu.memory_space<vmem>>) dst(%dma_wait3A_65 : memref<640xf32, #tpu.memory_space<vmem_shared>>)
      tpu.yield
    }) : () -> ()
    %run_scoped3A_28 = arith.constant 8 : i32
    "tpu.region"() ({
      %run_scoped3A_49 = tpu.sem_alloc : memref<!tpu.dma_semaphore, #tpu.memory_space<semaphore_mem>>
      %dma_start3A = arith.constant 5120 : i32
      %dma_start3A_50 = tpu.memref_slice %arg14[%dma_start3A] : memref<10240xf32, #tpu.memory_space<vmem>> -> memref<640xf32, #tpu.memory_space<vmem>>
      %dma_start3A_51 = arith.constant 0 : i32
      %dma_start3A_52 = tpu.memref_slice %arg20[%run_scoped3A_28, %arg1, %dma_start3A_51] : memref<16x16x640xf32, #tpu.memory_space<vmem_shared>> -> memref<1x1x640xf32, #tpu.memory_space<vmem_shared>>
      %dma_start3A_53 = tpu.memref_squeeze %dma_start3A_52 : memref<1x1x640xf32, #tpu.memory_space<vmem_shared>> -> memref<640xf32, #tpu.memory_space<vmem_shared>>
      %dma_start3A_54 = arith.constant 0 : i32
      %dma_start3A_55 = tpu.memref_slice %arg20[%run_scoped3A_28, %arg1, %dma_start3A_54] : memref<16x16x640xf32, #tpu.memory_space<vmem_shared>> -> memref<1x1x640xf32, #tpu.memory_space<vmem_shared>>
      %dma_start3A_56 = tpu.memref_squeeze %dma_start3A_55 : memref<1x1x640xf32, #tpu.memory_space<vmem_shared>> -> memref<640xf32, #tpu.memory_space<vmem_shared>>
      %dma_start3A_57 = arith.constant 5120 : i32
      %dma_start3A_58 = tpu.memref_slice %arg14[%dma_start3A_57] : memref<10240xf32, #tpu.memory_space<vmem>> -> memref<640xf32, #tpu.memory_space<vmem>>
      tpu.enqueue_dma source(%dma_start3A_58 : memref<640xf32, #tpu.memory_space<vmem>>) target(%dma_start3A_56 : memref<640xf32, #tpu.memory_space<vmem_shared>>) target_semaphore(%run_scoped3A_49 : memref<!tpu.dma_semaphore, #tpu.memory_space<semaphore_mem>>)
      %dma_wait3A = arith.constant 5120 : i32
      %dma_wait3A_59 = tpu.memref_slice %arg14[%dma_wait3A] : memref<10240xf32, #tpu.memory_space<vmem>> -> memref<640xf32, #tpu.memory_space<vmem>>
      %dma_wait3A_60 = arith.constant 0 : i32
      %dma_wait3A_61 = tpu.memref_slice %arg20[%run_scoped3A_28, %arg1, %dma_wait3A_60] : memref<16x16x640xf32, #tpu.memory_space<vmem_shared>> -> memref<1x1x640xf32, #tpu.memory_space<vmem_shared>>
      %dma_wait3A_62 = tpu.memref_squeeze %dma_wait3A_61 : memref<1x1x640xf32, #tpu.memory_space<vmem_shared>> -> memref<640xf32, #tpu.memory_space<vmem_shared>>
      %dma_wait3A_63 = arith.constant 0 : i32
      %dma_wait3A_64 = tpu.memref_slice %arg20[%run_scoped3A_28, %arg1, %dma_wait3A_63] : memref<16x16x640xf32, #tpu.memory_space<vmem_shared>> -> memref<1x1x640xf32, #tpu.memory_space<vmem_shared>>
      %dma_wait3A_65 = tpu.memref_squeeze %dma_wait3A_64 : memref<1x1x640xf32, #tpu.memory_space<vmem_shared>> -> memref<640xf32, #tpu.memory_space<vmem_shared>>
      %dma_wait3A_66 = arith.constant 5120 : i32
      %dma_wait3A_67 = tpu.memref_slice %arg14[%dma_wait3A_66] : memref<10240xf32, #tpu.memory_space<vmem>> -> memref<640xf32, #tpu.memory_space<vmem>>
      tpu.wait_dma2 semaphore(%run_scoped3A_49 : memref<!tpu.dma_semaphore, #tpu.memory_space<semaphore_mem>>) src(%dma_wait3A_67 : memref<640xf32, #tpu.memory_space<vmem>>) dst(%dma_wait3A_65 : memref<640xf32, #tpu.memory_space<vmem_shared>>)
      tpu.yield
    }) : () -> ()
    %run_scoped3A_29 = arith.constant 9 : i32
    "tpu.region"() ({
      %run_scoped3A_49 = tpu.sem_alloc : memref<!tpu.dma_semaphore, #tpu.memory_space<semaphore_mem>>
      %dma_start3A = arith.constant 5760 : i32
      %dma_start3A_50 = tpu.memref_slice %arg14[%dma_start3A] : memref<10240xf32, #tpu.memory_space<vmem>> -> memref<640xf32, #tpu.memory_space<vmem>>
      %dma_start3A_51 = arith.constant 0 : i32
      %dma_start3A_52 = tpu.memref_slice %arg20[%run_scoped3A_29, %arg1, %dma_start3A_51] : memref<16x16x640xf32, #tpu.memory_space<vmem_shared>> -> memref<1x1x640xf32, #tpu.memory_space<vmem_shared>>
      %dma_start3A_53 = tpu.memref_squeeze %dma_start3A_52 : memref<1x1x640xf32, #tpu.memory_space<vmem_shared>> -> memref<640xf32, #tpu.memory_space<vmem_shared>>
      %dma_start3A_54 = arith.constant 0 : i32
      %dma_start3A_55 = tpu.memref_slice %arg20[%run_scoped3A_29, %arg1, %dma_start3A_54] : memref<16x16x640xf32, #tpu.memory_space<vmem_shared>> -> memref<1x1x640xf32, #tpu.memory_space<vmem_shared>>
      %dma_start3A_56 = tpu.memref_squeeze %dma_start3A_55 : memref<1x1x640xf32, #tpu.memory_space<vmem_shared>> -> memref<640xf32, #tpu.memory_space<vmem_shared>>
      %dma_start3A_57 = arith.constant 5760 : i32
      %dma_start3A_58 = tpu.memref_slice %arg14[%dma_start3A_57] : memref<10240xf32, #tpu.memory_space<vmem>> -> memref<640xf32, #tpu.memory_space<vmem>>
      tpu.enqueue_dma source(%dma_start3A_58 : memref<640xf32, #tpu.memory_space<vmem>>) target(%dma_start3A_56 : memref<640xf32, #tpu.memory_space<vmem_shared>>) target_semaphore(%run_scoped3A_49 : memref<!tpu.dma_semaphore, #tpu.memory_space<semaphore_mem>>)
      %dma_wait3A = arith.constant 5760 : i32
      %dma_wait3A_59 = tpu.memref_slice %arg14[%dma_wait3A] : memref<10240xf32, #tpu.memory_space<vmem>> -> memref<640xf32, #tpu.memory_space<vmem>>
      %dma_wait3A_60 = arith.constant 0 : i32
      %dma_wait3A_61 = tpu.memref_slice %arg20[%run_scoped3A_29, %arg1, %dma_wait3A_60] : memref<16x16x640xf32, #tpu.memory_space<vmem_shared>> -> memref<1x1x640xf32, #tpu.memory_space<vmem_shared>>
      %dma_wait3A_62 = tpu.memref_squeeze %dma_wait3A_61 : memref<1x1x640xf32, #tpu.memory_space<vmem_shared>> -> memref<640xf32, #tpu.memory_space<vmem_shared>>
      %dma_wait3A_63 = arith.constant 0 : i32
      %dma_wait3A_64 = tpu.memref_slice %arg20[%run_scoped3A_29, %arg1, %dma_wait3A_63] : memref<16x16x640xf32, #tpu.memory_space<vmem_shared>> -> memref<1x1x640xf32, #tpu.memory_space<vmem_shared>>
      %dma_wait3A_65 = tpu.memref_squeeze %dma_wait3A_64 : memref<1x1x640xf32, #tpu.memory_space<vmem_shared>> -> memref<640xf32, #tpu.memory_space<vmem_shared>>
      %dma_wait3A_66 = arith.constant 5760 : i32
      %dma_wait3A_67 = tpu.memref_slice %arg14[%dma_wait3A_66] : memref<10240xf32, #tpu.memory_space<vmem>> -> memref<640xf32, #tpu.memory_space<vmem>>
      tpu.wait_dma2 semaphore(%run_scoped3A_49 : memref<!tpu.dma_semaphore, #tpu.memory_space<semaphore_mem>>) src(%dma_wait3A_67 : memref<640xf32, #tpu.memory_space<vmem>>) dst(%dma_wait3A_65 : memref<640xf32, #tpu.memory_space<vmem_shared>>)
      tpu.yield
    }) : () -> ()
    %run_scoped3A_30 = arith.constant 10 : i32
    "tpu.region"() ({
      %run_scoped3A_49 = tpu.sem_alloc : memref<!tpu.dma_semaphore, #tpu.memory_space<semaphore_mem>>
      %dma_start3A = arith.constant 6400 : i32
      %dma_start3A_50 = tpu.memref_slice %arg14[%dma_start3A] : memref<10240xf32, #tpu.memory_space<vmem>> -> memref<640xf32, #tpu.memory_space<vmem>>
      %dma_start3A_51 = arith.constant 0 : i32
      %dma_start3A_52 = tpu.memref_slice %arg20[%run_scoped3A_30, %arg1, %dma_start3A_51] : memref<16x16x640xf32, #tpu.memory_space<vmem_shared>> -> memref<1x1x640xf32, #tpu.memory_space<vmem_shared>>
      %dma_start3A_53 = tpu.memref_squeeze %dma_start3A_52 : memref<1x1x640xf32, #tpu.memory_space<vmem_shared>> -> memref<640xf32, #tpu.memory_space<vmem_shared>>
      %dma_start3A_54 = arith.constant 0 : i32
      %dma_start3A_55 = tpu.memref_slice %arg20[%run_scoped3A_30, %arg1, %dma_start3A_54] : memref<16x16x640xf32, #tpu.memory_space<vmem_shared>> -> memref<1x1x640xf32, #tpu.memory_space<vmem_shared>>
      %dma_start3A_56 = tpu.memref_squeeze %dma_start3A_55 : memref<1x1x640xf32, #tpu.memory_space<vmem_shared>> -> memref<640xf32, #tpu.memory_space<vmem_shared>>
      %dma_start3A_57 = arith.constant 6400 : i32
      %dma_start3A_58 = tpu.memref_slice %arg14[%dma_start3A_57] : memref<10240xf32, #tpu.memory_space<vmem>> -> memref<640xf32, #tpu.memory_space<vmem>>
      tpu.enqueue_dma source(%dma_start3A_58 : memref<640xf32, #tpu.memory_space<vmem>>) target(%dma_start3A_56 : memref<640xf32, #tpu.memory_space<vmem_shared>>) target_semaphore(%run_scoped3A_49 : memref<!tpu.dma_semaphore, #tpu.memory_space<semaphore_mem>>)
      %dma_wait3A = arith.constant 6400 : i32
      %dma_wait3A_59 = tpu.memref_slice %arg14[%dma_wait3A] : memref<10240xf32, #tpu.memory_space<vmem>> -> memref<640xf32, #tpu.memory_space<vmem>>
      %dma_wait3A_60 = arith.constant 0 : i32
      %dma_wait3A_61 = tpu.memref_slice %arg20[%run_scoped3A_30, %arg1, %dma_wait3A_60] : memref<16x16x640xf32, #tpu.memory_space<vmem_shared>> -> memref<1x1x640xf32, #tpu.memory_space<vmem_shared>>
      %dma_wait3A_62 = tpu.memref_squeeze %dma_wait3A_61 : memref<1x1x640xf32, #tpu.memory_space<vmem_shared>> -> memref<640xf32, #tpu.memory_space<vmem_shared>>
      %dma_wait3A_63 = arith.constant 0 : i32
      %dma_wait3A_64 = tpu.memref_slice %arg20[%run_scoped3A_30, %arg1, %dma_wait3A_63] : memref<16x16x640xf32, #tpu.memory_space<vmem_shared>> -> memref<1x1x640xf32, #tpu.memory_space<vmem_shared>>
      %dma_wait3A_65 = tpu.memref_squeeze %dma_wait3A_64 : memref<1x1x640xf32, #tpu.memory_space<vmem_shared>> -> memref<640xf32, #tpu.memory_space<vmem_shared>>
      %dma_wait3A_66 = arith.constant 6400 : i32
      %dma_wait3A_67 = tpu.memref_slice %arg14[%dma_wait3A_66] : memref<10240xf32, #tpu.memory_space<vmem>> -> memref<640xf32, #tpu.memory_space<vmem>>
      tpu.wait_dma2 semaphore(%run_scoped3A_49 : memref<!tpu.dma_semaphore, #tpu.memory_space<semaphore_mem>>) src(%dma_wait3A_67 : memref<640xf32, #tpu.memory_space<vmem>>) dst(%dma_wait3A_65 : memref<640xf32, #tpu.memory_space<vmem_shared>>)
      tpu.yield
    }) : () -> ()
    %run_scoped3A_31 = arith.constant 11 : i32
    "tpu.region"() ({
      %run_scoped3A_49 = tpu.sem_alloc : memref<!tpu.dma_semaphore, #tpu.memory_space<semaphore_mem>>
      %dma_start3A = arith.constant 7040 : i32
      %dma_start3A_50 = tpu.memref_slice %arg14[%dma_start3A] : memref<10240xf32, #tpu.memory_space<vmem>> -> memref<640xf32, #tpu.memory_space<vmem>>
      %dma_start3A_51 = arith.constant 0 : i32
      %dma_start3A_52 = tpu.memref_slice %arg20[%run_scoped3A_31, %arg1, %dma_start3A_51] : memref<16x16x640xf32, #tpu.memory_space<vmem_shared>> -> memref<1x1x640xf32, #tpu.memory_space<vmem_shared>>
      %dma_start3A_53 = tpu.memref_squeeze %dma_start3A_52 : memref<1x1x640xf32, #tpu.memory_space<vmem_shared>> -> memref<640xf32, #tpu.memory_space<vmem_shared>>
      %dma_start3A_54 = arith.constant 0 : i32
      %dma_start3A_55 = tpu.memref_slice %arg20[%run_scoped3A_31, %arg1, %dma_start3A_54] : memref<16x16x640xf32, #tpu.memory_space<vmem_shared>> -> memref<1x1x640xf32, #tpu.memory_space<vmem_shared>>
      %dma_start3A_56 = tpu.memref_squeeze %dma_start3A_55 : memref<1x1x640xf32, #tpu.memory_space<vmem_shared>> -> memref<640xf32, #tpu.memory_space<vmem_shared>>
      %dma_start3A_57 = arith.constant 7040 : i32
      %dma_start3A_58 = tpu.memref_slice %arg14[%dma_start3A_57] : memref<10240xf32, #tpu.memory_space<vmem>> -> memref<640xf32, #tpu.memory_space<vmem>>
      tpu.enqueue_dma source(%dma_start3A_58 : memref<640xf32, #tpu.memory_space<vmem>>) target(%dma_start3A_56 : memref<640xf32, #tpu.memory_space<vmem_shared>>) target_semaphore(%run_scoped3A_49 : memref<!tpu.dma_semaphore, #tpu.memory_space<semaphore_mem>>)
      %dma_wait3A = arith.constant 7040 : i32
      %dma_wait3A_59 = tpu.memref_slice %arg14[%dma_wait3A] : memref<10240xf32, #tpu.memory_space<vmem>> -> memref<640xf32, #tpu.memory_space<vmem>>
      %dma_wait3A_60 = arith.constant 0 : i32
      %dma_wait3A_61 = tpu.memref_slice %arg20[%run_scoped3A_31, %arg1, %dma_wait3A_60] : memref<16x16x640xf32, #tpu.memory_space<vmem_shared>> -> memref<1x1x640xf32, #tpu.memory_space<vmem_shared>>
      %dma_wait3A_62 = tpu.memref_squeeze %dma_wait3A_61 : memref<1x1x640xf32, #tpu.memory_space<vmem_shared>> -> memref<640xf32, #tpu.memory_space<vmem_shared>>
      %dma_wait3A_63 = arith.constant 0 : i32
      %dma_wait3A_64 = tpu.memref_slice %arg20[%run_scoped3A_31, %arg1, %dma_wait3A_63] : memref<16x16x640xf32, #tpu.memory_space<vmem_shared>> -> memref<1x1x640xf32, #tpu.memory_space<vmem_shared>>
      %dma_wait3A_65 = tpu.memref_squeeze %dma_wait3A_64 : memref<1x1x640xf32, #tpu.memory_space<vmem_shared>> -> memref<640xf32, #tpu.memory_space<vmem_shared>>
      %dma_wait3A_66 = arith.constant 7040 : i32
      %dma_wait3A_67 = tpu.memref_slice %arg14[%dma_wait3A_66] : memref<10240xf32, #tpu.memory_space<vmem>> -> memref<640xf32, #tpu.memory_space<vmem>>
      tpu.wait_dma2 semaphore(%run_scoped3A_49 : memref<!tpu.dma_semaphore, #tpu.memory_space<semaphore_mem>>) src(%dma_wait3A_67 : memref<640xf32, #tpu.memory_space<vmem>>) dst(%dma_wait3A_65 : memref<640xf32, #tpu.memory_space<vmem_shared>>)
      tpu.yield
    }) : () -> ()
    %run_scoped3A_32 = arith.constant 12 : i32
    "tpu.region"() ({
      %run_scoped3A_49 = tpu.sem_alloc : memref<!tpu.dma_semaphore, #tpu.memory_space<semaphore_mem>>
      %dma_start3A = arith.constant 7680 : i32
      %dma_start3A_50 = tpu.memref_slice %arg14[%dma_start3A] : memref<10240xf32, #tpu.memory_space<vmem>> -> memref<640xf32, #tpu.memory_space<vmem>>
      %dma_start3A_51 = arith.constant 0 : i32
      %dma_start3A_52 = tpu.memref_slice %arg20[%run_scoped3A_32, %arg1, %dma_start3A_51] : memref<16x16x640xf32, #tpu.memory_space<vmem_shared>> -> memref<1x1x640xf32, #tpu.memory_space<vmem_shared>>
      %dma_start3A_53 = tpu.memref_squeeze %dma_start3A_52 : memref<1x1x640xf32, #tpu.memory_space<vmem_shared>> -> memref<640xf32, #tpu.memory_space<vmem_shared>>
      %dma_start3A_54 = arith.constant 0 : i32
      %dma_start3A_55 = tpu.memref_slice %arg20[%run_scoped3A_32, %arg1, %dma_start3A_54] : memref<16x16x640xf32, #tpu.memory_space<vmem_shared>> -> memref<1x1x640xf32, #tpu.memory_space<vmem_shared>>
      %dma_start3A_56 = tpu.memref_squeeze %dma_start3A_55 : memref<1x1x640xf32, #tpu.memory_space<vmem_shared>> -> memref<640xf32, #tpu.memory_space<vmem_shared>>
      %dma_start3A_57 = arith.constant 7680 : i32
      %dma_start3A_58 = tpu.memref_slice %arg14[%dma_start3A_57] : memref<10240xf32, #tpu.memory_space<vmem>> -> memref<640xf32, #tpu.memory_space<vmem>>
      tpu.enqueue_dma source(%dma_start3A_58 : memref<640xf32, #tpu.memory_space<vmem>>) target(%dma_start3A_56 : memref<640xf32, #tpu.memory_space<vmem_shared>>) target_semaphore(%run_scoped3A_49 : memref<!tpu.dma_semaphore, #tpu.memory_space<semaphore_mem>>)
      %dma_wait3A = arith.constant 7680 : i32
      %dma_wait3A_59 = tpu.memref_slice %arg14[%dma_wait3A] : memref<10240xf32, #tpu.memory_space<vmem>> -> memref<640xf32, #tpu.memory_space<vmem>>
      %dma_wait3A_60 = arith.constant 0 : i32
      %dma_wait3A_61 = tpu.memref_slice %arg20[%run_scoped3A_32, %arg1, %dma_wait3A_60] : memref<16x16x640xf32, #tpu.memory_space<vmem_shared>> -> memref<1x1x640xf32, #tpu.memory_space<vmem_shared>>
      %dma_wait3A_62 = tpu.memref_squeeze %dma_wait3A_61 : memref<1x1x640xf32, #tpu.memory_space<vmem_shared>> -> memref<640xf32, #tpu.memory_space<vmem_shared>>
      %dma_wait3A_63 = arith.constant 0 : i32
      %dma_wait3A_64 = tpu.memref_slice %arg20[%run_scoped3A_32, %arg1, %dma_wait3A_63] : memref<16x16x640xf32, #tpu.memory_space<vmem_shared>> -> memref<1x1x640xf32, #tpu.memory_space<vmem_shared>>
      %dma_wait3A_65 = tpu.memref_squeeze %dma_wait3A_64 : memref<1x1x640xf32, #tpu.memory_space<vmem_shared>> -> memref<640xf32, #tpu.memory_space<vmem_shared>>
      %dma_wait3A_66 = arith.constant 7680 : i32
      %dma_wait3A_67 = tpu.memref_slice %arg14[%dma_wait3A_66] : memref<10240xf32, #tpu.memory_space<vmem>> -> memref<640xf32, #tpu.memory_space<vmem>>
      tpu.wait_dma2 semaphore(%run_scoped3A_49 : memref<!tpu.dma_semaphore, #tpu.memory_space<semaphore_mem>>) src(%dma_wait3A_67 : memref<640xf32, #tpu.memory_space<vmem>>) dst(%dma_wait3A_65 : memref<640xf32, #tpu.memory_space<vmem_shared>>)
      tpu.yield
    }) : () -> ()
    %run_scoped3A_33 = arith.constant 13 : i32
    "tpu.region"() ({
      %run_scoped3A_49 = tpu.sem_alloc : memref<!tpu.dma_semaphore, #tpu.memory_space<semaphore_mem>>
      %dma_start3A = arith.constant 8320 : i32
      %dma_start3A_50 = tpu.memref_slice %arg14[%dma_start3A] : memref<10240xf32, #tpu.memory_space<vmem>> -> memref<640xf32, #tpu.memory_space<vmem>>
      %dma_start3A_51 = arith.constant 0 : i32
      %dma_start3A_52 = tpu.memref_slice %arg20[%run_scoped3A_33, %arg1, %dma_start3A_51] : memref<16x16x640xf32, #tpu.memory_space<vmem_shared>> -> memref<1x1x640xf32, #tpu.memory_space<vmem_shared>>
      %dma_start3A_53 = tpu.memref_squeeze %dma_start3A_52 : memref<1x1x640xf32, #tpu.memory_space<vmem_shared>> -> memref<640xf32, #tpu.memory_space<vmem_shared>>
      %dma_start3A_54 = arith.constant 0 : i32
      %dma_start3A_55 = tpu.memref_slice %arg20[%run_scoped3A_33, %arg1, %dma_start3A_54] : memref<16x16x640xf32, #tpu.memory_space<vmem_shared>> -> memref<1x1x640xf32, #tpu.memory_space<vmem_shared>>
      %dma_start3A_56 = tpu.memref_squeeze %dma_start3A_55 : memref<1x1x640xf32, #tpu.memory_space<vmem_shared>> -> memref<640xf32, #tpu.memory_space<vmem_shared>>
      %dma_start3A_57 = arith.constant 8320 : i32
      %dma_start3A_58 = tpu.memref_slice %arg14[%dma_start3A_57] : memref<10240xf32, #tpu.memory_space<vmem>> -> memref<640xf32, #tpu.memory_space<vmem>>
      tpu.enqueue_dma source(%dma_start3A_58 : memref<640xf32, #tpu.memory_space<vmem>>) target(%dma_start3A_56 : memref<640xf32, #tpu.memory_space<vmem_shared>>) target_semaphore(%run_scoped3A_49 : memref<!tpu.dma_semaphore, #tpu.memory_space<semaphore_mem>>)
      %dma_wait3A = arith.constant 8320 : i32
      %dma_wait3A_59 = tpu.memref_slice %arg14[%dma_wait3A] : memref<10240xf32, #tpu.memory_space<vmem>> -> memref<640xf32, #tpu.memory_space<vmem>>
      %dma_wait3A_60 = arith.constant 0 : i32
      %dma_wait3A_61 = tpu.memref_slice %arg20[%run_scoped3A_33, %arg1, %dma_wait3A_60] : memref<16x16x640xf32, #tpu.memory_space<vmem_shared>> -> memref<1x1x640xf32, #tpu.memory_space<vmem_shared>>
      %dma_wait3A_62 = tpu.memref_squeeze %dma_wait3A_61 : memref<1x1x640xf32, #tpu.memory_space<vmem_shared>> -> memref<640xf32, #tpu.memory_space<vmem_shared>>
      %dma_wait3A_63 = arith.constant 0 : i32
      %dma_wait3A_64 = tpu.memref_slice %arg20[%run_scoped3A_33, %arg1, %dma_wait3A_63] : memref<16x16x640xf32, #tpu.memory_space<vmem_shared>> -> memref<1x1x640xf32, #tpu.memory_space<vmem_shared>>
      %dma_wait3A_65 = tpu.memref_squeeze %dma_wait3A_64 : memref<1x1x640xf32, #tpu.memory_space<vmem_shared>> -> memref<640xf32, #tpu.memory_space<vmem_shared>>
      %dma_wait3A_66 = arith.constant 8320 : i32
      %dma_wait3A_67 = tpu.memref_slice %arg14[%dma_wait3A_66] : memref<10240xf32, #tpu.memory_space<vmem>> -> memref<640xf32, #tpu.memory_space<vmem>>
      tpu.wait_dma2 semaphore(%run_scoped3A_49 : memref<!tpu.dma_semaphore, #tpu.memory_space<semaphore_mem>>) src(%dma_wait3A_67 : memref<640xf32, #tpu.memory_space<vmem>>) dst(%dma_wait3A_65 : memref<640xf32, #tpu.memory_space<vmem_shared>>)
      tpu.yield
    }) : () -> ()
    %run_scoped3A_34 = arith.constant 14 : i32
    "tpu.region"() ({
      %run_scoped3A_49 = tpu.sem_alloc : memref<!tpu.dma_semaphore, #tpu.memory_space<semaphore_mem>>
      %dma_start3A = arith.constant 8960 : i32
      %dma_start3A_50 = tpu.memref_slice %arg14[%dma_start3A] : memref<10240xf32, #tpu.memory_space<vmem>> -> memref<640xf32, #tpu.memory_space<vmem>>
      %dma_start3A_51 = arith.constant 0 : i32
      %dma_start3A_52 = tpu.memref_slice %arg20[%run_scoped3A_34, %arg1, %dma_start3A_51] : memref<16x16x640xf32, #tpu.memory_space<vmem_shared>> -> memref<1x1x640xf32, #tpu.memory_space<vmem_shared>>
      %dma_start3A_53 = tpu.memref_squeeze %dma_start3A_52 : memref<1x1x640xf32, #tpu.memory_space<vmem_shared>> -> memref<640xf32, #tpu.memory_space<vmem_shared>>
      %dma_start3A_54 = arith.constant 0 : i32
      %dma_start3A_55 = tpu.memref_slice %arg20[%run_scoped3A_34, %arg1, %dma_start3A_54] : memref<16x16x640xf32, #tpu.memory_space<vmem_shared>> -> memref<1x1x640xf32, #tpu.memory_space<vmem_shared>>
      %dma_start3A_56 = tpu.memref_squeeze %dma_start3A_55 : memref<1x1x640xf32, #tpu.memory_space<vmem_shared>> -> memref<640xf32, #tpu.memory_space<vmem_shared>>
      %dma_start3A_57 = arith.constant 8960 : i32
      %dma_start3A_58 = tpu.memref_slice %arg14[%dma_start3A_57] : memref<10240xf32, #tpu.memory_space<vmem>> -> memref<640xf32, #tpu.memory_space<vmem>>
      tpu.enqueue_dma source(%dma_start3A_58 : memref<640xf32, #tpu.memory_space<vmem>>) target(%dma_start3A_56 : memref<640xf32, #tpu.memory_space<vmem_shared>>) target_semaphore(%run_scoped3A_49 : memref<!tpu.dma_semaphore, #tpu.memory_space<semaphore_mem>>)
      %dma_wait3A = arith.constant 8960 : i32
      %dma_wait3A_59 = tpu.memref_slice %arg14[%dma_wait3A] : memref<10240xf32, #tpu.memory_space<vmem>> -> memref<640xf32, #tpu.memory_space<vmem>>
      %dma_wait3A_60 = arith.constant 0 : i32
      %dma_wait3A_61 = tpu.memref_slice %arg20[%run_scoped3A_34, %arg1, %dma_wait3A_60] : memref<16x16x640xf32, #tpu.memory_space<vmem_shared>> -> memref<1x1x640xf32, #tpu.memory_space<vmem_shared>>
      %dma_wait3A_62 = tpu.memref_squeeze %dma_wait3A_61 : memref<1x1x640xf32, #tpu.memory_space<vmem_shared>> -> memref<640xf32, #tpu.memory_space<vmem_shared>>
      %dma_wait3A_63 = arith.constant 0 : i32
      %dma_wait3A_64 = tpu.memref_slice %arg20[%run_scoped3A_34, %arg1, %dma_wait3A_63] : memref<16x16x640xf32, #tpu.memory_space<vmem_shared>> -> memref<1x1x640xf32, #tpu.memory_space<vmem_shared>>
      %dma_wait3A_65 = tpu.memref_squeeze %dma_wait3A_64 : memref<1x1x640xf32, #tpu.memory_space<vmem_shared>> -> memref<640xf32, #tpu.memory_space<vmem_shared>>
      %dma_wait3A_66 = arith.constant 8960 : i32
      %dma_wait3A_67 = tpu.memref_slice %arg14[%dma_wait3A_66] : memref<10240xf32, #tpu.memory_space<vmem>> -> memref<640xf32, #tpu.memory_space<vmem>>
      tpu.wait_dma2 semaphore(%run_scoped3A_49 : memref<!tpu.dma_semaphore, #tpu.memory_space<semaphore_mem>>) src(%dma_wait3A_67 : memref<640xf32, #tpu.memory_space<vmem>>) dst(%dma_wait3A_65 : memref<640xf32, #tpu.memory_space<vmem_shared>>)
      tpu.yield
    }) : () -> ()
    %run_scoped3A_35 = arith.constant 15 : i32
    "tpu.region"() ({
      %run_scoped3A_49 = tpu.sem_alloc : memref<!tpu.dma_semaphore, #tpu.memory_space<semaphore_mem>>
      %dma_start3A = arith.constant 9600 : i32
      %dma_start3A_50 = tpu.memref_slice %arg14[%dma_start3A] : memref<10240xf32, #tpu.memory_space<vmem>> -> memref<640xf32, #tpu.memory_space<vmem>>
      %dma_start3A_51 = arith.constant 0 : i32
      %dma_start3A_52 = tpu.memref_slice %arg20[%run_scoped3A_35, %arg1, %dma_start3A_51] : memref<16x16x640xf32, #tpu.memory_space<vmem_shared>> -> memref<1x1x640xf32, #tpu.memory_space<vmem_shared>>
      %dma_start3A_53 = tpu.memref_squeeze %dma_start3A_52 : memref<1x1x640xf32, #tpu.memory_space<vmem_shared>> -> memref<640xf32, #tpu.memory_space<vmem_shared>>
      %dma_start3A_54 = arith.constant 0 : i32
      %dma_start3A_55 = tpu.memref_slice %arg20[%run_scoped3A_35, %arg1, %dma_start3A_54] : memref<16x16x640xf32, #tpu.memory_space<vmem_shared>> -> memref<1x1x640xf32, #tpu.memory_space<vmem_shared>>
      %dma_start3A_56 = tpu.memref_squeeze %dma_start3A_55 : memref<1x1x640xf32, #tpu.memory_space<vmem_shared>> -> memref<640xf32, #tpu.memory_space<vmem_shared>>
      %dma_start3A_57 = arith.constant 9600 : i32
      %dma_start3A_58 = tpu.memref_slice %arg14[%dma_start3A_57] : memref<10240xf32, #tpu.memory_space<vmem>> -> memref<640xf32, #tpu.memory_space<vmem>>
      tpu.enqueue_dma source(%dma_start3A_58 : memref<640xf32, #tpu.memory_space<vmem>>) target(%dma_start3A_56 : memref<640xf32, #tpu.memory_space<vmem_shared>>) target_semaphore(%run_scoped3A_49 : memref<!tpu.dma_semaphore, #tpu.memory_space<semaphore_mem>>)
      %dma_wait3A = arith.constant 9600 : i32
      %dma_wait3A_59 = tpu.memref_slice %arg14[%dma_wait3A] : memref<10240xf32, #tpu.memory_space<vmem>> -> memref<640xf32, #tpu.memory_space<vmem>>
      %dma_wait3A_60 = arith.constant 0 : i32
      %dma_wait3A_61 = tpu.memref_slice %arg20[%run_scoped3A_35, %arg1, %dma_wait3A_60] : memref<16x16x640xf32, #tpu.memory_space<vmem_shared>> -> memref<1x1x640xf32, #tpu.memory_space<vmem_shared>>
      %dma_wait3A_62 = tpu.memref_squeeze %dma_wait3A_61 : memref<1x1x640xf32, #tpu.memory_space<vmem_shared>> -> memref<640xf32, #tpu.memory_space<vmem_shared>>
      %dma_wait3A_63 = arith.constant 0 : i32
      %dma_wait3A_64 = tpu.memref_slice %arg20[%run_scoped3A_35, %arg1, %dma_wait3A_63] : memref<16x16x640xf32, #tpu.memory_space<vmem_shared>> -> memref<1x1x640xf32, #tpu.memory_space<vmem_shared>>
      %dma_wait3A_65 = tpu.memref_squeeze %dma_wait3A_64 : memref<1x1x640xf32, #tpu.memory_space<vmem_shared>> -> memref<640xf32, #tpu.memory_space<vmem_shared>>
      %dma_wait3A_66 = arith.constant 9600 : i32
      %dma_wait3A_67 = tpu.memref_slice %arg14[%dma_wait3A_66] : memref<10240xf32, #tpu.memory_space<vmem>> -> memref<640xf32, #tpu.memory_space<vmem>>
      tpu.wait_dma2 semaphore(%run_scoped3A_49 : memref<!tpu.dma_semaphore, #tpu.memory_space<semaphore_mem>>) src(%dma_wait3A_67 : memref<640xf32, #tpu.memory_space<vmem>>) dst(%dma_wait3A_65 : memref<640xf32, #tpu.memory_space<vmem_shared>>)
      tpu.yield
    }) : () -> ()
    %barrier3A_36 = arith.constant 0 : index
    tpu.barrier barrier_id(%barrier3A_36)
    %mul3A_37 = arith.constant 640 : i32
    %mul3A_38 = arith.muli %arg1, %mul3A_37 : i32
    %mul3A_39 = arith.constant 640 : i32
    %mul3A_40 = arith.muli %arg1, %mul3A_39 : i32
    "tpu.region"() ({
      %run_scoped3A_49 = tpu.sem_alloc : memref<!tpu.dma_semaphore, #tpu.memory_space<semaphore_mem>>
      %dma_start3A = arith.constant 0 : i32
      %dma_start3A_50 = tpu.memref_slice %arg6[%arg0, %mul3A_40, %dma_start3A] : memref<2x10240x64xf32, #tpu.memory_space<hbm>> -> memref<1x640x64xf32, #tpu.memory_space<hbm>>
      %dma_start3A_51 = tpu.memref_squeeze %dma_start3A_50 : memref<1x640x64xf32, #tpu.memory_space<hbm>> -> memref<640x64xf32, #tpu.memory_space<hbm>>
      %dma_start3A_52 = arith.constant 0 : i32
      %dma_start3A_53 = tpu.memref_slice %arg19[%mul3A_38, %dma_start3A_52] : memref<10240x64xf32, #tpu.memory_space<vmem_shared>> -> memref<640x64xf32, #tpu.memory_space<vmem_shared>>
      tpu.enqueue_dma source(%dma_start3A_53 : memref<640x64xf32, #tpu.memory_space<vmem_shared>>) target(%dma_start3A_51 : memref<640x64xf32, #tpu.memory_space<hbm>>) target_semaphore(%run_scoped3A_49 : memref<!tpu.dma_semaphore, #tpu.memory_space<semaphore_mem>>)
      %dma_wait3A = arith.constant 0 : i32
      %dma_wait3A_54 = tpu.memref_slice %arg6[%arg0, %mul3A_40, %dma_wait3A] : memref<2x10240x64xf32, #tpu.memory_space<hbm>> -> memref<1x640x64xf32, #tpu.memory_space<hbm>>
      %dma_wait3A_55 = tpu.memref_squeeze %dma_wait3A_54 : memref<1x640x64xf32, #tpu.memory_space<hbm>> -> memref<640x64xf32, #tpu.memory_space<hbm>>
      %dma_wait3A_56 = arith.constant 0 : i32
      %dma_wait3A_57 = tpu.memref_slice %arg19[%mul3A_38, %dma_wait3A_56] : memref<10240x64xf32, #tpu.memory_space<vmem_shared>> -> memref<640x64xf32, #tpu.memory_space<vmem_shared>>
      tpu.wait_dma2 semaphore(%run_scoped3A_49 : memref<!tpu.dma_semaphore, #tpu.memory_space<semaphore_mem>>) src(%dma_wait3A_57 : memref<640x64xf32, #tpu.memory_space<vmem_shared>>) dst(%dma_wait3A_55 : memref<640x64xf32, #tpu.memory_space<hbm>>)
      tpu.yield
    }) : () -> ()
    "tpu.region"() ({
      %run_scoped3A_49 = tpu.sem_alloc : memref<!tpu.dma_semaphore, #tpu.memory_space<semaphore_mem>>
      %dma_start3A = arith.constant 0 : i32
      %dma_start3A_50 = arith.constant 0 : i32
      %dma_start3A_51 = tpu.memref_slice %arg20[%arg1, %dma_start3A, %dma_start3A_50] : memref<16x16x640xf32, #tpu.memory_space<vmem_shared>> -> memref<1x16x640xf32, #tpu.memory_space<vmem_shared>>
      %dma_start3A_52 = tpu.memref_squeeze %dma_start3A_51 : memref<1x16x640xf32, #tpu.memory_space<vmem_shared>> -> memref<16x640xf32, #tpu.memory_space<vmem_shared>>
      %dma_start3A_53 = arith.constant 0 : i32
      %dma_start3A_54 = arith.constant 0 : i32
      %dma_start3A_55 = tpu.memref_slice %arg20[%arg1, %dma_start3A_53, %dma_start3A_54] : memref<16x16x640xf32, #tpu.memory_space<vmem_shared>> -> memref<1x16x640xf32, #tpu.memory_space<vmem_shared>>
      %dma_start3A_56 = tpu.memref_squeeze %dma_start3A_55 : memref<1x16x640xf32, #tpu.memory_space<vmem_shared>> -> memref<16x640xf32, #tpu.memory_space<vmem_shared>>
      tpu.enqueue_dma source(%dma_start3A_56 : memref<16x640xf32, #tpu.memory_space<vmem_shared>>) target(%arg15 : memref<16x640xf32, #tpu.memory_space<vmem>>) target_semaphore(%run_scoped3A_49 : memref<!tpu.dma_semaphore, #tpu.memory_space<semaphore_mem>>)
      %dma_wait3A = arith.constant 0 : i32
      %dma_wait3A_57 = arith.constant 0 : i32
      %dma_wait3A_58 = tpu.memref_slice %arg20[%arg1, %dma_wait3A, %dma_wait3A_57] : memref<16x16x640xf32, #tpu.memory_space<vmem_shared>> -> memref<1x16x640xf32, #tpu.memory_space<vmem_shared>>
      %dma_wait3A_59 = tpu.memref_squeeze %dma_wait3A_58 : memref<1x16x640xf32, #tpu.memory_space<vmem_shared>> -> memref<16x640xf32, #tpu.memory_space<vmem_shared>>
      %dma_wait3A_60 = arith.constant 0 : i32
      %dma_wait3A_61 = arith.constant 0 : i32
      %dma_wait3A_62 = tpu.memref_slice %arg20[%arg1, %dma_wait3A_60, %dma_wait3A_61] : memref<16x16x640xf32, #tpu.memory_space<vmem_shared>> -> memref<1x16x640xf32, #tpu.memory_space<vmem_shared>>
      %dma_wait3A_63 = tpu.memref_squeeze %dma_wait3A_62 : memref<1x16x640xf32, #tpu.memory_space<vmem_shared>> -> memref<16x640xf32, #tpu.memory_space<vmem_shared>>
      tpu.wait_dma2 semaphore(%run_scoped3A_49 : memref<!tpu.dma_semaphore, #tpu.memory_space<semaphore_mem>>) src(%dma_wait3A_63 : memref<16x640xf32, #tpu.memory_space<vmem_shared>>) dst(%arg15 : memref<16x640xf32, #tpu.memory_space<vmem>>)
      tpu.yield
    }) : () -> ()
    %scan3A_41 = arith.constant 0 : i32
    %scan3A_42 = arith.constant 0 : i32
    %scan3A_43 = arith.constant 40 : i32
    %scan3A_44 = arith.addi %scan3A_42, %scan3A_43 : i32
    %scan3A_45 = arith.constant 1 : i32
    scf.for %scan3A_49 = %scan3A_42 to %scan3A_44 step %scan3A_45  : i32 {
      %mul3A_50 = arith.constant 16 : i32
      %mul3A_51 = arith.muli %scan3A_49, %mul3A_50 : i32
      %get3A = arith.constant 0 : i32
      %get3A_52 = arith.index_cast %get3A : i32 to index
      %get3A_53 = arith.index_cast %mul3A_51 : i32 to index
      %get3A_54 = tpu.vector_load %arg15[%get3A_52, %get3A_53] {strides = array<i32>} : memref<16x640xf32, #tpu.memory_space<vmem>>, vector<16xf32>,
      %mul3A_55 = arith.constant 16 : i32
      %mul3A_56 = arith.muli %scan3A_49, %mul3A_55 : i32
      %get3A_57 = arith.constant 1 : i32
      %get3A_58 = arith.index_cast %get3A_57 : i32 to index
      %get3A_59 = arith.index_cast %mul3A_56 : i32 to index
      %get3A_60 = tpu.vector_load %arg15[%get3A_58, %get3A_59] {strides = array<i32>} : memref<16x640xf32, #tpu.memory_space<vmem>>, vector<16xf32>,
      %add3A_61 = arith.addf %get3A_54, %get3A_60 : vector<16xf32>
      %mul3A_62 = arith.constant 16 : i32
      %mul3A_63 = arith.muli %scan3A_49, %mul3A_62 : i32
      %get3A_64 = arith.constant 2 : i32
      %get3A_65 = arith.index_cast %get3A_64 : i32 to index
      %get3A_66 = arith.index_cast %mul3A_63 : i32 to index
      %get3A_67 = tpu.vector_load %arg15[%get3A_65, %get3A_66] {strides = array<i32>} : memref<16x640xf32, #tpu.memory_space<vmem>>, vector<16xf32>,
      %add3A_68 = arith.addf %add3A_61, %get3A_67 : vector<16xf32>
      %mul3A_69 = arith.constant 16 : i32
      %mul3A_70 = arith.muli %scan3A_49, %mul3A_69 : i32
      %get3A_71 = arith.constant 3 : i32
      %get3A_72 = arith.index_cast %get3A_71 : i32 to index
      %get3A_73 = arith.index_cast %mul3A_70 : i32 to index
      %get3A_74 = tpu.vector_load %arg15[%get3A_72, %get3A_73] {strides = array<i32>} : memref<16x640xf32, #tpu.memory_space<vmem>>, vector<16xf32>,
      %add3A_75 = arith.addf %add3A_68, %get3A_74 : vector<16xf32>
      %mul3A_76 = arith.constant 16 : i32
      %mul3A_77 = arith.muli %scan3A_49, %mul3A_76 : i32
      %get3A_78 = arith.constant 4 : i32
      %get3A_79 = arith.index_cast %get3A_78 : i32 to index
      %get3A_80 = arith.index_cast %mul3A_77 : i32 to index
      %get3A_81 = tpu.vector_load %arg15[%get3A_79, %get3A_80] {strides = array<i32>} : memref<16x640xf32, #tpu.memory_space<vmem>>, vector<16xf32>,
      %add3A_82 = arith.addf %add3A_75, %get3A_81 : vector<16xf32>
      %mul3A_83 = arith.constant 16 : i32
      %mul3A_84 = arith.muli %scan3A_49, %mul3A_83 : i32
      %get3A_85 = arith.constant 5 : i32
      %get3A_86 = arith.index_cast %get3A_85 : i32 to index
      %get3A_87 = arith.index_cast %mul3A_84 : i32 to index
      %get3A_88 = tpu.vector_load %arg15[%get3A_86, %get3A_87] {strides = array<i32>} : memref<16x640xf32, #tpu.memory_space<vmem>>, vector<16xf32>,
      %add3A_89 = arith.addf %add3A_82, %get3A_88 : vector<16xf32>
      %mul3A_90 = arith.constant 16 : i32
      %mul3A_91 = arith.muli %scan3A_49, %mul3A_90 : i32
      %get3A_92 = arith.constant 6 : i32
      %get3A_93 = arith.index_cast %get3A_92 : i32 to index
      %get3A_94 = arith.index_cast %mul3A_91 : i32 to index
      %get3A_95 = tpu.vector_load %arg15[%get3A_93, %get3A_94] {strides = array<i32>} : memref<16x640xf32, #tpu.memory_space<vmem>>, vector<16xf32>,
      %add3A_96 = arith.addf %add3A_89, %get3A_95 : vector<16xf32>
      %mul3A_97 = arith.constant 16 : i32
      %mul3A_98 = arith.muli %scan3A_49, %mul3A_97 : i32
      %get3A_99 = arith.constant 7 : i32
      %get3A_100 = arith.index_cast %get3A_99 : i32 to index
      %get3A_101 = arith.index_cast %mul3A_98 : i32 to index
      %get3A_102 = tpu.vector_load %arg15[%get3A_100, %get3A_101] {strides = array<i32>} : memref<16x640xf32, #tpu.memory_space<vmem>>, vector<16xf32>,
      %add3A_103 = arith.addf %add3A_96, %get3A_102 : vector<16xf32>
      %mul3A_104 = arith.constant 16 : i32
      %mul3A_105 = arith.muli %scan3A_49, %mul3A_104 : i32
      %get3A_106 = arith.constant 8 : i32
      %get3A_107 = arith.index_cast %get3A_106 : i32 to index
      %get3A_108 = arith.index_cast %mul3A_105 : i32 to index
      %get3A_109 = tpu.vector_load %arg15[%get3A_107, %get3A_108] {strides = array<i32>} : memref<16x640xf32, #tpu.memory_space<vmem>>, vector<16xf32>,
      %add3A_110 = arith.addf %add3A_103, %get3A_109 : vector<16xf32>
      %mul3A_111 = arith.constant 16 : i32
      %mul3A_112 = arith.muli %scan3A_49, %mul3A_111 : i32
      %get3A_113 = arith.constant 9 : i32
      %get3A_114 = arith.index_cast %get3A_113 : i32 to index
      %get3A_115 = arith.index_cast %mul3A_112 : i32 to index
      %get3A_116 = tpu.vector_load %arg15[%get3A_114, %get3A_115] {strides = array<i32>} : memref<16x640xf32, #tpu.memory_space<vmem>>, vector<16xf32>,
      %add3A_117 = arith.addf %add3A_110, %get3A_116 : vector<16xf32>
      %mul3A_118 = arith.constant 16 : i32
      %mul3A_119 = arith.muli %scan3A_49, %mul3A_118 : i32
      %get3A_120 = arith.constant 10 : i32
      %get3A_121 = arith.index_cast %get3A_120 : i32 to index
      %get3A_122 = arith.index_cast %mul3A_119 : i32 to index
      %get3A_123 = tpu.vector_load %arg15[%get3A_121, %get3A_122] {strides = array<i32>} : memref<16x640xf32, #tpu.memory_space<vmem>>, vector<16xf32>,
      %add3A_124 = arith.addf %add3A_117, %get3A_123 : vector<16xf32>
      %mul3A_125 = arith.constant 16 : i32
      %mul3A_126 = arith.muli %scan3A_49, %mul3A_125 : i32
      %get3A_127 = arith.constant 11 : i32
      %get3A_128 = arith.index_cast %get3A_127 : i32 to index
      %get3A_129 = arith.index_cast %mul3A_126 : i32 to index
      %get3A_130 = tpu.vector_load %arg15[%get3A_128, %get3A_129] {strides = array<i32>} : memref<16x640xf32, #tpu.memory_space<vmem>>, vector<16xf32>,
      %add3A_131 = arith.addf %add3A_124, %get3A_130 : vector<16xf32>
      %mul3A_132 = arith.constant 16 : i32
      %mul3A_133 = arith.muli %scan3A_49, %mul3A_132 : i32
      %get3A_134 = arith.constant 12 : i32
      %get3A_135 = arith.index_cast %get3A_134 : i32 to index
      %get3A_136 = arith.index_cast %mul3A_133 : i32 to index
      %get3A_137 = tpu.vector_load %arg15[%get3A_135, %get3A_136] {strides = array<i32>} : memref<16x640xf32, #tpu.memory_space<vmem>>, vector<16xf32>,
      %add3A_138 = arith.addf %add3A_131, %get3A_137 : vector<16xf32>
      %mul3A_139 = arith.constant 16 : i32
      %mul3A_140 = arith.muli %scan3A_49, %mul3A_139 : i32
      %get3A_141 = arith.constant 13 : i32
      %get3A_142 = arith.index_cast %get3A_141 : i32 to index
      %get3A_143 = arith.index_cast %mul3A_140 : i32 to index
      %get3A_144 = tpu.vector_load %arg15[%get3A_142, %get3A_143] {strides = array<i32>} : memref<16x640xf32, #tpu.memory_space<vmem>>, vector<16xf32>,
      %add3A_145 = arith.addf %add3A_138, %get3A_144 : vector<16xf32>
      %mul3A_146 = arith.constant 16 : i32
      %mul3A_147 = arith.muli %scan3A_49, %mul3A_146 : i32
      %get3A_148 = arith.constant 14 : i32
      %get3A_149 = arith.index_cast %get3A_148 : i32 to index
      %get3A_150 = arith.index_cast %mul3A_147 : i32 to index
      %get3A_151 = tpu.vector_load %arg15[%get3A_149, %get3A_150] {strides = array<i32>} : memref<16x640xf32, #tpu.memory_space<vmem>>, vector<16xf32>,
      %add3A_152 = arith.addf %add3A_145, %get3A_151 : vector<16xf32>
      %mul3A_153 = arith.constant 16 : i32
      %mul3A_154 = arith.muli %scan3A_49, %mul3A_153 : i32
      %get3A_155 = arith.constant 15 : i32
      %get3A_156 = arith.index_cast %get3A_155 : i32 to index
      %get3A_157 = arith.index_cast %mul3A_154 : i32 to index
      %get3A_158 = tpu.vector_load %arg15[%get3A_156, %get3A_157] {strides = array<i32>} : memref<16x640xf32, #tpu.memory_space<vmem>>, vector<16xf32>,
      %add3A_159 = arith.addf %add3A_152, %get3A_158 : vector<16xf32>
      %mul3A_160 = arith.constant 16 : i32
      %mul3A_161 = arith.muli %scan3A_49, %mul3A_160 : i32
      %swap3A = arith.index_cast %mul3A_161 : i32 to index
      %swap3A_162 = tpu.vector_load %arg16[%swap3A] {strides = array<i32>} : memref<640xf32, #tpu.memory_space<vmem>>, vector<16xf32>,
      tpu.vector_store %arg16[%swap3A], %add3A_159 {strides = array<i32>} : memref<640xf32, #tpu.memory_space<vmem>>, vector<16xf32>,
    }
    %scan3A_46 = arith.constant 40 : i32
    %mul3A_47 = arith.constant 640 : i32
    %mul3A_48 = arith.muli %arg1, %mul3A_47 : i32
    "tpu.region"() ({
      %run_scoped3A_49 = tpu.sem_alloc : memref<!tpu.dma_semaphore, #tpu.memory_space<semaphore_mem>>
      %dma_start3A = tpu.memref_slice %arg7[%arg0, %mul3A_48] : memref<2x10240xf32, #tpu.memory_space<hbm>> -> memref<1x640xf32, #tpu.memory_space<hbm>>
      %dma_start3A_50 = tpu.memref_squeeze %dma_start3A : memref<1x640xf32, #tpu.memory_space<hbm>> -> memref<640xf32, #tpu.memory_space<hbm>>
      %dma_start3A_51 = tpu.memref_slice %arg7[%arg0, %mul3A_48] : memref<2x10240xf32, #tpu.memory_space<hbm>> -> memref<1x640xf32, #tpu.memory_space<hbm>>
      %dma_start3A_52 = tpu.memref_squeeze %dma_start3A_51 : memref<1x640xf32, #tpu.memory_space<hbm>> -> memref<640xf32, #tpu.memory_space<hbm>>
      tpu.enqueue_dma source(%arg16 : memref<640xf32, #tpu.memory_space<vmem>>) target(%dma_start3A_52 : memref<640xf32, #tpu.memory_space<hbm>>) target_semaphore(%run_scoped3A_49 : memref<!tpu.dma_semaphore, #tpu.memory_space<semaphore_mem>>)
      %dma_wait3A = tpu.memref_slice %arg7[%arg0, %mul3A_48] : memref<2x10240xf32, #tpu.memory_space<hbm>> -> memref<1x640xf32, #tpu.memory_space<hbm>>
      %dma_wait3A_53 = tpu.memref_squeeze %dma_wait3A : memref<1x640xf32, #tpu.memory_space<hbm>> -> memref<640xf32, #tpu.memory_space<hbm>>
      %dma_wait3A_54 = tpu.memref_slice %arg7[%arg0, %mul3A_48] : memref<2x10240xf32, #tpu.memory_space<hbm>> -> memref<1x640xf32, #tpu.memory_space<hbm>>
      %dma_wait3A_55 = tpu.memref_squeeze %dma_wait3A_54 : memref<1x640xf32, #tpu.memory_space<hbm>> -> memref<640xf32, #tpu.memory_space<hbm>>
      tpu.wait_dma2 semaphore(%run_scoped3A_49 : memref<!tpu.dma_semaphore, #tpu.memory_space<semaphore_mem>>) src(%arg16 : memref<640xf32, #tpu.memory_space<vmem>>) dst(%dma_wait3A_55 : memref<640xf32, #tpu.memory_space<hbm>>)
      tpu.yield
    }) : () -> ()
    return
  }
}

module attributes {stable_mosaic.version = 14 : i64} {
  func.func @_tc_pre1_body(%arg0: memref<10000x128xf32, #tpu.memory_space<vmem>>, %arg1: memref<128x128xf32, #tpu.memory_space<vmem>>, %arg2: memref<1x128xf32, #tpu.memory_space<vmem>>, %arg3: memref<1x128xf32, #tpu.memory_space<vmem>>, %arg4: memref<10000x128xf32, #tpu.memory_space<vmem>>, %arg5: memref<8x10000xf32, #tpu.memory_space<vmem>>) attributes {dimension_semantics = [], scalar_prefetch = 0 : i64, scratch_operands = 0 : i64, tpu.core_type = #tpu.core_type<tc>} {
    %get3A = arith.constant 0 : index
    %get3A_0 = arith.constant 0 : index
    %get3A_1 = vector.load %arg0[%get3A, %get3A_0] : memref<10000x128xf32, #tpu.memory_space<vmem>>, vector<10000x128xf32>
    %get3A_2 = arith.constant 0 : index
    %get3A_3 = arith.constant 0 : index
    %get3A_4 = vector.load %arg1[%get3A_2, %get3A_3] : memref<128x128xf32, #tpu.memory_space<vmem>>, vector<128x128xf32>
    %dot_general3A = arith.constant dense<0.000000e+00> : vector<10000x128xf32>
    %dot_general3A_5 = tpu.matmul %get3A_1, %get3A_4, %dot_general3A {dimension_numbers = #tpu.dot_dimension_numbers<[1], [0], [0], [1], [0, 0, 1, 1], [], []>, transpose_lhs_hint = false} : vector<10000x128xf32>, vector<128x128xf32>, vector<10000x128xf32> -> vector<10000x128xf32>
    %get3A_6 = arith.constant 0 : index
    %get3A_7 = arith.constant 0 : index
    %get3A_8 = vector.load %arg2[%get3A_6, %get3A_7] : memref<1x128xf32, #tpu.memory_space<vmem>>, vector<1x128xf32>
    %get3A_9 = vector.shape_cast %get3A_8 : vector<1x128xf32> to vector<128xf32>
    %broadcast_in_dim3A = vector.shape_cast %get3A_9 : vector<128xf32> to vector<1x128xf32>
    %mul3A = vector.broadcast %broadcast_in_dim3A : vector<1x128xf32> to vector<10000x128xf32>
    %mul3A_10 = arith.mulf %dot_general3A_5, %mul3A : vector<10000x128xf32>
    %reduce_sum3A = arith.constant dense<0.000000e+00> : vector<10000xf32>
    %reduce_sum3A_11 = vector.multi_reduction <add>, %mul3A_10, %reduce_sum3A [1] : vector<10000x128xf32> to vector<10000xf32>
    %get3A_12 = arith.constant 0 : index
    %get3A_13 = arith.constant 0 : index
    %get3A_14 = vector.load %arg3[%get3A_12, %get3A_13] : memref<1x128xf32, #tpu.memory_space<vmem>>, vector<1x128xf32>
    %get3A_15 = vector.shape_cast %get3A_14 : vector<1x128xf32> to vector<128xf32>
    %broadcast_in_dim3A_16 = vector.shape_cast %get3A_15 : vector<128xf32> to vector<1x128xf32>
    %mul3A_17 = vector.broadcast %broadcast_in_dim3A_16 : vector<1x128xf32> to vector<10000x128xf32>
    %mul3A_18 = arith.mulf %dot_general3A_5, %mul3A_17 : vector<10000x128xf32>
    %reduce_sum3A_19 = arith.constant dense<0.000000e+00> : vector<10000xf32>
    %reduce_sum3A_20 = vector.multi_reduction <add>, %mul3A_18, %reduce_sum3A_19 [1] : vector<10000x128xf32> to vector<10000xf32>
    %add3A = arith.addf %reduce_sum3A_11, %reduce_sum3A_20 : vector<10000xf32>
    %ge3A = arith.constant 0.000000e+00 : f32
    %ge3A_21 = vector.broadcast %ge3A : f32 to vector<10000xf32>
    %ge3A_22 = arith.cmpf oge, %add3A, %ge3A_21 : vector<10000xf32>
    %mul3A_23 = arith.constant 2.000000e-01 : f32
    %mul3A_24 = vector.broadcast %mul3A_23 : f32 to vector<10000xf32>
    %mul3A_25 = arith.mulf %mul3A_24, %add3A : vector<10000xf32>
    %select_n3A = arith.select %ge3A_22, %add3A, %mul3A_25 : vector<10000xi1>, vector<10000xf32>
    %exp3A = math.exp %select_n3A : vector<10000xf32>
    %swap3A = arith.constant 0 : index
    %swap3A_26 = arith.constant 0 : index
    %swap3A_27 = vector.load %arg4[%swap3A, %swap3A_26] : memref<10000x128xf32, #tpu.memory_space<vmem>>, vector<10000x128xf32>
    tpu.vector_store %arg4[%swap3A, %swap3A_26], %dot_general3A_5 {strides = array<i32>} : memref<10000x128xf32, #tpu.memory_space<vmem>>, vector<10000x128xf32>,
    %broadcast_in_dim3A_28 = vector.shape_cast %reduce_sum3A_11 : vector<10000xf32> to vector<1x10000xf32>
    %swap3A_29 = arith.constant 0 : index
    %swap3A_30 = arith.constant 0 : index
    %swap3A_31 = vector.load %arg5[%swap3A_29, %swap3A_30] : memref<8x10000xf32, #tpu.memory_space<vmem>>, vector<1x10000xf32>
    tpu.vector_store %arg5[%swap3A_29, %swap3A_30], %broadcast_in_dim3A_28 {strides = array<i32>} : memref<8x10000xf32, #tpu.memory_space<vmem>>, vector<1x10000xf32>,
    %broadcast_in_dim3A_32 = vector.shape_cast %reduce_sum3A_20 : vector<10000xf32> to vector<1x10000xf32>
    %swap3A_33 = arith.constant 1 : index
    %swap3A_34 = arith.constant 0 : index
    %swap3A_35 = vector.load %arg5[%swap3A_33, %swap3A_34] : memref<8x10000xf32, #tpu.memory_space<vmem>>, vector<1x10000xf32>
    tpu.vector_store %arg5[%swap3A_33, %swap3A_34], %broadcast_in_dim3A_32 {strides = array<i32>} : memref<8x10000xf32, #tpu.memory_space<vmem>>, vector<1x10000xf32>,
    %broadcast_in_dim3A_36 = vector.shape_cast %reduce_sum3A_11 : vector<10000xf32> to vector<1x10000xf32>
    %swap3A_37 = arith.constant 2 : index
    %swap3A_38 = arith.constant 0 : index
    %swap3A_39 = vector.load %arg5[%swap3A_37, %swap3A_38] : memref<8x10000xf32, #tpu.memory_space<vmem>>, vector<1x10000xf32>
    tpu.vector_store %arg5[%swap3A_37, %swap3A_38], %broadcast_in_dim3A_36 {strides = array<i32>} : memref<8x10000xf32, #tpu.memory_space<vmem>>, vector<1x10000xf32>,
    %broadcast_in_dim3A_40 = vector.shape_cast %reduce_sum3A_20 : vector<10000xf32> to vector<1x10000xf32>
    %swap3A_41 = arith.constant 3 : index
    %swap3A_42 = arith.constant 0 : index
    %swap3A_43 = vector.load %arg5[%swap3A_41, %swap3A_42] : memref<8x10000xf32, #tpu.memory_space<vmem>>, vector<1x10000xf32>
    tpu.vector_store %arg5[%swap3A_41, %swap3A_42], %broadcast_in_dim3A_40 {strides = array<i32>} : memref<8x10000xf32, #tpu.memory_space<vmem>>, vector<1x10000xf32>,
    %broadcast_in_dim3A_44 = vector.shape_cast %exp3A : vector<10000xf32> to vector<1x10000xf32>
    %swap3A_45 = arith.constant 4 : index
    %swap3A_46 = arith.constant 0 : index
    %swap3A_47 = vector.load %arg5[%swap3A_45, %swap3A_46] : memref<8x10000xf32, #tpu.memory_space<vmem>>, vector<1x10000xf32>
    tpu.vector_store %arg5[%swap3A_45, %swap3A_46], %broadcast_in_dim3A_44 {strides = array<i32>} : memref<8x10000xf32, #tpu.memory_space<vmem>>, vector<1x10000xf32>,
    %broadcast_in_dim3A_48 = vector.shape_cast %exp3A : vector<10000xf32> to vector<1x10000xf32>
    %swap3A_49 = arith.constant 5 : index
    %swap3A_50 = arith.constant 0 : index
    %swap3A_51 = vector.load %arg5[%swap3A_49, %swap3A_50] : memref<8x10000xf32, #tpu.memory_space<vmem>>, vector<1x10000xf32>
    tpu.vector_store %arg5[%swap3A_49, %swap3A_50], %broadcast_in_dim3A_48 {strides = array<i32>} : memref<8x10000xf32, #tpu.memory_space<vmem>>, vector<1x10000xf32>,
    %broadcast_in_dim3A_52 = arith.constant 0.000000e+00 : f32
    %broadcast_in_dim3A_53 = vector.broadcast %broadcast_in_dim3A_52 : f32 to vector<1x10000xf32>
    %swap3A_54 = arith.constant 6 : index
    %swap3A_55 = arith.constant 0 : index
    %swap3A_56 = vector.load %arg5[%swap3A_54, %swap3A_55] : memref<8x10000xf32, #tpu.memory_space<vmem>>, vector<1x10000xf32>
    tpu.vector_store %arg5[%swap3A_54, %swap3A_55], %broadcast_in_dim3A_53 {strides = array<i32>} : memref<8x10000xf32, #tpu.memory_space<vmem>>, vector<1x10000xf32>,
    %broadcast_in_dim3A_57 = arith.constant 0.000000e+00 : f32
    %broadcast_in_dim3A_58 = vector.broadcast %broadcast_in_dim3A_57 : f32 to vector<1x10000xf32>
    %swap3A_59 = arith.constant 7 : index
    %swap3A_60 = arith.constant 0 : index
    %swap3A_61 = vector.load %arg5[%swap3A_59, %swap3A_60] : memref<8x10000xf32, #tpu.memory_space<vmem>>, vector<1x10000xf32>
    tpu.vector_store %arg5[%swap3A_59, %swap3A_60], %broadcast_in_dim3A_58 {strides = array<i32>} : memref<8x10000xf32, #tpu.memory_space<vmem>>, vector<1x10000xf32>,
    return
  }
}

module attributes {stable_mosaic.version = 14 : i64} {
  func.func @_tc_mid_body(%arg0: memref<10000x64xf32, #tpu.memory_space<vmem>>, %arg1: memref<10000x64xf32, #tpu.memory_space<vmem>>, %arg2: memref<1x10000xf32, #tpu.memory_space<vmem>>, %arg3: memref<1x10000xf32, #tpu.memory_space<vmem>>, %arg4: memref<10000x128xf32, #tpu.memory_space<vmem>>, %arg5: memref<8x10000xf32, #tpu.memory_space<vmem>>, %arg6: memref<1x128xf32, #tpu.memory_space<vmem>>, %arg7: memref<128x64xf32, #tpu.memory_space<vmem>>, %arg8: memref<128x64xf32, #tpu.memory_space<vmem>>, %arg9: memref<1x64xf32, #tpu.memory_space<vmem>>, %arg10: memref<1x64xf32, #tpu.memory_space<vmem>>, %arg11: memref<1x64xf32, #tpu.memory_space<vmem>>, %arg12: memref<1x64xf32, #tpu.memory_space<vmem>>, %arg13: memref<10000x128xf32, #tpu.memory_space<vmem>>, %arg14: memref<8x10000xf32, #tpu.memory_space<vmem>>) attributes {dimension_semantics = [], scalar_prefetch = 0 : i64, scratch_operands = 0 : i64, tpu.core_type = #tpu.core_type<tc>} {
    %get3A = arith.constant 0 : index
    %get3A_0 = arith.constant 0 : index
    %get3A_1 = vector.load %arg0[%get3A, %get3A_0] : memref<10000x64xf32, #tpu.memory_space<vmem>>, vector<10000x64xf32>
    %get3A_2 = arith.constant 0 : index
    %get3A_3 = arith.constant 0 : index
    %get3A_4 = vector.load %arg1[%get3A_2, %get3A_3] : memref<10000x64xf32, #tpu.memory_space<vmem>>, vector<10000x64xf32>
    %get3A_5 = arith.constant 4 : index
    %get3A_6 = arith.constant 0 : index
    %get3A_7 = vector.load %arg5[%get3A_5, %get3A_6] : memref<8x10000xf32, #tpu.memory_space<vmem>>, vector<1x10000xf32>
    %reshape3A = vector.shape_cast %get3A_7 : vector<1x10000xf32> to vector<10000x1xf32>
    %get3A_8 = arith.constant 0 : index
    %get3A_9 = arith.constant 0 : index
    %get3A_10 = vector.load %arg4[%get3A_8, %get3A_9] : memref<10000x128xf32, #tpu.memory_space<vmem>>, vector<10000x64xf32>
    %get3A_11 = arith.constant 0 : index
    %get3A_12 = arith.constant 64 : index
    %get3A_13 = vector.load %arg4[%get3A_11, %get3A_12] : memref<10000x128xf32, #tpu.memory_space<vmem>>, vector<10000x64xf32>
    %get3A_14 = arith.constant 0 : index
    %get3A_15 = arith.constant 0 : index
    %get3A_16 = vector.load %arg2[%get3A_14, %get3A_15] : memref<1x10000xf32, #tpu.memory_space<vmem>>, vector<1x10000xf32>
    %reshape3A_17 = vector.shape_cast %get3A_16 : vector<1x10000xf32> to vector<10000x1xf32>
    %add3A = arith.addf %reshape3A_17, %reshape3A : vector<10000x1xf32>
    %add3A_18 = arith.constant 1.000000e-16 : f32
    %add3A_19 = vector.broadcast %add3A_18 : f32 to vector<10000x1xf32>
    %add3A_20 = arith.addf %add3A, %add3A_19 : vector<10000x1xf32>
    %get3A_21 = arith.constant 0 : index
    %get3A_22 = arith.constant 0 : index
    %get3A_23 = vector.load %arg3[%get3A_21, %get3A_22] : memref<1x10000xf32, #tpu.memory_space<vmem>>, vector<1x10000xf32>
    %reshape3A_24 = vector.shape_cast %get3A_23 : vector<1x10000xf32> to vector<10000x1xf32>
    %add3A_25 = arith.addf %reshape3A_24, %reshape3A : vector<10000x1xf32>
    %add3A_26 = arith.constant 1.000000e-16 : f32
    %add3A_27 = vector.broadcast %add3A_26 : f32 to vector<10000x1xf32>
    %add3A_28 = arith.addf %add3A_25, %add3A_27 : vector<10000x1xf32>
    %mul3A = vector.broadcast %reshape3A : vector<10000x1xf32> to vector<10000x64xf32>
    %mul3A_29 = arith.mulf %mul3A, %get3A_10 : vector<10000x64xf32>
    %add3A_30 = arith.addf %get3A_1, %mul3A_29 : vector<10000x64xf32>
    %div3A = vector.broadcast %add3A_20 : vector<10000x1xf32> to vector<10000x64xf32>
    %div3A_31 = arith.divf %add3A_30, %div3A : vector<10000x64xf32>
    %get3A_32 = arith.constant 0 : index
    %get3A_33 = arith.constant 0 : index
    %get3A_34 = vector.load %arg6[%get3A_32, %get3A_33] : memref<1x128xf32, #tpu.memory_space<vmem>>, vector<1x128xf32>
    %get3A_35 = vector.shape_cast %get3A_34 : vector<1x128xf32> to vector<128xf32>
    %slice3A = vector.extract_strided_slice %get3A_35 {offsets = [0], sizes = [64], strides = [1]} : vector<128xf32> to vector<64xf32>
    %broadcast_in_dim3A = vector.shape_cast %slice3A : vector<64xf32> to vector<1x64xf32>
    %add3A_36 = vector.broadcast %broadcast_in_dim3A : vector<1x64xf32> to vector<10000x64xf32>
    %add3A_37 = arith.addf %div3A_31, %add3A_36 : vector<10000x64xf32>
    %mul3A_38 = vector.broadcast %reshape3A : vector<10000x1xf32> to vector<10000x64xf32>
    %mul3A_39 = arith.mulf %mul3A_38, %get3A_13 : vector<10000x64xf32>
    %add3A_40 = arith.addf %get3A_4, %mul3A_39 : vector<10000x64xf32>
    %div3A_41 = vector.broadcast %add3A_28 : vector<10000x1xf32> to vector<10000x64xf32>
    %div3A_42 = arith.divf %add3A_40, %div3A_41 : vector<10000x64xf32>
    %get3A_43 = arith.constant 0 : index
    %get3A_44 = arith.constant 0 : index
    %get3A_45 = vector.load %arg6[%get3A_43, %get3A_44] : memref<1x128xf32, #tpu.memory_space<vmem>>, vector<1x128xf32>
    %get3A_46 = vector.shape_cast %get3A_45 : vector<1x128xf32> to vector<128xf32>
    %slice3A_47 = vector.extract_strided_slice %get3A_46 {offsets = [64], sizes = [64], strides = [1]} : vector<128xf32> to vector<64xf32>
    %broadcast_in_dim3A_48 = vector.shape_cast %slice3A_47 : vector<64xf32> to vector<1x64xf32>
    %add3A_49 = vector.broadcast %broadcast_in_dim3A_48 : vector<1x64xf32> to vector<10000x64xf32>
    %add3A_50 = arith.addf %div3A_42, %add3A_49 : vector<10000x64xf32>
    %concatenate3A = tpu.concatenate %add3A_37, %add3A_50 in 1 : vector<10000x64xf32>, vector<10000x64xf32> -> vector<10000x128xf32>
    %gt3A = arith.constant 0.000000e+00 : f32
    %gt3A_51 = vector.broadcast %gt3A : f32 to vector<10000x128xf32>
    %gt3A_52 = arith.cmpf ogt, %concatenate3A, %gt3A_51 : vector<10000x128xf32>
    %min3A = arith.constant 0.000000e+00 : f32
    %min3A_53 = vector.broadcast %min3A : f32 to vector<10000x128xf32>
    %min3A_54 = arith.minimumf %concatenate3A, %min3A_53 : vector<10000x128xf32>
    %exp3A = math.exp %min3A_54 : vector<10000x128xf32>
    %sub3A = arith.constant 1.000000e+00 : f32
    %sub3A_55 = vector.broadcast %sub3A : f32 to vector<10000x128xf32>
    %sub3A_56 = arith.subf %exp3A, %sub3A_55 : vector<10000x128xf32>
    %select_n3A = arith.select %gt3A_52, %concatenate3A, %sub3A_56 : vector<10000x128xi1>, vector<10000x128xf32>
    %get3A_57 = arith.constant 0 : index
    %get3A_58 = arith.constant 0 : index
    %get3A_59 = vector.load %arg7[%get3A_57, %get3A_58] : memref<128x64xf32, #tpu.memory_space<vmem>>, vector<128x64xf32>
    %dot_general3A = arith.constant dense<0.000000e+00> : vector<10000x64xf32>
    %dot_general3A_60 = tpu.matmul %select_n3A, %get3A_59, %dot_general3A {dimension_numbers = #tpu.dot_dimension_numbers<[1], [0], [0], [1], [0, 0, 1, 1], [], []>, transpose_lhs_hint = false} : vector<10000x128xf32>, vector<128x64xf32>, vector<10000x64xf32> -> vector<10000x64xf32>
    %get3A_61 = arith.constant 0 : index
    %get3A_62 = arith.constant 0 : index
    %get3A_63 = vector.load %arg8[%get3A_61, %get3A_62] : memref<128x64xf32, #tpu.memory_space<vmem>>, vector<128x64xf32>
    %dot_general3A_64 = arith.constant dense<0.000000e+00> : vector<10000x64xf32>
    %dot_general3A_65 = tpu.matmul %select_n3A, %get3A_63, %dot_general3A_64 {dimension_numbers = #tpu.dot_dimension_numbers<[1], [0], [0], [1], [0, 0, 1, 1], [], []>, transpose_lhs_hint = false} : vector<10000x128xf32>, vector<128x64xf32>, vector<10000x64xf32> -> vector<10000x64xf32>
    %get3A_66 = arith.constant 0 : index
    %get3A_67 = arith.constant 0 : index
    %get3A_68 = vector.load %arg9[%get3A_66, %get3A_67] : memref<1x64xf32, #tpu.memory_space<vmem>>, vector<1x64xf32>
    %get3A_69 = vector.shape_cast %get3A_68 : vector<1x64xf32> to vector<64xf32>
    %broadcast_in_dim3A_70 = vector.shape_cast %get3A_69 : vector<64xf32> to vector<1x64xf32>
    %mul3A_71 = vector.broadcast %broadcast_in_dim3A_70 : vector<1x64xf32> to vector<10000x64xf32>
    %mul3A_72 = arith.mulf %dot_general3A_60, %mul3A_71 : vector<10000x64xf32>
    %reduce_sum3A = arith.constant dense<0.000000e+00> : vector<10000xf32>
    %reduce_sum3A_73 = vector.multi_reduction <add>, %mul3A_72, %reduce_sum3A [1] : vector<10000x64xf32> to vector<10000xf32>
    %get3A_74 = arith.constant 0 : index
    %get3A_75 = arith.constant 0 : index
    %get3A_76 = vector.load %arg10[%get3A_74, %get3A_75] : memref<1x64xf32, #tpu.memory_space<vmem>>, vector<1x64xf32>
    %get3A_77 = vector.shape_cast %get3A_76 : vector<1x64xf32> to vector<64xf32>
    %broadcast_in_dim3A_78 = vector.shape_cast %get3A_77 : vector<64xf32> to vector<1x64xf32>
    %mul3A_79 = vector.broadcast %broadcast_in_dim3A_78 : vector<1x64xf32> to vector<10000x64xf32>
    %mul3A_80 = arith.mulf %dot_general3A_60, %mul3A_79 : vector<10000x64xf32>
    %reduce_sum3A_81 = arith.constant dense<0.000000e+00> : vector<10000xf32>
    %reduce_sum3A_82 = vector.multi_reduction <add>, %mul3A_80, %reduce_sum3A_81 [1] : vector<10000x64xf32> to vector<10000xf32>
    %get3A_83 = arith.constant 0 : index
    %get3A_84 = arith.constant 0 : index
    %get3A_85 = vector.load %arg11[%get3A_83, %get3A_84] : memref<1x64xf32, #tpu.memory_space<vmem>>, vector<1x64xf32>
    %get3A_86 = vector.shape_cast %get3A_85 : vector<1x64xf32> to vector<64xf32>
    %broadcast_in_dim3A_87 = vector.shape_cast %get3A_86 : vector<64xf32> to vector<1x64xf32>
    %mul3A_88 = vector.broadcast %broadcast_in_dim3A_87 : vector<1x64xf32> to vector<10000x64xf32>
    %mul3A_89 = arith.mulf %dot_general3A_65, %mul3A_88 : vector<10000x64xf32>
    %reduce_sum3A_90 = arith.constant dense<0.000000e+00> : vector<10000xf32>
    %reduce_sum3A_91 = vector.multi_reduction <add>, %mul3A_89, %reduce_sum3A_90 [1] : vector<10000x64xf32> to vector<10000xf32>
    %get3A_92 = arith.constant 0 : index
    %get3A_93 = arith.constant 0 : index
    %get3A_94 = vector.load %arg12[%get3A_92, %get3A_93] : memref<1x64xf32, #tpu.memory_space<vmem>>, vector<1x64xf32>
    %get3A_95 = vector.shape_cast %get3A_94 : vector<1x64xf32> to vector<64xf32>
    %broadcast_in_dim3A_96 = vector.shape_cast %get3A_95 : vector<64xf32> to vector<1x64xf32>
    %mul3A_97 = vector.broadcast %broadcast_in_dim3A_96 : vector<1x64xf32> to vector<10000x64xf32>
    %mul3A_98 = arith.mulf %dot_general3A_65, %mul3A_97 : vector<10000x64xf32>
    %reduce_sum3A_99 = arith.constant dense<0.000000e+00> : vector<10000xf32>
    %reduce_sum3A_100 = vector.multi_reduction <add>, %mul3A_98, %reduce_sum3A_99 [1] : vector<10000x64xf32> to vector<10000xf32>
    %add3A_101 = arith.addf %reduce_sum3A_73, %reduce_sum3A_82 : vector<10000xf32>
    %ge3A = arith.constant 0.000000e+00 : f32
    %ge3A_102 = vector.broadcast %ge3A : f32 to vector<10000xf32>
    %ge3A_103 = arith.cmpf oge, %add3A_101, %ge3A_102 : vector<10000xf32>
    %mul3A_104 = arith.constant 2.000000e-01 : f32
    %mul3A_105 = vector.broadcast %mul3A_104 : f32 to vector<10000xf32>
    %mul3A_106 = arith.mulf %mul3A_105, %add3A_101 : vector<10000xf32>
    %select_n3A_107 = arith.select %ge3A_103, %add3A_101, %mul3A_106 : vector<10000xi1>, vector<10000xf32>
    %exp3A_108 = math.exp %select_n3A_107 : vector<10000xf32>
    %add3A_109 = arith.addf %reduce_sum3A_91, %reduce_sum3A_100 : vector<10000xf32>
    %ge3A_110 = arith.constant 0.000000e+00 : f32
    %ge3A_111 = vector.broadcast %ge3A_110 : f32 to vector<10000xf32>
    %ge3A_112 = arith.cmpf oge, %add3A_109, %ge3A_111 : vector<10000xf32>
    %mul3A_113 = arith.constant 2.000000e-01 : f32
    %mul3A_114 = vector.broadcast %mul3A_113 : f32 to vector<10000xf32>
    %mul3A_115 = arith.mulf %mul3A_114, %add3A_109 : vector<10000xf32>
    %select_n3A_116 = arith.select %ge3A_112, %add3A_109, %mul3A_115 : vector<10000xi1>, vector<10000xf32>
    %exp3A_117 = math.exp %select_n3A_116 : vector<10000xf32>
    %swap3A = arith.constant 0 : index
    %swap3A_118 = arith.constant 0 : index
    %swap3A_119 = vector.load %arg13[%swap3A, %swap3A_118] : memref<10000x128xf32, #tpu.memory_space<vmem>>, vector<10000x64xf32>
    tpu.vector_store %arg13[%swap3A, %swap3A_118], %dot_general3A_60 {strides = array<i32>} : memref<10000x128xf32, #tpu.memory_space<vmem>>, vector<10000x64xf32>,
    %swap3A_120 = arith.constant 0 : index
    %swap3A_121 = arith.constant 64 : index
    %swap3A_122 = vector.load %arg13[%swap3A_120, %swap3A_121] : memref<10000x128xf32, #tpu.memory_space<vmem>>, vector<10000x64xf32>
    tpu.vector_store %arg13[%swap3A_120, %swap3A_121], %dot_general3A_65 {strides = array<i32>} : memref<10000x128xf32, #tpu.memory_space<vmem>>, vector<10000x64xf32>,
    %broadcast_in_dim3A_123 = vector.shape_cast %reduce_sum3A_73 : vector<10000xf32> to vector<1x10000xf32>
    %swap3A_124 = arith.constant 0 : index
    %swap3A_125 = arith.constant 0 : index
    %swap3A_126 = vector.load %arg14[%swap3A_124, %swap3A_125] : memref<8x10000xf32, #tpu.memory_space<vmem>>, vector<1x10000xf32>
    tpu.vector_store %arg14[%swap3A_124, %swap3A_125], %broadcast_in_dim3A_123 {strides = array<i32>} : memref<8x10000xf32, #tpu.memory_space<vmem>>, vector<1x10000xf32>,
    %broadcast_in_dim3A_127 = vector.shape_cast %reduce_sum3A_82 : vector<10000xf32> to vector<1x10000xf32>
    %swap3A_128 = arith.constant 1 : index
    %swap3A_129 = arith.constant 0 : index
    %swap3A_130 = vector.load %arg14[%swap3A_128, %swap3A_129] : memref<8x10000xf32, #tpu.memory_space<vmem>>, vector<1x10000xf32>
    tpu.vector_store %arg14[%swap3A_128, %swap3A_129], %broadcast_in_dim3A_127 {strides = array<i32>} : memref<8x10000xf32, #tpu.memory_space<vmem>>, vector<1x10000xf32>,
    %broadcast_in_dim3A_131 = vector.shape_cast %reduce_sum3A_91 : vector<10000xf32> to vector<1x10000xf32>
    %swap3A_132 = arith.constant 2 : index
    %swap3A_133 = arith.constant 0 : index
    %swap3A_134 = vector.load %arg14[%swap3A_132, %swap3A_133] : memref<8x10000xf32, #tpu.memory_space<vmem>>, vector<1x10000xf32>
    tpu.vector_store %arg14[%swap3A_132, %swap3A_133], %broadcast_in_dim3A_131 {strides = array<i32>} : memref<8x10000xf32, #tpu.memory_space<vmem>>, vector<1x10000xf32>,
    %broadcast_in_dim3A_135 = vector.shape_cast %reduce_sum3A_100 : vector<10000xf32> to vector<1x10000xf32>
    %swap3A_136 = arith.constant 3 : index
    %swap3A_137 = arith.constant 0 : index
    %swap3A_138 = vector.load %arg14[%swap3A_136, %swap3A_137] : memref<8x10000xf32, #tpu.memory_space<vmem>>, vector<1x10000xf32>
    tpu.vector_store %arg14[%swap3A_136, %swap3A_137], %broadcast_in_dim3A_135 {strides = array<i32>} : memref<8x10000xf32, #tpu.memory_space<vmem>>, vector<1x10000xf32>,
    %broadcast_in_dim3A_139 = vector.shape_cast %exp3A_108 : vector<10000xf32> to vector<1x10000xf32>
    %swap3A_140 = arith.constant 4 : index
    %swap3A_141 = arith.constant 0 : index
    %swap3A_142 = vector.load %arg14[%swap3A_140, %swap3A_141] : memref<8x10000xf32, #tpu.memory_space<vmem>>, vector<1x10000xf32>
    tpu.vector_store %arg14[%swap3A_140, %swap3A_141], %broadcast_in_dim3A_139 {strides = array<i32>} : memref<8x10000xf32, #tpu.memory_space<vmem>>, vector<1x10000xf32>,
    %broadcast_in_dim3A_143 = vector.shape_cast %exp3A_117 : vector<10000xf32> to vector<1x10000xf32>
    %swap3A_144 = arith.constant 5 : index
    %swap3A_145 = arith.constant 0 : index
    %swap3A_146 = vector.load %arg14[%swap3A_144, %swap3A_145] : memref<8x10000xf32, #tpu.memory_space<vmem>>, vector<1x10000xf32>
    tpu.vector_store %arg14[%swap3A_144, %swap3A_145], %broadcast_in_dim3A_143 {strides = array<i32>} : memref<8x10000xf32, #tpu.memory_space<vmem>>, vector<1x10000xf32>,
    %broadcast_in_dim3A_147 = arith.constant 0.000000e+00 : f32
    %broadcast_in_dim3A_148 = vector.broadcast %broadcast_in_dim3A_147 : f32 to vector<1x10000xf32>
    %swap3A_149 = arith.constant 6 : index
    %swap3A_150 = arith.constant 0 : index
    %swap3A_151 = vector.load %arg14[%swap3A_149, %swap3A_150] : memref<8x10000xf32, #tpu.memory_space<vmem>>, vector<1x10000xf32>
    tpu.vector_store %arg14[%swap3A_149, %swap3A_150], %broadcast_in_dim3A_148 {strides = array<i32>} : memref<8x10000xf32, #tpu.memory_space<vmem>>, vector<1x10000xf32>,
    %broadcast_in_dim3A_152 = arith.constant 0.000000e+00 : f32
    %broadcast_in_dim3A_153 = vector.broadcast %broadcast_in_dim3A_152 : f32 to vector<1x10000xf32>
    %swap3A_154 = arith.constant 7 : index
    %swap3A_155 = arith.constant 0 : index
    %swap3A_156 = vector.load %arg14[%swap3A_154, %swap3A_155] : memref<8x10000xf32, #tpu.memory_space<vmem>>, vector<1x10000xf32>
    tpu.vector_store %arg14[%swap3A_154, %swap3A_155], %broadcast_in_dim3A_153 {strides = array<i32>} : memref<8x10000xf32, #tpu.memory_space<vmem>>, vector<1x10000xf32>,
    return
  }
}

module attributes {stable_mosaic.version = 14 : i64} {
  func.func @_tc_post_body(%arg0: memref<10000x64xf32, #tpu.memory_space<vmem>>, %arg1: memref<10000x64xf32, #tpu.memory_space<vmem>>, %arg2: memref<1x10000xf32, #tpu.memory_space<vmem>>, %arg3: memref<1x10000xf32, #tpu.memory_space<vmem>>, %arg4: memref<10000x128xf32, #tpu.memory_space<vmem>>, %arg5: memref<8x10000xf32, #tpu.memory_space<vmem>>, %arg6: memref<1x64xf32, #tpu.memory_space<vmem>>, %arg7: memref<1x64xf32, #tpu.memory_space<vmem>>, %arg8: memref<10000x64xf32, #tpu.memory_space<vmem>>, %arg9: memref<10000x64xf32, #tpu.memory_space<vmem>>) attributes {dimension_semantics = [], scalar_prefetch = 0 : i64, scratch_operands = 0 : i64, tpu.core_type = #tpu.core_type<tc>} {
    %get3A = arith.constant 0 : index
    %get3A_0 = arith.constant 0 : index
    %get3A_1 = vector.load %arg0[%get3A, %get3A_0] : memref<10000x64xf32, #tpu.memory_space<vmem>>, vector<10000x64xf32>
    %get3A_2 = arith.constant 0 : index
    %get3A_3 = arith.constant 0 : index
    %get3A_4 = vector.load %arg1[%get3A_2, %get3A_3] : memref<10000x64xf32, #tpu.memory_space<vmem>>, vector<10000x64xf32>
    %get3A_5 = arith.constant 0 : index
    %get3A_6 = arith.constant 0 : index
    %get3A_7 = vector.load %arg4[%get3A_5, %get3A_6] : memref<10000x128xf32, #tpu.memory_space<vmem>>, vector<10000x64xf32>
    %get3A_8 = arith.constant 0 : index
    %get3A_9 = arith.constant 64 : index
    %get3A_10 = vector.load %arg4[%get3A_8, %get3A_9] : memref<10000x128xf32, #tpu.memory_space<vmem>>, vector<10000x64xf32>
    %get3A_11 = arith.constant 4 : index
    %get3A_12 = arith.constant 0 : index
    %get3A_13 = vector.load %arg5[%get3A_11, %get3A_12] : memref<8x10000xf32, #tpu.memory_space<vmem>>, vector<1x10000xf32>
    %reshape3A = vector.shape_cast %get3A_13 : vector<1x10000xf32> to vector<10000x1xf32>
    %get3A_14 = arith.constant 5 : index
    %get3A_15 = arith.constant 0 : index
    %get3A_16 = vector.load %arg5[%get3A_14, %get3A_15] : memref<8x10000xf32, #tpu.memory_space<vmem>>, vector<1x10000xf32>
    %reshape3A_17 = vector.shape_cast %get3A_16 : vector<1x10000xf32> to vector<10000x1xf32>
    %get3A_18 = arith.constant 0 : index
    %get3A_19 = arith.constant 0 : index
    %get3A_20 = vector.load %arg2[%get3A_18, %get3A_19] : memref<1x10000xf32, #tpu.memory_space<vmem>>, vector<1x10000xf32>
    %reshape3A_21 = vector.shape_cast %get3A_20 : vector<1x10000xf32> to vector<10000x1xf32>
    %get3A_22 = arith.constant 0 : index
    %get3A_23 = arith.constant 0 : index
    %get3A_24 = vector.load %arg3[%get3A_22, %get3A_23] : memref<1x10000xf32, #tpu.memory_space<vmem>>, vector<1x10000xf32>
    %reshape3A_25 = vector.shape_cast %get3A_24 : vector<1x10000xf32> to vector<10000x1xf32>
    %mul3A = vector.broadcast %reshape3A : vector<10000x1xf32> to vector<10000x64xf32>
    %mul3A_26 = arith.mulf %mul3A, %get3A_7 : vector<10000x64xf32>
    %add3A = arith.addf %get3A_1, %mul3A_26 : vector<10000x64xf32>
    %add3A_27 = arith.addf %reshape3A_21, %reshape3A : vector<10000x1xf32>
    %add3A_28 = arith.constant 1.000000e-16 : f32
    %add3A_29 = vector.broadcast %add3A_28 : f32 to vector<10000x1xf32>
    %add3A_30 = arith.addf %add3A_27, %add3A_29 : vector<10000x1xf32>
    %div3A = vector.broadcast %add3A_30 : vector<10000x1xf32> to vector<10000x64xf32>
    %div3A_31 = arith.divf %add3A, %div3A : vector<10000x64xf32>
    %get3A_32 = arith.constant 0 : index
    %get3A_33 = arith.constant 0 : index
    %get3A_34 = vector.load %arg6[%get3A_32, %get3A_33] : memref<1x64xf32, #tpu.memory_space<vmem>>, vector<1x64xf32>
    %get3A_35 = vector.shape_cast %get3A_34 : vector<1x64xf32> to vector<64xf32>
    %broadcast_in_dim3A = vector.shape_cast %get3A_35 : vector<64xf32> to vector<1x64xf32>
    %add3A_36 = vector.broadcast %broadcast_in_dim3A : vector<1x64xf32> to vector<10000x64xf32>
    %add3A_37 = arith.addf %div3A_31, %add3A_36 : vector<10000x64xf32>
    %swap3A = arith.constant 0 : index
    %swap3A_38 = arith.constant 0 : index
    %swap3A_39 = vector.load %arg8[%swap3A, %swap3A_38] : memref<10000x64xf32, #tpu.memory_space<vmem>>, vector<10000x64xf32>
    tpu.vector_store %arg8[%swap3A, %swap3A_38], %add3A_37 {strides = array<i32>} : memref<10000x64xf32, #tpu.memory_space<vmem>>, vector<10000x64xf32>,
    %mul3A_40 = vector.broadcast %reshape3A_17 : vector<10000x1xf32> to vector<10000x64xf32>
    %mul3A_41 = arith.mulf %mul3A_40, %get3A_10 : vector<10000x64xf32>
    %add3A_42 = arith.addf %get3A_4, %mul3A_41 : vector<10000x64xf32>
    %add3A_43 = arith.addf %reshape3A_25, %reshape3A_17 : vector<10000x1xf32>
    %add3A_44 = arith.constant 1.000000e-16 : f32
    %add3A_45 = vector.broadcast %add3A_44 : f32 to vector<10000x1xf32>
    %add3A_46 = arith.addf %add3A_43, %add3A_45 : vector<10000x1xf32>
    %div3A_47 = vector.broadcast %add3A_46 : vector<10000x1xf32> to vector<10000x64xf32>
    %div3A_48 = arith.divf %add3A_42, %div3A_47 : vector<10000x64xf32>
    %get3A_49 = arith.constant 0 : index
    %get3A_50 = arith.constant 0 : index
    %get3A_51 = vector.load %arg7[%get3A_49, %get3A_50] : memref<1x64xf32, #tpu.memory_space<vmem>>, vector<1x64xf32>
    %get3A_52 = vector.shape_cast %get3A_51 : vector<1x64xf32> to vector<64xf32>
    %broadcast_in_dim3A_53 = vector.shape_cast %get3A_52 : vector<64xf32> to vector<1x64xf32>
    %add3A_54 = vector.broadcast %broadcast_in_dim3A_53 : vector<1x64xf32> to vector<10000x64xf32>
    %add3A_55 = arith.addf %div3A_48, %add3A_54 : vector<10000x64xf32>
    %swap3A_56 = arith.constant 0 : index
    %swap3A_57 = arith.constant 0 : index
    %swap3A_58 = vector.load %arg9[%swap3A_56, %swap3A_57] : memref<10000x64xf32, #tpu.memory_space<vmem>>, vector<10000x64xf32>
    tpu.vector_store %arg9[%swap3A_56, %swap3A_57], %add3A_55 {strides = array<i32>} : memref<10000x64xf32, #tpu.memory_space<vmem>>, vector<10000x64xf32>,
    return
  }
}

</mosaic_0001>

<sc_bundles>
// kernel: kernel.10.cloned.1.call-start
scs
__scs_entry_jumppad:
0x0: {  	(pc) =	sbr.rel $0x88, $3  }
0x1: {  	(tag) =	ssettag $0x0;
	lr =	simm.s32 $0x1  }
0x2: {  	[smem:$0x3F93] =	sst lr;
	_ =	strace $0xD0000000  }
0x3: {  	_ = 	snop  }
0x4: {  	_ = 	snop  }
0x5: {  	_ = 	snop  }
0x6: {  	_ = 	snop  }
0x7: {  	_ = 	snop  }
__scs_overlays_trampoline_lowered:
0x8: {  	[smem:$0x3FA2] =	sst s0  }
0x9: {  	[smem:$0x3FA3] =	sst s1  }
0xa: {  	[smem:$0x3FA4] =	sst s2  }
0xb: {  	[smem:$0x3FA5] =	sst s3  }
0xc: {  	[smem:$0x3FA6] =	sst s4  }
0xd: {  	[smem:$0x3FA7] =	sst s5  }
0xe: {  	[smem:$0x3FA8] =	sst s6  }
0xf: {  	[smem:$0x3FA9] =	sst s7  }
0x10: {  	[smem:$0x3FAA] =	sst s8  }
0x11: {  	[smem:$0x3FAB] =	sst s9;
	s0 =	simm.s32 @!p0 $0x0  }
0x12: {  	s1 =	sld [smem:$0x3F91];
	s0 =	simm.s32 @p0 $0x1  }
0x13: {  	[smem:$0x3FAC] =	sst s0;
	s0 =	simm.s32 @!p1 $0x0  }
0x14: {  	s2 =	sld [smem:$0x3F90];
	s0 =	simm.s32 @p1 $0x1  }
0x15: {  	[smem:$0x3FAD] =	sst s0;
	s0 =	simm.s32 @!p2 $0x0  }
0x16: {  	s3 =	sld [smem:$0x3FDB];
	s0 =	simm.s32 @p2 $0x1  }
0x17: {  	s4 =	simm.s32 $0x1BF5;
	[smem:$0x3FAF] =	sst s0  }
0x18: {  	s0 =	sld [smem:$0x3F92];
	_ =	swait.ge [sflag:s4], $0x0  }
0x19: {  	s7 =	sld [smem:$0x3F93]  }
0x1a: {  	s8 =	sadd.s32 $0xFFFFE003, lr  }
0x1b: {  	s9 =	sadd.s32 $0xFFFFFEF7, lr;
	s5 =	simm.s32 $0xFFFFFFFF;
	p2 =	slt.u32 s8, $0xFFFFF086  }
0x1c: {  	p1 =	slt.u32 s9, $0xF7A;
	s5 =	simm.s32 @!p2 $0x0  }
0x1d: {  	s5 =	simm.s32 @p1 $0x1;
	p0 =	seq.s32 s7, s2  }
0x1e: {  	s7 =	smul.u32 @!p0 $0xF7A, s2;
	p2 =	seq.s32 @!p0 s5, $0x0  }
0x1f: {  	s9 =	smul.u32 $0xF7A, s1;
	s8 =	simm.s32 @!p0 $0x1BF5;
	p2 =	por !p2, p0  }
0x20: {  	[sflag:s8] =	ssyncset.s32 @!p0 $0xFFFFF086;
	s6 =	sadd.s32 @!p0 s3, s7;
	s7 =	simm.s32 @!p0 $0x108  }
0x21: {  	s3 =	sadd.s32 s3, s9;
	s6 =	sadd.s32 @!p0 $0x88, s6;
	s7 =	simm.s32 @p2 $0x1082  }
0x22: {  	[simem:s7], [sflag:s8] =	dma.local @!p0 [hbm:s6], $0xF7A  }
0x23: {  	s9 =	sor.u32 $0xD0000000, s2;
	s6 =	simm.s32 $0x108;
	_ =	swait.ge @!p0 [sflag:s8], $0x0  }
0x24: {  	s3 =	sadd.s32 $0x88, s3;
	s6 =	simm.s32 @!p1 $0x1082;
	[sflag:s4] =	ssyncset.s32 $0xFFFFF086  }
0x25: {  	[simem:s6], [sflag:s4] =	dma.local [hbm:s3], $0xF7A  }
0x26: {  	[smem:$0x3F93] =	sst s1;
	(tag) =	ssettag s2;
	_ =	strace s9  }
0x27: {  	s1 =	sld [smem:$0x3FA3]  }
0x28: {  	s2 =	sld [smem:$0x3FA4]  }
0x29: {  	s4 =	sld [smem:$0x3FA6]  }
0x2a: {  	p0 =	seq.s32 s5, $0x0;
	s5 =	sld [smem:$0x3FA7]  }
0x2b: {  	s6 =	sld [smem:$0x3FA8]  }
0x2c: {  	s7 =	sld [smem:$0x3FA9]  }
0x2d: {  	s3 =	simm.s32 $0x108;
	s8 =	sld [smem:$0x3FAA]  }
0x2e: {  	s3 =	simm.s32 @!p0 $0x1082;
	s9 =	sld [smem:$0x3FAB]  }
0x2f: {  	lr =	sadd.s32 s0, s3;
	s0 =	sld [smem:$0x3FA2]  }
0x30: {  	s3 =	sld [smem:$0x3FA5]  }
0x31: {  	[smem:$0x3FAE] =	sst s10  }
0x32: {  	s10 =	sld [smem:$0x3FAC];
	_ =	sdelay $0x3  }
0x33: {  	p0 =	seq.s32 s10, $0x1;
	s10 =	sld [smem:$0x3FAE];
	_ =	sdelay $0x3  }
0x34: {  	[smem:$0x3FAE] =	sst s10  }
0x35: {  	s10 =	sld [smem:$0x3FAD];
	_ =	sdelay $0x3  }
0x36: {  	p1 =	seq.s32 s10, $0x1;
	s10 =	sld [smem:$0x3FAE];
	_ =	sdelay $0x3  }
0x37: {  	[smem:$0x3FAE] =	sst s10  }
0x38: {  	s10 =	sld [smem:$0x3FAF]  }
0x39: {  	_ = 	snop;
	(pc) =	sbr.ind lr, $3  }
0x3a: {  	_ = 	snop  }
0x3b: {  	_ = 	snop  }
0x3c: {  	p2 =	seq.s32 s10, $0x1;
	s10 =	sld [smem:$0x3FAE]  }
0x3d: {  	_ =	shalt  }
0x3e: {  	_ =	shalt  }
0x3f: {  	_ =	shalt  }
0x40: {  	_ =	shalt  }
0x41: {  	_ =	shalt  }
0x42: {  	_ =	shalt  }
0x43: {  	_ =	shalt  }
0x44: {  	_ =	shalt  }
0x45: {  	_ =	shalt  }
0x46: {  	_ =	shalt  }
0x47: {  	_ =	shalt  }
0x48: {  	_ =	shalt  }
0x49: {  	_ =	shalt  }
0x4a: {  	_ =	shalt  }
0x4b: {  	_ =	shalt  }
0x4c: {  	_ =	shalt  }
0x4d: {  	_ =	shalt  }
0x4e: {  	_ =	shalt  }
0x4f: {  	_ =	shalt  }
0x50: {  	_ =	shalt  }
0x51: {  	_ =	shalt  }
0x52: {  	_ =	shalt  }
0x53: {  	_ =	shalt  }
0x54: {  	_ =	shalt  }
0x55: {  	_ =	shalt  }
0x56: {  	_ =	shalt  }
0x57: {  	_ =	shalt  }
0x58: {  	_ =	shalt  }
0x59: {  	_ =	shalt  }
0x5a: {  	_ =	shalt  }
0x5b: {  	_ =	shalt  }
0x5c: {  	_ =	shalt  }
0x5d: {  	_ =	shalt  }
0x5e: {  	_ =	shalt  }
0x5f: {  	_ =	shalt  }
0x60: {  	_ =	shalt  }
0x61: {  	_ =	shalt  }
0x62: {  	_ =	shalt  }
0x63: {  	_ =	shalt  }
0x64: {  	_ =	shalt  }
0x65: {  	_ =	shalt  }
0x66: {  	_ =	shalt  }
0x67: {  	_ =	shalt  }
0x68: {  	_ =	shalt  }
0x69: {  	_ =	shalt  }
0x6a: {  	_ =	shalt  }
0x6b: {  	_ =	shalt  }
0x6c: {  	_ =	shalt  }
0x6d: {  	_ =	shalt  }
0x6e: {  	_ =	shalt  }
0x6f: {  	_ =	shalt  }
0x70: {  	_ =	shalt  }
0x71: {  	_ =	shalt  }
0x72: {  	_ =	shalt  }
0x73: {  	_ =	shalt  }
0x74: {  	_ =	shalt  }
0x75: {  	_ =	shalt  }
0x76: {  	_ =	shalt  }
0x77: {  	_ =	shalt  }
0x78: {  	_ =	shalt  }
0x79: {  	_ =	shalt  }
0x7a: {  	_ =	shalt  }
0x7b: {  	_ =	shalt  }
0x7c: {  	_ =	shalt  }
0x7d: {  	_ =	shalt  }
0x7e: {  	_ =	shalt  }
0x7f: {  	_ =	shalt  }
0x80: {  	_ =	shalt  }
0x81: {  	_ =	shalt  }
0x82: {  	_ =	shalt  }
0x83: {  	_ =	shalt  }
0x84: {  	_ =	shalt  }
0x85: {  	_ =	shalt  }
0x86: {  	_ =	shalt  }
0x87: {  	_ =	shalt  }
.Lfunc_end0:
.L_simem_size_0:
called_computation.1_lowered:
.L_overlay_start_0:
0x88: {  	s2 =	sld [smem:$0x3FD9]  }
0x89: {  	s3 =	sld [smem:$0x3FFE];
	_ =	sdelay $0x1  }
0x8a: {  	s1 =	srdreg.scid  }
0x8b: {  	s0 =	sand.u32 $0x1, s1  }
0x8c: {  	s14 =	sshll.u32 s0, $0xA;
	s2 =	sadd.s32 s3, s2  }
0x8d: {  	s2 =	sadd.s32 s2, s14  }
0x8e: {  	[smem:$0x3FBA] =	sst s2  }
0x8f: {  	_ = 	snop  }
0x90: {  	s2 =	sld [smem:$0x3FD0];
	_ =	sdelay $0x2  }
0x91: {  	s15 =	simm.s32 $0xA;
	s4 =	simm.s32 $0x10  }
0x92: {  	[smem:s4], [sflag:s15] =	dma.local [hbm:s2], $0x1  }
0x93: {  	_ =	swait.eq [sflag:s15], $0x1  }
0x94: {  	[sflag:s15] =	ssyncset.done $0x0  }
0x95: {  	s16 =	sld [smem:$0x10];
	[sflag:s15] =	ssyncadd.s32 $0xFFFFFFFF  }
0x96: {  	s17 =	sld [smem:$0x11];
	(tm) =	ssettm $0x1  }
0x97: {  	s18 =	sld [smem:$0x3FFB];
	_ =	sdelay $0x3  }
0x98: {  	_ =	strace s18  }
0x99: {  	s4 =	sld [smem:$0x3FFC];
	_ =	sdelay $0x3  }
0x9a: {  	_ =	strace s4  }
0x9b: {  	s4 =	sld [smem:$0x3FFD];
	_ =	sdelay $0x3  }
0x9c: {  	_ =	strace s4  }
0x9d: {  	_ =	strace $0x8FFFFFFF  }
0x9e: {  	s19 =	sld [smem:$0x3FDB];
	_ =	sdelay $0x1  }
0x9f: {  	s5 =	simm.s32 $_scs_section_size  }
0xa0: {  	s6 =	simm.s32 $_size__tile_overlayer_lowered;
	s7 =	simm.s32 $_tile_overlayer_lowered  }
0xa1: {  	s22 =	simm.s32 $0x1BFF;
	s21 =	sshll.u32 s7, $0x1;
	s4 =	sadd.s32 s5, s19  }
0xa2: {  	s8 =	simm.s32 $0x0;
	s20 =	sshll.u32 s6, $0x1;
	s6 =	sadd.s32 s21, s4  }
0xa3: {  	[timem:s8], [sflag:s22] =	dma.local [hbm:s6], s20  }
0xa4: {  	_ =	swait.ge [sflag:s22], s20  }
0xa5: {  	s5 =	ssub.s32 $0x0, s20;
	[sflag:s22] =	ssyncset.done $0x0  }
0xa6: {  	[sflag:s22] =	ssyncadd.s32 s5;
	_ =	sdelay $0x1  }
0xa7: {  	s23 =	simm.s32 $0x1B8B  }
0xa8: {  	_ =	swait.ge [sflag:s23], $0x1  }
0xa9: {  	[sflag:s23] =	ssyncset.done $0x0  }
0xaa: {  	s25 =	simm.s32 $0x1B8E;
	s24 =	sld [smem:$0x3FFE];
	[sflag:s23] =	ssyncadd.s32 $0xFFFFFFFF  }
0xab: {  	s26 =	simm.s32 $execute0_lowered;
	[smem:$0x3FD2] =	sst s25  }
0xac: {  	s6 =	sshll.u32 s26, $0x1;
	_ =	strace $0x80000049;
	[dreg:$0x1] =	wrdreg $0xFFFFFFFF  }
0xad: {  	s28 =	simm.s32 $_size_execute0_lowered;
	s4 =	sadd.s32 s4, s6;
	[dreg:$0x0] =	wrdreg $0x0  }
0xae: {  	s6 =	sshll.u32 s28, $0x1;
	[dreg:$0x2] =	wrdreg s4  }
0xaf: {  	[dreg:$0x3] =	wrdreg s6  }
0xb0: {  	[dreg:$0x4] =	wrdreg $0xC0  }
0xb1: {  	_ =	task [dreg:s8], $0x5FFFF  }
0xb2: {  	[dreg:$0x1] =	wrdreg $0xFFFFFFFF  }
0xb3: {  	[dreg:$0x0] =	wrdreg $0x60  }
0xb4: {  	[dreg:$0x2] =	wrdreg s24  }
0xb5: {  	[dreg:$0x3] =	wrdreg s17  }
0xb6: {  	[dreg:$0x4] =	wrdreg s16  }
0xb7: {  	[dreg:$0x5] =	wrdreg $0xCB200  }
0xb8: {  	[dreg:$0x6] =	wrdreg $0x16B200  }
0xb9: {  	[dreg:$0x7] =	wrdreg $0x9  }
0xba: {  	_ =	task.clear_ibuf [dreg:s8], $0x8FFFF;
	_ =	strace $0x90000049  }
0xbb: {  	s29 =	simm.s32 $0x9;
	_ =	strace $0x8000004B  }
0xbc: {  	_ =	swait.ge [sflag:s29], $0x1  }
0xbd: {  	[sflag:s29] =	ssyncadd.s32 $0xFFFFFFFF  }
0xbe: {  	_ =	strace $0x9000004B  }
0xbf: {  	_ =	sfence  }
0xc0: {  	s30 =	sld [smem:$0x0];
	_ =	sdelay $0x2  }
0xc1: {  	s31 =	sshll.u32 s1, $0xD;
	s1 =	sshrl.u32 s1, $0x2  }
0xc2: {  	s3 =	sand.u32 $0x4000, s31;
	s1 =	sadd.s32 s1, s30  }
0xc3: {  	s0 =	sor.u32 s3, s0;
	s1 =	sshll.u32 s1, $0x11  }
0xc4: {  	s0 =	sor.u32 s1, s0  }
0xc5: {  	s0 =	sadd.s32 $0x8F2B, s0  }
0xc6: {  	[sflag:s0] =	ssyncadd.remote.s32 $0x1  }
0xc7: {  	_ =	sfence.sel $0xFFFF  }
0xc8: {  	[dreg:$0x0] =	wrdreg $0xFFFFFFFF;
	(pc) =	sbr.abs _section_cstart, $3  }
0xc9: {  	[dreg:$0x1] =	wrdreg $0xFFFFFFFF  }
0xca: {  	_ =	task.clear_ibuf [dreg:s8], $0x2FFFF;
	_ =	strace $0x9FFFFFFF  }
0xcb: {  	(tm) =	ssettm $0x7FFFFFFF  }
tec
execute0_lowered:
.L_overlay_start_1:
0x0: {  	(tag) =	ssettag $0x1  }
0x1: {  	s0 =	rddreg [dreg:$0x0]  }
0x2: {  	s1 =	rddreg [dreg:$0x1]  }
0x3: {  	s2 =	rddreg [dreg:$0x2];
	s16 =	stileid.u32  }
0x4: {  	s4 =	srdreg.scid;
	s7 =	smul.u32 $0xA000, s16  }
0x5: {  	s3 =	rddreg [dreg:$0x3];
	s22 =	sand.u32 $0x1, s4;
	s9 =	smul.u32 $0x280, s16  }
0x6: {  	s6 =	rddreg [dreg:$0x4];
	s8 =	smul.u32 $0xA0000, s22  }
0x7: {  	s4 =	simm.s32 $0x0;
	s5 =	sadd.s32 $0x90600, s0;
	s11 =	smul.u32 $0x2800, s22  }
0x8: {  	[smem:$0x7FF] =	sst s4;
	s12 =	smul.u32 $0x4E20, s22;
	s13 =	ssub.s32 $0x2, s22  }
0x9: {  	s15 =	smul.u32 $0x9C4, s22;
	_ =	strace $0x8000004A;
	s10 =	sshrl.u32 s7, $0x3  }
0xa: {  	s14 =	sshrl.u32 s13, $0x1;
	s30 =	sadd.s32 s7, s3;
	s20 =	sshrl.u32 s7, $0x2  }
0xb: {  	s10 =	sadd.s32 s10, s0;
	s8 =	sadd.s32 s7, s8;
	s11 =	sadd.s32 s9, s11  }
0xc: {  	s12 =	sshrl.u32 s12, $0x3;
	s13 =	ssub.s32 s13, s14;
	[dreg:$0x8] =	wrdreg s30  }
0xd: {  	s8 =	sshrl.u32 s8, $0x3;
	s28 =	sadd.s32 s2, s12;
	s2 =	sadd.s32 s2, s15  }
0xe: {  	s11 =	sshrl.u32 s11, $0x3;
	s31 =	sadd.s32 $0x2BA00, s10;
	[dreg:$0x6] =	wrdreg s2  }
0xf: {  	s24 =	smax.u32 s13, $0x1;
	s8 =	sadd.s32 s8, s0;
	[dreg:$0x9] =	wrdreg s31  }
0x10: {  	s0 =	sadd.s32 s11, s0;
	s29 =	sadd.s32 $0x4E2, s28;
	[dreg:$0x16] =	wrdreg s24  }
0x11: {  	s11 =	sadd.s32 s9, s6;
	s2 =	sadd.s32 s20, s6;
	[dreg:$0x7] =	wrdreg s29  }
0x12: {  	s9 =	sadd.s32 $0x2800, s11;
	[dreg:$0x12] =	wrdreg s2  }
0x13: {  	s12 =	sadd.s32 $0x5000, s11;
	[dreg:$0xa] =	wrdreg s9  }
0x14: {  	s14 =	sadd.s32 $0x7800, s11;
	[dreg:$0xb] =	wrdreg s12  }
0x15: {  	s15 =	sadd.s32 $0xA000, s11;
	[dreg:$0xc] =	wrdreg s14  }
0x16: {  	s10 =	smul.u32 $0x7D, s16;
	s16 =	sadd.s32 $0xC800, s11;
	[dreg:$0xd] =	wrdreg s15  }
0x17: {  	s17 =	sadd.s32 $0xF000, s11;
	[dreg:$0xe] =	wrdreg s16  }
0x18: {  	s18 =	sadd.s32 $0x11800, s11;
	[dreg:$0xf] =	wrdreg s17  }
0x19: {  	s19 =	sadd.s32 $0x14000, s11;
	[dreg:$0x10] =	wrdreg s18  }
0x1a: {  	s21 =	sadd.s32 $0x16800, s11;
	[dreg:$0x11] =	wrdreg s19  }
0x1b: {  	s23 =	sadd.s32 $0x3FA00, s8;
	[dreg:$0x13] =	wrdreg s21  }
0x1c: {  	s0 =	sadd.s32 $0x2000, s0;
	[dreg:$0x14] =	wrdreg s23  }
0x1d: {  	v0 =	vmov s22;
	s22 =	simm.s32 $0x0;
	s25 =	sadd.s32 $0x19000, s11;
	[dreg:$0x15] =	wrdreg s0  }
0x1e: {  	s7 =	simm.s32 $0x50;
	s26 =	sadd.s32 $0x1B800, s11;
	[dreg:$0x17] =	wrdreg s25  }
0x1f: {  	s13 =	simm.s32 $0xB720;
	s28 =	sadd.s32 $0x1E000, s11;
	[dreg:$0x18] =	wrdreg s26  }
0x20: {  	s6 =	simm.s32 $0x4E20;
	s29 =	sadd.s32 $0x20800, s11;
	[dreg:$0x19] =	wrdreg s28  }
0x21: {  	s20 =	simm.s32 $0x3;
	s30 =	sadd.s32 $0x23000, s11;
	[dreg:$0x1a] =	wrdreg s29  }
0x22: {  	s31 =	sadd.s32 $0x25800, s11;
	s2 =	simm.s32 $0x5;
	[dreg:$0x1b] =	wrdreg s30  }
0x23: {  	s8 =	simm.s32 $0x4F60;
	[dreg:$0x1c] =	wrdreg s31;
	s0 =	simm.s32 $0x2710  }
0x24: {  	s9 =	simm.s32 $0xA320;
	s12 =	simm.s32 $0x4FB0;
	s14 =	simm.s32 $0x50A0  }
0x25: {  	s15 =	simm.s32 $0x5000;
	s16 =	simm.s32 $0x4EC0;
	s17 =	simm.s32 $0x2  }
0x26: {  	v1 =	vimm.f32 $0.0e+00;
	s18 =	simm.s32 $0x5050;
	s19 =	simm.s32 $0x4F10;
	s21 =	simm.s32 $0x4  }
.LBB2_1:
0x27: {  	s23 =	rddreg [dreg:$0x6]  }
0x28: {  	[tilespmem:s4], [sflag:$0x5] =	stream.linear.gather [hbm4b:s23+s4], $0x2710, $0x38;
	[tilespmem:$0x19320] =	vst v63  }
0x29: {  	_ =	swait.ge [sflag:s2], $0x2710  }
0x2a: {  	[sflag:s2] =	ssyncset.done $0x0  }
0x2b: {  	s31 =	stileid.u32;
	s30 =	rddreg [dreg:$0x7];
	[sflag:s2] =	ssyncadd.s32 $0xFFFFD8F0  }
0x2c: {  	[tilespmem:s0], [sflag:$0x5] =	stream.linear.gather [hbm4b:s30+s4], $0x2710, $0x38;
	[tilespmem:$0x19320] =	vst v63  }
0x2d: {  	s23 =	sshll.u32 s31, $0x6;
	_ =	swait.ge [sflag:s2], $0x2710  }
0x2e: {  	s23 =	sor.u32 $0x1C05, s23;
	[sflag:s2] =	ssyncset.done $0x0;
	s24 =	rddreg [dreg:$0x8]  }
0x2f: {  	s25 =	rddreg [dreg:$0x9];
	[sflag:s2] =	ssyncadd.s32 $0xFFFFD8F0;
	s24 =	sshrl.u32 s24, $0x3  }
0x30: {  	[spmem:s24], [sflag:s23] =	dma.local [hbm:s25], $0x1400  }
0x31: {  	_ =	swait.ge [sflag:s2], $0x1400  }
0x32: {  	[sflag:s2] =	ssyncset.done $0x0  }
0x33: {  	s26 =	simm.s32 $0x0;
	s25 =	simm.s32 $0x40;
	[sflag:s2] =	ssyncadd.s32 $0xFFFFEC00  }
.LBB2_2:
0x34: {  	p0 =	sne.s32 s25, $0x9FC0;
	[tilespmem:s26+$0x50A0] =	vst v1;
	s26 =	smov.u32 s25;
	s25 =	sadd.s32 $0x40, s25  }
.Ltmp0:
0x35: {  	(pc) =	sbr.rel @p0 .LBB2_2-.Ltmp0, $2  }
0x36: {  	_ =	sdelay $0x2  }
0x37: {  	s26 =	sshra.s32 s26, $0x2  }
0x38: {  	[tilespmem:s26+$0x50A0] =	vst v1  }
0x39: {  	s25 =	simm.s32 $0x0;
	[bflag:$0x0] =	sbarrier.arrive $0xFFFF  }
.LBB2_4:
0x3a: {  	s26 =	sadd.s32 s10, s25  }
0x3b: {  	s26 =	smul.u32 $0x28, s26;
	_ =	sdelay $0x1  }
0x3c: {  	s26 =	sadd.s32 s1, s26  }
0x3d: {  	[tilespmem:s6], [sflag:$0x5] =	stream.linear.gather [hbm4b:s26+s4], $0x140, $0x38;
	[tilespmem:$0x19320] =	vst v63  }
0x3e: {  	_ =	swait.ge [sflag:s2], $0x140  }
0x3f: {  	[sflag:s2] =	ssyncset.done $0x0  }
0x40: {  	[sflag:s2] =	ssyncadd.s32 $0xFFFFFEC0  }
0x41: {  	v2 =	vld [tilespmem:$0x4E20]  }
0x42: {  	v3 =	vld [tilespmem:$0x4E30]  }
0x43: {  	v4 =	vld [tilespmem:$0x4E40]  }
0x44: {  	v5 =	vld [tilespmem:$0x4E50]  }
0x45: {  	v6 =	vld [tilespmem:$0x4E60]  }
0x46: {  	v7 =	vld [tilespmem:$0x4E70];
	v2 =	vshll.u32 v2, $0x1  }
0x47: {  	v8 =	vld [tilespmem:$0x4E80];
	v3 =	vshll.u32 v3, $0x1;
	v2 =	vor.u32 v0, v2  }
0x48: {  	[tilespmem:$0x4F60] =	vst v2;
	v2 =	vor.u32 v0, v3;
	v3 =	vshll.u32 v4, $0x1;
	v4 =	vld [tilespmem:$0x4E90]  }
0x49: {  	[tilespmem:$0x4F70] =	vst v2;
	v2 =	vor.u32 v0, v3;
	v3 =	vshll.u32 v5, $0x1;
	v5 =	vld [tilespmem:$0x4EA0]  }
0x4a: {  	[tilespmem:$0x4F80] =	vst v2;
	v2 =	vor.u32 v0, v3;
	v3 =	vshll.u32 v6, $0x1;
	v6 =	vld [tilespmem:$0x4EB0]  }
0x4b: {  	[tilespmem:$0x4F90] =	vst v2;
	v2 =	vor.u32 v0, v3;
	v3 =	vshll.u32 v7, $0x1  }
0x4c: {  	[tilespmem:$0x4FA0] =	vst v2;
	v2 =	vor.u32 v0, v3;
	v3 =	vshll.u32 v8, $0x1  }
0x4d: {  	[tilespmem:$0x4FB0] =	vst v2;
	v2 =	vor.u32 v0, v3;
	v3 =	vshll.u32 v4, $0x1  }
0x4e: {  	[tilespmem:$0x4FC0] =	vst v2;
	v2 =	vor.u32 v0, v3;
	v3 =	vshll.u32 v5, $0x1  }
0x4f: {  	[tilespmem:$0x4FD0] =	vst v2;
	v2 =	vor.u32 v0, v3;
	v3 =	vshll.u32 v6, $0x1  }
0x50: {  	[tilespmem:$0x4FE0] =	vst v2;
	v2 =	vor.u32 v0, v3  }
0x51: {  	[tilespmem:$0x4FF0] =	vst v2  }
0x52: {  	[tilespmem:s9], [sflag:$0x1] =	stream.indirect.gather [hbm4b:s5+s7], $0x40, s8, s7, $0xb8;
	[tilespmem:$0x19320] =	vst v63  }
0x53: {  	_ = 	snop  }
0x54: {  	[tilespmem:s13], [sflag:$0x2] =	stream.indirect.gather [hbm4b:s5+s7], $0x40, s12, s7, $0xb8;
	[tilespmem:$0x19320] =	vst v63  }
0x55: {  	v2 =	vld [tilespmem:$0x4E20]  }
0x56: {  	v3 =	vld [tilespmem:$0x4EC0];
	_ =	sdelay $0x6  }
0x57: {  	v2 =	vld.idx.msk [tilespmem:v2+s4+$0x0], $0xffff  }
0x58: {  	v4 =	vld.idx.msk [tilespmem:v3+s0+$0x0], $0xffff;
	_ =	sdelay $0x4  }
0x59: {  	v2 =	vadd.f32 v4, v2;
	_ =	sdelay $0x1  }
0x5a: {  	v4 =	vmul.f32 $2.000000030e-01, v2  }
0x5b: {  	vm0 =	vge.f32 v2, $0.0e+00  }
0x5c: {  	v2 =	vsel vm0, v2, v4  }
0x5d: {  	v2 =	vmul.f32 $1.442695020e+00, v2;
	_ =	sdelay $0x1  }
0x5e: {  	(erf) = vpow2.f32 v2;
	_ =	sdelay $0x8  }
0x5f: {  	v2 =	vpop (erf)  }
0x60: {  	[tilespmem:$0x5000] =	vst v2  }
0x61: {  	[tilespmem:v3+s14+$0x0] =	vst.idx.add.f32.msk $0xffff, v2  }
0x62: {  	v2 =	vld [tilespmem:$0x4E30]  }
0x63: {  	v3 =	vld [tilespmem:$0x4ED0];
	_ =	sdelay $0x6  }
0x64: {  	v2 =	vld.idx.msk [tilespmem:v2+s4+$0x0], $0xffff  }
0x65: {  	v4 =	vld.idx.msk [tilespmem:v3+s0+$0x0], $0xffff;
	_ =	sdelay $0x4  }
0x66: {  	v2 =	vadd.f32 v4, v2;
	_ =	sdelay $0x1  }
0x67: {  	v4 =	vmul.f32 $2.000000030e-01, v2  }
0x68: {  	vm7 =	vge.f32 v2, $0.0e+00  }
0x69: {  	v2 =	vsel vm7, v2, v4  }
0x6a: {  	v2 =	vmul.f32 $1.442695020e+00, v2;
	_ =	sdelay $0x1  }
0x6b: {  	(erf) = vpow2.f32 v2;
	_ =	sdelay $0x8  }
0x6c: {  	v2 =	vpop (erf)  }
0x6d: {  	[tilespmem:$0x5010] =	vst v2  }
0x6e: {  	[tilespmem:v3+s14+$0x0] =	vst.idx.add.f32.msk $0xffff, v2  }
0x6f: {  	v2 =	vld [tilespmem:$0x4E40]  }
0x70: {  	v3 =	vld [tilespmem:$0x4EE0];
	_ =	sdelay $0x6  }
0x71: {  	v2 =	vld.idx.msk [tilespmem:v2+s4+$0x0], $0xffff  }
0x72: {  	v4 =	vld.idx.msk [tilespmem:v3+s0+$0x0], $0xffff;
	_ =	sdelay $0x4  }
0x73: {  	v2 =	vadd.f32 v4, v2;
	_ =	sdelay $0x1  }
0x74: {  	v4 =	vmul.f32 $2.000000030e-01, v2  }
0x75: {  	vm8 =	vge.f32 v2, $0.0e+00  }
0x76: {  	v2 =	vsel vm8, v2, v4  }
0x77: {  	v2 =	vmul.f32 $1.442695020e+00, v2;
	_ =	sdelay $0x1  }
0x78: {  	(erf) = vpow2.f32 v2;
	_ =	sdelay $0x8  }
0x79: {  	v2 =	vpop (erf)  }
0x7a: {  	[tilespmem:$0x5020] =	vst v2  }
0x7b: {  	[tilespmem:v3+s14+$0x0] =	vst.idx.add.f32.msk $0xffff, v2  }
0x7c: {  	v2 =	vld [tilespmem:$0x4E50]  }
0x7d: {  	v3 =	vld [tilespmem:$0x4EF0];
	_ =	sdelay $0x6  }
0x7e: {  	v2 =	vld.idx.msk [tilespmem:v2+s4+$0x0], $0xffff  }
0x7f: {  	v4 =	vld.idx.msk [tilespmem:v3+s0+$0x0], $0xffff;
	_ =	sdelay $0x4  }
0x80: {  	v2 =	vadd.f32 v4, v2;
	_ =	sdelay $0x1  }
0x81: {  	v4 =	vmul.f32 $2.000000030e-01, v2  }
0x82: {  	vm9 =	vge.f32 v2, $0.0e+00  }
0x83: {  	v2 =	vsel vm9, v2, v4  }
0x84: {  	v2 =	vmul.f32 $1.442695020e+00, v2;
	_ =	sdelay $0x1  }
0x85: {  	(erf) = vpow2.f32 v2;
	_ =	sdelay $0x8  }
0x86: {  	v2 =	vpop (erf)  }
0x87: {  	[tilespmem:$0x5030] =	vst v2  }
0x88: {  	[tilespmem:v3+s14+$0x0] =	vst.idx.add.f32.msk $0xffff, v2  }
0x89: {  	v2 =	vld [tilespmem:$0x4E60]  }
0x8a: {  	v3 =	vld [tilespmem:$0x4F00];
	_ =	sdelay $0x6  }
0x8b: {  	v2 =	vld.idx.msk [tilespmem:v2+s4+$0x0], $0xffff  }
0x8c: {  	v4 =	vld.idx.msk [tilespmem:v3+s0+$0x0], $0xffff;
	_ =	sdelay $0x4  }
0x8d: {  	v2 =	vadd.f32 v4, v2;
	_ =	sdelay $0x1  }
0x8e: {  	v4 =	vmul.f32 $2.000000030e-01, v2  }
0x8f: {  	vm10 =	vge.f32 v2, $0.0e+00  }
0x90: {  	v2 =	vsel vm10, v2, v4  }
0x91: {  	v2 =	vmul.f32 $1.442695020e+00, v2;
	_ =	sdelay $0x1  }
0x92: {  	(erf) = vpow2.f32 v2;
	_ =	sdelay $0x8  }
0x93: {  	v2 =	vpop (erf)  }
0x94: {  	[tilespmem:$0x5040] =	vst v2  }
0x95: {  	[tilespmem:v3+s14+$0x0] =	vst.idx.add.f32.msk $0xffff, v2  }
0x96: {  	v2 =	vld [tilespmem:$0x4E70]  }
0x97: {  	v3 =	vld [tilespmem:$0x4F10];
	_ =	sdelay $0x6  }
0x98: {  	v2 =	vld.idx.msk [tilespmem:v2+s4+$0x0], $0xffff  }
0x99: {  	v4 =	vld.idx.msk [tilespmem:v3+s0+$0x0], $0xffff;
	_ =	sdelay $0x4  }
0x9a: {  	v2 =	vadd.f32 v4, v2;
	_ =	sdelay $0x1  }
0x9b: {  	v4 =	vmul.f32 $2.000000030e-01, v2  }
0x9c: {  	vm11 =	vge.f32 v2, $0.0e+00  }
0x9d: {  	v2 =	vsel vm11, v2, v4  }
0x9e: {  	v2 =	vmul.f32 $1.442695020e+00, v2;
	_ =	sdelay $0x1  }
0x9f: {  	(erf) = vpow2.f32 v2;
	_ =	sdelay $0x8  }
0xa0: {  	v2 =	vpop (erf)  }
0xa1: {  	[tilespmem:$0x5050] =	vst v2  }
0xa2: {  	[tilespmem:v3+s14+$0x0] =	vst.idx.add.f32.msk $0xffff, v2  }
0xa3: {  	v2 =	vld [tilespmem:$0x4E80]  }
0xa4: {  	v3 =	vld [tilespmem:$0x4F20];
	_ =	sdelay $0x6  }
0xa5: {  	v2 =	vld.idx.msk [tilespmem:v2+s4+$0x0], $0xffff  }
0xa6: {  	v4 =	vld.idx.msk [tilespmem:v3+s0+$0x0], $0xffff;
	_ =	sdelay $0x4  }
0xa7: {  	v2 =	vadd.f32 v4, v2;
	_ =	sdelay $0x1  }
0xa8: {  	v4 =	vmul.f32 $2.000000030e-01, v2  }
0xa9: {  	vm12 =	vge.f32 v2, $0.0e+00  }
0xaa: {  	v2 =	vsel vm12, v2, v4  }
0xab: {  	v2 =	vmul.f32 $1.442695020e+00, v2;
	_ =	sdelay $0x1  }
0xac: {  	(erf) = vpow2.f32 v2;
	_ =	sdelay $0x8  }
0xad: {  	v2 =	vpop (erf)  }
0xae: {  	[tilespmem:$0x5060] =	vst v2  }
0xaf: {  	[tilespmem:v3+s14+$0x0] =	vst.idx.add.f32.msk $0xffff, v2  }
0xb0: {  	v2 =	vld [tilespmem:$0x4E90]  }
0xb1: {  	v3 =	vld [tilespmem:$0x4F30];
	_ =	sdelay $0x6  }
0xb2: {  	v2 =	vld.idx.msk [tilespmem:v2+s4+$0x0], $0xffff  }
0xb3: {  	v4 =	vld.idx.msk [tilespmem:v3+s0+$0x0], $0xffff;
	_ =	sdelay $0x4  }
0xb4: {  	v2 =	vadd.f32 v4, v2;
	_ =	sdelay $0x1  }
0xb5: {  	v4 =	vmul.f32 $2.000000030e-01, v2  }
0xb6: {  	vm13 =	vge.f32 v2, $0.0e+00  }
0xb7: {  	v2 =	vsel vm13, v2, v4  }
0xb8: {  	v2 =	vmul.f32 $1.442695020e+00, v2;
	_ =	sdelay $0x1  }
0xb9: {  	(erf) = vpow2.f32 v2;
	_ =	sdelay $0x8  }
0xba: {  	v2 =	vpop (erf)  }
0xbb: {  	[tilespmem:$0x5070] =	vst v2  }
0xbc: {  	[tilespmem:v3+s14+$0x0] =	vst.idx.add.f32.msk $0xffff, v2  }
0xbd: {  	v2 =	vld [tilespmem:$0x4EA0]  }
0xbe: {  	v3 =	vld [tilespmem:$0x4F40];
	_ =	sdelay $0x6  }
0xbf: {  	v2 =	vld.idx.msk [tilespmem:v2+s4+$0x0], $0xffff  }
0xc0: {  	v4 =	vld.idx.msk [tilespmem:v3+s0+$0x0], $0xffff;
	_ =	sdelay $0x4  }
0xc1: {  	v2 =	vadd.f32 v4, v2;
	_ =	sdelay $0x1  }
0xc2: {  	v4 =	vmul.f32 $2.000000030e-01, v2  }
0xc3: {  	vm14 =	vge.f32 v2, $0.0e+00  }
0xc4: {  	v2 =	vsel vm14, v2, v4  }
0xc5: {  	v2 =	vmul.f32 $1.442695020e+00, v2;
	_ =	sdelay $0x1  }
0xc6: {  	(erf) = vpow2.f32 v2;
	_ =	sdelay $0x8  }
0xc7: {  	v2 =	vpop (erf)  }
0xc8: {  	[tilespmem:$0x5080] =	vst v2  }
0xc9: {  	[tilespmem:v3+s14+$0x0] =	vst.idx.add.f32.msk $0xffff, v2  }
0xca: {  	v2 =	vld [tilespmem:$0x4EB0]  }
0xcb: {  	v3 =	vld [tilespmem:$0x4F50];
	_ =	sdelay $0x6  }
0xcc: {  	v2 =	vld.idx.msk [tilespmem:v2+s4+$0x0], $0xffff  }
0xcd: {  	v4 =	vld.idx.msk [tilespmem:v3+s0+$0x0], $0xffff;
	_ =	sdelay $0x4  }
0xce: {  	v2 =	vadd.f32 v4, v2;
	_ =	sdelay $0x1  }
0xcf: {  	v4 =	vmul.f32 $2.000000030e-01, v2  }
0xd0: {  	vm15 =	vge.f32 v2, $0.0e+00  }
0xd1: {  	v2 =	vsel vm15, v2, v4  }
0xd2: {  	v2 =	vmul.f32 $1.442695020e+00, v2;
	_ =	sdelay $0x1  }
0xd3: {  	(erf) = vpow2.f32 v2;
	_ =	sdelay $0x8  }
0xd4: {  	v2 =	vpop (erf)  }
0xd5: {  	[tilespmem:$0x5090] =	vst v2  }
0xd6: {  	s31 =	simm.s32 $0x1;
	[tilespmem:v3+s14+$0x0] =	vst.idx.add.f32.msk $0xffff, v2  }
0xd7: {  	_ =	swait.ge [sflag:s31], $0x1400  }
0xd8: {  	s28 =	simm.s32 $0x0;
	[sflag:s31] =	ssyncset.done $0x0  }
0xd9: {  	s26 =	simm.s32 $0xA360;
	v2 =	vmov s31;
	v3 =	vmov s28;
	[sflag:s31] =	ssyncadd.s32 $0xFFFFEC00  }
0xda: {  	v3 =	vand.u32 $0xFFFFFFFE, v3;
	v4 =	vld [tilespmem:s26+$0xFFFFFFF0]  }
0xdb: {  	v3 =	vbroadcast v3, $0x0;
	v5 =	vld [tilespmem:s26+$0x20]  }
0xdc: {  	v6 =	vld [tilespmem:s26+$0x0]  }
0xdd: {  	v7 =	vld [tilespmem:s26+$0x10]  }
0xde: {  	v2 =	vld.idx.msk [tilespmem:v2+s15+$0x0], $0xffff  }
0xdf: {  	v8 =	vld [tilespmem:s26+$0x30]  }
0xe0: {  	v9 =	vld [tilespmem:s26+$0xFFFFFFD0]  }
0xe1: {  	v10 =	vld.idx.msk [tilespmem:v3+s15+$0x0], $0xffff  }
0xe2: {  	v3 =	vld [tilespmem:s26+$0xFFFFFFC0]  }
0xe3: {  	v11 =	vld [tilespmem:s26+$0xFFFFFFE0];
	v6 =	vmul.f32 v6, v2  }
0xe4: {  	v5 =	vmul.f32 v5, v2  }
0xe5: {  	v8 =	vmul.f32 v8, v2;
	[tilespmem:s26+$0x0] =	vst v6  }
0xe6: {  	v7 =	vmul.f32 v7, v2;
	[tilespmem:s26+$0x20] =	vst v5  }
0xe7: {  	s29 =	simm.s32 $0x3;
	[tilespmem:s26+$0x30] =	vst v8;
	v3 =	vmul.f32 v3, v10;
	v6 =	vmul.f32 v4, v10  }
0xe8: {  	s30 =	simm.s32 $0x2;
	s28 =	simm.s32 $0x5;
	v2 =	vmov s29;
	s29 =	simm.s32 $0xA360;
	[tilespmem:s26+$0x10] =	vst v7;
	v5 =	vmul.f32 v9, v10;
	v4 =	vmul.f32 v11, v10  }
.LBB2_5:
0xe9: {  	p0 =	sne.s32 s28, $0x4F  }
0xea: {  	v7 =	vmov s30;
	[tilespmem:s26+$0xFFFFFFF0] =	vst v6;
	s29 =	sadd.s32 $0x80, s29;
	s31 =	smov.u32 s28;
	s28 =	sadd.s32 $0x2, s28  }
0xeb: {  	v6 =	vand.u32 $0xFFFFFFFE, v7;
	v7 =	vld [tilespmem:s29+$0xFFFFFFF0];
	[tilespmem:s26+$0xFFFFFFC0] =	vst v3  }
0xec: {  	v3 =	vbroadcast v6, $0x0;
	v6 =	vld [tilespmem:s29+$0x20];
	[tilespmem:s26+$0xFFFFFFD0] =	vst v5  }
0xed: {  	v5 =	vld [tilespmem:s29+$0x0];
	[tilespmem:s26+$0xFFFFFFE0] =	vst v4;
	s26 =	smov.u32 s29  }
0xee: {  	v2 =	vld.idx.msk [tilespmem:v2+s15+$0x0], $0xffff  }
0xef: {  	v4 =	vld [tilespmem:s29+$0x10]  }
0xf0: {  	v8 =	vld [tilespmem:s29+$0x30]  }
0xf1: {  	v9 =	vld [tilespmem:s29+$0xFFFFFFD0]  }
0xf2: {  	v10 =	vld.idx.msk [tilespmem:v3+s15+$0x0], $0xffff  }
0xf3: {  	v3 =	vld [tilespmem:s29+$0xFFFFFFC0]  }
0xf4: {  	v5 =	vmul.f32 v5, v2;
	v11 =	vld [tilespmem:s29+$0xFFFFFFE0];
	v12 =	vmul.f32 v4, v2  }
.Ltmp1:
0xf5: {  	v4 =	vmul.f32 v6, v2;
	v2 =	vmul.f32 v8, v2;
	(pc) =	sbr.rel @p0 .LBB2_5-.Ltmp1, $4  }
0xf6: {  	[tilespmem:s29+$0x0] =	vst v5  }
0xf7: {  	[tilespmem:s29+$0x20] =	vst v4  }
0xf8: {  	v6 =	vmul.f32 v7, v10;
	v3 =	vmul.f32 v3, v10;
	[tilespmem:s29+$0x30] =	vst v2  }
0xf9: {  	s30 =	sadd.s32 $0xFFFFFFFF, s31;
	v5 =	vmul.f32 v9, v10;
	v2 =	vmov s31;
	v4 =	vmul.f32 v11, v10;
	[tilespmem:s29+$0x10] =	vst v12  }
0xfa: {  	[tilespmem:s26+$0xFFFFFFF0] =	vst v6;
	s28 =	sadd.s32 $0x80, s29;
	v7 =	vmov s30  }
0xfb: {  	v6 =	vld [tilespmem:s28+$0xFFFFFFF0];
	[tilespmem:s26+$0xFFFFFFC0] =	vst v3;
	v3 =	vand.u32 $0xFFFFFFFE, v7  }
0xfc: {  	[tilespmem:s26+$0xFFFFFFD0] =	vst v5;
	v3 =	vbroadcast v3, $0x0  }
0xfd: {  	v5 =	vld [tilespmem:s28+$0x0];
	[tilespmem:s26+$0xFFFFFFE0] =	vst v4  }
0xfe: {  	v2 =	vld.idx.msk [tilespmem:v2+s15+$0x0], $0xffff  }
0xff: {  	v4 =	vld [tilespmem:s28+$0x20]  }
0x100: {  	v7 =	vld [tilespmem:s28+$0x30]  }
0x101: {  	v8 =	vld [tilespmem:s28+$0x10]  }
0x102: {  	v3 =	vld.idx.msk [tilespmem:v3+s15+$0x0], $0xffff  }
0x103: {  	v9 =	vld [tilespmem:s28+$0xFFFFFFC0];
	v5 =	vmul.f32 v5, v2  }
0x104: {  	v10 =	vld [tilespmem:s28+$0xFFFFFFD0];
	v4 =	vmul.f32 v4, v2  }
0x105: {  	v11 =	vld [tilespmem:s28+$0xFFFFFFE0];
	v7 =	vmul.f32 v7, v2;
	[tilespmem:s28+$0x0] =	vst v5  }
0x106: {  	v2 =	vmul.f32 v8, v2;
	[tilespmem:s28+$0x20] =	vst v4  }
0x107: {  	[tilespmem:s28+$0x30] =	vst v7;
	v4 =	vmul.f32 v6, v3  }
0x108: {  	[tilespmem:s28+$0x10] =	vst v2;
	v5 =	vmul.f32 v9, v3  }
0x109: {  	v2 =	vmul.f32 v10, v3;
	[tilespmem:s28+$0xFFFFFFF0] =	vst v4  }
0x10a: {  	v3 =	vmul.f32 v11, v3;
	[tilespmem:s28+$0xFFFFFFC0] =	vst v5  }
0x10b: {  	[tilespmem:s28+$0xFFFFFFD0] =	vst v2  }
0x10c: {  	[tilespmem:s28+$0xFFFFFFE0] =	vst v3  }
0x10d: {  	[spmem:s3] =	stream.indirect.scatter.add.f32 [tilespmem:s9], [sflag:$0x3], $0x40, s16, s7, $0xb8;
	[tilespmem:$0x19320] =	vst v63  }
0x10e: {  	s31 =	simm.s32 $0x1;
	_ =	swait.ge [sflag:s17], $0x1400  }
0x10f: {  	s28 =	simm.s32 $0x0;
	v2 =	vmov s31;
	[sflag:s17] =	ssyncset.done $0x0  }
0x110: {  	s26 =	simm.s32 $0xB760;
	v3 =	vmov s28;
	[sflag:s17] =	ssyncadd.s32 $0xFFFFEC00  }
0x111: {  	v3 =	vand.u32 $0xFFFFFFFE, v3;
	v4 =	vld [tilespmem:s26+$0xFFFFFFF0]  }
0x112: {  	v3 =	vbroadcast v3, $0x0;
	v5 =	vld [tilespmem:s26+$0x20]  }
0x113: {  	v6 =	vld [tilespmem:s26+$0x0]  }
0x114: {  	v2 =	vld.idx.msk [tilespmem:v2+s18+$0x0], $0xffff  }
0x115: {  	v7 =	vld [tilespmem:s26+$0x10]  }
0x116: {  	v8 =	vld [tilespmem:s26+$0x30]  }
0x117: {  	v61 =	vld [tilespmem:s26+$0xFFFFFFD0]  }
0x118: {  	v62 =	vld.idx.msk [tilespmem:v3+s18+$0x0], $0xffff  }
0x119: {  	v3 =	vld [tilespmem:s26+$0xFFFFFFC0]  }
0x11a: {  	v63 =	vld [tilespmem:s26+$0xFFFFFFE0];
	v6 =	vmul.f32 v6, v2  }
0x11b: {  	v5 =	vmul.f32 v5, v2  }
0x11c: {  	v8 =	vmul.f32 v8, v2;
	[tilespmem:s26+$0x0] =	vst v6  }
0x11d: {  	v7 =	vmul.f32 v7, v2;
	[tilespmem:s26+$0x20] =	vst v5  }
0x11e: {  	s29 =	simm.s32 $0x3;
	[tilespmem:s26+$0x30] =	vst v8;
	v3 =	vmul.f32 v3, v62;
	v6 =	vmul.f32 v4, v62  }
0x11f: {  	s30 =	simm.s32 $0x2;
	s28 =	simm.s32 $0x5;
	v2 =	vmov s29;
	s29 =	simm.s32 $0xB760;
	[tilespmem:s26+$0x10] =	vst v7;
	v5 =	vmul.f32 v61, v62;
	v4 =	vmul.f32 v63, v62  }
.LBB2_7:
0x120: {  	p0 =	sne.s32 s28, $0x4F  }
0x121: {  	v7 =	vmov s30;
	[tilespmem:s26+$0xFFFFFFF0] =	vst v6;
	s29 =	sadd.s32 $0x80, s29;
	s31 =	smov.u32 s28;
	s28 =	sadd.s32 $0x2, s28  }
0x122: {  	v6 =	vand.u32 $0xFFFFFFFE, v7;
	v7 =	vld [tilespmem:s29+$0xFFFFFFF0];
	[tilespmem:s26+$0xFFFFFFC0] =	vst v3  }
0x123: {  	v3 =	vbroadcast v6, $0x0;
	v6 =	vld [tilespmem:s29+$0x20];
	[tilespmem:s26+$0xFFFFFFD0] =	vst v5  }
0x124: {  	v5 =	vld [tilespmem:s29+$0x0];
	[tilespmem:s26+$0xFFFFFFE0] =	vst v4;
	s26 =	smov.u32 s29  }
0x125: {  	v2 =	vld.idx.msk [tilespmem:v2+s18+$0x0], $0xffff  }
0x126: {  	v4 =	vld [tilespmem:s29+$0x10]  }
0x127: {  	v8 =	vld [tilespmem:s29+$0x30]  }
0x128: {  	v9 =	vld [tilespmem:s29+$0xFFFFFFD0]  }
0x129: {  	v10 =	vld.idx.msk [tilespmem:v3+s18+$0x0], $0xffff  }
0x12a: {  	v3 =	vld [tilespmem:s29+$0xFFFFFFC0]  }
0x12b: {  	v5 =	vmul.f32 v5, v2;
	v11 =	vld [tilespmem:s29+$0xFFFFFFE0];
	v12 =	vmul.f32 v4, v2  }
.Ltmp2:
0x12c: {  	v4 =	vmul.f32 v6, v2;
	v2 =	vmul.f32 v8, v2;
	(pc) =	sbr.rel @p0 .LBB2_7-.Ltmp2, $4  }
0x12d: {  	[tilespmem:s29+$0x0] =	vst v5  }
0x12e: {  	[tilespmem:s29+$0x20] =	vst v4  }
0x12f: {  	v6 =	vmul.f32 v7, v10;
	v3 =	vmul.f32 v3, v10;
	[tilespmem:s29+$0x30] =	vst v2  }
0x130: {  	s30 =	sadd.s32 $0xFFFFFFFF, s31;
	v5 =	vmul.f32 v9, v10;
	v2 =	vmov s31;
	v4 =	vmul.f32 v11, v10;
	[tilespmem:s29+$0x10] =	vst v12  }
0x131: {  	[tilespmem:s26+$0xFFFFFFF0] =	vst v6;
	s28 =	sadd.s32 $0x80, s29;
	v7 =	vmov s30  }
0x132: {  	v6 =	vld [tilespmem:s28+$0xFFFFFFF0];
	[tilespmem:s26+$0xFFFFFFC0] =	vst v3;
	v3 =	vand.u32 $0xFFFFFFFE, v7  }
0x133: {  	[tilespmem:s26+$0xFFFFFFD0] =	vst v5;
	v3 =	vbroadcast v3, $0x0  }
0x134: {  	v5 =	vld [tilespmem:s28+$0x0];
	[tilespmem:s26+$0xFFFFFFE0] =	vst v4  }
0x135: {  	v2 =	vld.idx.msk [tilespmem:v2+s18+$0x0], $0xffff  }
0x136: {  	v60 =	vld [tilespmem:s28+$0x20]  }
0x137: {  	v61 =	vld [tilespmem:s28+$0x30]  }
0x138: {  	v8 =	vld [tilespmem:s28+$0x10]  }
0x139: {  	v3 =	vld.idx.msk [tilespmem:v3+s18+$0x0], $0xffff  }
0x13a: {  	v9 =	vld [tilespmem:s28+$0xFFFFFFC0];
	v5 =	vmul.f32 v5, v2  }
0x13b: {  	v10 =	vld [tilespmem:s28+$0xFFFFFFD0];
	v4 =	vmul.f32 v60, v2  }
0x13c: {  	v11 =	vld [tilespmem:s28+$0xFFFFFFE0];
	v7 =	vmul.f32 v61, v2;
	[tilespmem:s28+$0x0] =	vst v5  }
0x13d: {  	v2 =	vmul.f32 v8, v2;
	[tilespmem:s28+$0x20] =	vst v4  }
0x13e: {  	[tilespmem:s28+$0x30] =	vst v7;
	v62 =	vmul.f32 v6, v3  }
0x13f: {  	[tilespmem:s28+$0x10] =	vst v2;
	v63 =	vmul.f32 v9, v3  }
0x140: {  	v2 =	vmul.f32 v10, v3;
	[tilespmem:s28+$0xFFFFFFF0] =	vst v62  }
0x141: {  	v3 =	vmul.f32 v11, v3;
	[tilespmem:s28+$0xFFFFFFC0] =	vst v63  }
0x142: {  	[tilespmem:s28+$0xFFFFFFD0] =	vst v2  }
0x143: {  	s25 =	sadd.s32 $0x1, s25;
	[tilespmem:s28+$0xFFFFFFE0] =	vst v3  }
0x144: {  	[spmem:s3] =	stream.indirect.scatter.add.f32 [tilespmem:s13], [sflag:$0x4], $0x40, s19, s7, $0xb8;
	[tilespmem:$0x19320] =	vst v63  }
0x145: {  	p0 =	sne.s32 s25, $0x7D;
	_ =	swait.ge [sflag:s20], $0x1400  }
.Ltmp3:
0x146: {  	[sflag:s20] =	ssyncset.done $0x0;
	(pc) =	sbr.rel @p0 .LBB2_4-.Ltmp3, $4  }
0x147: {  	[sflag:s20] =	ssyncadd.s32 $0xFFFFEC00  }
0x148: {  	_ =	swait.ge [sflag:s21], $0x1400  }
0x149: {  	[sflag:s21] =	ssyncset.done $0x0  }
0x14a: {  	[sflag:s21] =	ssyncadd.s32 $0xFFFFEC00  }
0x14b: {  	[spmem:s11] =	stream.linear.scatter [tilespmem:s14], [sflag:$0x5], $0x280, $0x38;
	[tilespmem:$0x19320] =	vst v63  }
0x14c: {  	_ =	swait.ge [sflag:s2], $0x280  }
0x14d: {  	[sflag:s2] =	ssyncset.done $0x0  }
0x14e: {  	s26 =	simm.s32 $0x5320;
	s25 =	rddreg [dreg:$0xa];
	[sflag:s2] =	ssyncadd.s32 $0xFFFFFD80  }
0x14f: {  	[spmem:s25] =	stream.linear.scatter [tilespmem:s26], [sflag:$0x5], $0x280, $0x38;
	[tilespmem:$0x19320] =	vst v63  }
0x150: {  	_ =	swait.ge [sflag:s2], $0x280  }
0x151: {  	[sflag:s2] =	ssyncset.done $0x0  }
0x152: {  	s31 =	simm.s32 $0x55A0;
	s30 =	rddreg [dreg:$0xb];
	[sflag:s2] =	ssyncadd.s32 $0xFFFFFD80  }
0x153: {  	[spmem:s30] =	stream.linear.scatter [tilespmem:s31], [sflag:$0x5], $0x280, $0x38;
	[tilespmem:$0x19320] =	vst v63  }
0x154: {  	_ =	swait.ge [sflag:s2], $0x280  }
0x155: {  	[sflag:s2] =	ssyncset.done $0x0  }
0x156: {  	s29 =	simm.s32 $0x5820;
	s28 =	rddreg [dreg:$0xc];
	[sflag:s2] =	ssyncadd.s32 $0xFFFFFD80  }
0x157: {  	[spmem:s28] =	stream.linear.scatter [tilespmem:s29], [sflag:$0x5], $0x280, $0x38;
	[tilespmem:$0x19320] =	vst v63  }
0x158: {  	_ =	swait.ge [sflag:s2], $0x280  }
0x159: {  	[sflag:s2] =	ssyncset.done $0x0  }
0x15a: {  	s31 =	simm.s32 $0x5AA0;
	s30 =	rddreg [dreg:$0xd];
	[sflag:s2] =	ssyncadd.s32 $0xFFFFFD80  }
0x15b: {  	[spmem:s30] =	stream.linear.scatter [tilespmem:s31], [sflag:$0x5], $0x280, $0x38;
	[tilespmem:$0x19320] =	vst v63  }
0x15c: {  	_ =	swait.ge [sflag:s2], $0x280  }
0x15d: {  	[sflag:s2] =	ssyncset.done $0x0  }
0x15e: {  	s29 =	simm.s32 $0x5D20;
	s28 =	rddreg [dreg:$0xe];
	[sflag:s2] =	ssyncadd.s32 $0xFFFFFD80  }
0x15f: {  	[spmem:s28] =	stream.linear.scatter [tilespmem:s29], [sflag:$0x5], $0x280, $0x38;
	[tilespmem:$0x19320] =	vst v63  }
0x160: {  	_ =	swait.ge [sflag:s2], $0x280  }
0x161: {  	[sflag:s2] =	ssyncset.done $0x0  }
0x162: {  	s31 =	simm.s32 $0x5FA0;
	s30 =	rddreg [dreg:$0xf];
	[sflag:s2] =	ssyncadd.s32 $0xFFFFFD80  }
0x163: {  	[spmem:s30] =	stream.linear.scatter [tilespmem:s31], [sflag:$0x5], $0x280, $0x38;
	[tilespmem:$0x19320] =	vst v63  }
0x164: {  	_ =	swait.ge [sflag:s2], $0x280  }
0x165: {  	[sflag:s2] =	ssyncset.done $0x0  }
0x166: {  	s29 =	simm.s32 $0x6220;
	s28 =	rddreg [dreg:$0x10];
	[sflag:s2] =	ssyncadd.s32 $0xFFFFFD80  }
0x167: {  	[spmem:s28] =	stream.linear.scatter [tilespmem:s29], [sflag:$0x5], $0x280, $0x38;
	[tilespmem:$0x19320] =	vst v63  }
0x168: {  	_ =	swait.ge [sflag:s2], $0x280  }
0x169: {  	[sflag:s2] =	ssyncset.done $0x0  }
0x16a: {  	s31 =	simm.s32 $0x64A0;
	s30 =	rddreg [dreg:$0x11];
	[sflag:s2] =	ssyncadd.s32 $0xFFFFFD80  }
0x16b: {  	[spmem:s30] =	stream.linear.scatter [tilespmem:s31], [sflag:$0x5], $0x280, $0x38;
	[tilespmem:$0x19320] =	vst v63  }
0x16c: {  	_ =	swait.ge [sflag:s2], $0x280  }
0x16d: {  	[sflag:s2] =	ssyncset.done $0x0  }
0x16e: {  	s29 =	simm.s32 $0x6720;
	s28 =	rddreg [dreg:$0x13];
	[sflag:s2] =	ssyncadd.s32 $0xFFFFFD80  }
0x16f: {  	[spmem:s28] =	stream.linear.scatter [tilespmem:s29], [sflag:$0x5], $0x280, $0x38;
	[tilespmem:$0x19320] =	vst v63  }
0x170: {  	_ =	swait.ge [sflag:s2], $0x280  }
0x171: {  	[sflag:s2] =	ssyncset.done $0x0  }
0x172: {  	s31 =	simm.s32 $0x69A0;
	s30 =	rddreg [dreg:$0x17];
	[sflag:s2] =	ssyncadd.s32 $0xFFFFFD80  }
0x173: {  	[spmem:s30] =	stream.linear.scatter [tilespmem:s31], [sflag:$0x5], $0x280, $0x38;
	[tilespmem:$0x19320] =	vst v63  }
0x174: {  	_ =	swait.ge [sflag:s2], $0x280  }
0x175: {  	[sflag:s2] =	ssyncset.done $0x0  }
0x176: {  	s29 =	simm.s32 $0x6C20;
	s28 =	rddreg [dreg:$0x18];
	[sflag:s2] =	ssyncadd.s32 $0xFFFFFD80  }
0x177: {  	[spmem:s28] =	stream.linear.scatter [tilespmem:s29], [sflag:$0x5], $0x280, $0x38;
	[tilespmem:$0x19320] =	vst v63  }
0x178: {  	_ =	swait.ge [sflag:s2], $0x280  }
0x179: {  	[sflag:s2] =	ssyncset.done $0x0  }
0x17a: {  	s31 =	simm.s32 $0x6EA0;
	s30 =	rddreg [dreg:$0x19];
	[sflag:s2] =	ssyncadd.s32 $0xFFFFFD80  }
0x17b: {  	[spmem:s30] =	stream.linear.scatter [tilespmem:s31], [sflag:$0x5], $0x280, $0x38;
	[tilespmem:$0x19320] =	vst v63  }
0x17c: {  	_ =	swait.ge [sflag:s2], $0x280  }
0x17d: {  	[sflag:s2] =	ssyncset.done $0x0  }
0x17e: {  	s29 =	simm.s32 $0x7120;
	s28 =	rddreg [dreg:$0x1a];
	[sflag:s2] =	ssyncadd.s32 $0xFFFFFD80  }
0x17f: {  	[spmem:s28] =	stream.linear.scatter [tilespmem:s29], [sflag:$0x5], $0x280, $0x38;
	[tilespmem:$0x19320] =	vst v63  }
0x180: {  	_ =	swait.ge [sflag:s2], $0x280  }
0x181: {  	[sflag:s2] =	ssyncset.done $0x0  }
0x182: {  	s31 =	simm.s32 $0x73A0;
	s30 =	rddreg [dreg:$0x1b];
	[sflag:s2] =	ssyncadd.s32 $0xFFFFFD80  }
0x183: {  	[spmem:s30] =	stream.linear.scatter [tilespmem:s31], [sflag:$0x5], $0x280, $0x38;
	[tilespmem:$0x19320] =	vst v63  }
0x184: {  	_ =	swait.ge [sflag:s2], $0x280  }
0x185: {  	[sflag:s2] =	ssyncset.done $0x0  }
0x186: {  	s28 =	simm.s32 $0x7620;
	s26 =	rddreg [dreg:$0x1c];
	[sflag:s2] =	ssyncadd.s32 $0xFFFFFD80  }
0x187: {  	[spmem:s26] =	stream.linear.scatter [tilespmem:s28], [sflag:$0x5], $0x280, $0x38;
	[tilespmem:$0x19320] =	vst v63  }
0x188: {  	_ =	swait.ge [sflag:s2], $0x280  }
0x189: {  	[sflag:s2] =	ssyncset.done $0x0  }
0x18a: {  	[sflag:s2] =	ssyncadd.s32 $0xFFFFFD80  }
0x18b: {  	[bflag:$0x0] =	sbarrier.arrive $0xFFFF  }
0x18c: {  	s29 =	rddreg [dreg:$0x14]  }
0x18d: {  	[hbm:s29], [sflag:s23] =	dma.local [spmem:s24], $0x1400  }
0x18e: {  	_ =	swait.ge [sflag:s2], $0x1400  }
0x18f: {  	[sflag:s2] =	ssyncset.done $0x0  }
0x190: {  	s31 =	simm.s32 $0x78A0;
	s30 =	rddreg [dreg:$0x12];
	[sflag:s2] =	ssyncadd.s32 $0xFFFFEC00  }
0x191: {  	[tilespmem:s31], [sflag:$0x5] =	stream.linear.gather [spmem:s30], $0x2800, $0x38;
	[tilespmem:$0x19320] =	vst v63  }
0x192: {  	_ =	swait.ge [sflag:s2], $0x2800  }
0x193: {  	[sflag:s2] =	ssyncset.done $0x0  }
0x194: {  	s24 =	simm.s32 $0x0;
	[sflag:s2] =	ssyncadd.s32 $0xFFFFD800  }
0x195: {  	v2 =	vld [tilespmem:s24+$0x78A0]  }
0x196: {  	v3 =	vld [tilespmem:s24+$0x7B20];
	_ =	sdelay $0x1  }
0x197: {  	v4 =	vld [tilespmem:s24+$0x7DA0];
	_ =	sdelay $0x1  }
0x198: {  	v5 =	vld [tilespmem:s24+$0x8020]  }
0x199: {  	v2 =	vadd.f32 v3, v2  }
0x19a: {  	v3 =	vld [tilespmem:s24+$0x82A0]  }
0x19b: {  	v2 =	vadd.f32 v4, v2  }
0x19c: {  	v4 =	vld [tilespmem:s24+$0x8520]  }
0x19d: {  	v2 =	vadd.f32 v5, v2  }
0x19e: {  	v5 =	vld [tilespmem:s24+$0x87A0]  }
0x19f: {  	v2 =	vadd.f32 v3, v2  }
0x1a0: {  	v3 =	vld [tilespmem:s24+$0x8A20]  }
0x1a1: {  	s23 =	simm.s32 $0x10;
	v6 =	vld [tilespmem:s24+$0x8CA0];
	v2 =	vadd.f32 v4, v2  }
0x1a2: {  	v7 =	vld [tilespmem:s23+$0x78A0]  }
0x1a3: {  	v4 =	vld [tilespmem:s24+$0x8F20];
	v2 =	vadd.f32 v5, v2  }
0x1a4: {  	v5 =	vld [tilespmem:s23+$0x7B20]  }
0x1a5: {  	v8 =	vld [tilespmem:s23+$0x7DA0];
	v2 =	vadd.f32 v3, v2  }
0x1a6: {  	v3 =	vld [tilespmem:s24+$0x91A0]  }
0x1a7: {  	v9 =	vld [tilespmem:s23+$0x8020];
	v2 =	vadd.f32 v6, v2  }
0x1a8: {  	v6 =	vld [tilespmem:s24+$0x9420]  }
0x1a9: {  	v5 =	vadd.f32 v5, v7;
	v7 =	vld [tilespmem:s23+$0x82A0];
	v2 =	vadd.f32 v4, v2  }
0x1aa: {  	v4 =	vld [tilespmem:s24+$0x96A0]  }
0x1ab: {  	v5 =	vadd.f32 v8, v5;
	v8 =	vld [tilespmem:s23+$0x8520];
	v2 =	vadd.f32 v3, v2  }
0x1ac: {  	v3 =	vld [tilespmem:s24+$0x9920]  }
0x1ad: {  	v10 =	vld [tilespmem:s23+$0x87A0];
	v5 =	vadd.f32 v9, v5;
	v2 =	vadd.f32 v6, v2  }
0x1ae: {  	v9 =	vld [tilespmem:s24+$0x9BA0]  }
0x1af: {  	v6 =	vadd.f32 v7, v5;
	v5 =	vld [tilespmem:s23+$0x8A20];
	v7 =	vadd.f32 v4, v2  }
0x1b0: {  	v4 =	vld [tilespmem:s24+$0x9E20]  }
0x1b1: {  	v2 =	vld [tilespmem:s23+$0x8F20];
	v8 =	vadd.f32 v8, v6;
	v11 =	vadd.f32 v3, v7  }
0x1b2: {  	s25 =	simm.s32 $0x20;
	v6 =	vld [tilespmem:s23+$0x8CA0]  }
0x1b3: {  	s26 =	simm.s32 $0xC0;
	v3 =	vld [tilespmem:s25+$0x78A0];
	v7 =	vadd.f32 v10, v8;
	v8 =	vadd.f32 v9, v11  }
.LBB2_10:
0x1b4: {  	p0 =	sne.s32 s26, $0x9C0;
	v9 =	vld [tilespmem:s25+$0x7B20]  }
0x1b5: {  	v5 =	vadd.f32 v5, v7;
	v7 =	vld [tilespmem:s23+$0x91A0];
	v4 =	vadd.f32 v4, v8  }
0x1b6: {  	v8 =	vld [tilespmem:s25+$0x7DA0]  }
0x1b7: {  	v5 =	vadd.f32 v6, v5;
	v6 =	vld [tilespmem:s23+$0x9420];
	[tilespmem:s24+$0xA0A0] =	vst v4;
	s24 =	smov.u32 s23;
	s23 =	smov.u32 s25  }
0x1b8: {  	v4 =	vld [tilespmem:s23+$0x8020]  }
0x1b9: {  	v3 =	vadd.f32 v9, v3;
	v2 =	vadd.f32 v2, v5;
	v5 =	vld [tilespmem:s24+$0x96A0]  }
0x1ba: {  	v9 =	vld [tilespmem:s23+$0x82A0]  }
0x1bb: {  	v3 =	vadd.f32 v8, v3;
	v2 =	vadd.f32 v7, v2;
	v7 =	vld [tilespmem:s24+$0x9920]  }
0x1bc: {  	v8 =	vld [tilespmem:s23+$0x8520]  }
0x1bd: {  	v3 =	vadd.f32 v4, v3;
	v2 =	vadd.f32 v6, v2;
	v10 =	vld [tilespmem:s24+$0x9BA0]  }
0x1be: {  	v11 =	vld [tilespmem:s23+$0x87A0]  }
.Ltmp4:
0x1bf: {  	v3 =	vadd.f32 v9, v3;
	v6 =	vadd.f32 v5, v2;
	v4 =	vld [tilespmem:s24+$0x9E20];
	(pc) =	sbr.rel @p0 .LBB2_10-.Ltmp4, $4  }
0x1c0: {  	v5 =	vld [tilespmem:s23+$0x8A20]  }
0x1c1: {  	v8 =	vadd.f32 v8, v3;
	v2 =	vld [tilespmem:s23+$0x8F20];
	v9 =	vadd.f32 v7, v6  }
0x1c2: {  	s25 =	sshra.s32 s26, $0x2;
	v6 =	vld [tilespmem:s23+$0x8CA0]  }
0x1c3: {  	s26 =	sadd.s32 $0x40, s26;
	v3 =	vld [tilespmem:s25+$0x78A0];
	v7 =	vadd.f32 v11, v8;
	v8 =	vadd.f32 v10, v9  }
0x1c4: {  	v9 =	vld [tilespmem:s25+$0x7B20]  }
0x1c5: {  	v10 =	vld [tilespmem:s23+$0x91A0];
	v4 =	vadd.f32 v4, v8  }
0x1c6: {  	v49 =	vld [tilespmem:s25+$0x7DA0]  }
0x1c7: {  	v11 =	vld [tilespmem:s23+$0x9420];
	v5 =	vadd.f32 v5, v7;
	[tilespmem:s24+$0xA0A0] =	vst v4  }
0x1c8: {  	v4 =	vld [tilespmem:s25+$0x8020]  }
0x1c9: {  	v5 =	vadd.f32 v6, v5;
	v3 =	vadd.f32 v9, v3  }
0x1ca: {  	v50 =	vld [tilespmem:s25+$0x82A0]  }
0x1cb: {  	v51 =	vld [tilespmem:s23+$0x96A0];
	v2 =	vadd.f32 v2, v5;
	v3 =	vadd.f32 v49, v3  }
0x1cc: {  	v52 =	vld [tilespmem:s25+$0x8520]  }
0x1cd: {  	v53 =	vld [tilespmem:s23+$0x9920];
	v2 =	vadd.f32 v10, v2;
	v3 =	vadd.f32 v4, v3  }
0x1ce: {  	v54 =	vld [tilespmem:s25+$0x87A0]  }
0x1cf: {  	v55 =	vld [tilespmem:s23+$0x9BA0];
	v2 =	vadd.f32 v11, v2;
	v3 =	vadd.f32 v50, v3  }
0x1d0: {  	v56 =	vld [tilespmem:s25+$0x8A20]  }
0x1d1: {  	v57 =	vld [tilespmem:s23+$0x9E20];
	v2 =	vadd.f32 v51, v2;
	v3 =	vadd.f32 v52, v3  }
0x1d2: {  	v58 =	vld [tilespmem:s25+$0x8CA0]  }
0x1d3: {  	v2 =	vadd.f32 v53, v2;
	v3 =	vadd.f32 v54, v3  }
0x1d4: {  	v59 =	vld [tilespmem:s25+$0x8F20]  }
0x1d5: {  	v2 =	vadd.f32 v55, v2;
	v3 =	vadd.f32 v56, v3  }
0x1d6: {  	v60 =	vld [tilespmem:s25+$0x91A0]  }
0x1d7: {  	v2 =	vadd.f32 v57, v2;
	v3 =	vadd.f32 v58, v3  }
0x1d8: {  	v61 =	vld [tilespmem:s25+$0x9420]  }
0x1d9: {  	[tilespmem:s23+$0xA0A0] =	vst v2;
	v2 =	vadd.f32 v59, v3  }
0x1da: {  	v3 =	vld [tilespmem:s25+$0x96A0]  }
0x1db: {  	v2 =	vadd.f32 v60, v2  }
0x1dc: {  	v62 =	vld [tilespmem:s25+$0x9920]  }
0x1dd: {  	v2 =	vadd.f32 v61, v2  }
0x1de: {  	v63 =	vld [tilespmem:s25+$0x9BA0]  }
0x1df: {  	v2 =	vadd.f32 v3, v2  }
0x1e0: {  	v3 =	vld [tilespmem:s25+$0x9E20]  }
0x1e1: {  	v2 =	vadd.f32 v62, v2;
	_ =	sdelay $0x1  }
0x1e2: {  	v2 =	vadd.f32 v63, v2;
	_ =	sdelay $0x1  }
0x1e3: {  	v2 =	vadd.f32 v3, v2;
	_ =	sdelay $0x1  }
0x1e4: {  	s29 =	rddreg [dreg:$0x15];
	s30 =	simm.s32 $0xA0A0;
	[tilespmem:s25+$0xA0A0] =	vst v2  }
0x1e5: {  	[hbm4b:s29+s4] =	stream.linear.scatter [tilespmem:s30], [sflag:$0x5], $0x280, $0x38;
	[tilespmem:$0x19320] =	vst v63  }
0x1e6: {  	_ =	swait.ge [sflag:s2], $0x280  }
0x1e7: {  	s22 =	sadd.s32 $0x1, s22;
	s31 =	rddreg [dreg:$0x16]  }
0x1e8: {  	p0 =	sne.s32 s22, s31  }
.Ltmp5:
0x1e9: {  	_ = 	snop;
	(pc) =	sbr.rel @p0 .LBB2_1-.Ltmp5, $3  }
0x1ea: {  	_ =	sdelay $0x1  }
0x1eb: {  	[sflag:s2] =	ssyncset.done $0x0  }
0x1ec: {  	[sflag:s2] =	ssyncadd.s32 $0xFFFFFD80  }
0x1ed: {  	_ =	sfence.sel $0x180000  }
0x1ee: {  	[bflag:$0x0] =	sbarrier.arrive $0xFFFF  }
0x1ef: {  	_ =	strace $0x9000004A  }
0x1f0: {  	s0 =	stileid.u32;
	[bflag:$0x2] =	sbarrier.arrive $0xFFFF  }
0x1f1: {  	p0 =	sne.s32 s0, $0x0;
	s0 =	rddreg [dreg:$0x5]  }
0x1f2: {  	s0 =	sadd.s32 @!p0 $0x100000, s0  }
0x1f3: {  	[sflag:s0] =	ssyncadd.tile.s32 @!p0 $0x1;
	_ =	shalt  }
.Lfunc_end2:
_tile_overlayer_lowered:
.L_overlay_start_2:
0x1f4: {  	(tag) =	ssettag $0x2  }
0x1f5: {  	s0 =	rddreg [dreg:$0x0];
	s2 =	stileid.u32  }
0x1f6: {  	s1 =	rddreg [dreg:$0x1];
	p0 =	sne.s32 s2, $0x0  }
0x1f7: {  	s3 =	rddreg [dreg:$0x2];
	[bflag:$0x3] =	sbarrier.arrive $0xFFFF;
	s2 =	simm.s32 @!p0 $0x1C05  }
0x1f8: {  	[timem:s3], [sflag:s2] =	dma.local @!p0 [hbm:s0], s1  }
0x1f9: {  	s0 =	simm.s32 @!p0 $0x5  }
0x1fa: {  	_ =	swait.ge @!p0 [sflag:s0], s1  }
0x1fb: {  	s1 =	ssub.s32 @!p0 $0x0, s1;
	[sflag:s0] =	ssyncset.done @!p0 $0x0  }
0x1fc: {  	[sflag:s0] =	ssyncadd.s32 @!p0 s1  }
0x1fd: {  	[bflag:$0x3] =	sbarrier.arrive $0xFFFF  }
0x1fe: {  	_ =	shalt  }

// kernel: kernel.7.cloned.1.call-start
scs
__scs_entry_jumppad:
0x0: {  	(pc) =	sbr.rel $0x88, $3  }
0x1: {  	(tag) =	ssettag $0x0;
	lr =	simm.s32 $0x1  }
0x2: {  	[smem:$0x3F93] =	sst lr;
	_ =	strace $0xD0000000  }
0x3: {  	_ = 	snop  }
0x4: {  	_ = 	snop  }
0x5: {  	_ = 	snop  }
0x6: {  	_ = 	snop  }
0x7: {  	_ = 	snop  }
__scs_overlays_trampoline_lowered:
0x8: {  	[smem:$0x3FA2] =	sst s0  }
0x9: {  	[smem:$0x3FA3] =	sst s1  }
0xa: {  	[smem:$0x3FA4] =	sst s2  }
0xb: {  	[smem:$0x3FA5] =	sst s3  }
0xc: {  	[smem:$0x3FA6] =	sst s4  }
0xd: {  	[smem:$0x3FA7] =	sst s5  }
0xe: {  	[smem:$0x3FA8] =	sst s6  }
0xf: {  	[smem:$0x3FA9] =	sst s7  }
0x10: {  	[smem:$0x3FAA] =	sst s8  }
0x11: {  	[smem:$0x3FAB] =	sst s9;
	s0 =	simm.s32 @!p0 $0x0  }
0x12: {  	s1 =	sld [smem:$0x3F91];
	s0 =	simm.s32 @p0 $0x1  }
0x13: {  	[smem:$0x3FAC] =	sst s0;
	s0 =	simm.s32 @!p1 $0x0  }
0x14: {  	s2 =	sld [smem:$0x3F90];
	s0 =	simm.s32 @p1 $0x1  }
0x15: {  	[smem:$0x3FAD] =	sst s0;
	s0 =	simm.s32 @!p2 $0x0  }
0x16: {  	s3 =	sld [smem:$0x3FDB];
	s0 =	simm.s32 @p2 $0x1  }
0x17: {  	s4 =	simm.s32 $0x1BF5;
	[smem:$0x3FAF] =	sst s0  }
0x18: {  	s0 =	sld [smem:$0x3F92];
	_ =	swait.ge [sflag:s4], $0x0  }
0x19: {  	s7 =	sld [smem:$0x3F93]  }
0x1a: {  	s8 =	sadd.s32 $0xFFFFE003, lr  }
0x1b: {  	s9 =	sadd.s32 $0xFFFFFEF7, lr;
	s5 =	simm.s32 $0xFFFFFFFF;
	p2 =	slt.u32 s8, $0xFFFFF086  }
0x1c: {  	p1 =	slt.u32 s9, $0xF7A;
	s5 =	simm.s32 @!p2 $0x0  }
0x1d: {  	s5 =	simm.s32 @p1 $0x1;
	p0 =	seq.s32 s7, s2  }
0x1e: {  	s7 =	smul.u32 @!p0 $0xF7A, s2;
	p2 =	seq.s32 @!p0 s5, $0x0  }
0x1f: {  	s9 =	smul.u32 $0xF7A, s1;
	s8 =	simm.s32 @!p0 $0x1BF5;
	p2 =	por !p2, p0  }
0x20: {  	[sflag:s8] =	ssyncset.s32 @!p0 $0xFFFFF086;
	s6 =	sadd.s32 @!p0 s3, s7;
	s7 =	simm.s32 @!p0 $0x108  }
0x21: {  	s3 =	sadd.s32 s3, s9;
	s6 =	sadd.s32 @!p0 $0x88, s6;
	s7 =	simm.s32 @p2 $0x1082  }
0x22: {  	[simem:s7], [sflag:s8] =	dma.local @!p0 [hbm:s6], $0xF7A  }
0x23: {  	s9 =	sor.u32 $0xD0000000, s2;
	s6 =	simm.s32 $0x108;
	_ =	swait.ge @!p0 [sflag:s8], $0x0  }
0x24: {  	s3 =	sadd.s32 $0x88, s3;
	s6 =	simm.s32 @!p1 $0x1082;
	[sflag:s4] =	ssyncset.s32 $0xFFFFF086  }
0x25: {  	[simem:s6], [sflag:s4] =	dma.local [hbm:s3], $0xF7A  }
0x26: {  	[smem:$0x3F93] =	sst s1;
	(tag) =	ssettag s2;
	_ =	strace s9  }
0x27: {  	s1 =	sld [smem:$0x3FA3]  }
0x28: {  	s2 =	sld [smem:$0x3FA4]  }
0x29: {  	s4 =	sld [smem:$0x3FA6]  }
0x2a: {  	p0 =	seq.s32 s5, $0x0;
	s5 =	sld [smem:$0x3FA7]  }
0x2b: {  	s6 =	sld [smem:$0x3FA8]  }
0x2c: {  	s7 =	sld [smem:$0x3FA9]  }
0x2d: {  	s3 =	simm.s32 $0x108;
	s8 =	sld [smem:$0x3FAA]  }
0x2e: {  	s3 =	simm.s32 @!p0 $0x1082;
	s9 =	sld [smem:$0x3FAB]  }
0x2f: {  	lr =	sadd.s32 s0, s3;
	s0 =	sld [smem:$0x3FA2]  }
0x30: {  	s3 =	sld [smem:$0x3FA5]  }
0x31: {  	[smem:$0x3FAE] =	sst s10  }
0x32: {  	s10 =	sld [smem:$0x3FAC];
	_ =	sdelay $0x3  }
0x33: {  	p0 =	seq.s32 s10, $0x1;
	s10 =	sld [smem:$0x3FAE];
	_ =	sdelay $0x3  }
0x34: {  	[smem:$0x3FAE] =	sst s10  }
0x35: {  	s10 =	sld [smem:$0x3FAD];
	_ =	sdelay $0x3  }
0x36: {  	p1 =	seq.s32 s10, $0x1;
	s10 =	sld [smem:$0x3FAE];
	_ =	sdelay $0x3  }
0x37: {  	[smem:$0x3FAE] =	sst s10  }
0x38: {  	s10 =	sld [smem:$0x3FAF]  }
0x39: {  	_ = 	snop;
	(pc) =	sbr.ind lr, $3  }
0x3a: {  	_ = 	snop  }
0x3b: {  	_ = 	snop  }
0x3c: {  	p2 =	seq.s32 s10, $0x1;
	s10 =	sld [smem:$0x3FAE]  }
0x3d: {  	_ =	shalt  }
0x3e: {  	_ =	shalt  }
0x3f: {  	_ =	shalt  }
0x40: {  	_ =	shalt  }
0x41: {  	_ =	shalt  }
0x42: {  	_ =	shalt  }
0x43: {  	_ =	shalt  }
0x44: {  	_ =	shalt  }
0x45: {  	_ =	shalt  }
0x46: {  	_ =	shalt  }
0x47: {  	_ =	shalt  }
0x48: {  	_ =	shalt  }
0x49: {  	_ =	shalt  }
0x4a: {  	_ =	shalt  }
0x4b: {  	_ =	shalt  }
0x4c: {  	_ =	shalt  }
0x4d: {  	_ =	shalt  }
0x4e: {  	_ =	shalt  }
0x4f: {  	_ =	shalt  }
0x50: {  	_ =	shalt  }
0x51: {  	_ =	shalt  }
0x52: {  	_ =	shalt  }
0x53: {  	_ =	shalt  }
0x54: {  	_ =	shalt  }
0x55: {  	_ =	shalt  }
0x56: {  	_ =	shalt  }
0x57: {  	_ =	shalt  }
0x58: {  	_ =	shalt  }
0x59: {  	_ =	shalt  }
0x5a: {  	_ =	shalt  }
0x5b: {  	_ =	shalt  }
0x5c: {  	_ =	shalt  }
0x5d: {  	_ =	shalt  }
0x5e: {  	_ =	shalt  }
0x5f: {  	_ =	shalt  }
0x60: {  	_ =	shalt  }
0x61: {  	_ =	shalt  }
0x62: {  	_ =	shalt  }
0x63: {  	_ =	shalt  }
0x64: {  	_ =	shalt  }
0x65: {  	_ =	shalt  }
0x66: {  	_ =	shalt  }
0x67: {  	_ =	shalt  }
0x68: {  	_ =	shalt  }
0x69: {  	_ =	shalt  }
0x6a: {  	_ =	shalt  }
0x6b: {  	_ =	shalt  }
0x6c: {  	_ =	shalt  }
0x6d: {  	_ =	shalt  }
0x6e: {  	_ =	shalt  }
0x6f: {  	_ =	shalt  }
0x70: {  	_ =	shalt  }
0x71: {  	_ =	shalt  }
0x72: {  	_ =	shalt  }
0x73: {  	_ =	shalt  }
0x74: {  	_ =	shalt  }
0x75: {  	_ =	shalt  }
0x76: {  	_ =	shalt  }
0x77: {  	_ =	shalt  }
0x78: {  	_ =	shalt  }
0x79: {  	_ =	shalt  }
0x7a: {  	_ =	shalt  }
0x7b: {  	_ =	shalt  }
0x7c: {  	_ =	shalt  }
0x7d: {  	_ =	shalt  }
0x7e: {  	_ =	shalt  }
0x7f: {  	_ =	shalt  }
0x80: {  	_ =	shalt  }
0x81: {  	_ =	shalt  }
0x82: {  	_ =	shalt  }
0x83: {  	_ =	shalt  }
0x84: {  	_ =	shalt  }
0x85: {  	_ =	shalt  }
0x86: {  	_ =	shalt  }
0x87: {  	_ =	shalt  }
.Lfunc_end0:
.L_simem_size_0:
called_computation_lowered:
.L_overlay_start_0:
0x88: {  	s2 =	sld [smem:$0x3FD9]  }
0x89: {  	s3 =	sld [smem:$0x3FFE];
	_ =	sdelay $0x1  }
0x8a: {  	s1 =	srdreg.scid  }
0x8b: {  	s0 =	sand.u32 $0x1, s1  }
0x8c: {  	s14 =	sshll.u32 s0, $0xA;
	s2 =	sadd.s32 s3, s2  }
0x8d: {  	s2 =	sadd.s32 s2, s14  }
0x8e: {  	[smem:$0x3FBA] =	sst s2  }
0x8f: {  	_ = 	snop  }
0x90: {  	s2 =	sld [smem:$0x3FD0];
	_ =	sdelay $0x2  }
0x91: {  	s15 =	simm.s32 $0xA;
	s4 =	simm.s32 $0x10  }
0x92: {  	[smem:s4], [sflag:s15] =	dma.local [hbm:s2], $0x1  }
0x93: {  	_ =	swait.eq [sflag:s15], $0x1  }
0x94: {  	[sflag:s15] =	ssyncset.done $0x0  }
0x95: {  	[sflag:s15] =	ssyncadd.s32 $0xFFFFFFFF  }
0x96: {  	s16 =	sld [smem:$0x11];
	(tm) =	ssettm $0x1  }
0x97: {  	s17 =	sld [smem:$0x3FFB];
	_ =	sdelay $0x3  }
0x98: {  	_ =	strace s17  }
0x99: {  	s3 =	sld [smem:$0x3FFC];
	_ =	sdelay $0x3  }
0x9a: {  	_ =	strace s3  }
0x9b: {  	s3 =	sld [smem:$0x3FFD];
	_ =	sdelay $0x3  }
0x9c: {  	_ =	strace s3  }
0x9d: {  	_ =	strace $0x8FFFFFFF  }
0x9e: {  	s18 =	sld [smem:$0x3FDB];
	_ =	sdelay $0x1  }
0x9f: {  	s19 =	simm.s32 $_scs_section_size  }
0xa0: {  	s5 =	simm.s32 $_size__tile_overlayer_lowered;
	s6 =	simm.s32 $_tile_overlayer_lowered  }
0xa1: {  	s22 =	simm.s32 $0x1BFF;
	s21 =	sshll.u32 s6, $0x1;
	s3 =	sadd.s32 s19, s18  }
0xa2: {  	s7 =	simm.s32 $0x0;
	s20 =	sshll.u32 s5, $0x1;
	s5 =	sadd.s32 s21, s3  }
0xa3: {  	[timem:s7], [sflag:s22] =	dma.local [hbm:s5], s20  }
0xa4: {  	_ =	swait.ge [sflag:s22], s20  }
0xa5: {  	s4 =	ssub.s32 $0x0, s20;
	[sflag:s22] =	ssyncset.done $0x0  }
0xa6: {  	[sflag:s22] =	ssyncadd.s32 s4;
	_ =	sdelay $0x1  }
0xa7: {  	s23 =	simm.s32 $0x1B8B  }
0xa8: {  	_ =	swait.ge [sflag:s23], $0x1  }
0xa9: {  	[sflag:s23] =	ssyncset.done $0x0  }
0xaa: {  	s25 =	simm.s32 $0x1B8E;
	s24 =	sld [smem:$0x3FFE];
	[sflag:s23] =	ssyncadd.s32 $0xFFFFFFFF  }
0xab: {  	s26 =	simm.s32 $execute0_lowered;
	[smem:$0x3FD2] =	sst s25  }
0xac: {  	s5 =	sshll.u32 s26, $0x1;
	_ =	strace $0x80000046;
	[dreg:$0x1] =	wrdreg $0xFFFFFFFF  }
0xad: {  	s28 =	simm.s32 $_size_execute0_lowered;
	s3 =	sadd.s32 s3, s5;
	[dreg:$0x0] =	wrdreg $0x0  }
0xae: {  	s5 =	sshll.u32 s28, $0x1;
	[dreg:$0x2] =	wrdreg s3  }
0xaf: {  	[dreg:$0x3] =	wrdreg s5  }
0xb0: {  	[dreg:$0x4] =	wrdreg $0xC0  }
0xb1: {  	_ =	task [dreg:s7], $0x5FFFF  }
0xb2: {  	[dreg:$0x1] =	wrdreg $0xFFFFFFFF  }
0xb3: {  	[dreg:$0x0] =	wrdreg $0x60  }
0xb4: {  	[dreg:$0x2] =	wrdreg s24  }
0xb5: {  	[dreg:$0x3] =	wrdreg s16  }
0xb6: {  	[dreg:$0x4] =	wrdreg $0xCB200  }
0xb7: {  	[dreg:$0x5] =	wrdreg $0x16B200  }
0xb8: {  	[dreg:$0x6] =	wrdreg $0x9  }
0xb9: {  	_ =	task.clear_ibuf [dreg:s7], $0x7FFFF;
	_ =	strace $0x90000046  }
0xba: {  	s29 =	simm.s32 $0x9;
	_ =	strace $0x80000048  }
0xbb: {  	_ =	swait.ge [sflag:s29], $0x1  }
0xbc: {  	[sflag:s29] =	ssyncadd.s32 $0xFFFFFFFF  }
0xbd: {  	_ =	strace $0x90000048  }
0xbe: {  	_ =	sfence  }
0xbf: {  	s30 =	sld [smem:$0x0];
	_ =	sdelay $0x2  }
0xc0: {  	s31 =	sshll.u32 s1, $0xD;
	s1 =	sshrl.u32 s1, $0x2  }
0xc1: {  	s3 =	sand.u32 $0x4000, s31;
	s1 =	sadd.s32 s1, s30  }
0xc2: {  	s0 =	sor.u32 s3, s0;
	s1 =	sshll.u32 s1, $0x11  }
0xc3: {  	s0 =	sor.u32 s1, s0  }
0xc4: {  	s0 =	sadd.s32 $0x8F2B, s0  }
0xc5: {  	[sflag:s0] =	ssyncadd.remote.s32 $0x1  }
0xc6: {  	_ =	sfence.sel $0xFFFF  }
0xc7: {  	[dreg:$0x0] =	wrdreg $0xFFFFFFFF;
	(pc) =	sbr.abs _section_cstart, $3  }
0xc8: {  	[dreg:$0x1] =	wrdreg $0xFFFFFFFF  }
0xc9: {  	_ =	task.clear_ibuf [dreg:s7], $0x2FFFF;
	_ =	strace $0x9FFFFFFF  }
0xca: {  	(tm) =	ssettm $0x7FFFFFFF  }
0xcb: {  	_ =	shalt  }
tec
execute0_lowered:
.L_overlay_start_1:
0x0: {  	(tag) =	ssettag $0x1  }
0x1: {  	s0 =	rddreg [dreg:$0x0]  }
0x2: {  	s2 =	rddreg [dreg:$0x1];
	s16 =	stileid.u32  }
0x3: {  	s5 =	srdreg.scid;
	s6 =	smul.u32 $0xA000, s16  }
0x4: {  	s3 =	rddreg [dreg:$0x2];
	s22 =	sand.u32 $0x1, s5;
	s8 =	smul.u32 $0x280, s16  }
0x5: {  	s1 =	rddreg [dreg:$0x3];
	s4 =	simm.s32 $0x0;
	s7 =	smul.u32 $0xA0000, s22  }
0x6: {  	[smem:$0x7FF] =	sst s4;
	s5 =	sadd.s32 $0x2000, s0;
	s10 =	smul.u32 $0x2800, s22  }
0x7: {  	s11 =	sadd.s32 $0x29200, s0;
	_ =	strace $0x80000047;
	s12 =	smul.u32 $0x4E20, s22  }
0x8: {  	s13 =	ssub.s32 $0x2, s22;
	s15 =	smul.u32 $0x9C4, s22;
	s9 =	sshrl.u32 s6, $0x3  }
0x9: {  	s14 =	sshrl.u32 s13, $0x1;
	s9 =	sadd.s32 s9, s0;
	s7 =	sadd.s32 s6, s7  }
0xa: {  	s10 =	sadd.s32 s8, s10;
	s12 =	sshrl.u32 s12, $0x3;
	s13 =	ssub.s32 s13, s14  }
0xb: {  	s7 =	sshrl.u32 s7, $0x3;
	s31 =	sadd.s32 s11, s12;
	s11 =	sadd.s32 s11, s15  }
0xc: {  	s10 =	sshrl.u32 s10, $0x3;
	s12 =	sadd.s32 s6, s3;
	[dreg:$0x5] =	wrdreg s11  }
0xd: {  	s9 =	sadd.s32 $0x2BA00, s9;
	s6 =	sshrl.u32 s6, $0x2;
	[dreg:$0x7] =	wrdreg s12  }
0xe: {  	s24 =	smax.u32 s13, $0x1;
	s7 =	sadd.s32 s7, s0;
	[dreg:$0x8] =	wrdreg s9  }
0xf: {  	s0 =	sadd.s32 s10, s0;
	s10 =	sadd.s32 $0x4E2, s31;
	[dreg:$0x15] =	wrdreg s24  }
0x10: {  	s11 =	sadd.s32 s8, s1;
	s1 =	sadd.s32 s6, s1;
	[dreg:$0x6] =	wrdreg s10  }
0x11: {  	s8 =	sadd.s32 $0x2800, s11;
	[dreg:$0x11] =	wrdreg s1  }
0x12: {  	s14 =	sadd.s32 $0x5000, s11;
	[dreg:$0x9] =	wrdreg s8  }
0x13: {  	s15 =	sadd.s32 $0x7800, s11;
	[dreg:$0xa] =	wrdreg s14  }
0x14: {  	s10 =	smul.u32 $0x7D, s16;
	s16 =	sadd.s32 $0xA000, s11;
	[dreg:$0xb] =	wrdreg s15  }
0x15: {  	s17 =	sadd.s32 $0xC800, s11;
	[dreg:$0xc] =	wrdreg s16  }
0x16: {  	s18 =	sadd.s32 $0xF000, s11;
	[dreg:$0xd] =	wrdreg s17  }
0x17: {  	s19 =	sadd.s32 $0x11800, s11;
	[dreg:$0xe] =	wrdreg s18  }
0x18: {  	s20 =	sadd.s32 $0x14000, s11;
	[dreg:$0xf] =	wrdreg s19  }
0x19: {  	s21 =	sadd.s32 $0x16800, s11;
	[dreg:$0x10] =	wrdreg s20  }
0x1a: {  	s23 =	sadd.s32 $0x3FA00, s7;
	[dreg:$0x12] =	wrdreg s21  }
0x1b: {  	s0 =	sadd.s32 $0x67A00, s0;
	[dreg:$0x13] =	wrdreg s23  }
0x1c: {  	v0 =	vmov s22;
	s22 =	simm.s32 $0x0;
	s25 =	sadd.s32 $0x19000, s11;
	[dreg:$0x14] =	wrdreg s0  }
0x1d: {  	s13 =	simm.s32 $0xB720;
	s26 =	sadd.s32 $0x1B800, s11;
	[dreg:$0x16] =	wrdreg s25  }
0x1e: {  	s6 =	simm.s32 $0x4E20;
	s28 =	sadd.s32 $0x1E000, s11;
	[dreg:$0x17] =	wrdreg s26  }
0x1f: {  	s9 =	simm.s32 $0xA320;
	s29 =	sadd.s32 $0x20800, s11;
	[dreg:$0x18] =	wrdreg s28  }
0x20: {  	s12 =	simm.s32 $0x4FB0;
	s30 =	sadd.s32 $0x23000, s11;
	[dreg:$0x19] =	wrdreg s29  }
0x21: {  	s31 =	sadd.s32 $0x25800, s11;
	s1 =	simm.s32 $0x2710;
	[dreg:$0x1a] =	wrdreg s30  }
0x22: {  	s7 =	simm.s32 $0x50;
	[dreg:$0x1b] =	wrdreg s31;
	s0 =	simm.s32 $0x5  }
0x23: {  	s8 =	simm.s32 $0x4F60;
	s14 =	simm.s32 $0x50A0;
	s15 =	simm.s32 $0x5000  }
0x24: {  	s16 =	simm.s32 $0x4EC0;
	s17 =	simm.s32 $0x2;
	s18 =	simm.s32 $0x5050  }
0x25: {  	v1 =	vimm.f32 $0.0e+00;
	s19 =	simm.s32 $0x4F10;
	s20 =	simm.s32 $0x3;
	s21 =	simm.s32 $0x4  }
.LBB2_1:
0x26: {  	s23 =	rddreg [dreg:$0x5]  }
0x27: {  	[tilespmem:s4], [sflag:$0x5] =	stream.linear.gather [hbm4b:s23+s4], $0x2710, $0x38;
	[tilespmem:$0x19320] =	vst v63  }
0x28: {  	_ =	swait.ge [sflag:s0], $0x2710  }
0x29: {  	[sflag:s0] =	ssyncset.done $0x0  }
0x2a: {  	s31 =	stileid.u32;
	s30 =	rddreg [dreg:$0x6];
	[sflag:s0] =	ssyncadd.s32 $0xFFFFD8F0  }
0x2b: {  	[tilespmem:s1], [sflag:$0x5] =	stream.linear.gather [hbm4b:s30+s4], $0x2710, $0x38;
	[tilespmem:$0x19320] =	vst v63  }
0x2c: {  	s23 =	sshll.u32 s31, $0x6;
	_ =	swait.ge [sflag:s0], $0x2710  }
0x2d: {  	s23 =	sor.u32 $0x1C05, s23;
	[sflag:s0] =	ssyncset.done $0x0;
	s24 =	rddreg [dreg:$0x7]  }
0x2e: {  	s25 =	rddreg [dreg:$0x8];
	[sflag:s0] =	ssyncadd.s32 $0xFFFFD8F0;
	s24 =	sshrl.u32 s24, $0x3  }
0x2f: {  	[spmem:s24], [sflag:s23] =	dma.local [hbm:s25], $0x1400  }
0x30: {  	_ =	swait.ge [sflag:s0], $0x1400  }
0x31: {  	[sflag:s0] =	ssyncset.done $0x0  }
0x32: {  	s26 =	simm.s32 $0x0;
	s25 =	simm.s32 $0x40;
	[sflag:s0] =	ssyncadd.s32 $0xFFFFEC00  }
.LBB2_2:
0x33: {  	p0 =	sne.s32 s25, $0x9FC0;
	[tilespmem:s26+$0x50A0] =	vst v1;
	s26 =	smov.u32 s25;
	s25 =	sadd.s32 $0x40, s25  }
.Ltmp0:
0x34: {  	(pc) =	sbr.rel @p0 .LBB2_2-.Ltmp0, $2  }
0x35: {  	_ =	sdelay $0x2  }
0x36: {  	s26 =	sshra.s32 s26, $0x2  }
0x37: {  	[tilespmem:s26+$0x50A0] =	vst v1  }
0x38: {  	s25 =	simm.s32 $0x0;
	[bflag:$0x0] =	sbarrier.arrive $0xFFFF  }
.LBB2_4:
0x39: {  	s26 =	sadd.s32 s10, s25  }
0x3a: {  	s26 =	smul.u32 $0x28, s26;
	_ =	sdelay $0x1  }
0x3b: {  	s26 =	sadd.s32 s2, s26  }
0x3c: {  	[tilespmem:s6], [sflag:$0x5] =	stream.linear.gather [hbm4b:s26+s4], $0x140, $0x38;
	[tilespmem:$0x19320] =	vst v63  }
0x3d: {  	_ =	swait.ge [sflag:s0], $0x140  }
0x3e: {  	[sflag:s0] =	ssyncset.done $0x0  }
0x3f: {  	[sflag:s0] =	ssyncadd.s32 $0xFFFFFEC0  }
0x40: {  	v2 =	vld [tilespmem:$0x4E20]  }
0x41: {  	v3 =	vld [tilespmem:$0x4E30]  }
0x42: {  	v4 =	vld [tilespmem:$0x4E40]  }
0x43: {  	v5 =	vld [tilespmem:$0x4E50]  }
0x44: {  	v6 =	vld [tilespmem:$0x4E60]  }
0x45: {  	v7 =	vld [tilespmem:$0x4E70];
	v2 =	vshll.u32 v2, $0x1  }
0x46: {  	v8 =	vld [tilespmem:$0x4E80];
	v3 =	vshll.u32 v3, $0x1;
	v2 =	vor.u32 v0, v2  }
0x47: {  	[tilespmem:$0x4F60] =	vst v2;
	v2 =	vor.u32 v0, v3;
	v3 =	vshll.u32 v4, $0x1;
	v4 =	vld [tilespmem:$0x4E90]  }
0x48: {  	[tilespmem:$0x4F70] =	vst v2;
	v2 =	vor.u32 v0, v3;
	v3 =	vshll.u32 v5, $0x1;
	v5 =	vld [tilespmem:$0x4EA0]  }
0x49: {  	[tilespmem:$0x4F80] =	vst v2;
	v2 =	vor.u32 v0, v3;
	v3 =	vshll.u32 v6, $0x1;
	v6 =	vld [tilespmem:$0x4EB0]  }
0x4a: {  	[tilespmem:$0x4F90] =	vst v2;
	v2 =	vor.u32 v0, v3;
	v3 =	vshll.u32 v7, $0x1  }
0x4b: {  	[tilespmem:$0x4FA0] =	vst v2;
	v2 =	vor.u32 v0, v3;
	v3 =	vshll.u32 v8, $0x1  }
0x4c: {  	[tilespmem:$0x4FB0] =	vst v2;
	v2 =	vor.u32 v0, v3;
	v3 =	vshll.u32 v4, $0x1  }
0x4d: {  	[tilespmem:$0x4FC0] =	vst v2;
	v2 =	vor.u32 v0, v3;
	v3 =	vshll.u32 v5, $0x1  }
0x4e: {  	[tilespmem:$0x4FD0] =	vst v2;
	v2 =	vor.u32 v0, v3;
	v3 =	vshll.u32 v6, $0x1  }
0x4f: {  	[tilespmem:$0x4FE0] =	vst v2;
	v2 =	vor.u32 v0, v3  }
0x50: {  	[tilespmem:$0x4FF0] =	vst v2  }
0x51: {  	[tilespmem:s9], [sflag:$0x1] =	stream.indirect.gather [hbm4b:s5+s7], $0x40, s8, s7, $0xb8;
	[tilespmem:$0x19320] =	vst v63  }
0x52: {  	_ = 	snop  }
0x53: {  	[tilespmem:s13], [sflag:$0x2] =	stream.indirect.gather [hbm4b:s5+s7], $0x40, s12, s7, $0xb8;
	[tilespmem:$0x19320] =	vst v63  }
0x54: {  	v2 =	vld [tilespmem:$0x4E20]  }
0x55: {  	v3 =	vld [tilespmem:$0x4EC0];
	_ =	sdelay $0x6  }
0x56: {  	v2 =	vld.idx.msk [tilespmem:v2+s4+$0x0], $0xffff  }
0x57: {  	v4 =	vld.idx.msk [tilespmem:v3+s1+$0x0], $0xffff;
	_ =	sdelay $0x4  }
0x58: {  	v2 =	vadd.f32 v4, v2;
	_ =	sdelay $0x1  }
0x59: {  	v4 =	vmul.f32 $2.000000030e-01, v2  }
0x5a: {  	vm0 =	vge.f32 v2, $0.0e+00  }
0x5b: {  	v2 =	vsel vm0, v2, v4  }
0x5c: {  	v2 =	vmul.f32 $1.442695020e+00, v2;
	_ =	sdelay $0x1  }
0x5d: {  	(erf) = vpow2.f32 v2;
	_ =	sdelay $0x8  }
0x5e: {  	v2 =	vpop (erf)  }
0x5f: {  	[tilespmem:$0x5000] =	vst v2  }
0x60: {  	[tilespmem:v3+s14+$0x0] =	vst.idx.add.f32.msk $0xffff, v2  }
0x61: {  	v2 =	vld [tilespmem:$0x4E30]  }
0x62: {  	v3 =	vld [tilespmem:$0x4ED0];
	_ =	sdelay $0x6  }
0x63: {  	v2 =	vld.idx.msk [tilespmem:v2+s4+$0x0], $0xffff  }
0x64: {  	v4 =	vld.idx.msk [tilespmem:v3+s1+$0x0], $0xffff;
	_ =	sdelay $0x4  }
0x65: {  	v2 =	vadd.f32 v4, v2;
	_ =	sdelay $0x1  }
0x66: {  	v4 =	vmul.f32 $2.000000030e-01, v2  }
0x67: {  	vm7 =	vge.f32 v2, $0.0e+00  }
0x68: {  	v2 =	vsel vm7, v2, v4  }
0x69: {  	v2 =	vmul.f32 $1.442695020e+00, v2;
	_ =	sdelay $0x1  }
0x6a: {  	(erf) = vpow2.f32 v2;
	_ =	sdelay $0x8  }
0x6b: {  	v2 =	vpop (erf)  }
0x6c: {  	[tilespmem:$0x5010] =	vst v2  }
0x6d: {  	[tilespmem:v3+s14+$0x0] =	vst.idx.add.f32.msk $0xffff, v2  }
0x6e: {  	v2 =	vld [tilespmem:$0x4E40]  }
0x6f: {  	v3 =	vld [tilespmem:$0x4EE0];
	_ =	sdelay $0x6  }
0x70: {  	v2 =	vld.idx.msk [tilespmem:v2+s4+$0x0], $0xffff  }
0x71: {  	v4 =	vld.idx.msk [tilespmem:v3+s1+$0x0], $0xffff;
	_ =	sdelay $0x4  }
0x72: {  	v2 =	vadd.f32 v4, v2;
	_ =	sdelay $0x1  }
0x73: {  	v4 =	vmul.f32 $2.000000030e-01, v2  }
0x74: {  	vm8 =	vge.f32 v2, $0.0e+00  }
0x75: {  	v2 =	vsel vm8, v2, v4  }
0x76: {  	v2 =	vmul.f32 $1.442695020e+00, v2;
	_ =	sdelay $0x1  }
0x77: {  	(erf) = vpow2.f32 v2;
	_ =	sdelay $0x8  }
0x78: {  	v2 =	vpop (erf)  }
0x79: {  	[tilespmem:$0x5020] =	vst v2  }
0x7a: {  	[tilespmem:v3+s14+$0x0] =	vst.idx.add.f32.msk $0xffff, v2  }
0x7b: {  	v2 =	vld [tilespmem:$0x4E50]  }
0x7c: {  	v3 =	vld [tilespmem:$0x4EF0];
	_ =	sdelay $0x6  }
0x7d: {  	v2 =	vld.idx.msk [tilespmem:v2+s4+$0x0], $0xffff  }
0x7e: {  	v4 =	vld.idx.msk [tilespmem:v3+s1+$0x0], $0xffff;
	_ =	sdelay $0x4  }
0x7f: {  	v2 =	vadd.f32 v4, v2;
	_ =	sdelay $0x1  }
0x80: {  	v4 =	vmul.f32 $2.000000030e-01, v2  }
0x81: {  	vm9 =	vge.f32 v2, $0.0e+00  }
0x82: {  	v2 =	vsel vm9, v2, v4  }
0x83: {  	v2 =	vmul.f32 $1.442695020e+00, v2;
	_ =	sdelay $0x1  }
0x84: {  	(erf) = vpow2.f32 v2;
	_ =	sdelay $0x8  }
0x85: {  	v2 =	vpop (erf)  }
0x86: {  	[tilespmem:$0x5030] =	vst v2  }
0x87: {  	[tilespmem:v3+s14+$0x0] =	vst.idx.add.f32.msk $0xffff, v2  }
0x88: {  	v2 =	vld [tilespmem:$0x4E60]  }
0x89: {  	v3 =	vld [tilespmem:$0x4F00];
	_ =	sdelay $0x6  }
0x8a: {  	v2 =	vld.idx.msk [tilespmem:v2+s4+$0x0], $0xffff  }
0x8b: {  	v4 =	vld.idx.msk [tilespmem:v3+s1+$0x0], $0xffff;
	_ =	sdelay $0x4  }
0x8c: {  	v2 =	vadd.f32 v4, v2;
	_ =	sdelay $0x1  }
0x8d: {  	v4 =	vmul.f32 $2.000000030e-01, v2  }
0x8e: {  	vm10 =	vge.f32 v2, $0.0e+00  }
0x8f: {  	v2 =	vsel vm10, v2, v4  }
0x90: {  	v2 =	vmul.f32 $1.442695020e+00, v2;
	_ =	sdelay $0x1  }
0x91: {  	(erf) = vpow2.f32 v2;
	_ =	sdelay $0x8  }
0x92: {  	v2 =	vpop (erf)  }
0x93: {  	[tilespmem:$0x5040] =	vst v2  }
0x94: {  	[tilespmem:v3+s14+$0x0] =	vst.idx.add.f32.msk $0xffff, v2  }
0x95: {  	v2 =	vld [tilespmem:$0x4E70]  }
0x96: {  	v3 =	vld [tilespmem:$0x4F10];
	_ =	sdelay $0x6  }
0x97: {  	v2 =	vld.idx.msk [tilespmem:v2+s4+$0x0], $0xffff  }
0x98: {  	v4 =	vld.idx.msk [tilespmem:v3+s1+$0x0], $0xffff;
	_ =	sdelay $0x4  }
0x99: {  	v2 =	vadd.f32 v4, v2;
	_ =	sdelay $0x1  }
0x9a: {  	v4 =	vmul.f32 $2.000000030e-01, v2  }
0x9b: {  	vm11 =	vge.f32 v2, $0.0e+00  }
0x9c: {  	v2 =	vsel vm11, v2, v4  }
0x9d: {  	v2 =	vmul.f32 $1.442695020e+00, v2;
	_ =	sdelay $0x1  }
0x9e: {  	(erf) = vpow2.f32 v2;
	_ =	sdelay $0x8  }
0x9f: {  	v2 =	vpop (erf)  }
0xa0: {  	[tilespmem:$0x5050] =	vst v2  }
0xa1: {  	[tilespmem:v3+s14+$0x0] =	vst.idx.add.f32.msk $0xffff, v2  }
0xa2: {  	v2 =	vld [tilespmem:$0x4E80]  }
0xa3: {  	v3 =	vld [tilespmem:$0x4F20];
	_ =	sdelay $0x6  }
0xa4: {  	v2 =	vld.idx.msk [tilespmem:v2+s4+$0x0], $0xffff  }
0xa5: {  	v4 =	vld.idx.msk [tilespmem:v3+s1+$0x0], $0xffff;
	_ =	sdelay $0x4  }
0xa6: {  	v2 =	vadd.f32 v4, v2;
	_ =	sdelay $0x1  }
0xa7: {  	v4 =	vmul.f32 $2.000000030e-01, v2  }
0xa8: {  	vm12 =	vge.f32 v2, $0.0e+00  }
0xa9: {  	v2 =	vsel vm12, v2, v4  }
0xaa: {  	v2 =	vmul.f32 $1.442695020e+00, v2;
	_ =	sdelay $0x1  }
0xab: {  	(erf) = vpow2.f32 v2;
	_ =	sdelay $0x8  }
0xac: {  	v2 =	vpop (erf)  }
0xad: {  	[tilespmem:$0x5060] =	vst v2  }
0xae: {  	[tilespmem:v3+s14+$0x0] =	vst.idx.add.f32.msk $0xffff, v2  }
0xaf: {  	v2 =	vld [tilespmem:$0x4E90]  }
0xb0: {  	v3 =	vld [tilespmem:$0x4F30];
	_ =	sdelay $0x6  }
0xb1: {  	v2 =	vld.idx.msk [tilespmem:v2+s4+$0x0], $0xffff  }
0xb2: {  	v4 =	vld.idx.msk [tilespmem:v3+s1+$0x0], $0xffff;
	_ =	sdelay $0x4  }
0xb3: {  	v2 =	vadd.f32 v4, v2;
	_ =	sdelay $0x1  }
0xb4: {  	v4 =	vmul.f32 $2.000000030e-01, v2  }
0xb5: {  	vm13 =	vge.f32 v2, $0.0e+00  }
0xb6: {  	v2 =	vsel vm13, v2, v4  }
0xb7: {  	v2 =	vmul.f32 $1.442695020e+00, v2;
	_ =	sdelay $0x1  }
0xb8: {  	(erf) = vpow2.f32 v2;
	_ =	sdelay $0x8  }
0xb9: {  	v2 =	vpop (erf)  }
0xba: {  	[tilespmem:$0x5070] =	vst v2  }
0xbb: {  	[tilespmem:v3+s14+$0x0] =	vst.idx.add.f32.msk $0xffff, v2  }
0xbc: {  	v2 =	vld [tilespmem:$0x4EA0]  }
0xbd: {  	v3 =	vld [tilespmem:$0x4F40];
	_ =	sdelay $0x6  }
0xbe: {  	v2 =	vld.idx.msk [tilespmem:v2+s4+$0x0], $0xffff  }
0xbf: {  	v4 =	vld.idx.msk [tilespmem:v3+s1+$0x0], $0xffff;
	_ =	sdelay $0x4  }
0xc0: {  	v2 =	vadd.f32 v4, v2;
	_ =	sdelay $0x1  }
0xc1: {  	v4 =	vmul.f32 $2.000000030e-01, v2  }
0xc2: {  	vm14 =	vge.f32 v2, $0.0e+00  }
0xc3: {  	v2 =	vsel vm14, v2, v4  }
0xc4: {  	v2 =	vmul.f32 $1.442695020e+00, v2;
	_ =	sdelay $0x1  }
0xc5: {  	(erf) = vpow2.f32 v2;
	_ =	sdelay $0x8  }
0xc6: {  	v2 =	vpop (erf)  }
0xc7: {  	[tilespmem:$0x5080] =	vst v2  }
0xc8: {  	[tilespmem:v3+s14+$0x0] =	vst.idx.add.f32.msk $0xffff, v2  }
0xc9: {  	v2 =	vld [tilespmem:$0x4EB0]  }
0xca: {  	v3 =	vld [tilespmem:$0x4F50];
	_ =	sdelay $0x6  }
0xcb: {  	v2 =	vld.idx.msk [tilespmem:v2+s4+$0x0], $0xffff  }
0xcc: {  	v4 =	vld.idx.msk [tilespmem:v3+s1+$0x0], $0xffff;
	_ =	sdelay $0x4  }
0xcd: {  	v2 =	vadd.f32 v4, v2;
	_ =	sdelay $0x1  }
0xce: {  	v4 =	vmul.f32 $2.000000030e-01, v2  }
0xcf: {  	vm15 =	vge.f32 v2, $0.0e+00  }
0xd0: {  	v2 =	vsel vm15, v2, v4  }
0xd1: {  	v2 =	vmul.f32 $1.442695020e+00, v2;
	_ =	sdelay $0x1  }
0xd2: {  	(erf) = vpow2.f32 v2;
	_ =	sdelay $0x8  }
0xd3: {  	v2 =	vpop (erf)  }
0xd4: {  	[tilespmem:$0x5090] =	vst v2  }
0xd5: {  	s31 =	simm.s32 $0x1;
	[tilespmem:v3+s14+$0x0] =	vst.idx.add.f32.msk $0xffff, v2  }
0xd6: {  	_ =	swait.ge [sflag:s31], $0x1400  }
0xd7: {  	s28 =	simm.s32 $0x0;
	[sflag:s31] =	ssyncset.done $0x0  }
0xd8: {  	s26 =	simm.s32 $0xA360;
	v2 =	vmov s31;
	v3 =	vmov s28;
	[sflag:s31] =	ssyncadd.s32 $0xFFFFEC00  }
0xd9: {  	v3 =	vand.u32 $0xFFFFFFFE, v3;
	v4 =	vld [tilespmem:s26+$0xFFFFFFF0]  }
0xda: {  	v3 =	vbroadcast v3, $0x0;
	v5 =	vld [tilespmem:s26+$0x20]  }
0xdb: {  	v6 =	vld [tilespmem:s26+$0x0]  }
0xdc: {  	v7 =	vld [tilespmem:s26+$0x10]  }
0xdd: {  	v2 =	vld.idx.msk [tilespmem:v2+s15+$0x0], $0xffff  }
0xde: {  	v8 =	vld [tilespmem:s26+$0x30]  }
0xdf: {  	v9 =	vld [tilespmem:s26+$0xFFFFFFD0]  }
0xe0: {  	v10 =	vld.idx.msk [tilespmem:v3+s15+$0x0], $0xffff  }
0xe1: {  	v3 =	vld [tilespmem:s26+$0xFFFFFFC0]  }
0xe2: {  	v11 =	vld [tilespmem:s26+$0xFFFFFFE0];
	v6 =	vmul.f32 v6, v2  }
0xe3: {  	v5 =	vmul.f32 v5, v2  }
0xe4: {  	v8 =	vmul.f32 v8, v2;
	[tilespmem:s26+$0x0] =	vst v6  }
0xe5: {  	v7 =	vmul.f32 v7, v2;
	[tilespmem:s26+$0x20] =	vst v5  }
0xe6: {  	s29 =	simm.s32 $0x3;
	[tilespmem:s26+$0x30] =	vst v8;
	v3 =	vmul.f32 v3, v10;
	v6 =	vmul.f32 v4, v10  }
0xe7: {  	s30 =	simm.s32 $0x2;
	s28 =	simm.s32 $0x5;
	v2 =	vmov s29;
	s29 =	simm.s32 $0xA360;
	[tilespmem:s26+$0x10] =	vst v7;
	v5 =	vmul.f32 v9, v10;
	v4 =	vmul.f32 v11, v10  }
.LBB2_5:
0xe8: {  	p0 =	sne.s32 s28, $0x4F  }
0xe9: {  	v7 =	vmov s30;
	[tilespmem:s26+$0xFFFFFFF0] =	vst v6;
	s29 =	sadd.s32 $0x80, s29;
	s31 =	smov.u32 s28;
	s28 =	sadd.s32 $0x2, s28  }
0xea: {  	v6 =	vand.u32 $0xFFFFFFFE, v7;
	v7 =	vld [tilespmem:s29+$0xFFFFFFF0];
	[tilespmem:s26+$0xFFFFFFC0] =	vst v3  }
0xeb: {  	v3 =	vbroadcast v6, $0x0;
	v6 =	vld [tilespmem:s29+$0x20];
	[tilespmem:s26+$0xFFFFFFD0] =	vst v5  }
0xec: {  	v5 =	vld [tilespmem:s29+$0x0];
	[tilespmem:s26+$0xFFFFFFE0] =	vst v4;
	s26 =	smov.u32 s29  }
0xed: {  	v2 =	vld.idx.msk [tilespmem:v2+s15+$0x0], $0xffff  }
0xee: {  	v4 =	vld [tilespmem:s29+$0x10]  }
0xef: {  	v8 =	vld [tilespmem:s29+$0x30]  }
0xf0: {  	v9 =	vld [tilespmem:s29+$0xFFFFFFD0]  }
0xf1: {  	v10 =	vld.idx.msk [tilespmem:v3+s15+$0x0], $0xffff  }
0xf2: {  	v3 =	vld [tilespmem:s29+$0xFFFFFFC0]  }
0xf3: {  	v5 =	vmul.f32 v5, v2;
	v11 =	vld [tilespmem:s29+$0xFFFFFFE0];
	v12 =	vmul.f32 v4, v2  }
.Ltmp1:
0xf4: {  	v4 =	vmul.f32 v6, v2;
	v2 =	vmul.f32 v8, v2;
	(pc) =	sbr.rel @p0 .LBB2_5-.Ltmp1, $4  }
0xf5: {  	[tilespmem:s29+$0x0] =	vst v5  }
0xf6: {  	[tilespmem:s29+$0x20] =	vst v4  }
0xf7: {  	v6 =	vmul.f32 v7, v10;
	v3 =	vmul.f32 v3, v10;
	[tilespmem:s29+$0x30] =	vst v2  }
0xf8: {  	s30 =	sadd.s32 $0xFFFFFFFF, s31;
	v5 =	vmul.f32 v9, v10;
	v2 =	vmov s31;
	v4 =	vmul.f32 v11, v10;
	[tilespmem:s29+$0x10] =	vst v12  }
0xf9: {  	[tilespmem:s26+$0xFFFFFFF0] =	vst v6;
	s28 =	sadd.s32 $0x80, s29;
	v7 =	vmov s30  }
0xfa: {  	v6 =	vld [tilespmem:s28+$0xFFFFFFF0];
	[tilespmem:s26+$0xFFFFFFC0] =	vst v3;
	v3 =	vand.u32 $0xFFFFFFFE, v7  }
0xfb: {  	[tilespmem:s26+$0xFFFFFFD0] =	vst v5;
	v3 =	vbroadcast v3, $0x0  }
0xfc: {  	v5 =	vld [tilespmem:s28+$0x0];
	[tilespmem:s26+$0xFFFFFFE0] =	vst v4  }
0xfd: {  	v2 =	vld.idx.msk [tilespmem:v2+s15+$0x0], $0xffff  }
0xfe: {  	v4 =	vld [tilespmem:s28+$0x20]  }
0xff: {  	v7 =	vld [tilespmem:s28+$0x30]  }
0x100: {  	v8 =	vld [tilespmem:s28+$0x10]  }
0x101: {  	v3 =	vld.idx.msk [tilespmem:v3+s15+$0x0], $0xffff  }
0x102: {  	v9 =	vld [tilespmem:s28+$0xFFFFFFC0];
	v5 =	vmul.f32 v5, v2  }
0x103: {  	v10 =	vld [tilespmem:s28+$0xFFFFFFD0];
	v4 =	vmul.f32 v4, v2  }
0x104: {  	v11 =	vld [tilespmem:s28+$0xFFFFFFE0];
	v7 =	vmul.f32 v7, v2;
	[tilespmem:s28+$0x0] =	vst v5  }
0x105: {  	v2 =	vmul.f32 v8, v2;
	[tilespmem:s28+$0x20] =	vst v4  }
0x106: {  	[tilespmem:s28+$0x30] =	vst v7;
	v4 =	vmul.f32 v6, v3  }
0x107: {  	[tilespmem:s28+$0x10] =	vst v2;
	v5 =	vmul.f32 v9, v3  }
0x108: {  	v2 =	vmul.f32 v10, v3;
	[tilespmem:s28+$0xFFFFFFF0] =	vst v4  }
0x109: {  	v3 =	vmul.f32 v11, v3;
	[tilespmem:s28+$0xFFFFFFC0] =	vst v5  }
0x10a: {  	[tilespmem:s28+$0xFFFFFFD0] =	vst v2  }
0x10b: {  	[tilespmem:s28+$0xFFFFFFE0] =	vst v3  }
0x10c: {  	[spmem:s3] =	stream.indirect.scatter.add.f32 [tilespmem:s9], [sflag:$0x3], $0x40, s16, s7, $0xb8;
	[tilespmem:$0x19320] =	vst v63  }
0x10d: {  	s31 =	simm.s32 $0x1;
	_ =	swait.ge [sflag:s17], $0x1400  }
0x10e: {  	s28 =	simm.s32 $0x0;
	v2 =	vmov s31;
	[sflag:s17] =	ssyncset.done $0x0  }
0x10f: {  	s26 =	simm.s32 $0xB760;
	v3 =	vmov s28;
	[sflag:s17] =	ssyncadd.s32 $0xFFFFEC00  }
0x110: {  	v3 =	vand.u32 $0xFFFFFFFE, v3;
	v4 =	vld [tilespmem:s26+$0xFFFFFFF0]  }
0x111: {  	v3 =	vbroadcast v3, $0x0;
	v5 =	vld [tilespmem:s26+$0x20]  }
0x112: {  	v6 =	vld [tilespmem:s26+$0x0]  }
0x113: {  	v2 =	vld.idx.msk [tilespmem:v2+s18+$0x0], $0xffff  }
0x114: {  	v7 =	vld [tilespmem:s26+$0x10]  }
0x115: {  	v8 =	vld [tilespmem:s26+$0x30]  }
0x116: {  	v61 =	vld [tilespmem:s26+$0xFFFFFFD0]  }
0x117: {  	v62 =	vld.idx.msk [tilespmem:v3+s18+$0x0], $0xffff  }
0x118: {  	v3 =	vld [tilespmem:s26+$0xFFFFFFC0]  }
0x119: {  	v63 =	vld [tilespmem:s26+$0xFFFFFFE0];
	v6 =	vmul.f32 v6, v2  }
0x11a: {  	v5 =	vmul.f32 v5, v2  }
0x11b: {  	v8 =	vmul.f32 v8, v2;
	[tilespmem:s26+$0x0] =	vst v6  }
0x11c: {  	v7 =	vmul.f32 v7, v2;
	[tilespmem:s26+$0x20] =	vst v5  }
0x11d: {  	s29 =	simm.s32 $0x3;
	[tilespmem:s26+$0x30] =	vst v8;
	v3 =	vmul.f32 v3, v62;
	v6 =	vmul.f32 v4, v62  }
0x11e: {  	s30 =	simm.s32 $0x2;
	s28 =	simm.s32 $0x5;
	v2 =	vmov s29;
	s29 =	simm.s32 $0xB760;
	[tilespmem:s26+$0x10] =	vst v7;
	v5 =	vmul.f32 v61, v62;
	v4 =	vmul.f32 v63, v62  }
.LBB2_7:
0x11f: {  	p0 =	sne.s32 s28, $0x4F  }
0x120: {  	v7 =	vmov s30;
	[tilespmem:s26+$0xFFFFFFF0] =	vst v6;
	s29 =	sadd.s32 $0x80, s29;
	s31 =	smov.u32 s28;
	s28 =	sadd.s32 $0x2, s28  }
0x121: {  	v6 =	vand.u32 $0xFFFFFFFE, v7;
	v7 =	vld [tilespmem:s29+$0xFFFFFFF0];
	[tilespmem:s26+$0xFFFFFFC0] =	vst v3  }
0x122: {  	v3 =	vbroadcast v6, $0x0;
	v6 =	vld [tilespmem:s29+$0x20];
	[tilespmem:s26+$0xFFFFFFD0] =	vst v5  }
0x123: {  	v5 =	vld [tilespmem:s29+$0x0];
	[tilespmem:s26+$0xFFFFFFE0] =	vst v4;
	s26 =	smov.u32 s29  }
0x124: {  	v2 =	vld.idx.msk [tilespmem:v2+s18+$0x0], $0xffff  }
0x125: {  	v4 =	vld [tilespmem:s29+$0x10]  }
0x126: {  	v8 =	vld [tilespmem:s29+$0x30]  }
0x127: {  	v9 =	vld [tilespmem:s29+$0xFFFFFFD0]  }
0x128: {  	v10 =	vld.idx.msk [tilespmem:v3+s18+$0x0], $0xffff  }
0x129: {  	v3 =	vld [tilespmem:s29+$0xFFFFFFC0]  }
0x12a: {  	v5 =	vmul.f32 v5, v2;
	v11 =	vld [tilespmem:s29+$0xFFFFFFE0];
	v12 =	vmul.f32 v4, v2  }
.Ltmp2:
0x12b: {  	v4 =	vmul.f32 v6, v2;
	v2 =	vmul.f32 v8, v2;
	(pc) =	sbr.rel @p0 .LBB2_7-.Ltmp2, $4  }
0x12c: {  	[tilespmem:s29+$0x0] =	vst v5  }
0x12d: {  	[tilespmem:s29+$0x20] =	vst v4  }
0x12e: {  	v6 =	vmul.f32 v7, v10;
	v3 =	vmul.f32 v3, v10;
	[tilespmem:s29+$0x30] =	vst v2  }
0x12f: {  	s30 =	sadd.s32 $0xFFFFFFFF, s31;
	v5 =	vmul.f32 v9, v10;
	v2 =	vmov s31;
	v4 =	vmul.f32 v11, v10;
	[tilespmem:s29+$0x10] =	vst v12  }
0x130: {  	[tilespmem:s26+$0xFFFFFFF0] =	vst v6;
	s28 =	sadd.s32 $0x80, s29;
	v7 =	vmov s30  }
0x131: {  	v6 =	vld [tilespmem:s28+$0xFFFFFFF0];
	[tilespmem:s26+$0xFFFFFFC0] =	vst v3;
	v3 =	vand.u32 $0xFFFFFFFE, v7  }
0x132: {  	[tilespmem:s26+$0xFFFFFFD0] =	vst v5;
	v3 =	vbroadcast v3, $0x0  }
0x133: {  	v5 =	vld [tilespmem:s28+$0x0];
	[tilespmem:s26+$0xFFFFFFE0] =	vst v4  }
0x134: {  	v2 =	vld.idx.msk [tilespmem:v2+s18+$0x0], $0xffff  }
0x135: {  	v60 =	vld [tilespmem:s28+$0x20]  }
0x136: {  	v61 =	vld [tilespmem:s28+$0x30]  }
0x137: {  	v8 =	vld [tilespmem:s28+$0x10]  }
0x138: {  	v3 =	vld.idx.msk [tilespmem:v3+s18+$0x0], $0xffff  }
0x139: {  	v9 =	vld [tilespmem:s28+$0xFFFFFFC0];
	v5 =	vmul.f32 v5, v2  }
0x13a: {  	v10 =	vld [tilespmem:s28+$0xFFFFFFD0];
	v4 =	vmul.f32 v60, v2  }
0x13b: {  	v11 =	vld [tilespmem:s28+$0xFFFFFFE0];
	v7 =	vmul.f32 v61, v2;
	[tilespmem:s28+$0x0] =	vst v5  }
0x13c: {  	v2 =	vmul.f32 v8, v2;
	[tilespmem:s28+$0x20] =	vst v4  }
0x13d: {  	[tilespmem:s28+$0x30] =	vst v7;
	v62 =	vmul.f32 v6, v3  }
0x13e: {  	[tilespmem:s28+$0x10] =	vst v2;
	v63 =	vmul.f32 v9, v3  }
0x13f: {  	v2 =	vmul.f32 v10, v3;
	[tilespmem:s28+$0xFFFFFFF0] =	vst v62  }
0x140: {  	v3 =	vmul.f32 v11, v3;
	[tilespmem:s28+$0xFFFFFFC0] =	vst v63  }
0x141: {  	[tilespmem:s28+$0xFFFFFFD0] =	vst v2  }
0x142: {  	s25 =	sadd.s32 $0x1, s25;
	[tilespmem:s28+$0xFFFFFFE0] =	vst v3  }
0x143: {  	[spmem:s3] =	stream.indirect.scatter.add.f32 [tilespmem:s13], [sflag:$0x4], $0x40, s19, s7, $0xb8;
	[tilespmem:$0x19320] =	vst v63  }
0x144: {  	p0 =	sne.s32 s25, $0x7D;
	_ =	swait.ge [sflag:s20], $0x1400  }
.Ltmp3:
0x145: {  	[sflag:s20] =	ssyncset.done $0x0;
	(pc) =	sbr.rel @p0 .LBB2_4-.Ltmp3, $4  }
0x146: {  	[sflag:s20] =	ssyncadd.s32 $0xFFFFEC00  }
0x147: {  	_ =	swait.ge [sflag:s21], $0x1400  }
0x148: {  	[sflag:s21] =	ssyncset.done $0x0  }
0x149: {  	[sflag:s21] =	ssyncadd.s32 $0xFFFFEC00  }
0x14a: {  	[spmem:s11] =	stream.linear.scatter [tilespmem:s14], [sflag:$0x5], $0x280, $0x38;
	[tilespmem:$0x19320] =	vst v63  }
0x14b: {  	_ =	swait.ge [sflag:s0], $0x280  }
0x14c: {  	[sflag:s0] =	ssyncset.done $0x0  }
0x14d: {  	s26 =	simm.s32 $0x5320;
	s25 =	rddreg [dreg:$0x9];
	[sflag:s0] =	ssyncadd.s32 $0xFFFFFD80  }
0x14e: {  	[spmem:s25] =	stream.linear.scatter [tilespmem:s26], [sflag:$0x5], $0x280, $0x38;
	[tilespmem:$0x19320] =	vst v63  }
0x14f: {  	_ =	swait.ge [sflag:s0], $0x280  }
0x150: {  	[sflag:s0] =	ssyncset.done $0x0  }
0x151: {  	s31 =	simm.s32 $0x55A0;
	s30 =	rddreg [dreg:$0xa];
	[sflag:s0] =	ssyncadd.s32 $0xFFFFFD80  }
0x152: {  	[spmem:s30] =	stream.linear.scatter [tilespmem:s31], [sflag:$0x5], $0x280, $0x38;
	[tilespmem:$0x19320] =	vst v63  }
0x153: {  	_ =	swait.ge [sflag:s0], $0x280  }
0x154: {  	[sflag:s0] =	ssyncset.done $0x0  }
0x155: {  	s29 =	simm.s32 $0x5820;
	s28 =	rddreg [dreg:$0xb];
	[sflag:s0] =	ssyncadd.s32 $0xFFFFFD80  }
0x156: {  	[spmem:s28] =	stream.linear.scatter [tilespmem:s29], [sflag:$0x5], $0x280, $0x38;
	[tilespmem:$0x19320] =	vst v63  }
0x157: {  	_ =	swait.ge [sflag:s0], $0x280  }
0x158: {  	[sflag:s0] =	ssyncset.done $0x0  }
0x159: {  	s31 =	simm.s32 $0x5AA0;
	s30 =	rddreg [dreg:$0xc];
	[sflag:s0] =	ssyncadd.s32 $0xFFFFFD80  }
0x15a: {  	[spmem:s30] =	stream.linear.scatter [tilespmem:s31], [sflag:$0x5], $0x280, $0x38;
	[tilespmem:$0x19320] =	vst v63  }
0x15b: {  	_ =	swait.ge [sflag:s0], $0x280  }
0x15c: {  	[sflag:s0] =	ssyncset.done $0x0  }
0x15d: {  	s29 =	simm.s32 $0x5D20;
	s28 =	rddreg [dreg:$0xd];
	[sflag:s0] =	ssyncadd.s32 $0xFFFFFD80  }
0x15e: {  	[spmem:s28] =	stream.linear.scatter [tilespmem:s29], [sflag:$0x5], $0x280, $0x38;
	[tilespmem:$0x19320] =	vst v63  }
0x15f: {  	_ =	swait.ge [sflag:s0], $0x280  }
0x160: {  	[sflag:s0] =	ssyncset.done $0x0  }
0x161: {  	s31 =	simm.s32 $0x5FA0;
	s30 =	rddreg [dreg:$0xe];
	[sflag:s0] =	ssyncadd.s32 $0xFFFFFD80  }
0x162: {  	[spmem:s30] =	stream.linear.scatter [tilespmem:s31], [sflag:$0x5], $0x280, $0x38;
	[tilespmem:$0x19320] =	vst v63  }
0x163: {  	_ =	swait.ge [sflag:s0], $0x280  }
0x164: {  	[sflag:s0] =	ssyncset.done $0x0  }
0x165: {  	s29 =	simm.s32 $0x6220;
	s28 =	rddreg [dreg:$0xf];
	[sflag:s0] =	ssyncadd.s32 $0xFFFFFD80  }
0x166: {  	[spmem:s28] =	stream.linear.scatter [tilespmem:s29], [sflag:$0x5], $0x280, $0x38;
	[tilespmem:$0x19320] =	vst v63  }
0x167: {  	_ =	swait.ge [sflag:s0], $0x280  }
0x168: {  	[sflag:s0] =	ssyncset.done $0x0  }
0x169: {  	s31 =	simm.s32 $0x64A0;
	s30 =	rddreg [dreg:$0x10];
	[sflag:s0] =	ssyncadd.s32 $0xFFFFFD80  }
0x16a: {  	[spmem:s30] =	stream.linear.scatter [tilespmem:s31], [sflag:$0x5], $0x280, $0x38;
	[tilespmem:$0x19320] =	vst v63  }
0x16b: {  	_ =	swait.ge [sflag:s0], $0x280  }
0x16c: {  	[sflag:s0] =	ssyncset.done $0x0  }
0x16d: {  	s29 =	simm.s32 $0x6720;
	s28 =	rddreg [dreg:$0x12];
	[sflag:s0] =	ssyncadd.s32 $0xFFFFFD80  }
0x16e: {  	[spmem:s28] =	stream.linear.scatter [tilespmem:s29], [sflag:$0x5], $0x280, $0x38;
	[tilespmem:$0x19320] =	vst v63  }
0x16f: {  	_ =	swait.ge [sflag:s0], $0x280  }
0x170: {  	[sflag:s0] =	ssyncset.done $0x0  }
0x171: {  	s31 =	simm.s32 $0x69A0;
	s30 =	rddreg [dreg:$0x16];
	[sflag:s0] =	ssyncadd.s32 $0xFFFFFD80  }
0x172: {  	[spmem:s30] =	stream.linear.scatter [tilespmem:s31], [sflag:$0x5], $0x280, $0x38;
	[tilespmem:$0x19320] =	vst v63  }
0x173: {  	_ =	swait.ge [sflag:s0], $0x280  }
0x174: {  	[sflag:s0] =	ssyncset.done $0x0  }
0x175: {  	s29 =	simm.s32 $0x6C20;
	s28 =	rddreg [dreg:$0x17];
	[sflag:s0] =	ssyncadd.s32 $0xFFFFFD80  }
0x176: {  	[spmem:s28] =	stream.linear.scatter [tilespmem:s29], [sflag:$0x5], $0x280, $0x38;
	[tilespmem:$0x19320] =	vst v63  }
0x177: {  	_ =	swait.ge [sflag:s0], $0x280  }
0x178: {  	[sflag:s0] =	ssyncset.done $0x0  }
0x179: {  	s31 =	simm.s32 $0x6EA0;
	s30 =	rddreg [dreg:$0x18];
	[sflag:s0] =	ssyncadd.s32 $0xFFFFFD80  }
0x17a: {  	[spmem:s30] =	stream.linear.scatter [tilespmem:s31], [sflag:$0x5], $0x280, $0x38;
	[tilespmem:$0x19320] =	vst v63  }
0x17b: {  	_ =	swait.ge [sflag:s0], $0x280  }
0x17c: {  	[sflag:s0] =	ssyncset.done $0x0  }
0x17d: {  	s29 =	simm.s32 $0x7120;
	s28 =	rddreg [dreg:$0x19];
	[sflag:s0] =	ssyncadd.s32 $0xFFFFFD80  }
0x17e: {  	[spmem:s28] =	stream.linear.scatter [tilespmem:s29], [sflag:$0x5], $0x280, $0x38;
	[tilespmem:$0x19320] =	vst v63  }
0x17f: {  	_ =	swait.ge [sflag:s0], $0x280  }
0x180: {  	[sflag:s0] =	ssyncset.done $0x0  }
0x181: {  	s31 =	simm.s32 $0x73A0;
	s30 =	rddreg [dreg:$0x1a];
	[sflag:s0] =	ssyncadd.s32 $0xFFFFFD80  }
0x182: {  	[spmem:s30] =	stream.linear.scatter [tilespmem:s31], [sflag:$0x5], $0x280, $0x38;
	[tilespmem:$0x19320] =	vst v63  }
0x183: {  	_ =	swait.ge [sflag:s0], $0x280  }
0x184: {  	[sflag:s0] =	ssyncset.done $0x0  }
0x185: {  	s28 =	simm.s32 $0x7620;
	s26 =	rddreg [dreg:$0x1b];
	[sflag:s0] =	ssyncadd.s32 $0xFFFFFD80  }
0x186: {  	[spmem:s26] =	stream.linear.scatter [tilespmem:s28], [sflag:$0x5], $0x280, $0x38;
	[tilespmem:$0x19320] =	vst v63  }
0x187: {  	_ =	swait.ge [sflag:s0], $0x280  }
0x188: {  	[sflag:s0] =	ssyncset.done $0x0  }
0x189: {  	[sflag:s0] =	ssyncadd.s32 $0xFFFFFD80  }
0x18a: {  	[bflag:$0x0] =	sbarrier.arrive $0xFFFF  }
0x18b: {  	s29 =	rddreg [dreg:$0x13]  }
0x18c: {  	[hbm:s29], [sflag:s23] =	dma.local [spmem:s24], $0x1400  }
0x18d: {  	_ =	swait.ge [sflag:s0], $0x1400  }
0x18e: {  	[sflag:s0] =	ssyncset.done $0x0  }
0x18f: {  	s31 =	simm.s32 $0x78A0;
	s30 =	rddreg [dreg:$0x11];
	[sflag:s0] =	ssyncadd.s32 $0xFFFFEC00  }
0x190: {  	[tilespmem:s31], [sflag:$0x5] =	stream.linear.gather [spmem:s30], $0x2800, $0x38;
	[tilespmem:$0x19320] =	vst v63  }
0x191: {  	_ =	swait.ge [sflag:s0], $0x2800  }
0x192: {  	[sflag:s0] =	ssyncset.done $0x0  }
0x193: {  	s24 =	simm.s32 $0x0;
	[sflag:s0] =	ssyncadd.s32 $0xFFFFD800  }
0x194: {  	v2 =	vld [tilespmem:s24+$0x78A0]  }
0x195: {  	v3 =	vld [tilespmem:s24+$0x7B20];
	_ =	sdelay $0x1  }
0x196: {  	v4 =	vld [tilespmem:s24+$0x7DA0];
	_ =	sdelay $0x1  }
0x197: {  	v5 =	vld [tilespmem:s24+$0x8020]  }
0x198: {  	v2 =	vadd.f32 v3, v2  }
0x199: {  	v3 =	vld [tilespmem:s24+$0x82A0]  }
0x19a: {  	v2 =	vadd.f32 v4, v2  }
0x19b: {  	v4 =	vld [tilespmem:s24+$0x8520]  }
0x19c: {  	v2 =	vadd.f32 v5, v2  }
0x19d: {  	v5 =	vld [tilespmem:s24+$0x87A0]  }
0x19e: {  	v2 =	vadd.f32 v3, v2  }
0x19f: {  	v3 =	vld [tilespmem:s24+$0x8A20]  }
0x1a0: {  	s23 =	simm.s32 $0x10;
	v6 =	vld [tilespmem:s24+$0x8CA0];
	v2 =	vadd.f32 v4, v2  }
0x1a1: {  	v7 =	vld [tilespmem:s23+$0x78A0]  }
0x1a2: {  	v4 =	vld [tilespmem:s24+$0x8F20];
	v2 =	vadd.f32 v5, v2  }
0x1a3: {  	v5 =	vld [tilespmem:s23+$0x7B20]  }
0x1a4: {  	v8 =	vld [tilespmem:s23+$0x7DA0];
	v2 =	vadd.f32 v3, v2  }
0x1a5: {  	v3 =	vld [tilespmem:s24+$0x91A0]  }
0x1a6: {  	v9 =	vld [tilespmem:s23+$0x8020];
	v2 =	vadd.f32 v6, v2  }
0x1a7: {  	v6 =	vld [tilespmem:s24+$0x9420]  }
0x1a8: {  	v5 =	vadd.f32 v5, v7;
	v7 =	vld [tilespmem:s23+$0x82A0];
	v2 =	vadd.f32 v4, v2  }
0x1a9: {  	v4 =	vld [tilespmem:s24+$0x96A0]  }
0x1aa: {  	v5 =	vadd.f32 v8, v5;
	v8 =	vld [tilespmem:s23+$0x8520];
	v2 =	vadd.f32 v3, v2  }
0x1ab: {  	v3 =	vld [tilespmem:s24+$0x9920]  }
0x1ac: {  	v10 =	vld [tilespmem:s23+$0x87A0];
	v5 =	vadd.f32 v9, v5;
	v2 =	vadd.f32 v6, v2  }
0x1ad: {  	v9 =	vld [tilespmem:s24+$0x9BA0]  }
0x1ae: {  	v6 =	vadd.f32 v7, v5;
	v5 =	vld [tilespmem:s23+$0x8A20];
	v7 =	vadd.f32 v4, v2  }
0x1af: {  	v4 =	vld [tilespmem:s24+$0x9E20]  }
0x1b0: {  	v2 =	vld [tilespmem:s23+$0x8F20];
	v8 =	vadd.f32 v8, v6;
	v11 =	vadd.f32 v3, v7  }
0x1b1: {  	s25 =	simm.s32 $0x20;
	v6 =	vld [tilespmem:s23+$0x8CA0]  }
0x1b2: {  	s26 =	simm.s32 $0xC0;
	v3 =	vld [tilespmem:s25+$0x78A0];
	v7 =	vadd.f32 v10, v8;
	v8 =	vadd.f32 v9, v11  }
.LBB2_10:
0x1b3: {  	p0 =	sne.s32 s26, $0x9C0;
	v9 =	vld [tilespmem:s25+$0x7B20]  }
0x1b4: {  	v5 =	vadd.f32 v5, v7;
	v7 =	vld [tilespmem:s23+$0x91A0];
	v4 =	vadd.f32 v4, v8  }
0x1b5: {  	v8 =	vld [tilespmem:s25+$0x7DA0]  }
0x1b6: {  	v5 =	vadd.f32 v6, v5;
	v6 =	vld [tilespmem:s23+$0x9420];
	[tilespmem:s24+$0xA0A0] =	vst v4;
	s24 =	smov.u32 s23;
	s23 =	smov.u32 s25  }
0x1b7: {  	v4 =	vld [tilespmem:s23+$0x8020]  }
0x1b8: {  	v3 =	vadd.f32 v9, v3;
	v2 =	vadd.f32 v2, v5;
	v5 =	vld [tilespmem:s24+$0x96A0]  }
0x1b9: {  	v9 =	vld [tilespmem:s23+$0x82A0]  }
0x1ba: {  	v3 =	vadd.f32 v8, v3;
	v2 =	vadd.f32 v7, v2;
	v7 =	vld [tilespmem:s24+$0x9920]  }
0x1bb: {  	v8 =	vld [tilespmem:s23+$0x8520]  }
0x1bc: {  	v3 =	vadd.f32 v4, v3;
	v2 =	vadd.f32 v6, v2;
	v10 =	vld [tilespmem:s24+$0x9BA0]  }
0x1bd: {  	v11 =	vld [tilespmem:s23+$0x87A0]  }
.Ltmp4:
0x1be: {  	v3 =	vadd.f32 v9, v3;
	v6 =	vadd.f32 v5, v2;
	v4 =	vld [tilespmem:s24+$0x9E20];
	(pc) =	sbr.rel @p0 .LBB2_10-.Ltmp4, $4  }
0x1bf: {  	v5 =	vld [tilespmem:s23+$0x8A20]  }
0x1c0: {  	v8 =	vadd.f32 v8, v3;
	v2 =	vld [tilespmem:s23+$0x8F20];
	v9 =	vadd.f32 v7, v6  }
0x1c1: {  	s25 =	sshra.s32 s26, $0x2;
	v6 =	vld [tilespmem:s23+$0x8CA0]  }
0x1c2: {  	s26 =	sadd.s32 $0x40, s26;
	v3 =	vld [tilespmem:s25+$0x78A0];
	v7 =	vadd.f32 v11, v8;
	v8 =	vadd.f32 v10, v9  }
0x1c3: {  	v9 =	vld [tilespmem:s25+$0x7B20]  }
0x1c4: {  	v10 =	vld [tilespmem:s23+$0x91A0];
	v4 =	vadd.f32 v4, v8  }
0x1c5: {  	v49 =	vld [tilespmem:s25+$0x7DA0]  }
0x1c6: {  	v11 =	vld [tilespmem:s23+$0x9420];
	v5 =	vadd.f32 v5, v7;
	[tilespmem:s24+$0xA0A0] =	vst v4  }
0x1c7: {  	v4 =	vld [tilespmem:s25+$0x8020]  }
0x1c8: {  	v5 =	vadd.f32 v6, v5;
	v3 =	vadd.f32 v9, v3  }
0x1c9: {  	v50 =	vld [tilespmem:s25+$0x82A0]  }
0x1ca: {  	v51 =	vld [tilespmem:s23+$0x96A0];
	v2 =	vadd.f32 v2, v5;
	v3 =	vadd.f32 v49, v3  }
0x1cb: {  	v52 =	vld [tilespmem:s25+$0x8520]  }
0x1cc: {  	v53 =	vld [tilespmem:s23+$0x9920];
	v2 =	vadd.f32 v10, v2;
	v3 =	vadd.f32 v4, v3  }
0x1cd: {  	v54 =	vld [tilespmem:s25+$0x87A0]  }
0x1ce: {  	v55 =	vld [tilespmem:s23+$0x9BA0];
	v2 =	vadd.f32 v11, v2;
	v3 =	vadd.f32 v50, v3  }
0x1cf: {  	v56 =	vld [tilespmem:s25+$0x8A20]  }
0x1d0: {  	v57 =	vld [tilespmem:s23+$0x9E20];
	v2 =	vadd.f32 v51, v2;
	v3 =	vadd.f32 v52, v3  }
0x1d1: {  	v58 =	vld [tilespmem:s25+$0x8CA0]  }
0x1d2: {  	v2 =	vadd.f32 v53, v2;
	v3 =	vadd.f32 v54, v3  }
0x1d3: {  	v59 =	vld [tilespmem:s25+$0x8F20]  }
0x1d4: {  	v2 =	vadd.f32 v55, v2;
	v3 =	vadd.f32 v56, v3  }
0x1d5: {  	v60 =	vld [tilespmem:s25+$0x91A0]  }
0x1d6: {  	v2 =	vadd.f32 v57, v2;
	v3 =	vadd.f32 v58, v3  }
0x1d7: {  	v61 =	vld [tilespmem:s25+$0x9420]  }
0x1d8: {  	[tilespmem:s23+$0xA0A0] =	vst v2;
	v2 =	vadd.f32 v59, v3  }
0x1d9: {  	v3 =	vld [tilespmem:s25+$0x96A0]  }
0x1da: {  	v2 =	vadd.f32 v60, v2  }
0x1db: {  	v62 =	vld [tilespmem:s25+$0x9920]  }
0x1dc: {  	v2 =	vadd.f32 v61, v2  }
0x1dd: {  	v63 =	vld [tilespmem:s25+$0x9BA0]  }
0x1de: {  	v2 =	vadd.f32 v3, v2  }
0x1df: {  	v3 =	vld [tilespmem:s25+$0x9E20]  }
0x1e0: {  	v2 =	vadd.f32 v62, v2;
	_ =	sdelay $0x1  }
0x1e1: {  	v2 =	vadd.f32 v63, v2;
	_ =	sdelay $0x1  }
0x1e2: {  	v2 =	vadd.f32 v3, v2;
	_ =	sdelay $0x1  }
0x1e3: {  	s29 =	rddreg [dreg:$0x14];
	s30 =	simm.s32 $0xA0A0;
	[tilespmem:s25+$0xA0A0] =	vst v2  }
0x1e4: {  	[hbm4b:s29+s4] =	stream.linear.scatter [tilespmem:s30], [sflag:$0x5], $0x280, $0x38;
	[tilespmem:$0x19320] =	vst v63  }
0x1e5: {  	_ =	swait.ge [sflag:s0], $0x280  }
0x1e6: {  	s22 =	sadd.s32 $0x1, s22;
	s31 =	rddreg [dreg:$0x15]  }
0x1e7: {  	p0 =	sne.s32 s22, s31  }
.Ltmp5:
0x1e8: {  	_ = 	snop;
	(pc) =	sbr.rel @p0 .LBB2_1-.Ltmp5, $3  }
0x1e9: {  	_ =	sdelay $0x1  }
0x1ea: {  	[sflag:s0] =	ssyncset.done $0x0  }
0x1eb: {  	[sflag:s0] =	ssyncadd.s32 $0xFFFFFD80  }
0x1ec: {  	_ =	sfence.sel $0x180000  }
0x1ed: {  	[bflag:$0x0] =	sbarrier.arrive $0xFFFF  }
0x1ee: {  	_ =	strace $0x90000047  }
0x1ef: {  	s0 =	stileid.u32;
	[bflag:$0x2] =	sbarrier.arrive $0xFFFF  }
0x1f0: {  	p0 =	sne.s32 s0, $0x0;
	s0 =	rddreg [dreg:$0x4]  }
0x1f1: {  	s0 =	sadd.s32 @!p0 $0x100000, s0  }
0x1f2: {  	[sflag:s0] =	ssyncadd.tile.s32 @!p0 $0x1;
	_ =	shalt  }
.Lfunc_end2:
_tile_overlayer_lowered:
.L_overlay_start_2:
0x1f3: {  	(tag) =	ssettag $0x2  }
0x1f4: {  	s0 =	rddreg [dreg:$0x0];
	s2 =	stileid.u32  }
0x1f5: {  	s1 =	rddreg [dreg:$0x1];
	p0 =	sne.s32 s2, $0x0  }
0x1f6: {  	s3 =	rddreg [dreg:$0x2];
	[bflag:$0x3] =	sbarrier.arrive $0xFFFF;
	s2 =	simm.s32 @!p0 $0x1C05  }
0x1f7: {  	[timem:s3], [sflag:s2] =	dma.local @!p0 [hbm:s0], s1  }
0x1f8: {  	s0 =	simm.s32 @!p0 $0x5  }
0x1f9: {  	_ =	swait.ge @!p0 [sflag:s0], s1  }
0x1fa: {  	s1 =	ssub.s32 @!p0 $0x0, s1;
	[sflag:s0] =	ssyncset.done @!p0 $0x0  }
0x1fb: {  	[sflag:s0] =	ssyncadd.s32 @!p0 s1  }
0x1fc: {  	[bflag:$0x3] =	sbarrier.arrive $0xFFFF  }
0x1fd: {  	_ =	shalt  }

</sc_bundles>
